<compile_context>
chip_gen: v7x
topology: tpu7x:2x2x1
jax: 0.10.2.dev20260603
libtpu: 0.0.44.dev20260713+nightly
codegen_flags: <defaults>
</compile_context>

<pallas_src>
import functools

import jax
import jax.numpy as jnp
from jax import lax
from jax.experimental import pallas as pl
from jax.experimental.pallas import tpu as pltpu
from jax.experimental.pallas import tpu_sc as plsc

_EPS = 1e-12
_L = 16


def _rsqrt(x):
    y = lax.bitcast_convert_type(
        0x5F3759DF - (lax.bitcast_convert_type(x, jnp.int32) >> 1),
        jnp.float32,
    )
    for _ in range(3):
        y = y * (1.5 - 0.5 * x * y * y)
    return y


def kernel(input_ids, item_table, pos_table, ln_gamma, ln_beta):
    B, S = input_ids.shape
    V, H = item_table.shape
    half = S // 2
    K = H // _L
    ids = input_ids.astype(jnp.int32).reshape(B, 2, half)

    info = plsc.get_sparse_core_info()
    NC, NS = info.num_cores, info.num_subcores
    NW = NC * NS
    seq_per_w = B // NW

    mesh = plsc.VectorSubcoreMesh(core_axis_name="c", subcore_axis_name="s")

    @functools.partial(
        pl.kernel,
        out_type=jax.ShapeDtypeStruct((B, S, H), jnp.float32),
        mesh=mesh,
        compiler_params=pltpu.CompilerParams(
            needs_layout_passes=False, use_tc_tiling_on_sc=False),
        scratch_types=[
            pltpu.VMEM((seq_per_w, 2, half), jnp.int32),
            pltpu.VMEM((4, S, H), jnp.float32),
            pltpu.VMEM((2, S, H), jnp.float32),
            pltpu.VMEM((S, H), jnp.float32),
            pltpu.VMEM((H,), jnp.float32),
            pltpu.VMEM((H,), jnp.float32),
            pltpu.SemaphoreType.DMA,
            pltpu.SemaphoreType.DMA,
            pltpu.SemaphoreType.DMA,
            pltpu.SemaphoreType.DMA,
            pltpu.SemaphoreType.DMA,
            pltpu.SemaphoreType.DMA,
        ],
    )
    def emb_ln(ids_hbm, table_hbm, pos_hbm, gamma_hbm, beta_hbm, out_hbm,
               idx_all, grows, obufs, pos_v, gamma_v, beta_v,
               gsem0, gsem1, gsem2, gsem3, osem0, osem1):
        gsem = (gsem0, gsem1, gsem2, gsem3)
        osem = (osem0, osem1)

        wid = lax.axis_index("c") * NS + lax.axis_index("s")
        q0 = wid * seq_per_w

        pltpu.sync_copy(ids_hbm.at[pl.ds(q0, seq_per_w)], idx_all)
        pltpu.sync_copy(pos_hbm.at[pl.ds(0, S)], pos_v)
        pltpu.sync_copy(gamma_hbm, gamma_v)
        pltpu.sync_copy(beta_hbm, beta_v)
        gv = [gamma_v[pl.ds(k * _L, _L)] for k in range(K)]
        bv = [beta_v[pl.ds(k * _L, _L)] for k in range(K)]

        def issue_gather(c, slot):
            buf = grows.at[slot]
            pltpu.async_copy(
                table_hbm.at[idx_all.at[c, 0]],
                buf.at[pl.ds(0, half)], gsem[slot])
            pltpu.async_copy(
                table_hbm.at[idx_all.at[c, 1]],
                buf.at[pl.ds(half, half)], gsem[slot])

        issue_gather(0, 0)
        issue_gather(1, 1)

        def four_seqs(gi, _):
            g = gi * 4
            for b in range(4):
                c = g + b
                ob = b % 2
                gb = grows.at[b]
                obuf = obufs.at[ob]

                @pl.when(c + 2 < seq_per_w)
                def _():
                    issue_gather(c + 2, (b + 2) % 4)

                pltpu.make_async_copy(out_hbm.at[q0], gb, gsem[b]).wait()

                @pl.when(c >= 2)
                def _():
                    pltpu.make_async_copy(
                        obuf, out_hbm.at[q0], osem[ob]).wait()

                @plsc.parallel_loop(0, S, 1, unroll=4)
                def per_row(i):
                    x = [gb[i, pl.ds(k * _L, _L)] + pos_v[i, pl.ds(k * _L, _L)]
                         for k in range(K)]
                    tot = jnp.sum((x[0] + x[1]) + (x[2] + x[3]))
                    mean = tot * (1.0 / H)
                    d = [xk - mean for xk in x]
                    sq = ((d[0] * d[0] + d[1] * d[1])
                          + (d[2] * d[2] + d[3] * d[3]))
                    var = jnp.sum(sq) * (1.0 / H)
                    r = _rsqrt(var + _EPS)
                    for k in range(K):
                        obuf[i, pl.ds(k * _L, _L)] = d[k] * r * gv[k] + bv[k]

                pltpu.async_copy(obuf, out_hbm.at[q0 + c], osem[ob])
            return ()

        lax.fori_loop(0, seq_per_w // 4, four_seqs, ())
        pltpu.make_async_copy(obufs.at[0], out_hbm.at[q0], osem0).wait()
        pltpu.make_async_copy(obufs.at[1], out_hbm.at[q0], osem1).wait()

    out = emb_ln(ids, item_table, pos_table, ln_gamma, ln_beta)
    return out

# --- scband reference (transcript-rebuilt; emitter-appended) ---
"""Pipeline reference for scband-bert-embeddings-1331439862234 (READ-ONLY COPY).

The authoritative reference and input builder live on the scoring server;
editing this copy changes nothing except your own understanding.
"""

import jax, jax.numpy as jnp
import numpy as np

NUM_ITEMS = 100000
HIDDEN = 64
MAX_LEN = 200
PAD_TOKEN = 0
BATCH = 4096
SEQ = 200
EPS = 1e-12


def setup_inputs(seed: int = 0) -> dict:
    key = jax.random.key(seed)
    k1, k2, k3, k4 = jax.random.split(key, 4)
    input_ids = jax.random.randint(k1, (BATCH, SEQ), 0, NUM_ITEMS, dtype=jnp.int64 if jax.config.jax_enable_x64 else jnp.int32)
    item_table = jax.random.normal(k2, (NUM_ITEMS, HIDDEN), dtype=jnp.float32) * 0.02
    # padding_idx row initialized to zeros (torch nn.Embedding padding_idx semantics)
    item_table = item_table.at[PAD_TOKEN].set(0.0)
    pos_table = jax.random.normal(k3, (MAX_LEN, HIDDEN), dtype=jnp.float32) * 0.02
    ln_gamma = jnp.ones((HIDDEN,), dtype=jnp.float32)
    ln_beta = jnp.zeros((HIDDEN,), dtype=jnp.float32)
    return {
        "input_ids": input_ids,
        "item_table": item_table,
        "pos_table": pos_table,
        "ln_gamma": ln_gamma,
        "ln_beta": ln_beta,
    }


def _layer_norm(x, gamma, beta, eps=EPS):
    mean = jnp.mean(x, axis=-1, keepdims=True)
    var = jnp.mean(jnp.square(x - mean), axis=-1, keepdims=True)
    xhat = (x - mean) / jnp.sqrt(var + eps)
    return xhat * gamma + beta


def reference(input_ids, item_table, pos_table, ln_gamma, ln_beta):
    seq_length = input_ids.shape[1]
    position_ids = jnp.arange(seq_length)  # position_ids[:, :seq_length]
    item_embeddings = jnp.take(item_table, input_ids, axis=0)  # [B, S, H]
    position_embeddings = jnp.take(pos_table, position_ids, axis=0)  # [S, H]
    embeddings = item_embeddings + position_embeddings[None, :, :]
    embeddings = _layer_norm(embeddings, ln_gamma, ln_beta)
    # dropout is identity in eval / p=0.0
    return embeddings

if __name__ == "__main__":
    import jax
    _d = setup_inputs()
    print(jax.jit(kernel)(*tuple(_d.values())))

</pallas_src>

<mosaic_0001>
#map = affine_map<(d0, d1) -> (0, 0, 0)>
#map1 = affine_map<(d0, d1) -> (0, 0)>
#map2 = affine_map<(d0, d1) -> (0)>
module attributes {stable_mosaic.version = 14 : i64} {
  func.func @emb_ln(%arg0: i32, %arg1: i32, %arg2: memref<4096x2x100xi32, #tpu.memory_space<hbm>>, %arg3: memref<100000x64xf32, #tpu.memory_space<hbm>>, %arg4: memref<200x64xf32, #tpu.memory_space<hbm>>, %arg5: memref<64xf32, #tpu.memory_space<hbm>>, %arg6: memref<64xf32, #tpu.memory_space<hbm>>, %arg7: memref<4096x200x64xf32, #tpu.memory_space<hbm>>, %arg8: memref<128x2x100xi32, #tpu.memory_space<vmem>>, %arg9: memref<4x200x64xf32, #tpu.memory_space<vmem>>, %arg10: memref<2x200x64xf32, #tpu.memory_space<vmem>>, %arg11: memref<200x64xf32, #tpu.memory_space<vmem>>, %arg12: memref<64xf32, #tpu.memory_space<vmem>>, %arg13: memref<64xf32, #tpu.memory_space<vmem>>, %arg14: memref<!tpu.dma_semaphore, #tpu.memory_space<semaphore_mem>>, %arg15: memref<!tpu.dma_semaphore, #tpu.memory_space<semaphore_mem>>, %arg16: memref<!tpu.dma_semaphore, #tpu.memory_space<semaphore_mem>>, %arg17: memref<!tpu.dma_semaphore, #tpu.memory_space<semaphore_mem>>, %arg18: memref<!tpu.dma_semaphore, #tpu.memory_space<semaphore_mem>>, %arg19: memref<!tpu.dma_semaphore, #tpu.memory_space<semaphore_mem>>) attributes {dimension_semantics = [#tpu.dimension_semantics<core_parallel>, #tpu.dimension_semantics<subcore_parallel>], iteration_bounds = array<i64: 2, 16>, scalar_prefetch = 0 : i64, scratch_operands = 12 : i64, tpu.core_type = #tpu.core_type<sc_vector_subcore>, window_params = [{transform_indices = #map}, {transform_indices = #map1}, {transform_indices = #map1}, {transform_indices = #map2}, {transform_indices = #map2}, {transform_indices = #map}]} {
    %mul3A = arith.constant 16 : i32
    %mul3A_0 = arith.muli %arg0, %mul3A : i32
    %add3A = arith.addi %mul3A_0, %arg1 : i32
    %mul3A_1 = arith.constant 128 : i32
    %mul3A_2 = arith.muli %add3A, %mul3A_1 : i32
    "tpu.region"() ({
      %run_scoped3A = tpu.sem_alloc : memref<!tpu.dma_semaphore, #tpu.memory_space<semaphore_mem>>
      %dma_start3A_118 = arith.constant 0 : i32
      %dma_start3A_119 = arith.constant 0 : i32
      %dma_start3A_120 = tpu.memref_slice %arg2[%mul3A_2, %dma_start3A_118, %dma_start3A_119] : memref<4096x2x100xi32, #tpu.memory_space<hbm>> -> memref<128x2x100xi32, #tpu.memory_space<hbm>>
      %dma_start3A_121 = arith.constant 0 : i32
      %dma_start3A_122 = arith.constant 0 : i32
      %dma_start3A_123 = tpu.memref_slice %arg2[%mul3A_2, %dma_start3A_121, %dma_start3A_122] : memref<4096x2x100xi32, #tpu.memory_space<hbm>> -> memref<128x2x100xi32, #tpu.memory_space<hbm>>
      tpu.enqueue_dma source(%dma_start3A_123 : memref<128x2x100xi32, #tpu.memory_space<hbm>>) target(%arg8 : memref<128x2x100xi32, #tpu.memory_space<vmem>>) target_semaphore(%run_scoped3A : memref<!tpu.dma_semaphore, #tpu.memory_space<semaphore_mem>>)
      %dma_wait3A_124 = arith.constant 0 : i32
      %dma_wait3A_125 = arith.constant 0 : i32
      %dma_wait3A_126 = tpu.memref_slice %arg2[%mul3A_2, %dma_wait3A_124, %dma_wait3A_125] : memref<4096x2x100xi32, #tpu.memory_space<hbm>> -> memref<128x2x100xi32, #tpu.memory_space<hbm>>
      %dma_wait3A_127 = arith.constant 0 : i32
      %dma_wait3A_128 = arith.constant 0 : i32
      %dma_wait3A_129 = tpu.memref_slice %arg2[%mul3A_2, %dma_wait3A_127, %dma_wait3A_128] : memref<4096x2x100xi32, #tpu.memory_space<hbm>> -> memref<128x2x100xi32, #tpu.memory_space<hbm>>
      tpu.wait_dma2 semaphore(%run_scoped3A : memref<!tpu.dma_semaphore, #tpu.memory_space<semaphore_mem>>) src(%dma_wait3A_129 : memref<128x2x100xi32, #tpu.memory_space<hbm>>) dst(%arg8 : memref<128x2x100xi32, #tpu.memory_space<vmem>>)
      tpu.yield
    }) : () -> ()
    "tpu.region"() ({
      %run_scoped3A = tpu.sem_alloc : memref<!tpu.dma_semaphore, #tpu.memory_space<semaphore_mem>>
      %dma_start3A_118 = arith.constant 0 : i32
      %dma_start3A_119 = arith.constant 0 : i32
      %dma_start3A_120 = tpu.memref_slice %arg4[%dma_start3A_118, %dma_start3A_119] : memref<200x64xf32, #tpu.memory_space<hbm>> -> memref<200x64xf32, #tpu.memory_space<hbm>>
      %dma_start3A_121 = arith.constant 0 : i32
      %dma_start3A_122 = arith.constant 0 : i32
      %dma_start3A_123 = tpu.memref_slice %arg4[%dma_start3A_121, %dma_start3A_122] : memref<200x64xf32, #tpu.memory_space<hbm>> -> memref<200x64xf32, #tpu.memory_space<hbm>>
      tpu.enqueue_dma source(%dma_start3A_123 : memref<200x64xf32, #tpu.memory_space<hbm>>) target(%arg11 : memref<200x64xf32, #tpu.memory_space<vmem>>) target_semaphore(%run_scoped3A : memref<!tpu.dma_semaphore, #tpu.memory_space<semaphore_mem>>)
      %dma_wait3A_124 = arith.constant 0 : i32
      %dma_wait3A_125 = arith.constant 0 : i32
      %dma_wait3A_126 = tpu.memref_slice %arg4[%dma_wait3A_124, %dma_wait3A_125] : memref<200x64xf32, #tpu.memory_space<hbm>> -> memref<200x64xf32, #tpu.memory_space<hbm>>
      %dma_wait3A_127 = arith.constant 0 : i32
      %dma_wait3A_128 = arith.constant 0 : i32
      %dma_wait3A_129 = tpu.memref_slice %arg4[%dma_wait3A_127, %dma_wait3A_128] : memref<200x64xf32, #tpu.memory_space<hbm>> -> memref<200x64xf32, #tpu.memory_space<hbm>>
      tpu.wait_dma2 semaphore(%run_scoped3A : memref<!tpu.dma_semaphore, #tpu.memory_space<semaphore_mem>>) src(%dma_wait3A_129 : memref<200x64xf32, #tpu.memory_space<hbm>>) dst(%arg11 : memref<200x64xf32, #tpu.memory_space<vmem>>)
      tpu.yield
    }) : () -> ()
    "tpu.region"() ({
      %run_scoped3A = tpu.sem_alloc : memref<!tpu.dma_semaphore, #tpu.memory_space<semaphore_mem>>
      tpu.enqueue_dma source(%arg5 : memref<64xf32, #tpu.memory_space<hbm>>) target(%arg12 : memref<64xf32, #tpu.memory_space<vmem>>) target_semaphore(%run_scoped3A : memref<!tpu.dma_semaphore, #tpu.memory_space<semaphore_mem>>)
      tpu.wait_dma2 semaphore(%run_scoped3A : memref<!tpu.dma_semaphore, #tpu.memory_space<semaphore_mem>>) src(%arg5 : memref<64xf32, #tpu.memory_space<hbm>>) dst(%arg12 : memref<64xf32, #tpu.memory_space<vmem>>)
      tpu.yield
    }) : () -> ()
    "tpu.region"() ({
      %run_scoped3A = tpu.sem_alloc : memref<!tpu.dma_semaphore, #tpu.memory_space<semaphore_mem>>
      tpu.enqueue_dma source(%arg6 : memref<64xf32, #tpu.memory_space<hbm>>) target(%arg13 : memref<64xf32, #tpu.memory_space<vmem>>) target_semaphore(%run_scoped3A : memref<!tpu.dma_semaphore, #tpu.memory_space<semaphore_mem>>)
      tpu.wait_dma2 semaphore(%run_scoped3A : memref<!tpu.dma_semaphore, #tpu.memory_space<semaphore_mem>>) src(%arg6 : memref<64xf32, #tpu.memory_space<hbm>>) dst(%arg13 : memref<64xf32, #tpu.memory_space<vmem>>)
      tpu.yield
    }) : () -> ()
    %get3A = arith.constant 0 : index
    %get3A_3 = tpu.vector_load %arg12[%get3A] {strides = array<i32>} : memref<64xf32, #tpu.memory_space<vmem>>, vector<16xf32>,
    %get3A_4 = arith.constant 16 : index
    %get3A_5 = tpu.vector_load %arg12[%get3A_4] {strides = array<i32>} : memref<64xf32, #tpu.memory_space<vmem>>, vector<16xf32>,
    %get3A_6 = arith.constant 32 : index
    %get3A_7 = tpu.vector_load %arg12[%get3A_6] {strides = array<i32>} : memref<64xf32, #tpu.memory_space<vmem>>, vector<16xf32>,
    %get3A_8 = arith.constant 48 : index
    %get3A_9 = tpu.vector_load %arg12[%get3A_8] {strides = array<i32>} : memref<64xf32, #tpu.memory_space<vmem>>, vector<16xf32>,
    %get3A_10 = arith.constant 0 : index
    %get3A_11 = tpu.vector_load %arg13[%get3A_10] {strides = array<i32>} : memref<64xf32, #tpu.memory_space<vmem>>, vector<16xf32>,
    %get3A_12 = arith.constant 16 : index
    %get3A_13 = tpu.vector_load %arg13[%get3A_12] {strides = array<i32>} : memref<64xf32, #tpu.memory_space<vmem>>, vector<16xf32>,
    %get3A_14 = arith.constant 32 : index
    %get3A_15 = tpu.vector_load %arg13[%get3A_14] {strides = array<i32>} : memref<64xf32, #tpu.memory_space<vmem>>, vector<16xf32>,
    %get3A_16 = arith.constant 48 : index
    %get3A_17 = tpu.vector_load %arg13[%get3A_16] {strides = array<i32>} : memref<64xf32, #tpu.memory_space<vmem>>, vector<16xf32>,
    %dma_start3A = arith.constant 0 : i32
    %dma_start3A_18 = arith.constant 0 : i32
    %dma_start3A_19 = arith.constant 0 : i32
    %dma_start3A_20 = arith.constant 0 : i32
    %dma_start3A_21 = arith.constant 0 : i32
    %dma_start3A_22 = tpu.memref_slice %arg9[%dma_start3A_19, %dma_start3A_20, %dma_start3A_21] : memref<4x200x64xf32, #tpu.memory_space<vmem>> -> memref<1x200x64xf32, #tpu.memory_space<vmem>>
    %dma_start3A_23 = tpu.memref_squeeze %dma_start3A_22 : memref<1x200x64xf32, #tpu.memory_space<vmem>> -> memref<200x64xf32, #tpu.memory_space<vmem>>
    %dma_start3A_24 = arith.constant 0 : i32
    %dma_start3A_25 = arith.constant 0 : i32
    %dma_start3A_26 = tpu.memref_slice %dma_start3A_23[%dma_start3A_24, %dma_start3A_25] : memref<200x64xf32, #tpu.memory_space<vmem>> -> memref<100x64xf32, #tpu.memory_space<vmem>>
    %dma_start3A_27 = arith.constant 0 : i32
    %dma_start3A_28 = tpu.memref_slice %arg8[%dma_start3A, %dma_start3A_18, %dma_start3A_27] : memref<128x2x100xi32, #tpu.memory_space<vmem>> -> memref<1x1x100xi32, #tpu.memory_space<vmem>>
    %dma_start3A_29 = tpu.memref_squeeze %dma_start3A_28 : memref<1x1x100xi32, #tpu.memory_space<vmem>> -> memref<100xi32, #tpu.memory_space<vmem>>
    %dma_start3A_30 = arith.constant 0 : i32
    %dma_start3A_31 = arith.constant 0 : i32
    %dma_start3A_32 = tpu.memref_slice %arg3[%dma_start3A_30, %dma_start3A_31] : memref<100000x64xf32, #tpu.memory_space<hbm>> -> memref<100000x64xf32, #tpu.memory_space<hbm>>
    tpu.enqueue_indirect_dma source(%dma_start3A_32 : memref<100000x64xf32, #tpu.memory_space<hbm>>) target(%dma_start3A_26 : memref<100x64xf32, #tpu.memory_space<vmem>>) offsets(%dma_start3A_29 : memref<100xi32, #tpu.memory_space<vmem>>) semaphore(%arg14 : memref<!tpu.dma_semaphore, #tpu.memory_space<semaphore_mem>>)
    %dma_start3A_33 = arith.constant 0 : i32
    %dma_start3A_34 = arith.constant 1 : i32
    %dma_start3A_35 = arith.constant 0 : i32
    %dma_start3A_36 = arith.constant 0 : i32
    %dma_start3A_37 = arith.constant 0 : i32
    %dma_start3A_38 = tpu.memref_slice %arg9[%dma_start3A_35, %dma_start3A_36, %dma_start3A_37] : memref<4x200x64xf32, #tpu.memory_space<vmem>> -> memref<1x200x64xf32, #tpu.memory_space<vmem>>
    %dma_start3A_39 = tpu.memref_squeeze %dma_start3A_38 : memref<1x200x64xf32, #tpu.memory_space<vmem>> -> memref<200x64xf32, #tpu.memory_space<vmem>>
    %dma_start3A_40 = arith.constant 100 : i32
    %dma_start3A_41 = arith.constant 0 : i32
    %dma_start3A_42 = tpu.memref_slice %dma_start3A_39[%dma_start3A_40, %dma_start3A_41] : memref<200x64xf32, #tpu.memory_space<vmem>> -> memref<100x64xf32, #tpu.memory_space<vmem>>
    %dma_start3A_43 = arith.constant 0 : i32
    %dma_start3A_44 = tpu.memref_slice %arg8[%dma_start3A_33, %dma_start3A_34, %dma_start3A_43] : memref<128x2x100xi32, #tpu.memory_space<vmem>> -> memref<1x1x100xi32, #tpu.memory_space<vmem>>
    %dma_start3A_45 = tpu.memref_squeeze %dma_start3A_44 : memref<1x1x100xi32, #tpu.memory_space<vmem>> -> memref<100xi32, #tpu.memory_space<vmem>>
    %dma_start3A_46 = arith.constant 0 : i32
    %dma_start3A_47 = arith.constant 0 : i32
    %dma_start3A_48 = tpu.memref_slice %arg3[%dma_start3A_46, %dma_start3A_47] : memref<100000x64xf32, #tpu.memory_space<hbm>> -> memref<100000x64xf32, #tpu.memory_space<hbm>>
    tpu.enqueue_indirect_dma source(%dma_start3A_48 : memref<100000x64xf32, #tpu.memory_space<hbm>>) target(%dma_start3A_42 : memref<100x64xf32, #tpu.memory_space<vmem>>) offsets(%dma_start3A_45 : memref<100xi32, #tpu.memory_space<vmem>>) semaphore(%arg14 : memref<!tpu.dma_semaphore, #tpu.memory_space<semaphore_mem>>)
    %dma_start3A_49 = arith.constant 1 : i32
    %dma_start3A_50 = arith.constant 0 : i32
    %dma_start3A_51 = arith.constant 1 : i32
    %dma_start3A_52 = arith.constant 0 : i32
    %dma_start3A_53 = arith.constant 0 : i32
    %dma_start3A_54 = tpu.memref_slice %arg9[%dma_start3A_51, %dma_start3A_52, %dma_start3A_53] : memref<4x200x64xf32, #tpu.memory_space<vmem>> -> memref<1x200x64xf32, #tpu.memory_space<vmem>>
    %dma_start3A_55 = tpu.memref_squeeze %dma_start3A_54 : memref<1x200x64xf32, #tpu.memory_space<vmem>> -> memref<200x64xf32, #tpu.memory_space<vmem>>
    %dma_start3A_56 = arith.constant 0 : i32
    %dma_start3A_57 = arith.constant 0 : i32
    %dma_start3A_58 = tpu.memref_slice %dma_start3A_55[%dma_start3A_56, %dma_start3A_57] : memref<200x64xf32, #tpu.memory_space<vmem>> -> memref<100x64xf32, #tpu.memory_space<vmem>>
    %dma_start3A_59 = arith.constant 0 : i32
    %dma_start3A_60 = tpu.memref_slice %arg8[%dma_start3A_49, %dma_start3A_50, %dma_start3A_59] : memref<128x2x100xi32, #tpu.memory_space<vmem>> -> memref<1x1x100xi32, #tpu.memory_space<vmem>>
    %dma_start3A_61 = tpu.memref_squeeze %dma_start3A_60 : memref<1x1x100xi32, #tpu.memory_space<vmem>> -> memref<100xi32, #tpu.memory_space<vmem>>
    %dma_start3A_62 = arith.constant 0 : i32
    %dma_start3A_63 = arith.constant 0 : i32
    %dma_start3A_64 = tpu.memref_slice %arg3[%dma_start3A_62, %dma_start3A_63] : memref<100000x64xf32, #tpu.memory_space<hbm>> -> memref<100000x64xf32, #tpu.memory_space<hbm>>
    tpu.enqueue_indirect_dma source(%dma_start3A_64 : memref<100000x64xf32, #tpu.memory_space<hbm>>) target(%dma_start3A_58 : memref<100x64xf32, #tpu.memory_space<vmem>>) offsets(%dma_start3A_61 : memref<100xi32, #tpu.memory_space<vmem>>) semaphore(%arg15 : memref<!tpu.dma_semaphore, #tpu.memory_space<semaphore_mem>>)
    %dma_start3A_65 = arith.constant 1 : i32
    %dma_start3A_66 = arith.constant 1 : i32
    %dma_start3A_67 = arith.constant 1 : i32
    %dma_start3A_68 = arith.constant 0 : i32
    %dma_start3A_69 = arith.constant 0 : i32
    %dma_start3A_70 = tpu.memref_slice %arg9[%dma_start3A_67, %dma_start3A_68, %dma_start3A_69] : memref<4x200x64xf32, #tpu.memory_space<vmem>> -> memref<1x200x64xf32, #tpu.memory_space<vmem>>
    %dma_start3A_71 = tpu.memref_squeeze %dma_start3A_70 : memref<1x200x64xf32, #tpu.memory_space<vmem>> -> memref<200x64xf32, #tpu.memory_space<vmem>>
    %dma_start3A_72 = arith.constant 100 : i32
    %dma_start3A_73 = arith.constant 0 : i32
    %dma_start3A_74 = tpu.memref_slice %dma_start3A_71[%dma_start3A_72, %dma_start3A_73] : memref<200x64xf32, #tpu.memory_space<vmem>> -> memref<100x64xf32, #tpu.memory_space<vmem>>
    %dma_start3A_75 = arith.constant 0 : i32
    %dma_start3A_76 = tpu.memref_slice %arg8[%dma_start3A_65, %dma_start3A_66, %dma_start3A_75] : memref<128x2x100xi32, #tpu.memory_space<vmem>> -> memref<1x1x100xi32, #tpu.memory_space<vmem>>
    %dma_start3A_77 = tpu.memref_squeeze %dma_start3A_76 : memref<1x1x100xi32, #tpu.memory_space<vmem>> -> memref<100xi32, #tpu.memory_space<vmem>>
    %dma_start3A_78 = arith.constant 0 : i32
    %dma_start3A_79 = arith.constant 0 : i32
    %dma_start3A_80 = tpu.memref_slice %arg3[%dma_start3A_78, %dma_start3A_79] : memref<100000x64xf32, #tpu.memory_space<hbm>> -> memref<100000x64xf32, #tpu.memory_space<hbm>>
    tpu.enqueue_indirect_dma source(%dma_start3A_80 : memref<100000x64xf32, #tpu.memory_space<hbm>>) target(%dma_start3A_74 : memref<100x64xf32, #tpu.memory_space<vmem>>) offsets(%dma_start3A_77 : memref<100xi32, #tpu.memory_space<vmem>>) semaphore(%arg15 : memref<!tpu.dma_semaphore, #tpu.memory_space<semaphore_mem>>)
    %scan3A = arith.constant 0 : i32
    %scan3A_81 = arith.constant 32 : i32
    %scan3A_82 = arith.addi %scan3A, %scan3A_81 : i32
    %scan3A_83 = arith.constant 1 : i32
    scf.for %scan3A_118 = %scan3A to %scan3A_82 step %scan3A_83  : i32 {
      %mul3A_119 = arith.constant 4 : i32
      %mul3A_120 = arith.muli %scan3A_118, %mul3A_119 : i32
      %add3A_121 = arith.constant 0 : i32
      %add3A_122 = arith.addi %mul3A_120, %add3A_121 : i32
      %add3A_123 = arith.constant 2 : i32
      %add3A_124 = arith.addi %add3A_122, %add3A_123 : i32
      %lt3A = arith.constant 128 : i32
      %lt3A_125 = arith.cmpi slt, %add3A_124, %lt3A : i32
      %convert_element_type3A = arith.extui %lt3A_125 : i1 to i32
      %cond3A = arith.constant 0 : i32
      %cond3A_126 = arith.cmpi ne, %convert_element_type3A, %cond3A : i32
      scf.if %cond3A_126 {
        %add3A_336 = arith.constant 2 : i32
        %add3A_337 = arith.addi %add3A_122, %add3A_336 : i32
        %dma_start3A_338 = arith.constant 0 : i32
        %dma_start3A_339 = arith.constant 2 : i32
        %dma_start3A_340 = arith.constant 0 : i32
        %dma_start3A_341 = arith.constant 0 : i32
        %dma_start3A_342 = tpu.memref_slice %arg9[%dma_start3A_339, %dma_start3A_340, %dma_start3A_341] : memref<4x200x64xf32, #tpu.memory_space<vmem>> -> memref<1x200x64xf32, #tpu.memory_space<vmem>>
        %dma_start3A_343 = tpu.memref_squeeze %dma_start3A_342 : memref<1x200x64xf32, #tpu.memory_space<vmem>> -> memref<200x64xf32, #tpu.memory_space<vmem>>
        %dma_start3A_344 = arith.constant 0 : i32
        %dma_start3A_345 = arith.constant 0 : i32
        %dma_start3A_346 = tpu.memref_slice %dma_start3A_343[%dma_start3A_344, %dma_start3A_345] : memref<200x64xf32, #tpu.memory_space<vmem>> -> memref<100x64xf32, #tpu.memory_space<vmem>>
        %dma_start3A_347 = arith.constant 0 : i32
        %dma_start3A_348 = tpu.memref_slice %arg8[%add3A_337, %dma_start3A_338, %dma_start3A_347] : memref<128x2x100xi32, #tpu.memory_space<vmem>> -> memref<1x1x100xi32, #tpu.memory_space<vmem>>
        %dma_start3A_349 = tpu.memref_squeeze %dma_start3A_348 : memref<1x1x100xi32, #tpu.memory_space<vmem>> -> memref<100xi32, #tpu.memory_space<vmem>>
        %dma_start3A_350 = arith.constant 0 : i32
        %dma_start3A_351 = arith.constant 0 : i32
        %dma_start3A_352 = tpu.memref_slice %arg3[%dma_start3A_350, %dma_start3A_351] : memref<100000x64xf32, #tpu.memory_space<hbm>> -> memref<100000x64xf32, #tpu.memory_space<hbm>>
        tpu.enqueue_indirect_dma source(%dma_start3A_352 : memref<100000x64xf32, #tpu.memory_space<hbm>>) target(%dma_start3A_346 : memref<100x64xf32, #tpu.memory_space<vmem>>) offsets(%dma_start3A_349 : memref<100xi32, #tpu.memory_space<vmem>>) semaphore(%arg16 : memref<!tpu.dma_semaphore, #tpu.memory_space<semaphore_mem>>)
        %dma_start3A_353 = arith.constant 1 : i32
        %dma_start3A_354 = arith.constant 2 : i32
        %dma_start3A_355 = arith.constant 0 : i32
        %dma_start3A_356 = arith.constant 0 : i32
        %dma_start3A_357 = tpu.memref_slice %arg9[%dma_start3A_354, %dma_start3A_355, %dma_start3A_356] : memref<4x200x64xf32, #tpu.memory_space<vmem>> -> memref<1x200x64xf32, #tpu.memory_space<vmem>>
        %dma_start3A_358 = tpu.memref_squeeze %dma_start3A_357 : memref<1x200x64xf32, #tpu.memory_space<vmem>> -> memref<200x64xf32, #tpu.memory_space<vmem>>
        %dma_start3A_359 = arith.constant 100 : i32
        %dma_start3A_360 = arith.constant 0 : i32
        %dma_start3A_361 = tpu.memref_slice %dma_start3A_358[%dma_start3A_359, %dma_start3A_360] : memref<200x64xf32, #tpu.memory_space<vmem>> -> memref<100x64xf32, #tpu.memory_space<vmem>>
        %dma_start3A_362 = arith.constant 0 : i32
        %dma_start3A_363 = tpu.memref_slice %arg8[%add3A_337, %dma_start3A_353, %dma_start3A_362] : memref<128x2x100xi32, #tpu.memory_space<vmem>> -> memref<1x1x100xi32, #tpu.memory_space<vmem>>
        %dma_start3A_364 = tpu.memref_squeeze %dma_start3A_363 : memref<1x1x100xi32, #tpu.memory_space<vmem>> -> memref<100xi32, #tpu.memory_space<vmem>>
        %dma_start3A_365 = arith.constant 0 : i32
        %dma_start3A_366 = arith.constant 0 : i32
        %dma_start3A_367 = tpu.memref_slice %arg3[%dma_start3A_365, %dma_start3A_366] : memref<100000x64xf32, #tpu.memory_space<hbm>> -> memref<100000x64xf32, #tpu.memory_space<hbm>>
        tpu.enqueue_indirect_dma source(%dma_start3A_367 : memref<100000x64xf32, #tpu.memory_space<hbm>>) target(%dma_start3A_361 : memref<100x64xf32, #tpu.memory_space<vmem>>) offsets(%dma_start3A_364 : memref<100xi32, #tpu.memory_space<vmem>>) semaphore(%arg16 : memref<!tpu.dma_semaphore, #tpu.memory_space<semaphore_mem>>)
      } else {
      }
      %dma_wait3A_127 = arith.constant 0 : i32
      %dma_wait3A_128 = arith.constant 0 : i32
      %dma_wait3A_129 = arith.constant 0 : i32
      %dma_wait3A_130 = tpu.memref_slice %arg9[%dma_wait3A_127, %dma_wait3A_128, %dma_wait3A_129] : memref<4x200x64xf32, #tpu.memory_space<vmem>> -> memref<1x200x64xf32, #tpu.memory_space<vmem>>
      %dma_wait3A_131 = tpu.memref_squeeze %dma_wait3A_130 : memref<1x200x64xf32, #tpu.memory_space<vmem>> -> memref<200x64xf32, #tpu.memory_space<vmem>>
      %dma_wait3A_132 = arith.constant 0 : i32
      %dma_wait3A_133 = arith.constant 0 : i32
      %dma_wait3A_134 = tpu.memref_slice %arg7[%mul3A_2, %dma_wait3A_132, %dma_wait3A_133] : memref<4096x200x64xf32, #tpu.memory_space<hbm>> -> memref<1x200x64xf32, #tpu.memory_space<hbm>>
      %dma_wait3A_135 = tpu.memref_squeeze %dma_wait3A_134 : memref<1x200x64xf32, #tpu.memory_space<hbm>> -> memref<200x64xf32, #tpu.memory_space<hbm>>
      %dma_wait3A_136 = arith.constant 0 : i32
      %dma_wait3A_137 = arith.constant 0 : i32
      %dma_wait3A_138 = tpu.memref_slice %arg9[%dma_wait3A_127, %dma_wait3A_136, %dma_wait3A_137] : memref<4x200x64xf32, #tpu.memory_space<vmem>> -> memref<1x200x64xf32, #tpu.memory_space<vmem>>
      %dma_wait3A_139 = tpu.memref_squeeze %dma_wait3A_138 : memref<1x200x64xf32, #tpu.memory_space<vmem>> -> memref<200x64xf32, #tpu.memory_space<vmem>>
      %dma_wait3A_140 = arith.constant 0 : i32
      %dma_wait3A_141 = arith.constant 0 : i32
      %dma_wait3A_142 = tpu.memref_slice %arg7[%mul3A_2, %dma_wait3A_140, %dma_wait3A_141] : memref<4096x200x64xf32, #tpu.memory_space<hbm>> -> memref<1x200x64xf32, #tpu.memory_space<hbm>>
      %dma_wait3A_143 = tpu.memref_squeeze %dma_wait3A_142 : memref<1x200x64xf32, #tpu.memory_space<hbm>> -> memref<200x64xf32, #tpu.memory_space<hbm>>
      tpu.wait_dma2 semaphore(%arg14 : memref<!tpu.dma_semaphore, #tpu.memory_space<semaphore_mem>>) src(%dma_wait3A_143 : memref<200x64xf32, #tpu.memory_space<hbm>>) dst(%dma_wait3A_139 : memref<200x64xf32, #tpu.memory_space<vmem>>)
      %ge3A = arith.constant 2 : i32
      %ge3A_144 = arith.cmpi sge, %add3A_122, %ge3A : i32
      %convert_element_type3A_145 = arith.extui %ge3A_144 : i1 to i32
      %cond3A_146 = arith.constant 0 : i32
      %cond3A_147 = arith.constant 0 : i32
      %cond3A_148 = arith.cmpi ne, %convert_element_type3A_145, %cond3A_147 : i32
      scf.if %cond3A_148 {
        %dma_wait3A_336 = arith.constant 0 : i32
        %dma_wait3A_337 = arith.constant 0 : i32
        %dma_wait3A_338 = tpu.memref_slice %arg10[%cond3A_146, %dma_wait3A_336, %dma_wait3A_337] : memref<2x200x64xf32, #tpu.memory_space<vmem>> -> memref<1x200x64xf32, #tpu.memory_space<vmem>>
        %dma_wait3A_339 = tpu.memref_squeeze %dma_wait3A_338 : memref<1x200x64xf32, #tpu.memory_space<vmem>> -> memref<200x64xf32, #tpu.memory_space<vmem>>
        %dma_wait3A_340 = arith.constant 0 : i32
        %dma_wait3A_341 = arith.constant 0 : i32
        %dma_wait3A_342 = tpu.memref_slice %arg7[%mul3A_2, %dma_wait3A_340, %dma_wait3A_341] : memref<4096x200x64xf32, #tpu.memory_space<hbm>> -> memref<1x200x64xf32, #tpu.memory_space<hbm>>
        %dma_wait3A_343 = tpu.memref_squeeze %dma_wait3A_342 : memref<1x200x64xf32, #tpu.memory_space<hbm>> -> memref<200x64xf32, #tpu.memory_space<hbm>>
        %dma_wait3A_344 = arith.constant 0 : i32
        %dma_wait3A_345 = arith.constant 0 : i32
        %dma_wait3A_346 = tpu.memref_slice %arg7[%mul3A_2, %dma_wait3A_344, %dma_wait3A_345] : memref<4096x200x64xf32, #tpu.memory_space<hbm>> -> memref<1x200x64xf32, #tpu.memory_space<hbm>>
        %dma_wait3A_347 = tpu.memref_squeeze %dma_wait3A_346 : memref<1x200x64xf32, #tpu.memory_space<hbm>> -> memref<200x64xf32, #tpu.memory_space<hbm>>
        %dma_wait3A_348 = arith.constant 0 : i32
        %dma_wait3A_349 = arith.constant 0 : i32
        %dma_wait3A_350 = tpu.memref_slice %arg10[%cond3A_146, %dma_wait3A_348, %dma_wait3A_349] : memref<2x200x64xf32, #tpu.memory_space<vmem>> -> memref<1x200x64xf32, #tpu.memory_space<vmem>>
        %dma_wait3A_351 = tpu.memref_squeeze %dma_wait3A_350 : memref<1x200x64xf32, #tpu.memory_space<vmem>> -> memref<200x64xf32, #tpu.memory_space<vmem>>
        tpu.wait_dma2 semaphore(%arg18 : memref<!tpu.dma_semaphore, #tpu.memory_space<semaphore_mem>>) src(%dma_wait3A_351 : memref<200x64xf32, #tpu.memory_space<vmem>>) dst(%dma_wait3A_347 : memref<200x64xf32, #tpu.memory_space<hbm>>)
      } else {
      }
      %parallel_loop3A = arith.constant 0 : i32
      %parallel_loop3A_149 = arith.constant 200 : i32
      %parallel_loop3A_150 = arith.constant 1 : i32
      %parallel_loop3A_151 = arith.constant 0 : i32
      %parallel_loop3A_152 = arith.constant 0 : i32
      scf.for %parallel_loop3A_336 = %parallel_loop3A to %parallel_loop3A_149 step %parallel_loop3A_150  : i32 {
        %parallel_loop3A_337 = arith.constant 0 : i32
        %parallel_loop3A_338 = arith.constant 0 : i32
        %parallel_loop3A_339 = tpu.memref_slice %arg9[%parallel_loop3A_151, %parallel_loop3A_337, %parallel_loop3A_338] : memref<4x200x64xf32, #tpu.memory_space<vmem>> -> memref<1x200x64xf32, #tpu.memory_space<vmem>>
        %parallel_loop3A_340 = tpu.memref_squeeze %parallel_loop3A_339 : memref<1x200x64xf32, #tpu.memory_space<vmem>> -> memref<200x64xf32, #tpu.memory_space<vmem>>
        %parallel_loop3A_341 = arith.index_cast %parallel_loop3A_336 : i32 to index
        %parallel_loop3A_342 = arith.constant 0 : index
        %parallel_loop3A_343 = tpu.vector_load %parallel_loop3A_340[%parallel_loop3A_341, %parallel_loop3A_342] {strides = array<i32>} : memref<200x64xf32, #tpu.memory_space<vmem>>, vector<16xf32>,
        %parallel_loop3A_344 = arith.index_cast %parallel_loop3A_336 : i32 to index
        %parallel_loop3A_345 = arith.constant 0 : index
        %parallel_loop3A_346 = tpu.vector_load %arg11[%parallel_loop3A_344, %parallel_loop3A_345] {strides = array<i32>} : memref<200x64xf32, #tpu.memory_space<vmem>>, vector<16xf32>,
        %parallel_loop3A_347 = arith.addf %parallel_loop3A_343, %parallel_loop3A_346 : vector<16xf32>
        %parallel_loop3A_348 = arith.constant 0 : i32
        %parallel_loop3A_349 = arith.constant 0 : i32
        %parallel_loop3A_350 = tpu.memref_slice %arg9[%parallel_loop3A_151, %parallel_loop3A_348, %parallel_loop3A_349] : memref<4x200x64xf32, #tpu.memory_space<vmem>> -> memref<1x200x64xf32, #tpu.memory_space<vmem>>
        %parallel_loop3A_351 = tpu.memref_squeeze %parallel_loop3A_350 : memref<1x200x64xf32, #tpu.memory_space<vmem>> -> memref<200x64xf32, #tpu.memory_space<vmem>>
        %parallel_loop3A_352 = arith.index_cast %parallel_loop3A_336 : i32 to index
        %parallel_loop3A_353 = arith.constant 16 : index
        %parallel_loop3A_354 = tpu.vector_load %parallel_loop3A_351[%parallel_loop3A_352, %parallel_loop3A_353] {strides = array<i32>} : memref<200x64xf32, #tpu.memory_space<vmem>>, vector<16xf32>,
        %parallel_loop3A_355 = arith.index_cast %parallel_loop3A_336 : i32 to index
        %parallel_loop3A_356 = arith.constant 16 : index
        %parallel_loop3A_357 = tpu.vector_load %arg11[%parallel_loop3A_355, %parallel_loop3A_356] {strides = array<i32>} : memref<200x64xf32, #tpu.memory_space<vmem>>, vector<16xf32>,
        %parallel_loop3A_358 = arith.addf %parallel_loop3A_354, %parallel_loop3A_357 : vector<16xf32>
        %parallel_loop3A_359 = arith.constant 0 : i32
        %parallel_loop3A_360 = arith.constant 0 : i32
        %parallel_loop3A_361 = tpu.memref_slice %arg9[%parallel_loop3A_151, %parallel_loop3A_359, %parallel_loop3A_360] : memref<4x200x64xf32, #tpu.memory_space<vmem>> -> memref<1x200x64xf32, #tpu.memory_space<vmem>>
        %parallel_loop3A_362 = tpu.memref_squeeze %parallel_loop3A_361 : memref<1x200x64xf32, #tpu.memory_space<vmem>> -> memref<200x64xf32, #tpu.memory_space<vmem>>
        %parallel_loop3A_363 = arith.index_cast %parallel_loop3A_336 : i32 to index
        %parallel_loop3A_364 = arith.constant 32 : index
        %parallel_loop3A_365 = tpu.vector_load %parallel_loop3A_362[%parallel_loop3A_363, %parallel_loop3A_364] {strides = array<i32>} : memref<200x64xf32, #tpu.memory_space<vmem>>, vector<16xf32>,
        %parallel_loop3A_366 = arith.index_cast %parallel_loop3A_336 : i32 to index
        %parallel_loop3A_367 = arith.constant 32 : index
        %parallel_loop3A_368 = tpu.vector_load %arg11[%parallel_loop3A_366, %parallel_loop3A_367] {strides = array<i32>} : memref<200x64xf32, #tpu.memory_space<vmem>>, vector<16xf32>,
        %parallel_loop3A_369 = arith.addf %parallel_loop3A_365, %parallel_loop3A_368 : vector<16xf32>
        %parallel_loop3A_370 = arith.constant 0 : i32
        %parallel_loop3A_371 = arith.constant 0 : i32
        %parallel_loop3A_372 = tpu.memref_slice %arg9[%parallel_loop3A_151, %parallel_loop3A_370, %parallel_loop3A_371] : memref<4x200x64xf32, #tpu.memory_space<vmem>> -> memref<1x200x64xf32, #tpu.memory_space<vmem>>
        %parallel_loop3A_373 = tpu.memref_squeeze %parallel_loop3A_372 : memref<1x200x64xf32, #tpu.memory_space<vmem>> -> memref<200x64xf32, #tpu.memory_space<vmem>>
        %parallel_loop3A_374 = arith.index_cast %parallel_loop3A_336 : i32 to index
        %parallel_loop3A_375 = arith.constant 48 : index
        %parallel_loop3A_376 = tpu.vector_load %parallel_loop3A_373[%parallel_loop3A_374, %parallel_loop3A_375] {strides = array<i32>} : memref<200x64xf32, #tpu.memory_space<vmem>>, vector<16xf32>,
        %parallel_loop3A_377 = arith.index_cast %parallel_loop3A_336 : i32 to index
        %parallel_loop3A_378 = arith.constant 48 : index
        %parallel_loop3A_379 = tpu.vector_load %arg11[%parallel_loop3A_377, %parallel_loop3A_378] {strides = array<i32>} : memref<200x64xf32, #tpu.memory_space<vmem>>, vector<16xf32>,
        %parallel_loop3A_380 = arith.addf %parallel_loop3A_376, %parallel_loop3A_379 : vector<16xf32>
        %parallel_loop3A_381 = arith.addf %parallel_loop3A_347, %parallel_loop3A_358 : vector<16xf32>
        %parallel_loop3A_382 = arith.addf %parallel_loop3A_369, %parallel_loop3A_380 : vector<16xf32>
        %parallel_loop3A_383 = arith.addf %parallel_loop3A_381, %parallel_loop3A_382 : vector<16xf32>
        %parallel_loop3A_384 = arith.constant true
        %parallel_loop3A_385 = vector.broadcast %parallel_loop3A_384 : i1 to vector<16xi1>
        %parallel_loop3A_386 = tpu.scan <sum>, %parallel_loop3A_383 masked %parallel_loop3A_385 : vector<16xf32>, vector<16xi1> -> vector<16xf32>
        %parallel_loop3A_387 = vector.extract %parallel_loop3A_386[15] : f32 from vector<16xf32>
        %parallel_loop3A_388 = arith.constant 1.562500e-02 : f32
        %parallel_loop3A_389 = arith.mulf %parallel_loop3A_387, %parallel_loop3A_388 : f32
        %parallel_loop3A_390 = vector.broadcast %parallel_loop3A_389 : f32 to vector<16xf32>
        %parallel_loop3A_391 = arith.subf %parallel_loop3A_347, %parallel_loop3A_390 : vector<16xf32>
        %parallel_loop3A_392 = vector.broadcast %parallel_loop3A_389 : f32 to vector<16xf32>
        %parallel_loop3A_393 = arith.subf %parallel_loop3A_358, %parallel_loop3A_392 : vector<16xf32>
        %parallel_loop3A_394 = vector.broadcast %parallel_loop3A_389 : f32 to vector<16xf32>
        %parallel_loop3A_395 = arith.subf %parallel_loop3A_369, %parallel_loop3A_394 : vector<16xf32>
        %parallel_loop3A_396 = vector.broadcast %parallel_loop3A_389 : f32 to vector<16xf32>
        %parallel_loop3A_397 = arith.subf %parallel_loop3A_380, %parallel_loop3A_396 : vector<16xf32>
        %parallel_loop3A_398 = arith.mulf %parallel_loop3A_391, %parallel_loop3A_391 : vector<16xf32>
        %parallel_loop3A_399 = arith.mulf %parallel_loop3A_393, %parallel_loop3A_393 : vector<16xf32>
        %parallel_loop3A_400 = arith.addf %parallel_loop3A_398, %parallel_loop3A_399 : vector<16xf32>
        %parallel_loop3A_401 = arith.mulf %parallel_loop3A_395, %parallel_loop3A_395 : vector<16xf32>
        %parallel_loop3A_402 = arith.mulf %parallel_loop3A_397, %parallel_loop3A_397 : vector<16xf32>
        %parallel_loop3A_403 = arith.addf %parallel_loop3A_401, %parallel_loop3A_402 : vector<16xf32>
        %parallel_loop3A_404 = arith.addf %parallel_loop3A_400, %parallel_loop3A_403 : vector<16xf32>
        %parallel_loop3A_405 = arith.constant true
        %parallel_loop3A_406 = vector.broadcast %parallel_loop3A_405 : i1 to vector<16xi1>
        %parallel_loop3A_407 = tpu.scan <sum>, %parallel_loop3A_404 masked %parallel_loop3A_406 : vector<16xf32>, vector<16xi1> -> vector<16xf32>
        %parallel_loop3A_408 = vector.extract %parallel_loop3A_407[15] : f32 from vector<16xf32>
        %parallel_loop3A_409 = arith.constant 1.562500e-02 : f32
        %parallel_loop3A_410 = arith.mulf %parallel_loop3A_408, %parallel_loop3A_409 : f32
        %parallel_loop3A_411 = arith.constant 9.99999996E-13 : f32
        %parallel_loop3A_412 = arith.addf %parallel_loop3A_410, %parallel_loop3A_411 : f32
        %parallel_loop3A_413 = arith.bitcast %parallel_loop3A_412 : f32 to i32
        %parallel_loop3A_414 = arith.constant 1 : i32
        %parallel_loop3A_415 = arith.shrsi %parallel_loop3A_413, %parallel_loop3A_414 : i32
        %parallel_loop3A_416 = arith.constant 1597463007 : i32
        %parallel_loop3A_417 = arith.subi %parallel_loop3A_416, %parallel_loop3A_415 : i32
        %parallel_loop3A_418 = arith.bitcast %parallel_loop3A_417 : i32 to f32
        %parallel_loop3A_419 = arith.constant 5.000000e-01 : f32
        %parallel_loop3A_420 = arith.mulf %parallel_loop3A_419, %parallel_loop3A_412 : f32
        %parallel_loop3A_421 = arith.mulf %parallel_loop3A_420, %parallel_loop3A_418 : f32
        %parallel_loop3A_422 = arith.mulf %parallel_loop3A_421, %parallel_loop3A_418 : f32
        %parallel_loop3A_423 = arith.constant 1.500000e+00 : f32
        %parallel_loop3A_424 = arith.subf %parallel_loop3A_423, %parallel_loop3A_422 : f32
        %parallel_loop3A_425 = arith.mulf %parallel_loop3A_418, %parallel_loop3A_424 : f32
        %parallel_loop3A_426 = arith.constant 5.000000e-01 : f32
        %parallel_loop3A_427 = arith.mulf %parallel_loop3A_426, %parallel_loop3A_412 : f32
        %parallel_loop3A_428 = arith.mulf %parallel_loop3A_427, %parallel_loop3A_425 : f32
        %parallel_loop3A_429 = arith.mulf %parallel_loop3A_428, %parallel_loop3A_425 : f32
        %parallel_loop3A_430 = arith.constant 1.500000e+00 : f32
        %parallel_loop3A_431 = arith.subf %parallel_loop3A_430, %parallel_loop3A_429 : f32
        %parallel_loop3A_432 = arith.mulf %parallel_loop3A_425, %parallel_loop3A_431 : f32
        %parallel_loop3A_433 = arith.constant 5.000000e-01 : f32
        %parallel_loop3A_434 = arith.mulf %parallel_loop3A_433, %parallel_loop3A_412 : f32
        %parallel_loop3A_435 = arith.mulf %parallel_loop3A_434, %parallel_loop3A_432 : f32
        %parallel_loop3A_436 = arith.mulf %parallel_loop3A_435, %parallel_loop3A_432 : f32
        %parallel_loop3A_437 = arith.constant 1.500000e+00 : f32
        %parallel_loop3A_438 = arith.subf %parallel_loop3A_437, %parallel_loop3A_436 : f32
        %parallel_loop3A_439 = arith.mulf %parallel_loop3A_432, %parallel_loop3A_438 : f32
        %parallel_loop3A_440 = vector.broadcast %parallel_loop3A_439 : f32 to vector<16xf32>
        %parallel_loop3A_441 = arith.mulf %parallel_loop3A_391, %parallel_loop3A_440 : vector<16xf32>
        %parallel_loop3A_442 = arith.mulf %parallel_loop3A_441, %get3A_3 : vector<16xf32>
        %parallel_loop3A_443 = arith.addf %parallel_loop3A_442, %get3A_11 : vector<16xf32>
        %parallel_loop3A_444 = arith.constant 0 : i32
        %parallel_loop3A_445 = arith.constant 0 : i32
        %parallel_loop3A_446 = tpu.memref_slice %arg10[%parallel_loop3A_152, %parallel_loop3A_444, %parallel_loop3A_445] : memref<2x200x64xf32, #tpu.memory_space<vmem>> -> memref<1x200x64xf32, #tpu.memory_space<vmem>>
        %parallel_loop3A_447 = tpu.memref_squeeze %parallel_loop3A_446 : memref<1x200x64xf32, #tpu.memory_space<vmem>> -> memref<200x64xf32, #tpu.memory_space<vmem>>
        %parallel_loop3A_448 = arith.index_cast %parallel_loop3A_336 : i32 to index
        %parallel_loop3A_449 = arith.constant 0 : index
        %parallel_loop3A_450 = tpu.vector_load %parallel_loop3A_447[%parallel_loop3A_448, %parallel_loop3A_449] {strides = array<i32>} : memref<200x64xf32, #tpu.memory_space<vmem>>, vector<16xf32>,
        tpu.vector_store %parallel_loop3A_447[%parallel_loop3A_448, %parallel_loop3A_449], %parallel_loop3A_443 {strides = array<i32>} : memref<200x64xf32, #tpu.memory_space<vmem>>, vector<16xf32>,
        %parallel_loop3A_451 = vector.broadcast %parallel_loop3A_439 : f32 to vector<16xf32>
        %parallel_loop3A_452 = arith.mulf %parallel_loop3A_393, %parallel_loop3A_451 : vector<16xf32>
        %parallel_loop3A_453 = arith.mulf %parallel_loop3A_452, %get3A_5 : vector<16xf32>
        %parallel_loop3A_454 = arith.addf %parallel_loop3A_453, %get3A_13 : vector<16xf32>
        %parallel_loop3A_455 = arith.constant 0 : i32
        %parallel_loop3A_456 = arith.constant 0 : i32
        %parallel_loop3A_457 = tpu.memref_slice %arg10[%parallel_loop3A_152, %parallel_loop3A_455, %parallel_loop3A_456] : memref<2x200x64xf32, #tpu.memory_space<vmem>> -> memref<1x200x64xf32, #tpu.memory_space<vmem>>
        %parallel_loop3A_458 = tpu.memref_squeeze %parallel_loop3A_457 : memref<1x200x64xf32, #tpu.memory_space<vmem>> -> memref<200x64xf32, #tpu.memory_space<vmem>>
        %parallel_loop3A_459 = arith.index_cast %parallel_loop3A_336 : i32 to index
        %parallel_loop3A_460 = arith.constant 16 : index
        %parallel_loop3A_461 = tpu.vector_load %parallel_loop3A_458[%parallel_loop3A_459, %parallel_loop3A_460] {strides = array<i32>} : memref<200x64xf32, #tpu.memory_space<vmem>>, vector<16xf32>,
        tpu.vector_store %parallel_loop3A_458[%parallel_loop3A_459, %parallel_loop3A_460], %parallel_loop3A_454 {strides = array<i32>} : memref<200x64xf32, #tpu.memory_space<vmem>>, vector<16xf32>,
        %parallel_loop3A_462 = vector.broadcast %parallel_loop3A_439 : f32 to vector<16xf32>
        %parallel_loop3A_463 = arith.mulf %parallel_loop3A_395, %parallel_loop3A_462 : vector<16xf32>
        %parallel_loop3A_464 = arith.mulf %parallel_loop3A_463, %get3A_7 : vector<16xf32>
        %parallel_loop3A_465 = arith.addf %parallel_loop3A_464, %get3A_15 : vector<16xf32>
        %parallel_loop3A_466 = arith.constant 0 : i32
        %parallel_loop3A_467 = arith.constant 0 : i32
        %parallel_loop3A_468 = tpu.memref_slice %arg10[%parallel_loop3A_152, %parallel_loop3A_466, %parallel_loop3A_467] : memref<2x200x64xf32, #tpu.memory_space<vmem>> -> memref<1x200x64xf32, #tpu.memory_space<vmem>>
        %parallel_loop3A_469 = tpu.memref_squeeze %parallel_loop3A_468 : memref<1x200x64xf32, #tpu.memory_space<vmem>> -> memref<200x64xf32, #tpu.memory_space<vmem>>
        %parallel_loop3A_470 = arith.index_cast %parallel_loop3A_336 : i32 to index
        %parallel_loop3A_471 = arith.constant 32 : index
        %parallel_loop3A_472 = tpu.vector_load %parallel_loop3A_469[%parallel_loop3A_470, %parallel_loop3A_471] {strides = array<i32>} : memref<200x64xf32, #tpu.memory_space<vmem>>, vector<16xf32>,
        tpu.vector_store %parallel_loop3A_469[%parallel_loop3A_470, %parallel_loop3A_471], %parallel_loop3A_465 {strides = array<i32>} : memref<200x64xf32, #tpu.memory_space<vmem>>, vector<16xf32>,
        %parallel_loop3A_473 = vector.broadcast %parallel_loop3A_439 : f32 to vector<16xf32>
        %parallel_loop3A_474 = arith.mulf %parallel_loop3A_397, %parallel_loop3A_473 : vector<16xf32>
        %parallel_loop3A_475 = arith.mulf %parallel_loop3A_474, %get3A_9 : vector<16xf32>
        %parallel_loop3A_476 = arith.addf %parallel_loop3A_475, %get3A_17 : vector<16xf32>
        %parallel_loop3A_477 = arith.constant 0 : i32
        %parallel_loop3A_478 = arith.constant 0 : i32
        %parallel_loop3A_479 = tpu.memref_slice %arg10[%parallel_loop3A_152, %parallel_loop3A_477, %parallel_loop3A_478] : memref<2x200x64xf32, #tpu.memory_space<vmem>> -> memref<1x200x64xf32, #tpu.memory_space<vmem>>
        %parallel_loop3A_480 = tpu.memref_squeeze %parallel_loop3A_479 : memref<1x200x64xf32, #tpu.memory_space<vmem>> -> memref<200x64xf32, #tpu.memory_space<vmem>>
        %parallel_loop3A_481 = arith.index_cast %parallel_loop3A_336 : i32 to index
        %parallel_loop3A_482 = arith.constant 48 : index
        %parallel_loop3A_483 = tpu.vector_load %parallel_loop3A_480[%parallel_loop3A_481, %parallel_loop3A_482] {strides = array<i32>} : memref<200x64xf32, #tpu.memory_space<vmem>>, vector<16xf32>,
        tpu.vector_store %parallel_loop3A_480[%parallel_loop3A_481, %parallel_loop3A_482], %parallel_loop3A_476 {strides = array<i32>} : memref<200x64xf32, #tpu.memory_space<vmem>>, vector<16xf32>,
      } {sc.loop_unroll_factor = 4 : i64, sc.parallel_access}
      %add3A_153 = arith.addi %mul3A_2, %add3A_122 : i32
      %dma_start3A_154 = arith.constant 0 : i32
      %dma_start3A_155 = arith.constant 0 : i32
      %dma_start3A_156 = arith.constant 0 : i32
      %dma_start3A_157 = tpu.memref_slice %arg10[%dma_start3A_154, %dma_start3A_155, %dma_start3A_156] : memref<2x200x64xf32, #tpu.memory_space<vmem>> -> memref<1x200x64xf32, #tpu.memory_space<vmem>>
      %dma_start3A_158 = tpu.memref_squeeze %dma_start3A_157 : memref<1x200x64xf32, #tpu.memory_space<vmem>> -> memref<200x64xf32, #tpu.memory_space<vmem>>
      %dma_start3A_159 = arith.constant 0 : i32
      %dma_start3A_160 = arith.constant 0 : i32
      %dma_start3A_161 = tpu.memref_slice %arg7[%add3A_153, %dma_start3A_159, %dma_start3A_160] : memref<4096x200x64xf32, #tpu.memory_space<hbm>> -> memref<1x200x64xf32, #tpu.memory_space<hbm>>
      %dma_start3A_162 = tpu.memref_squeeze %dma_start3A_161 : memref<1x200x64xf32, #tpu.memory_space<hbm>> -> memref<200x64xf32, #tpu.memory_space<hbm>>
      %dma_start3A_163 = arith.constant 0 : i32
      %dma_start3A_164 = arith.constant 0 : i32
      %dma_start3A_165 = tpu.memref_slice %arg7[%add3A_153, %dma_start3A_163, %dma_start3A_164] : memref<4096x200x64xf32, #tpu.memory_space<hbm>> -> memref<1x200x64xf32, #tpu.memory_space<hbm>>
      %dma_start3A_166 = tpu.memref_squeeze %dma_start3A_165 : memref<1x200x64xf32, #tpu.memory_space<hbm>> -> memref<200x64xf32, #tpu.memory_space<hbm>>
      %dma_start3A_167 = arith.constant 0 : i32
      %dma_start3A_168 = arith.constant 0 : i32
      %dma_start3A_169 = tpu.memref_slice %arg10[%dma_start3A_154, %dma_start3A_167, %dma_start3A_168] : memref<2x200x64xf32, #tpu.memory_space<vmem>> -> memref<1x200x64xf32, #tpu.memory_space<vmem>>
      %dma_start3A_170 = tpu.memref_squeeze %dma_start3A_169 : memref<1x200x64xf32, #tpu.memory_space<vmem>> -> memref<200x64xf32, #tpu.memory_space<vmem>>
      tpu.enqueue_dma source(%dma_start3A_170 : memref<200x64xf32, #tpu.memory_space<vmem>>) target(%dma_start3A_166 : memref<200x64xf32, #tpu.memory_space<hbm>>) target_semaphore(%arg18 : memref<!tpu.dma_semaphore, #tpu.memory_space<semaphore_mem>>)
      %add3A_171 = arith.constant 1 : i32
      %add3A_172 = arith.addi %mul3A_120, %add3A_171 : i32
      %add3A_173 = arith.constant 2 : i32
      %add3A_174 = arith.addi %add3A_172, %add3A_173 : i32
      %lt3A_175 = arith.constant 128 : i32
      %lt3A_176 = arith.cmpi slt, %add3A_174, %lt3A_175 : i32
      %convert_element_type3A_177 = arith.extui %lt3A_176 : i1 to i32
      %cond3A_178 = arith.constant 0 : i32
      %cond3A_179 = arith.cmpi ne, %convert_element_type3A_177, %cond3A_178 : i32
      scf.if %cond3A_179 {
        %add3A_336 = arith.constant 2 : i32
        %add3A_337 = arith.addi %add3A_172, %add3A_336 : i32
        %dma_start3A_338 = arith.constant 0 : i32
        %dma_start3A_339 = arith.constant 3 : i32
        %dma_start3A_340 = arith.constant 0 : i32
        %dma_start3A_341 = arith.constant 0 : i32
        %dma_start3A_342 = tpu.memref_slice %arg9[%dma_start3A_339, %dma_start3A_340, %dma_start3A_341] : memref<4x200x64xf32, #tpu.memory_space<vmem>> -> memref<1x200x64xf32, #tpu.memory_space<vmem>>
        %dma_start3A_343 = tpu.memref_squeeze %dma_start3A_342 : memref<1x200x64xf32, #tpu.memory_space<vmem>> -> memref<200x64xf32, #tpu.memory_space<vmem>>
        %dma_start3A_344 = arith.constant 0 : i32
        %dma_start3A_345 = arith.constant 0 : i32
        %dma_start3A_346 = tpu.memref_slice %dma_start3A_343[%dma_start3A_344, %dma_start3A_345] : memref<200x64xf32, #tpu.memory_space<vmem>> -> memref<100x64xf32, #tpu.memory_space<vmem>>
        %dma_start3A_347 = arith.constant 0 : i32
        %dma_start3A_348 = tpu.memref_slice %arg8[%add3A_337, %dma_start3A_338, %dma_start3A_347] : memref<128x2x100xi32, #tpu.memory_space<vmem>> -> memref<1x1x100xi32, #tpu.memory_space<vmem>>
        %dma_start3A_349 = tpu.memref_squeeze %dma_start3A_348 : memref<1x1x100xi32, #tpu.memory_space<vmem>> -> memref<100xi32, #tpu.memory_space<vmem>>
        %dma_start3A_350 = arith.constant 0 : i32
        %dma_start3A_351 = arith.constant 0 : i32
        %dma_start3A_352 = tpu.memref_slice %arg3[%dma_start3A_350, %dma_start3A_351] : memref<100000x64xf32, #tpu.memory_space<hbm>> -> memref<100000x64xf32, #tpu.memory_space<hbm>>
        tpu.enqueue_indirect_dma source(%dma_start3A_352 : memref<100000x64xf32, #tpu.memory_space<hbm>>) target(%dma_start3A_346 : memref<100x64xf32, #tpu.memory_space<vmem>>) offsets(%dma_start3A_349 : memref<100xi32, #tpu.memory_space<vmem>>) semaphore(%arg17 : memref<!tpu.dma_semaphore, #tpu.memory_space<semaphore_mem>>)
        %dma_start3A_353 = arith.constant 1 : i32
        %dma_start3A_354 = arith.constant 3 : i32
        %dma_start3A_355 = arith.constant 0 : i32
        %dma_start3A_356 = arith.constant 0 : i32
        %dma_start3A_357 = tpu.memref_slice %arg9[%dma_start3A_354, %dma_start3A_355, %dma_start3A_356] : memref<4x200x64xf32, #tpu.memory_space<vmem>> -> memref<1x200x64xf32, #tpu.memory_space<vmem>>
        %dma_start3A_358 = tpu.memref_squeeze %dma_start3A_357 : memref<1x200x64xf32, #tpu.memory_space<vmem>> -> memref<200x64xf32, #tpu.memory_space<vmem>>
        %dma_start3A_359 = arith.constant 100 : i32
        %dma_start3A_360 = arith.constant 0 : i32
        %dma_start3A_361 = tpu.memref_slice %dma_start3A_358[%dma_start3A_359, %dma_start3A_360] : memref<200x64xf32, #tpu.memory_space<vmem>> -> memref<100x64xf32, #tpu.memory_space<vmem>>
        %dma_start3A_362 = arith.constant 0 : i32
        %dma_start3A_363 = tpu.memref_slice %arg8[%add3A_337, %dma_start3A_353, %dma_start3A_362] : memref<128x2x100xi32, #tpu.memory_space<vmem>> -> memref<1x1x100xi32, #tpu.memory_space<vmem>>
        %dma_start3A_364 = tpu.memref_squeeze %dma_start3A_363 : memref<1x1x100xi32, #tpu.memory_space<vmem>> -> memref<100xi32, #tpu.memory_space<vmem>>
        %dma_start3A_365 = arith.constant 0 : i32
        %dma_start3A_366 = arith.constant 0 : i32
        %dma_start3A_367 = tpu.memref_slice %arg3[%dma_start3A_365, %dma_start3A_366] : memref<100000x64xf32, #tpu.memory_space<hbm>> -> memref<100000x64xf32, #tpu.memory_space<hbm>>
        tpu.enqueue_indirect_dma source(%dma_start3A_367 : memref<100000x64xf32, #tpu.memory_space<hbm>>) target(%dma_start3A_361 : memref<100x64xf32, #tpu.memory_space<vmem>>) offsets(%dma_start3A_364 : memref<100xi32, #tpu.memory_space<vmem>>) semaphore(%arg17 : memref<!tpu.dma_semaphore, #tpu.memory_space<semaphore_mem>>)
      } else {
      }
      %dma_wait3A_180 = arith.constant 1 : i32
      %dma_wait3A_181 = arith.constant 0 : i32
      %dma_wait3A_182 = arith.constant 0 : i32
      %dma_wait3A_183 = tpu.memref_slice %arg9[%dma_wait3A_180, %dma_wait3A_181, %dma_wait3A_182] : memref<4x200x64xf32, #tpu.memory_space<vmem>> -> memref<1x200x64xf32, #tpu.memory_space<vmem>>
      %dma_wait3A_184 = tpu.memref_squeeze %dma_wait3A_183 : memref<1x200x64xf32, #tpu.memory_space<vmem>> -> memref<200x64xf32, #tpu.memory_space<vmem>>
      %dma_wait3A_185 = arith.constant 0 : i32
      %dma_wait3A_186 = arith.constant 0 : i32
      %dma_wait3A_187 = tpu.memref_slice %arg7[%mul3A_2, %dma_wait3A_185, %dma_wait3A_186] : memref<4096x200x64xf32, #tpu.memory_space<hbm>> -> memref<1x200x64xf32, #tpu.memory_space<hbm>>
      %dma_wait3A_188 = tpu.memref_squeeze %dma_wait3A_187 : memref<1x200x64xf32, #tpu.memory_space<hbm>> -> memref<200x64xf32, #tpu.memory_space<hbm>>
      %dma_wait3A_189 = arith.constant 0 : i32
      %dma_wait3A_190 = arith.constant 0 : i32
      %dma_wait3A_191 = tpu.memref_slice %arg9[%dma_wait3A_180, %dma_wait3A_189, %dma_wait3A_190] : memref<4x200x64xf32, #tpu.memory_space<vmem>> -> memref<1x200x64xf32, #tpu.memory_space<vmem>>
      %dma_wait3A_192 = tpu.memref_squeeze %dma_wait3A_191 : memref<1x200x64xf32, #tpu.memory_space<vmem>> -> memref<200x64xf32, #tpu.memory_space<vmem>>
      %dma_wait3A_193 = arith.constant 0 : i32
      %dma_wait3A_194 = arith.constant 0 : i32
      %dma_wait3A_195 = tpu.memref_slice %arg7[%mul3A_2, %dma_wait3A_193, %dma_wait3A_194] : memref<4096x200x64xf32, #tpu.memory_space<hbm>> -> memref<1x200x64xf32, #tpu.memory_space<hbm>>
      %dma_wait3A_196 = tpu.memref_squeeze %dma_wait3A_195 : memref<1x200x64xf32, #tpu.memory_space<hbm>> -> memref<200x64xf32, #tpu.memory_space<hbm>>
      tpu.wait_dma2 semaphore(%arg15 : memref<!tpu.dma_semaphore, #tpu.memory_space<semaphore_mem>>) src(%dma_wait3A_196 : memref<200x64xf32, #tpu.memory_space<hbm>>) dst(%dma_wait3A_192 : memref<200x64xf32, #tpu.memory_space<vmem>>)
      %ge3A_197 = arith.constant 2 : i32
      %ge3A_198 = arith.cmpi sge, %add3A_172, %ge3A_197 : i32
      %convert_element_type3A_199 = arith.extui %ge3A_198 : i1 to i32
      %cond3A_200 = arith.constant 1 : i32
      %cond3A_201 = arith.constant 0 : i32
      %cond3A_202 = arith.cmpi ne, %convert_element_type3A_199, %cond3A_201 : i32
      scf.if %cond3A_202 {
        %dma_wait3A_336 = arith.constant 0 : i32
        %dma_wait3A_337 = arith.constant 0 : i32
        %dma_wait3A_338 = tpu.memref_slice %arg10[%cond3A_200, %dma_wait3A_336, %dma_wait3A_337] : memref<2x200x64xf32, #tpu.memory_space<vmem>> -> memref<1x200x64xf32, #tpu.memory_space<vmem>>
        %dma_wait3A_339 = tpu.memref_squeeze %dma_wait3A_338 : memref<1x200x64xf32, #tpu.memory_space<vmem>> -> memref<200x64xf32, #tpu.memory_space<vmem>>
        %dma_wait3A_340 = arith.constant 0 : i32
        %dma_wait3A_341 = arith.constant 0 : i32
        %dma_wait3A_342 = tpu.memref_slice %arg7[%mul3A_2, %dma_wait3A_340, %dma_wait3A_341] : memref<4096x200x64xf32, #tpu.memory_space<hbm>> -> memref<1x200x64xf32, #tpu.memory_space<hbm>>
        %dma_wait3A_343 = tpu.memref_squeeze %dma_wait3A_342 : memref<1x200x64xf32, #tpu.memory_space<hbm>> -> memref<200x64xf32, #tpu.memory_space<hbm>>
        %dma_wait3A_344 = arith.constant 0 : i32
        %dma_wait3A_345 = arith.constant 0 : i32
        %dma_wait3A_346 = tpu.memref_slice %arg7[%mul3A_2, %dma_wait3A_344, %dma_wait3A_345] : memref<4096x200x64xf32, #tpu.memory_space<hbm>> -> memref<1x200x64xf32, #tpu.memory_space<hbm>>
        %dma_wait3A_347 = tpu.memref_squeeze %dma_wait3A_346 : memref<1x200x64xf32, #tpu.memory_space<hbm>> -> memref<200x64xf32, #tpu.memory_space<hbm>>
        %dma_wait3A_348 = arith.constant 0 : i32
        %dma_wait3A_349 = arith.constant 0 : i32
        %dma_wait3A_350 = tpu.memref_slice %arg10[%cond3A_200, %dma_wait3A_348, %dma_wait3A_349] : memref<2x200x64xf32, #tpu.memory_space<vmem>> -> memref<1x200x64xf32, #tpu.memory_space<vmem>>
        %dma_wait3A_351 = tpu.memref_squeeze %dma_wait3A_350 : memref<1x200x64xf32, #tpu.memory_space<vmem>> -> memref<200x64xf32, #tpu.memory_space<vmem>>
        tpu.wait_dma2 semaphore(%arg19 : memref<!tpu.dma_semaphore, #tpu.memory_space<semaphore_mem>>) src(%dma_wait3A_351 : memref<200x64xf32, #tpu.memory_space<vmem>>) dst(%dma_wait3A_347 : memref<200x64xf32, #tpu.memory_space<hbm>>)
      } else {
      }
      %parallel_loop3A_203 = arith.constant 0 : i32
      %parallel_loop3A_204 = arith.constant 200 : i32
      %parallel_loop3A_205 = arith.constant 1 : i32
      %parallel_loop3A_206 = arith.constant 1 : i32
      %parallel_loop3A_207 = arith.constant 1 : i32
      scf.for %parallel_loop3A_336 = %parallel_loop3A_203 to %parallel_loop3A_204 step %parallel_loop3A_205  : i32 {
        %parallel_loop3A_337 = arith.constant 0 : i32
        %parallel_loop3A_338 = arith.constant 0 : i32
        %parallel_loop3A_339 = tpu.memref_slice %arg9[%parallel_loop3A_206, %parallel_loop3A_337, %parallel_loop3A_338] : memref<4x200x64xf32, #tpu.memory_space<vmem>> -> memref<1x200x64xf32, #tpu.memory_space<vmem>>
        %parallel_loop3A_340 = tpu.memref_squeeze %parallel_loop3A_339 : memref<1x200x64xf32, #tpu.memory_space<vmem>> -> memref<200x64xf32, #tpu.memory_space<vmem>>
        %parallel_loop3A_341 = arith.index_cast %parallel_loop3A_336 : i32 to index
        %parallel_loop3A_342 = arith.constant 0 : index
        %parallel_loop3A_343 = tpu.vector_load %parallel_loop3A_340[%parallel_loop3A_341, %parallel_loop3A_342] {strides = array<i32>} : memref<200x64xf32, #tpu.memory_space<vmem>>, vector<16xf32>,
        %parallel_loop3A_344 = arith.index_cast %parallel_loop3A_336 : i32 to index
        %parallel_loop3A_345 = arith.constant 0 : index
        %parallel_loop3A_346 = tpu.vector_load %arg11[%parallel_loop3A_344, %parallel_loop3A_345] {strides = array<i32>} : memref<200x64xf32, #tpu.memory_space<vmem>>, vector<16xf32>,
        %parallel_loop3A_347 = arith.addf %parallel_loop3A_343, %parallel_loop3A_346 : vector<16xf32>
        %parallel_loop3A_348 = arith.constant 0 : i32
        %parallel_loop3A_349 = arith.constant 0 : i32
        %parallel_loop3A_350 = tpu.memref_slice %arg9[%parallel_loop3A_206, %parallel_loop3A_348, %parallel_loop3A_349] : memref<4x200x64xf32, #tpu.memory_space<vmem>> -> memref<1x200x64xf32, #tpu.memory_space<vmem>>
        %parallel_loop3A_351 = tpu.memref_squeeze %parallel_loop3A_350 : memref<1x200x64xf32, #tpu.memory_space<vmem>> -> memref<200x64xf32, #tpu.memory_space<vmem>>
        %parallel_loop3A_352 = arith.index_cast %parallel_loop3A_336 : i32 to index
        %parallel_loop3A_353 = arith.constant 16 : index
        %parallel_loop3A_354 = tpu.vector_load %parallel_loop3A_351[%parallel_loop3A_352, %parallel_loop3A_353] {strides = array<i32>} : memref<200x64xf32, #tpu.memory_space<vmem>>, vector<16xf32>,
        %parallel_loop3A_355 = arith.index_cast %parallel_loop3A_336 : i32 to index
        %parallel_loop3A_356 = arith.constant 16 : index
        %parallel_loop3A_357 = tpu.vector_load %arg11[%parallel_loop3A_355, %parallel_loop3A_356] {strides = array<i32>} : memref<200x64xf32, #tpu.memory_space<vmem>>, vector<16xf32>,
        %parallel_loop3A_358 = arith.addf %parallel_loop3A_354, %parallel_loop3A_357 : vector<16xf32>
        %parallel_loop3A_359 = arith.constant 0 : i32
        %parallel_loop3A_360 = arith.constant 0 : i32
        %parallel_loop3A_361 = tpu.memref_slice %arg9[%parallel_loop3A_206, %parallel_loop3A_359, %parallel_loop3A_360] : memref<4x200x64xf32, #tpu.memory_space<vmem>> -> memref<1x200x64xf32, #tpu.memory_space<vmem>>
        %parallel_loop3A_362 = tpu.memref_squeeze %parallel_loop3A_361 : memref<1x200x64xf32, #tpu.memory_space<vmem>> -> memref<200x64xf32, #tpu.memory_space<vmem>>
        %parallel_loop3A_363 = arith.index_cast %parallel_loop3A_336 : i32 to index
        %parallel_loop3A_364 = arith.constant 32 : index
        %parallel_loop3A_365 = tpu.vector_load %parallel_loop3A_362[%parallel_loop3A_363, %parallel_loop3A_364] {strides = array<i32>} : memref<200x64xf32, #tpu.memory_space<vmem>>, vector<16xf32>,
        %parallel_loop3A_366 = arith.index_cast %parallel_loop3A_336 : i32 to index
        %parallel_loop3A_367 = arith.constant 32 : index
        %parallel_loop3A_368 = tpu.vector_load %arg11[%parallel_loop3A_366, %parallel_loop3A_367] {strides = array<i32>} : memref<200x64xf32, #tpu.memory_space<vmem>>, vector<16xf32>,
        %parallel_loop3A_369 = arith.addf %parallel_loop3A_365, %parallel_loop3A_368 : vector<16xf32>
        %parallel_loop3A_370 = arith.constant 0 : i32
        %parallel_loop3A_371 = arith.constant 0 : i32
        %parallel_loop3A_372 = tpu.memref_slice %arg9[%parallel_loop3A_206, %parallel_loop3A_370, %parallel_loop3A_371] : memref<4x200x64xf32, #tpu.memory_space<vmem>> -> memref<1x200x64xf32, #tpu.memory_space<vmem>>
        %parallel_loop3A_373 = tpu.memref_squeeze %parallel_loop3A_372 : memref<1x200x64xf32, #tpu.memory_space<vmem>> -> memref<200x64xf32, #tpu.memory_space<vmem>>
        %parallel_loop3A_374 = arith.index_cast %parallel_loop3A_336 : i32 to index
        %parallel_loop3A_375 = arith.constant 48 : index
        %parallel_loop3A_376 = tpu.vector_load %parallel_loop3A_373[%parallel_loop3A_374, %parallel_loop3A_375] {strides = array<i32>} : memref<200x64xf32, #tpu.memory_space<vmem>>, vector<16xf32>,
        %parallel_loop3A_377 = arith.index_cast %parallel_loop3A_336 : i32 to index
        %parallel_loop3A_378 = arith.constant 48 : index
        %parallel_loop3A_379 = tpu.vector_load %arg11[%parallel_loop3A_377, %parallel_loop3A_378] {strides = array<i32>} : memref<200x64xf32, #tpu.memory_space<vmem>>, vector<16xf32>,
        %parallel_loop3A_380 = arith.addf %parallel_loop3A_376, %parallel_loop3A_379 : vector<16xf32>
        %parallel_loop3A_381 = arith.addf %parallel_loop3A_347, %parallel_loop3A_358 : vector<16xf32>
        %parallel_loop3A_382 = arith.addf %parallel_loop3A_369, %parallel_loop3A_380 : vector<16xf32>
        %parallel_loop3A_383 = arith.addf %parallel_loop3A_381, %parallel_loop3A_382 : vector<16xf32>
        %parallel_loop3A_384 = arith.constant true
        %parallel_loop3A_385 = vector.broadcast %parallel_loop3A_384 : i1 to vector<16xi1>
        %parallel_loop3A_386 = tpu.scan <sum>, %parallel_loop3A_383 masked %parallel_loop3A_385 : vector<16xf32>, vector<16xi1> -> vector<16xf32>
        %parallel_loop3A_387 = vector.extract %parallel_loop3A_386[15] : f32 from vector<16xf32>
        %parallel_loop3A_388 = arith.constant 1.562500e-02 : f32
        %parallel_loop3A_389 = arith.mulf %parallel_loop3A_387, %parallel_loop3A_388 : f32
        %parallel_loop3A_390 = vector.broadcast %parallel_loop3A_389 : f32 to vector<16xf32>
        %parallel_loop3A_391 = arith.subf %parallel_loop3A_347, %parallel_loop3A_390 : vector<16xf32>
        %parallel_loop3A_392 = vector.broadcast %parallel_loop3A_389 : f32 to vector<16xf32>
        %parallel_loop3A_393 = arith.subf %parallel_loop3A_358, %parallel_loop3A_392 : vector<16xf32>
        %parallel_loop3A_394 = vector.broadcast %parallel_loop3A_389 : f32 to vector<16xf32>
        %parallel_loop3A_395 = arith.subf %parallel_loop3A_369, %parallel_loop3A_394 : vector<16xf32>
        %parallel_loop3A_396 = vector.broadcast %parallel_loop3A_389 : f32 to vector<16xf32>
        %parallel_loop3A_397 = arith.subf %parallel_loop3A_380, %parallel_loop3A_396 : vector<16xf32>
        %parallel_loop3A_398 = arith.mulf %parallel_loop3A_391, %parallel_loop3A_391 : vector<16xf32>
        %parallel_loop3A_399 = arith.mulf %parallel_loop3A_393, %parallel_loop3A_393 : vector<16xf32>
        %parallel_loop3A_400 = arith.addf %parallel_loop3A_398, %parallel_loop3A_399 : vector<16xf32>
        %parallel_loop3A_401 = arith.mulf %parallel_loop3A_395, %parallel_loop3A_395 : vector<16xf32>
        %parallel_loop3A_402 = arith.mulf %parallel_loop3A_397, %parallel_loop3A_397 : vector<16xf32>
        %parallel_loop3A_403 = arith.addf %parallel_loop3A_401, %parallel_loop3A_402 : vector<16xf32>
        %parallel_loop3A_404 = arith.addf %parallel_loop3A_400, %parallel_loop3A_403 : vector<16xf32>
        %parallel_loop3A_405 = arith.constant true
        %parallel_loop3A_406 = vector.broadcast %parallel_loop3A_405 : i1 to vector<16xi1>
        %parallel_loop3A_407 = tpu.scan <sum>, %parallel_loop3A_404 masked %parallel_loop3A_406 : vector<16xf32>, vector<16xi1> -> vector<16xf32>
        %parallel_loop3A_408 = vector.extract %parallel_loop3A_407[15] : f32 from vector<16xf32>
        %parallel_loop3A_409 = arith.constant 1.562500e-02 : f32
        %parallel_loop3A_410 = arith.mulf %parallel_loop3A_408, %parallel_loop3A_409 : f32
        %parallel_loop3A_411 = arith.constant 9.99999996E-13 : f32
        %parallel_loop3A_412 = arith.addf %parallel_loop3A_410, %parallel_loop3A_411 : f32
        %parallel_loop3A_413 = arith.bitcast %parallel_loop3A_412 : f32 to i32
        %parallel_loop3A_414 = arith.constant 1 : i32
        %parallel_loop3A_415 = arith.shrsi %parallel_loop3A_413, %parallel_loop3A_414 : i32
        %parallel_loop3A_416 = arith.constant 1597463007 : i32
        %parallel_loop3A_417 = arith.subi %parallel_loop3A_416, %parallel_loop3A_415 : i32
        %parallel_loop3A_418 = arith.bitcast %parallel_loop3A_417 : i32 to f32
        %parallel_loop3A_419 = arith.constant 5.000000e-01 : f32
        %parallel_loop3A_420 = arith.mulf %parallel_loop3A_419, %parallel_loop3A_412 : f32
        %parallel_loop3A_421 = arith.mulf %parallel_loop3A_420, %parallel_loop3A_418 : f32
        %parallel_loop3A_422 = arith.mulf %parallel_loop3A_421, %parallel_loop3A_418 : f32
        %parallel_loop3A_423 = arith.constant 1.500000e+00 : f32
        %parallel_loop3A_424 = arith.subf %parallel_loop3A_423, %parallel_loop3A_422 : f32
        %parallel_loop3A_425 = arith.mulf %parallel_loop3A_418, %parallel_loop3A_424 : f32
        %parallel_loop3A_426 = arith.constant 5.000000e-01 : f32
        %parallel_loop3A_427 = arith.mulf %parallel_loop3A_426, %parallel_loop3A_412 : f32
        %parallel_loop3A_428 = arith.mulf %parallel_loop3A_427, %parallel_loop3A_425 : f32
        %parallel_loop3A_429 = arith.mulf %parallel_loop3A_428, %parallel_loop3A_425 : f32
        %parallel_loop3A_430 = arith.constant 1.500000e+00 : f32
        %parallel_loop3A_431 = arith.subf %parallel_loop3A_430, %parallel_loop3A_429 : f32
        %parallel_loop3A_432 = arith.mulf %parallel_loop3A_425, %parallel_loop3A_431 : f32
        %parallel_loop3A_433 = arith.constant 5.000000e-01 : f32
        %parallel_loop3A_434 = arith.mulf %parallel_loop3A_433, %parallel_loop3A_412 : f32
        %parallel_loop3A_435 = arith.mulf %parallel_loop3A_434, %parallel_loop3A_432 : f32
        %parallel_loop3A_436 = arith.mulf %parallel_loop3A_435, %parallel_loop3A_432 : f32
        %parallel_loop3A_437 = arith.constant 1.500000e+00 : f32
        %parallel_loop3A_438 = arith.subf %parallel_loop3A_437, %parallel_loop3A_436 : f32
        %parallel_loop3A_439 = arith.mulf %parallel_loop3A_432, %parallel_loop3A_438 : f32
        %parallel_loop3A_440 = vector.broadcast %parallel_loop3A_439 : f32 to vector<16xf32>
        %parallel_loop3A_441 = arith.mulf %parallel_loop3A_391, %parallel_loop3A_440 : vector<16xf32>
        %parallel_loop3A_442 = arith.mulf %parallel_loop3A_441, %get3A_3 : vector<16xf32>
        %parallel_loop3A_443 = arith.addf %parallel_loop3A_442, %get3A_11 : vector<16xf32>
        %parallel_loop3A_444 = arith.constant 0 : i32
        %parallel_loop3A_445 = arith.constant 0 : i32
        %parallel_loop3A_446 = tpu.memref_slice %arg10[%parallel_loop3A_207, %parallel_loop3A_444, %parallel_loop3A_445] : memref<2x200x64xf32, #tpu.memory_space<vmem>> -> memref<1x200x64xf32, #tpu.memory_space<vmem>>
        %parallel_loop3A_447 = tpu.memref_squeeze %parallel_loop3A_446 : memref<1x200x64xf32, #tpu.memory_space<vmem>> -> memref<200x64xf32, #tpu.memory_space<vmem>>
        %parallel_loop3A_448 = arith.index_cast %parallel_loop3A_336 : i32 to index
        %parallel_loop3A_449 = arith.constant 0 : index
        %parallel_loop3A_450 = tpu.vector_load %parallel_loop3A_447[%parallel_loop3A_448, %parallel_loop3A_449] {strides = array<i32>} : memref<200x64xf32, #tpu.memory_space<vmem>>, vector<16xf32>,
        tpu.vector_store %parallel_loop3A_447[%parallel_loop3A_448, %parallel_loop3A_449], %parallel_loop3A_443 {strides = array<i32>} : memref<200x64xf32, #tpu.memory_space<vmem>>, vector<16xf32>,
        %parallel_loop3A_451 = vector.broadcast %parallel_loop3A_439 : f32 to vector<16xf32>
        %parallel_loop3A_452 = arith.mulf %parallel_loop3A_393, %parallel_loop3A_451 : vector<16xf32>
        %parallel_loop3A_453 = arith.mulf %parallel_loop3A_452, %get3A_5 : vector<16xf32>
        %parallel_loop3A_454 = arith.addf %parallel_loop3A_453, %get3A_13 : vector<16xf32>
        %parallel_loop3A_455 = arith.constant 0 : i32
        %parallel_loop3A_456 = arith.constant 0 : i32
        %parallel_loop3A_457 = tpu.memref_slice %arg10[%parallel_loop3A_207, %parallel_loop3A_455, %parallel_loop3A_456] : memref<2x200x64xf32, #tpu.memory_space<vmem>> -> memref<1x200x64xf32, #tpu.memory_space<vmem>>
        %parallel_loop3A_458 = tpu.memref_squeeze %parallel_loop3A_457 : memref<1x200x64xf32, #tpu.memory_space<vmem>> -> memref<200x64xf32, #tpu.memory_space<vmem>>
        %parallel_loop3A_459 = arith.index_cast %parallel_loop3A_336 : i32 to index
        %parallel_loop3A_460 = arith.constant 16 : index
        %parallel_loop3A_461 = tpu.vector_load %parallel_loop3A_458[%parallel_loop3A_459, %parallel_loop3A_460] {strides = array<i32>} : memref<200x64xf32, #tpu.memory_space<vmem>>, vector<16xf32>,
        tpu.vector_store %parallel_loop3A_458[%parallel_loop3A_459, %parallel_loop3A_460], %parallel_loop3A_454 {strides = array<i32>} : memref<200x64xf32, #tpu.memory_space<vmem>>, vector<16xf32>,
        %parallel_loop3A_462 = vector.broadcast %parallel_loop3A_439 : f32 to vector<16xf32>
        %parallel_loop3A_463 = arith.mulf %parallel_loop3A_395, %parallel_loop3A_462 : vector<16xf32>
        %parallel_loop3A_464 = arith.mulf %parallel_loop3A_463, %get3A_7 : vector<16xf32>
        %parallel_loop3A_465 = arith.addf %parallel_loop3A_464, %get3A_15 : vector<16xf32>
        %parallel_loop3A_466 = arith.constant 0 : i32
        %parallel_loop3A_467 = arith.constant 0 : i32
        %parallel_loop3A_468 = tpu.memref_slice %arg10[%parallel_loop3A_207, %parallel_loop3A_466, %parallel_loop3A_467] : memref<2x200x64xf32, #tpu.memory_space<vmem>> -> memref<1x200x64xf32, #tpu.memory_space<vmem>>
        %parallel_loop3A_469 = tpu.memref_squeeze %parallel_loop3A_468 : memref<1x200x64xf32, #tpu.memory_space<vmem>> -> memref<200x64xf32, #tpu.memory_space<vmem>>
        %parallel_loop3A_470 = arith.index_cast %parallel_loop3A_336 : i32 to index
        %parallel_loop3A_471 = arith.constant 32 : index
        %parallel_loop3A_472 = tpu.vector_load %parallel_loop3A_469[%parallel_loop3A_470, %parallel_loop3A_471] {strides = array<i32>} : memref<200x64xf32, #tpu.memory_space<vmem>>, vector<16xf32>,
        tpu.vector_store %parallel_loop3A_469[%parallel_loop3A_470, %parallel_loop3A_471], %parallel_loop3A_465 {strides = array<i32>} : memref<200x64xf32, #tpu.memory_space<vmem>>, vector<16xf32>,
        %parallel_loop3A_473 = vector.broadcast %parallel_loop3A_439 : f32 to vector<16xf32>
        %parallel_loop3A_474 = arith.mulf %parallel_loop3A_397, %parallel_loop3A_473 : vector<16xf32>
        %parallel_loop3A_475 = arith.mulf %parallel_loop3A_474, %get3A_9 : vector<16xf32>
        %parallel_loop3A_476 = arith.addf %parallel_loop3A_475, %get3A_17 : vector<16xf32>
        %parallel_loop3A_477 = arith.constant 0 : i32
        %parallel_loop3A_478 = arith.constant 0 : i32
        %parallel_loop3A_479 = tpu.memref_slice %arg10[%parallel_loop3A_207, %parallel_loop3A_477, %parallel_loop3A_478] : memref<2x200x64xf32, #tpu.memory_space<vmem>> -> memref<1x200x64xf32, #tpu.memory_space<vmem>>
        %parallel_loop3A_480 = tpu.memref_squeeze %parallel_loop3A_479 : memref<1x200x64xf32, #tpu.memory_space<vmem>> -> memref<200x64xf32, #tpu.memory_space<vmem>>
        %parallel_loop3A_481 = arith.index_cast %parallel_loop3A_336 : i32 to index
        %parallel_loop3A_482 = arith.constant 48 : index
        %parallel_loop3A_483 = tpu.vector_load %parallel_loop3A_480[%parallel_loop3A_481, %parallel_loop3A_482] {strides = array<i32>} : memref<200x64xf32, #tpu.memory_space<vmem>>, vector<16xf32>,
        tpu.vector_store %parallel_loop3A_480[%parallel_loop3A_481, %parallel_loop3A_482], %parallel_loop3A_476 {strides = array<i32>} : memref<200x64xf32, #tpu.memory_space<vmem>>, vector<16xf32>,
      } {sc.loop_unroll_factor = 4 : i64, sc.parallel_access}
      %add3A_208 = arith.addi %mul3A_2, %add3A_172 : i32
      %dma_start3A_209 = arith.constant 1 : i32
      %dma_start3A_210 = arith.constant 0 : i32
      %dma_start3A_211 = arith.constant 0 : i32
      %dma_start3A_212 = tpu.memref_slice %arg10[%dma_start3A_209, %dma_start3A_210, %dma_start3A_211] : memref<2x200x64xf32, #tpu.memory_space<vmem>> -> memref<1x200x64xf32, #tpu.memory_space<vmem>>
      %dma_start3A_213 = tpu.memref_squeeze %dma_start3A_212 : memref<1x200x64xf32, #tpu.memory_space<vmem>> -> memref<200x64xf32, #tpu.memory_space<vmem>>
      %dma_start3A_214 = arith.constant 0 : i32
      %dma_start3A_215 = arith.constant 0 : i32
      %dma_start3A_216 = tpu.memref_slice %arg7[%add3A_208, %dma_start3A_214, %dma_start3A_215] : memref<4096x200x64xf32, #tpu.memory_space<hbm>> -> memref<1x200x64xf32, #tpu.memory_space<hbm>>
      %dma_start3A_217 = tpu.memref_squeeze %dma_start3A_216 : memref<1x200x64xf32, #tpu.memory_space<hbm>> -> memref<200x64xf32, #tpu.memory_space<hbm>>
      %dma_start3A_218 = arith.constant 0 : i32
      %dma_start3A_219 = arith.constant 0 : i32
      %dma_start3A_220 = tpu.memref_slice %arg7[%add3A_208, %dma_start3A_218, %dma_start3A_219] : memref<4096x200x64xf32, #tpu.memory_space<hbm>> -> memref<1x200x64xf32, #tpu.memory_space<hbm>>
      %dma_start3A_221 = tpu.memref_squeeze %dma_start3A_220 : memref<1x200x64xf32, #tpu.memory_space<hbm>> -> memref<200x64xf32, #tpu.memory_space<hbm>>
      %dma_start3A_222 = arith.constant 0 : i32
      %dma_start3A_223 = arith.constant 0 : i32
      %dma_start3A_224 = tpu.memref_slice %arg10[%dma_start3A_209, %dma_start3A_222, %dma_start3A_223] : memref<2x200x64xf32, #tpu.memory_space<vmem>> -> memref<1x200x64xf32, #tpu.memory_space<vmem>>
      %dma_start3A_225 = tpu.memref_squeeze %dma_start3A_224 : memref<1x200x64xf32, #tpu.memory_space<vmem>> -> memref<200x64xf32, #tpu.memory_space<vmem>>
      tpu.enqueue_dma source(%dma_start3A_225 : memref<200x64xf32, #tpu.memory_space<vmem>>) target(%dma_start3A_221 : memref<200x64xf32, #tpu.memory_space<hbm>>) target_semaphore(%arg19 : memref<!tpu.dma_semaphore, #tpu.memory_space<semaphore_mem>>)
      %add3A_226 = arith.constant 2 : i32
      %add3A_227 = arith.addi %mul3A_120, %add3A_226 : i32
      %add3A_228 = arith.constant 2 : i32
      %add3A_229 = arith.addi %add3A_227, %add3A_228 : i32
      %lt3A_230 = arith.constant 128 : i32
      %lt3A_231 = arith.cmpi slt, %add3A_229, %lt3A_230 : i32
      %convert_element_type3A_232 = arith.extui %lt3A_231 : i1 to i32
      %cond3A_233 = arith.constant 0 : i32
      %cond3A_234 = arith.cmpi ne, %convert_element_type3A_232, %cond3A_233 : i32
      scf.if %cond3A_234 {
        %add3A_336 = arith.constant 2 : i32
        %add3A_337 = arith.addi %add3A_227, %add3A_336 : i32
        %dma_start3A_338 = arith.constant 0 : i32
        %dma_start3A_339 = arith.constant 0 : i32
        %dma_start3A_340 = arith.constant 0 : i32
        %dma_start3A_341 = arith.constant 0 : i32
        %dma_start3A_342 = tpu.memref_slice %arg9[%dma_start3A_339, %dma_start3A_340, %dma_start3A_341] : memref<4x200x64xf32, #tpu.memory_space<vmem>> -> memref<1x200x64xf32, #tpu.memory_space<vmem>>
        %dma_start3A_343 = tpu.memref_squeeze %dma_start3A_342 : memref<1x200x64xf32, #tpu.memory_space<vmem>> -> memref<200x64xf32, #tpu.memory_space<vmem>>
        %dma_start3A_344 = arith.constant 0 : i32
        %dma_start3A_345 = arith.constant 0 : i32
        %dma_start3A_346 = tpu.memref_slice %dma_start3A_343[%dma_start3A_344, %dma_start3A_345] : memref<200x64xf32, #tpu.memory_space<vmem>> -> memref<100x64xf32, #tpu.memory_space<vmem>>
        %dma_start3A_347 = arith.constant 0 : i32
        %dma_start3A_348 = tpu.memref_slice %arg8[%add3A_337, %dma_start3A_338, %dma_start3A_347] : memref<128x2x100xi32, #tpu.memory_space<vmem>> -> memref<1x1x100xi32, #tpu.memory_space<vmem>>
        %dma_start3A_349 = tpu.memref_squeeze %dma_start3A_348 : memref<1x1x100xi32, #tpu.memory_space<vmem>> -> memref<100xi32, #tpu.memory_space<vmem>>
        %dma_start3A_350 = arith.constant 0 : i32
        %dma_start3A_351 = arith.constant 0 : i32
        %dma_start3A_352 = tpu.memref_slice %arg3[%dma_start3A_350, %dma_start3A_351] : memref<100000x64xf32, #tpu.memory_space<hbm>> -> memref<100000x64xf32, #tpu.memory_space<hbm>>
        tpu.enqueue_indirect_dma source(%dma_start3A_352 : memref<100000x64xf32, #tpu.memory_space<hbm>>) target(%dma_start3A_346 : memref<100x64xf32, #tpu.memory_space<vmem>>) offsets(%dma_start3A_349 : memref<100xi32, #tpu.memory_space<vmem>>) semaphore(%arg14 : memref<!tpu.dma_semaphore, #tpu.memory_space<semaphore_mem>>)
        %dma_start3A_353 = arith.constant 1 : i32
        %dma_start3A_354 = arith.constant 0 : i32
        %dma_start3A_355 = arith.constant 0 : i32
        %dma_start3A_356 = arith.constant 0 : i32
        %dma_start3A_357 = tpu.memref_slice %arg9[%dma_start3A_354, %dma_start3A_355, %dma_start3A_356] : memref<4x200x64xf32, #tpu.memory_space<vmem>> -> memref<1x200x64xf32, #tpu.memory_space<vmem>>
        %dma_start3A_358 = tpu.memref_squeeze %dma_start3A_357 : memref<1x200x64xf32, #tpu.memory_space<vmem>> -> memref<200x64xf32, #tpu.memory_space<vmem>>
        %dma_start3A_359 = arith.constant 100 : i32
        %dma_start3A_360 = arith.constant 0 : i32
        %dma_start3A_361 = tpu.memref_slice %dma_start3A_358[%dma_start3A_359, %dma_start3A_360] : memref<200x64xf32, #tpu.memory_space<vmem>> -> memref<100x64xf32, #tpu.memory_space<vmem>>
        %dma_start3A_362 = arith.constant 0 : i32
        %dma_start3A_363 = tpu.memref_slice %arg8[%add3A_337, %dma_start3A_353, %dma_start3A_362] : memref<128x2x100xi32, #tpu.memory_space<vmem>> -> memref<1x1x100xi32, #tpu.memory_space<vmem>>
        %dma_start3A_364 = tpu.memref_squeeze %dma_start3A_363 : memref<1x1x100xi32, #tpu.memory_space<vmem>> -> memref<100xi32, #tpu.memory_space<vmem>>
        %dma_start3A_365 = arith.constant 0 : i32
        %dma_start3A_366 = arith.constant 0 : i32
        %dma_start3A_367 = tpu.memref_slice %arg3[%dma_start3A_365, %dma_start3A_366] : memref<100000x64xf32, #tpu.memory_space<hbm>> -> memref<100000x64xf32, #tpu.memory_space<hbm>>
        tpu.enqueue_indirect_dma source(%dma_start3A_367 : memref<100000x64xf32, #tpu.memory_space<hbm>>) target(%dma_start3A_361 : memref<100x64xf32, #tpu.memory_space<vmem>>) offsets(%dma_start3A_364 : memref<100xi32, #tpu.memory_space<vmem>>) semaphore(%arg14 : memref<!tpu.dma_semaphore, #tpu.memory_space<semaphore_mem>>)
      } else {
      }
      %dma_wait3A_235 = arith.constant 2 : i32
      %dma_wait3A_236 = arith.constant 0 : i32
      %dma_wait3A_237 = arith.constant 0 : i32
      %dma_wait3A_238 = tpu.memref_slice %arg9[%dma_wait3A_235, %dma_wait3A_236, %dma_wait3A_237] : memref<4x200x64xf32, #tpu.memory_space<vmem>> -> memref<1x200x64xf32, #tpu.memory_space<vmem>>
      %dma_wait3A_239 = tpu.memref_squeeze %dma_wait3A_238 : memref<1x200x64xf32, #tpu.memory_space<vmem>> -> memref<200x64xf32, #tpu.memory_space<vmem>>
      %dma_wait3A_240 = arith.constant 0 : i32
      %dma_wait3A_241 = arith.constant 0 : i32
      %dma_wait3A_242 = tpu.memref_slice %arg7[%mul3A_2, %dma_wait3A_240, %dma_wait3A_241] : memref<4096x200x64xf32, #tpu.memory_space<hbm>> -> memref<1x200x64xf32, #tpu.memory_space<hbm>>
      %dma_wait3A_243 = tpu.memref_squeeze %dma_wait3A_242 : memref<1x200x64xf32, #tpu.memory_space<hbm>> -> memref<200x64xf32, #tpu.memory_space<hbm>>
      %dma_wait3A_244 = arith.constant 0 : i32
      %dma_wait3A_245 = arith.constant 0 : i32
      %dma_wait3A_246 = tpu.memref_slice %arg9[%dma_wait3A_235, %dma_wait3A_244, %dma_wait3A_245] : memref<4x200x64xf32, #tpu.memory_space<vmem>> -> memref<1x200x64xf32, #tpu.memory_space<vmem>>
      %dma_wait3A_247 = tpu.memref_squeeze %dma_wait3A_246 : memref<1x200x64xf32, #tpu.memory_space<vmem>> -> memref<200x64xf32, #tpu.memory_space<vmem>>
      %dma_wait3A_248 = arith.constant 0 : i32
      %dma_wait3A_249 = arith.constant 0 : i32
      %dma_wait3A_250 = tpu.memref_slice %arg7[%mul3A_2, %dma_wait3A_248, %dma_wait3A_249] : memref<4096x200x64xf32, #tpu.memory_space<hbm>> -> memref<1x200x64xf32, #tpu.memory_space<hbm>>
      %dma_wait3A_251 = tpu.memref_squeeze %dma_wait3A_250 : memref<1x200x64xf32, #tpu.memory_space<hbm>> -> memref<200x64xf32, #tpu.memory_space<hbm>>
      tpu.wait_dma2 semaphore(%arg16 : memref<!tpu.dma_semaphore, #tpu.memory_space<semaphore_mem>>) src(%dma_wait3A_251 : memref<200x64xf32, #tpu.memory_space<hbm>>) dst(%dma_wait3A_247 : memref<200x64xf32, #tpu.memory_space<vmem>>)
      %ge3A_252 = arith.constant 2 : i32
      %ge3A_253 = arith.cmpi sge, %add3A_227, %ge3A_252 : i32
      %convert_element_type3A_254 = arith.extui %ge3A_253 : i1 to i32
      %cond3A_255 = arith.constant 0 : i32
      %cond3A_256 = arith.constant 0 : i32
      %cond3A_257 = arith.cmpi ne, %convert_element_type3A_254, %cond3A_256 : i32
      scf.if %cond3A_257 {
        %dma_wait3A_336 = arith.constant 0 : i32
        %dma_wait3A_337 = arith.constant 0 : i32
        %dma_wait3A_338 = tpu.memref_slice %arg10[%cond3A_255, %dma_wait3A_336, %dma_wait3A_337] : memref<2x200x64xf32, #tpu.memory_space<vmem>> -> memref<1x200x64xf32, #tpu.memory_space<vmem>>
        %dma_wait3A_339 = tpu.memref_squeeze %dma_wait3A_338 : memref<1x200x64xf32, #tpu.memory_space<vmem>> -> memref<200x64xf32, #tpu.memory_space<vmem>>
        %dma_wait3A_340 = arith.constant 0 : i32
        %dma_wait3A_341 = arith.constant 0 : i32
        %dma_wait3A_342 = tpu.memref_slice %arg7[%mul3A_2, %dma_wait3A_340, %dma_wait3A_341] : memref<4096x200x64xf32, #tpu.memory_space<hbm>> -> memref<1x200x64xf32, #tpu.memory_space<hbm>>
        %dma_wait3A_343 = tpu.memref_squeeze %dma_wait3A_342 : memref<1x200x64xf32, #tpu.memory_space<hbm>> -> memref<200x64xf32, #tpu.memory_space<hbm>>
        %dma_wait3A_344 = arith.constant 0 : i32
        %dma_wait3A_345 = arith.constant 0 : i32
        %dma_wait3A_346 = tpu.memref_slice %arg7[%mul3A_2, %dma_wait3A_344, %dma_wait3A_345] : memref<4096x200x64xf32, #tpu.memory_space<hbm>> -> memref<1x200x64xf32, #tpu.memory_space<hbm>>
        %dma_wait3A_347 = tpu.memref_squeeze %dma_wait3A_346 : memref<1x200x64xf32, #tpu.memory_space<hbm>> -> memref<200x64xf32, #tpu.memory_space<hbm>>
        %dma_wait3A_348 = arith.constant 0 : i32
        %dma_wait3A_349 = arith.constant 0 : i32
        %dma_wait3A_350 = tpu.memref_slice %arg10[%cond3A_255, %dma_wait3A_348, %dma_wait3A_349] : memref<2x200x64xf32, #tpu.memory_space<vmem>> -> memref<1x200x64xf32, #tpu.memory_space<vmem>>
        %dma_wait3A_351 = tpu.memref_squeeze %dma_wait3A_350 : memref<1x200x64xf32, #tpu.memory_space<vmem>> -> memref<200x64xf32, #tpu.memory_space<vmem>>
        tpu.wait_dma2 semaphore(%arg18 : memref<!tpu.dma_semaphore, #tpu.memory_space<semaphore_mem>>) src(%dma_wait3A_351 : memref<200x64xf32, #tpu.memory_space<vmem>>) dst(%dma_wait3A_347 : memref<200x64xf32, #tpu.memory_space<hbm>>)
      } else {
      }
      %parallel_loop3A_258 = arith.constant 0 : i32
      %parallel_loop3A_259 = arith.constant 200 : i32
      %parallel_loop3A_260 = arith.constant 1 : i32
      %parallel_loop3A_261 = arith.constant 2 : i32
      %parallel_loop3A_262 = arith.constant 0 : i32
      scf.for %parallel_loop3A_336 = %parallel_loop3A_258 to %parallel_loop3A_259 step %parallel_loop3A_260  : i32 {
        %parallel_loop3A_337 = arith.constant 0 : i32
        %parallel_loop3A_338 = arith.constant 0 : i32
        %parallel_loop3A_339 = tpu.memref_slice %arg9[%parallel_loop3A_261, %parallel_loop3A_337, %parallel_loop3A_338] : memref<4x200x64xf32, #tpu.memory_space<vmem>> -> memref<1x200x64xf32, #tpu.memory_space<vmem>>
        %parallel_loop3A_340 = tpu.memref_squeeze %parallel_loop3A_339 : memref<1x200x64xf32, #tpu.memory_space<vmem>> -> memref<200x64xf32, #tpu.memory_space<vmem>>
        %parallel_loop3A_341 = arith.index_cast %parallel_loop3A_336 : i32 to index
        %parallel_loop3A_342 = arith.constant 0 : index
        %parallel_loop3A_343 = tpu.vector_load %parallel_loop3A_340[%parallel_loop3A_341, %parallel_loop3A_342] {strides = array<i32>} : memref<200x64xf32, #tpu.memory_space<vmem>>, vector<16xf32>,
        %parallel_loop3A_344 = arith.index_cast %parallel_loop3A_336 : i32 to index
        %parallel_loop3A_345 = arith.constant 0 : index
        %parallel_loop3A_346 = tpu.vector_load %arg11[%parallel_loop3A_344, %parallel_loop3A_345] {strides = array<i32>} : memref<200x64xf32, #tpu.memory_space<vmem>>, vector<16xf32>,
        %parallel_loop3A_347 = arith.addf %parallel_loop3A_343, %parallel_loop3A_346 : vector<16xf32>
        %parallel_loop3A_348 = arith.constant 0 : i32
        %parallel_loop3A_349 = arith.constant 0 : i32
        %parallel_loop3A_350 = tpu.memref_slice %arg9[%parallel_loop3A_261, %parallel_loop3A_348, %parallel_loop3A_349] : memref<4x200x64xf32, #tpu.memory_space<vmem>> -> memref<1x200x64xf32, #tpu.memory_space<vmem>>
        %parallel_loop3A_351 = tpu.memref_squeeze %parallel_loop3A_350 : memref<1x200x64xf32, #tpu.memory_space<vmem>> -> memref<200x64xf32, #tpu.memory_space<vmem>>
        %parallel_loop3A_352 = arith.index_cast %parallel_loop3A_336 : i32 to index
        %parallel_loop3A_353 = arith.constant 16 : index
        %parallel_loop3A_354 = tpu.vector_load %parallel_loop3A_351[%parallel_loop3A_352, %parallel_loop3A_353] {strides = array<i32>} : memref<200x64xf32, #tpu.memory_space<vmem>>, vector<16xf32>,
        %parallel_loop3A_355 = arith.index_cast %parallel_loop3A_336 : i32 to index
        %parallel_loop3A_356 = arith.constant 16 : index
        %parallel_loop3A_357 = tpu.vector_load %arg11[%parallel_loop3A_355, %parallel_loop3A_356] {strides = array<i32>} : memref<200x64xf32, #tpu.memory_space<vmem>>, vector<16xf32>,
        %parallel_loop3A_358 = arith.addf %parallel_loop3A_354, %parallel_loop3A_357 : vector<16xf32>
        %parallel_loop3A_359 = arith.constant 0 : i32
        %parallel_loop3A_360 = arith.constant 0 : i32
        %parallel_loop3A_361 = tpu.memref_slice %arg9[%parallel_loop3A_261, %parallel_loop3A_359, %parallel_loop3A_360] : memref<4x200x64xf32, #tpu.memory_space<vmem>> -> memref<1x200x64xf32, #tpu.memory_space<vmem>>
        %parallel_loop3A_362 = tpu.memref_squeeze %parallel_loop3A_361 : memref<1x200x64xf32, #tpu.memory_space<vmem>> -> memref<200x64xf32, #tpu.memory_space<vmem>>
        %parallel_loop3A_363 = arith.index_cast %parallel_loop3A_336 : i32 to index
        %parallel_loop3A_364 = arith.constant 32 : index
        %parallel_loop3A_365 = tpu.vector_load %parallel_loop3A_362[%parallel_loop3A_363, %parallel_loop3A_364] {strides = array<i32>} : memref<200x64xf32, #tpu.memory_space<vmem>>, vector<16xf32>,
        %parallel_loop3A_366 = arith.index_cast %parallel_loop3A_336 : i32 to index
        %parallel_loop3A_367 = arith.constant 32 : index
        %parallel_loop3A_368 = tpu.vector_load %arg11[%parallel_loop3A_366, %parallel_loop3A_367] {strides = array<i32>} : memref<200x64xf32, #tpu.memory_space<vmem>>, vector<16xf32>,
        %parallel_loop3A_369 = arith.addf %parallel_loop3A_365, %parallel_loop3A_368 : vector<16xf32>
        %parallel_loop3A_370 = arith.constant 0 : i32
        %parallel_loop3A_371 = arith.constant 0 : i32
        %parallel_loop3A_372 = tpu.memref_slice %arg9[%parallel_loop3A_261, %parallel_loop3A_370, %parallel_loop3A_371] : memref<4x200x64xf32, #tpu.memory_space<vmem>> -> memref<1x200x64xf32, #tpu.memory_space<vmem>>
        %parallel_loop3A_373 = tpu.memref_squeeze %parallel_loop3A_372 : memref<1x200x64xf32, #tpu.memory_space<vmem>> -> memref<200x64xf32, #tpu.memory_space<vmem>>
        %parallel_loop3A_374 = arith.index_cast %parallel_loop3A_336 : i32 to index
        %parallel_loop3A_375 = arith.constant 48 : index
        %parallel_loop3A_376 = tpu.vector_load %parallel_loop3A_373[%parallel_loop3A_374, %parallel_loop3A_375] {strides = array<i32>} : memref<200x64xf32, #tpu.memory_space<vmem>>, vector<16xf32>,
        %parallel_loop3A_377 = arith.index_cast %parallel_loop3A_336 : i32 to index
        %parallel_loop3A_378 = arith.constant 48 : index
        %parallel_loop3A_379 = tpu.vector_load %arg11[%parallel_loop3A_377, %parallel_loop3A_378] {strides = array<i32>} : memref<200x64xf32, #tpu.memory_space<vmem>>, vector<16xf32>,
        %parallel_loop3A_380 = arith.addf %parallel_loop3A_376, %parallel_loop3A_379 : vector<16xf32>
        %parallel_loop3A_381 = arith.addf %parallel_loop3A_347, %parallel_loop3A_358 : vector<16xf32>
        %parallel_loop3A_382 = arith.addf %parallel_loop3A_369, %parallel_loop3A_380 : vector<16xf32>
        %parallel_loop3A_383 = arith.addf %parallel_loop3A_381, %parallel_loop3A_382 : vector<16xf32>
        %parallel_loop3A_384 = arith.constant true
        %parallel_loop3A_385 = vector.broadcast %parallel_loop3A_384 : i1 to vector<16xi1>
        %parallel_loop3A_386 = tpu.scan <sum>, %parallel_loop3A_383 masked %parallel_loop3A_385 : vector<16xf32>, vector<16xi1> -> vector<16xf32>
        %parallel_loop3A_387 = vector.extract %parallel_loop3A_386[15] : f32 from vector<16xf32>
        %parallel_loop3A_388 = arith.constant 1.562500e-02 : f32
        %parallel_loop3A_389 = arith.mulf %parallel_loop3A_387, %parallel_loop3A_388 : f32
        %parallel_loop3A_390 = vector.broadcast %parallel_loop3A_389 : f32 to vector<16xf32>
        %parallel_loop3A_391 = arith.subf %parallel_loop3A_347, %parallel_loop3A_390 : vector<16xf32>
        %parallel_loop3A_392 = vector.broadcast %parallel_loop3A_389 : f32 to vector<16xf32>
        %parallel_loop3A_393 = arith.subf %parallel_loop3A_358, %parallel_loop3A_392 : vector<16xf32>
        %parallel_loop3A_394 = vector.broadcast %parallel_loop3A_389 : f32 to vector<16xf32>
        %parallel_loop3A_395 = arith.subf %parallel_loop3A_369, %parallel_loop3A_394 : vector<16xf32>
        %parallel_loop3A_396 = vector.broadcast %parallel_loop3A_389 : f32 to vector<16xf32>
        %parallel_loop3A_397 = arith.subf %parallel_loop3A_380, %parallel_loop3A_396 : vector<16xf32>
        %parallel_loop3A_398 = arith.mulf %parallel_loop3A_391, %parallel_loop3A_391 : vector<16xf32>
        %parallel_loop3A_399 = arith.mulf %parallel_loop3A_393, %parallel_loop3A_393 : vector<16xf32>
        %parallel_loop3A_400 = arith.addf %parallel_loop3A_398, %parallel_loop3A_399 : vector<16xf32>
        %parallel_loop3A_401 = arith.mulf %parallel_loop3A_395, %parallel_loop3A_395 : vector<16xf32>
        %parallel_loop3A_402 = arith.mulf %parallel_loop3A_397, %parallel_loop3A_397 : vector<16xf32>
        %parallel_loop3A_403 = arith.addf %parallel_loop3A_401, %parallel_loop3A_402 : vector<16xf32>
        %parallel_loop3A_404 = arith.addf %parallel_loop3A_400, %parallel_loop3A_403 : vector<16xf32>
        %parallel_loop3A_405 = arith.constant true
        %parallel_loop3A_406 = vector.broadcast %parallel_loop3A_405 : i1 to vector<16xi1>
        %parallel_loop3A_407 = tpu.scan <sum>, %parallel_loop3A_404 masked %parallel_loop3A_406 : vector<16xf32>, vector<16xi1> -> vector<16xf32>
        %parallel_loop3A_408 = vector.extract %parallel_loop3A_407[15] : f32 from vector<16xf32>
        %parallel_loop3A_409 = arith.constant 1.562500e-02 : f32
        %parallel_loop3A_410 = arith.mulf %parallel_loop3A_408, %parallel_loop3A_409 : f32
        %parallel_loop3A_411 = arith.constant 9.99999996E-13 : f32
        %parallel_loop3A_412 = arith.addf %parallel_loop3A_410, %parallel_loop3A_411 : f32
        %parallel_loop3A_413 = arith.bitcast %parallel_loop3A_412 : f32 to i32
        %parallel_loop3A_414 = arith.constant 1 : i32
        %parallel_loop3A_415 = arith.shrsi %parallel_loop3A_413, %parallel_loop3A_414 : i32
        %parallel_loop3A_416 = arith.constant 1597463007 : i32
        %parallel_loop3A_417 = arith.subi %parallel_loop3A_416, %parallel_loop3A_415 : i32
        %parallel_loop3A_418 = arith.bitcast %parallel_loop3A_417 : i32 to f32
        %parallel_loop3A_419 = arith.constant 5.000000e-01 : f32
        %parallel_loop3A_420 = arith.mulf %parallel_loop3A_419, %parallel_loop3A_412 : f32
        %parallel_loop3A_421 = arith.mulf %parallel_loop3A_420, %parallel_loop3A_418 : f32
        %parallel_loop3A_422 = arith.mulf %parallel_loop3A_421, %parallel_loop3A_418 : f32
        %parallel_loop3A_423 = arith.constant 1.500000e+00 : f32
        %parallel_loop3A_424 = arith.subf %parallel_loop3A_423, %parallel_loop3A_422 : f32
        %parallel_loop3A_425 = arith.mulf %parallel_loop3A_418, %parallel_loop3A_424 : f32
        %parallel_loop3A_426 = arith.constant 5.000000e-01 : f32
        %parallel_loop3A_427 = arith.mulf %parallel_loop3A_426, %parallel_loop3A_412 : f32
        %parallel_loop3A_428 = arith.mulf %parallel_loop3A_427, %parallel_loop3A_425 : f32
        %parallel_loop3A_429 = arith.mulf %parallel_loop3A_428, %parallel_loop3A_425 : f32
        %parallel_loop3A_430 = arith.constant 1.500000e+00 : f32
        %parallel_loop3A_431 = arith.subf %parallel_loop3A_430, %parallel_loop3A_429 : f32
        %parallel_loop3A_432 = arith.mulf %parallel_loop3A_425, %parallel_loop3A_431 : f32
        %parallel_loop3A_433 = arith.constant 5.000000e-01 : f32
        %parallel_loop3A_434 = arith.mulf %parallel_loop3A_433, %parallel_loop3A_412 : f32
        %parallel_loop3A_435 = arith.mulf %parallel_loop3A_434, %parallel_loop3A_432 : f32
        %parallel_loop3A_436 = arith.mulf %parallel_loop3A_435, %parallel_loop3A_432 : f32
        %parallel_loop3A_437 = arith.constant 1.500000e+00 : f32
        %parallel_loop3A_438 = arith.subf %parallel_loop3A_437, %parallel_loop3A_436 : f32
        %parallel_loop3A_439 = arith.mulf %parallel_loop3A_432, %parallel_loop3A_438 : f32
        %parallel_loop3A_440 = vector.broadcast %parallel_loop3A_439 : f32 to vector<16xf32>
        %parallel_loop3A_441 = arith.mulf %parallel_loop3A_391, %parallel_loop3A_440 : vector<16xf32>
        %parallel_loop3A_442 = arith.mulf %parallel_loop3A_441, %get3A_3 : vector<16xf32>
        %parallel_loop3A_443 = arith.addf %parallel_loop3A_442, %get3A_11 : vector<16xf32>
        %parallel_loop3A_444 = arith.constant 0 : i32
        %parallel_loop3A_445 = arith.constant 0 : i32
        %parallel_loop3A_446 = tpu.memref_slice %arg10[%parallel_loop3A_262, %parallel_loop3A_444, %parallel_loop3A_445] : memref<2x200x64xf32, #tpu.memory_space<vmem>> -> memref<1x200x64xf32, #tpu.memory_space<vmem>>
        %parallel_loop3A_447 = tpu.memref_squeeze %parallel_loop3A_446 : memref<1x200x64xf32, #tpu.memory_space<vmem>> -> memref<200x64xf32, #tpu.memory_space<vmem>>
        %parallel_loop3A_448 = arith.index_cast %parallel_loop3A_336 : i32 to index
        %parallel_loop3A_449 = arith.constant 0 : index
        %parallel_loop3A_450 = tpu.vector_load %parallel_loop3A_447[%parallel_loop3A_448, %parallel_loop3A_449] {strides = array<i32>} : memref<200x64xf32, #tpu.memory_space<vmem>>, vector<16xf32>,
        tpu.vector_store %parallel_loop3A_447[%parallel_loop3A_448, %parallel_loop3A_449], %parallel_loop3A_443 {strides = array<i32>} : memref<200x64xf32, #tpu.memory_space<vmem>>, vector<16xf32>,
        %parallel_loop3A_451 = vector.broadcast %parallel_loop3A_439 : f32 to vector<16xf32>
        %parallel_loop3A_452 = arith.mulf %parallel_loop3A_393, %parallel_loop3A_451 : vector<16xf32>
        %parallel_loop3A_453 = arith.mulf %parallel_loop3A_452, %get3A_5 : vector<16xf32>
        %parallel_loop3A_454 = arith.addf %parallel_loop3A_453, %get3A_13 : vector<16xf32>
        %parallel_loop3A_455 = arith.constant 0 : i32
        %parallel_loop3A_456 = arith.constant 0 : i32
        %parallel_loop3A_457 = tpu.memref_slice %arg10[%parallel_loop3A_262, %parallel_loop3A_455, %parallel_loop3A_456] : memref<2x200x64xf32, #tpu.memory_space<vmem>> -> memref<1x200x64xf32, #tpu.memory_space<vmem>>
        %parallel_loop3A_458 = tpu.memref_squeeze %parallel_loop3A_457 : memref<1x200x64xf32, #tpu.memory_space<vmem>> -> memref<200x64xf32, #tpu.memory_space<vmem>>
        %parallel_loop3A_459 = arith.index_cast %parallel_loop3A_336 : i32 to index
        %parallel_loop3A_460 = arith.constant 16 : index
        %parallel_loop3A_461 = tpu.vector_load %parallel_loop3A_458[%parallel_loop3A_459, %parallel_loop3A_460] {strides = array<i32>} : memref<200x64xf32, #tpu.memory_space<vmem>>, vector<16xf32>,
        tpu.vector_store %parallel_loop3A_458[%parallel_loop3A_459, %parallel_loop3A_460], %parallel_loop3A_454 {strides = array<i32>} : memref<200x64xf32, #tpu.memory_space<vmem>>, vector<16xf32>,
        %parallel_loop3A_462 = vector.broadcast %parallel_loop3A_439 : f32 to vector<16xf32>
        %parallel_loop3A_463 = arith.mulf %parallel_loop3A_395, %parallel_loop3A_462 : vector<16xf32>
        %parallel_loop3A_464 = arith.mulf %parallel_loop3A_463, %get3A_7 : vector<16xf32>
        %parallel_loop3A_465 = arith.addf %parallel_loop3A_464, %get3A_15 : vector<16xf32>
        %parallel_loop3A_466 = arith.constant 0 : i32
        %parallel_loop3A_467 = arith.constant 0 : i32
        %parallel_loop3A_468 = tpu.memref_slice %arg10[%parallel_loop3A_262, %parallel_loop3A_466, %parallel_loop3A_467] : memref<2x200x64xf32, #tpu.memory_space<vmem>> -> memref<1x200x64xf32, #tpu.memory_space<vmem>>
        %parallel_loop3A_469 = tpu.memref_squeeze %parallel_loop3A_468 : memref<1x200x64xf32, #tpu.memory_space<vmem>> -> memref<200x64xf32, #tpu.memory_space<vmem>>
        %parallel_loop3A_470 = arith.index_cast %parallel_loop3A_336 : i32 to index
        %parallel_loop3A_471 = arith.constant 32 : index
        %parallel_loop3A_472 = tpu.vector_load %parallel_loop3A_469[%parallel_loop3A_470, %parallel_loop3A_471] {strides = array<i32>} : memref<200x64xf32, #tpu.memory_space<vmem>>, vector<16xf32>,
        tpu.vector_store %parallel_loop3A_469[%parallel_loop3A_470, %parallel_loop3A_471], %parallel_loop3A_465 {strides = array<i32>} : memref<200x64xf32, #tpu.memory_space<vmem>>, vector<16xf32>,
        %parallel_loop3A_473 = vector.broadcast %parallel_loop3A_439 : f32 to vector<16xf32>
        %parallel_loop3A_474 = arith.mulf %parallel_loop3A_397, %parallel_loop3A_473 : vector<16xf32>
        %parallel_loop3A_475 = arith.mulf %parallel_loop3A_474, %get3A_9 : vector<16xf32>
        %parallel_loop3A_476 = arith.addf %parallel_loop3A_475, %get3A_17 : vector<16xf32>
        %parallel_loop3A_477 = arith.constant 0 : i32
        %parallel_loop3A_478 = arith.constant 0 : i32
        %parallel_loop3A_479 = tpu.memref_slice %arg10[%parallel_loop3A_262, %parallel_loop3A_477, %parallel_loop3A_478] : memref<2x200x64xf32, #tpu.memory_space<vmem>> -> memref<1x200x64xf32, #tpu.memory_space<vmem>>
        %parallel_loop3A_480 = tpu.memref_squeeze %parallel_loop3A_479 : memref<1x200x64xf32, #tpu.memory_space<vmem>> -> memref<200x64xf32, #tpu.memory_space<vmem>>
        %parallel_loop3A_481 = arith.index_cast %parallel_loop3A_336 : i32 to index
        %parallel_loop3A_482 = arith.constant 48 : index
        %parallel_loop3A_483 = tpu.vector_load %parallel_loop3A_480[%parallel_loop3A_481, %parallel_loop3A_482] {strides = array<i32>} : memref<200x64xf32, #tpu.memory_space<vmem>>, vector<16xf32>,
        tpu.vector_store %parallel_loop3A_480[%parallel_loop3A_481, %parallel_loop3A_482], %parallel_loop3A_476 {strides = array<i32>} : memref<200x64xf32, #tpu.memory_space<vmem>>, vector<16xf32>,
      } {sc.loop_unroll_factor = 4 : i64, sc.parallel_access}
      %add3A_263 = arith.addi %mul3A_2, %add3A_227 : i32
      %dma_start3A_264 = arith.constant 0 : i32
      %dma_start3A_265 = arith.constant 0 : i32
      %dma_start3A_266 = arith.constant 0 : i32
      %dma_start3A_267 = tpu.memref_slice %arg10[%dma_start3A_264, %dma_start3A_265, %dma_start3A_266] : memref<2x200x64xf32, #tpu.memory_space<vmem>> -> memref<1x200x64xf32, #tpu.memory_space<vmem>>
      %dma_start3A_268 = tpu.memref_squeeze %dma_start3A_267 : memref<1x200x64xf32, #tpu.memory_space<vmem>> -> memref<200x64xf32, #tpu.memory_space<vmem>>
      %dma_start3A_269 = arith.constant 0 : i32
      %dma_start3A_270 = arith.constant 0 : i32
      %dma_start3A_271 = tpu.memref_slice %arg7[%add3A_263, %dma_start3A_269, %dma_start3A_270] : memref<4096x200x64xf32, #tpu.memory_space<hbm>> -> memref<1x200x64xf32, #tpu.memory_space<hbm>>
      %dma_start3A_272 = tpu.memref_squeeze %dma_start3A_271 : memref<1x200x64xf32, #tpu.memory_space<hbm>> -> memref<200x64xf32, #tpu.memory_space<hbm>>
      %dma_start3A_273 = arith.constant 0 : i32
      %dma_start3A_274 = arith.constant 0 : i32
      %dma_start3A_275 = tpu.memref_slice %arg7[%add3A_263, %dma_start3A_273, %dma_start3A_274] : memref<4096x200x64xf32, #tpu.memory_space<hbm>> -> memref<1x200x64xf32, #tpu.memory_space<hbm>>
      %dma_start3A_276 = tpu.memref_squeeze %dma_start3A_275 : memref<1x200x64xf32, #tpu.memory_space<hbm>> -> memref<200x64xf32, #tpu.memory_space<hbm>>
      %dma_start3A_277 = arith.constant 0 : i32
      %dma_start3A_278 = arith.constant 0 : i32
      %dma_start3A_279 = tpu.memref_slice %arg10[%dma_start3A_264, %dma_start3A_277, %dma_start3A_278] : memref<2x200x64xf32, #tpu.memory_space<vmem>> -> memref<1x200x64xf32, #tpu.memory_space<vmem>>
      %dma_start3A_280 = tpu.memref_squeeze %dma_start3A_279 : memref<1x200x64xf32, #tpu.memory_space<vmem>> -> memref<200x64xf32, #tpu.memory_space<vmem>>
      tpu.enqueue_dma source(%dma_start3A_280 : memref<200x64xf32, #tpu.memory_space<vmem>>) target(%dma_start3A_276 : memref<200x64xf32, #tpu.memory_space<hbm>>) target_semaphore(%arg18 : memref<!tpu.dma_semaphore, #tpu.memory_space<semaphore_mem>>)
      %add3A_281 = arith.constant 3 : i32
      %add3A_282 = arith.addi %mul3A_120, %add3A_281 : i32
      %add3A_283 = arith.constant 2 : i32
      %add3A_284 = arith.addi %add3A_282, %add3A_283 : i32
      %lt3A_285 = arith.constant 128 : i32
      %lt3A_286 = arith.cmpi slt, %add3A_284, %lt3A_285 : i32
      %convert_element_type3A_287 = arith.extui %lt3A_286 : i1 to i32
      %cond3A_288 = arith.constant 0 : i32
      %cond3A_289 = arith.cmpi ne, %convert_element_type3A_287, %cond3A_288 : i32
      scf.if %cond3A_289 {
        %add3A_336 = arith.constant 2 : i32
        %add3A_337 = arith.addi %add3A_282, %add3A_336 : i32
        %dma_start3A_338 = arith.constant 0 : i32
        %dma_start3A_339 = arith.constant 1 : i32
        %dma_start3A_340 = arith.constant 0 : i32
        %dma_start3A_341 = arith.constant 0 : i32
        %dma_start3A_342 = tpu.memref_slice %arg9[%dma_start3A_339, %dma_start3A_340, %dma_start3A_341] : memref<4x200x64xf32, #tpu.memory_space<vmem>> -> memref<1x200x64xf32, #tpu.memory_space<vmem>>
        %dma_start3A_343 = tpu.memref_squeeze %dma_start3A_342 : memref<1x200x64xf32, #tpu.memory_space<vmem>> -> memref<200x64xf32, #tpu.memory_space<vmem>>
        %dma_start3A_344 = arith.constant 0 : i32
        %dma_start3A_345 = arith.constant 0 : i32
        %dma_start3A_346 = tpu.memref_slice %dma_start3A_343[%dma_start3A_344, %dma_start3A_345] : memref<200x64xf32, #tpu.memory_space<vmem>> -> memref<100x64xf32, #tpu.memory_space<vmem>>
        %dma_start3A_347 = arith.constant 0 : i32
        %dma_start3A_348 = tpu.memref_slice %arg8[%add3A_337, %dma_start3A_338, %dma_start3A_347] : memref<128x2x100xi32, #tpu.memory_space<vmem>> -> memref<1x1x100xi32, #tpu.memory_space<vmem>>
        %dma_start3A_349 = tpu.memref_squeeze %dma_start3A_348 : memref<1x1x100xi32, #tpu.memory_space<vmem>> -> memref<100xi32, #tpu.memory_space<vmem>>
        %dma_start3A_350 = arith.constant 0 : i32
        %dma_start3A_351 = arith.constant 0 : i32
        %dma_start3A_352 = tpu.memref_slice %arg3[%dma_start3A_350, %dma_start3A_351] : memref<100000x64xf32, #tpu.memory_space<hbm>> -> memref<100000x64xf32, #tpu.memory_space<hbm>>
        tpu.enqueue_indirect_dma source(%dma_start3A_352 : memref<100000x64xf32, #tpu.memory_space<hbm>>) target(%dma_start3A_346 : memref<100x64xf32, #tpu.memory_space<vmem>>) offsets(%dma_start3A_349 : memref<100xi32, #tpu.memory_space<vmem>>) semaphore(%arg15 : memref<!tpu.dma_semaphore, #tpu.memory_space<semaphore_mem>>)
        %dma_start3A_353 = arith.constant 1 : i32
        %dma_start3A_354 = arith.constant 1 : i32
        %dma_start3A_355 = arith.constant 0 : i32
        %dma_start3A_356 = arith.constant 0 : i32
        %dma_start3A_357 = tpu.memref_slice %arg9[%dma_start3A_354, %dma_start3A_355, %dma_start3A_356] : memref<4x200x64xf32, #tpu.memory_space<vmem>> -> memref<1x200x64xf32, #tpu.memory_space<vmem>>
        %dma_start3A_358 = tpu.memref_squeeze %dma_start3A_357 : memref<1x200x64xf32, #tpu.memory_space<vmem>> -> memref<200x64xf32, #tpu.memory_space<vmem>>
        %dma_start3A_359 = arith.constant 100 : i32
        %dma_start3A_360 = arith.constant 0 : i32
        %dma_start3A_361 = tpu.memref_slice %dma_start3A_358[%dma_start3A_359, %dma_start3A_360] : memref<200x64xf32, #tpu.memory_space<vmem>> -> memref<100x64xf32, #tpu.memory_space<vmem>>
        %dma_start3A_362 = arith.constant 0 : i32
        %dma_start3A_363 = tpu.memref_slice %arg8[%add3A_337, %dma_start3A_353, %dma_start3A_362] : memref<128x2x100xi32, #tpu.memory_space<vmem>> -> memref<1x1x100xi32, #tpu.memory_space<vmem>>
        %dma_start3A_364 = tpu.memref_squeeze %dma_start3A_363 : memref<1x1x100xi32, #tpu.memory_space<vmem>> -> memref<100xi32, #tpu.memory_space<vmem>>
        %dma_start3A_365 = arith.constant 0 : i32
        %dma_start3A_366 = arith.constant 0 : i32
        %dma_start3A_367 = tpu.memref_slice %arg3[%dma_start3A_365, %dma_start3A_366] : memref<100000x64xf32, #tpu.memory_space<hbm>> -> memref<100000x64xf32, #tpu.memory_space<hbm>>
        tpu.enqueue_indirect_dma source(%dma_start3A_367 : memref<100000x64xf32, #tpu.memory_space<hbm>>) target(%dma_start3A_361 : memref<100x64xf32, #tpu.memory_space<vmem>>) offsets(%dma_start3A_364 : memref<100xi32, #tpu.memory_space<vmem>>) semaphore(%arg15 : memref<!tpu.dma_semaphore, #tpu.memory_space<semaphore_mem>>)
      } else {
      }
      %dma_wait3A_290 = arith.constant 3 : i32
      %dma_wait3A_291 = arith.constant 0 : i32
      %dma_wait3A_292 = arith.constant 0 : i32
      %dma_wait3A_293 = tpu.memref_slice %arg9[%dma_wait3A_290, %dma_wait3A_291, %dma_wait3A_292] : memref<4x200x64xf32, #tpu.memory_space<vmem>> -> memref<1x200x64xf32, #tpu.memory_space<vmem>>
      %dma_wait3A_294 = tpu.memref_squeeze %dma_wait3A_293 : memref<1x200x64xf32, #tpu.memory_space<vmem>> -> memref<200x64xf32, #tpu.memory_space<vmem>>
      %dma_wait3A_295 = arith.constant 0 : i32
      %dma_wait3A_296 = arith.constant 0 : i32
      %dma_wait3A_297 = tpu.memref_slice %arg7[%mul3A_2, %dma_wait3A_295, %dma_wait3A_296] : memref<4096x200x64xf32, #tpu.memory_space<hbm>> -> memref<1x200x64xf32, #tpu.memory_space<hbm>>
      %dma_wait3A_298 = tpu.memref_squeeze %dma_wait3A_297 : memref<1x200x64xf32, #tpu.memory_space<hbm>> -> memref<200x64xf32, #tpu.memory_space<hbm>>
      %dma_wait3A_299 = arith.constant 0 : i32
      %dma_wait3A_300 = arith.constant 0 : i32
      %dma_wait3A_301 = tpu.memref_slice %arg9[%dma_wait3A_290, %dma_wait3A_299, %dma_wait3A_300] : memref<4x200x64xf32, #tpu.memory_space<vmem>> -> memref<1x200x64xf32, #tpu.memory_space<vmem>>
      %dma_wait3A_302 = tpu.memref_squeeze %dma_wait3A_301 : memref<1x200x64xf32, #tpu.memory_space<vmem>> -> memref<200x64xf32, #tpu.memory_space<vmem>>
      %dma_wait3A_303 = arith.constant 0 : i32
      %dma_wait3A_304 = arith.constant 0 : i32
      %dma_wait3A_305 = tpu.memref_slice %arg7[%mul3A_2, %dma_wait3A_303, %dma_wait3A_304] : memref<4096x200x64xf32, #tpu.memory_space<hbm>> -> memref<1x200x64xf32, #tpu.memory_space<hbm>>
      %dma_wait3A_306 = tpu.memref_squeeze %dma_wait3A_305 : memref<1x200x64xf32, #tpu.memory_space<hbm>> -> memref<200x64xf32, #tpu.memory_space<hbm>>
      tpu.wait_dma2 semaphore(%arg17 : memref<!tpu.dma_semaphore, #tpu.memory_space<semaphore_mem>>) src(%dma_wait3A_306 : memref<200x64xf32, #tpu.memory_space<hbm>>) dst(%dma_wait3A_302 : memref<200x64xf32, #tpu.memory_space<vmem>>)
      %ge3A_307 = arith.constant 2 : i32
      %ge3A_308 = arith.cmpi sge, %add3A_282, %ge3A_307 : i32
      %convert_element_type3A_309 = arith.extui %ge3A_308 : i1 to i32
      %cond3A_310 = arith.constant 1 : i32
      %cond3A_311 = arith.constant 0 : i32
      %cond3A_312 = arith.cmpi ne, %convert_element_type3A_309, %cond3A_311 : i32
      scf.if %cond3A_312 {
        %dma_wait3A_336 = arith.constant 0 : i32
        %dma_wait3A_337 = arith.constant 0 : i32
        %dma_wait3A_338 = tpu.memref_slice %arg10[%cond3A_310, %dma_wait3A_336, %dma_wait3A_337] : memref<2x200x64xf32, #tpu.memory_space<vmem>> -> memref<1x200x64xf32, #tpu.memory_space<vmem>>
        %dma_wait3A_339 = tpu.memref_squeeze %dma_wait3A_338 : memref<1x200x64xf32, #tpu.memory_space<vmem>> -> memref<200x64xf32, #tpu.memory_space<vmem>>
        %dma_wait3A_340 = arith.constant 0 : i32
        %dma_wait3A_341 = arith.constant 0 : i32
        %dma_wait3A_342 = tpu.memref_slice %arg7[%mul3A_2, %dma_wait3A_340, %dma_wait3A_341] : memref<4096x200x64xf32, #tpu.memory_space<hbm>> -> memref<1x200x64xf32, #tpu.memory_space<hbm>>
        %dma_wait3A_343 = tpu.memref_squeeze %dma_wait3A_342 : memref<1x200x64xf32, #tpu.memory_space<hbm>> -> memref<200x64xf32, #tpu.memory_space<hbm>>
        %dma_wait3A_344 = arith.constant 0 : i32
        %dma_wait3A_345 = arith.constant 0 : i32
        %dma_wait3A_346 = tpu.memref_slice %arg7[%mul3A_2, %dma_wait3A_344, %dma_wait3A_345] : memref<4096x200x64xf32, #tpu.memory_space<hbm>> -> memref<1x200x64xf32, #tpu.memory_space<hbm>>
        %dma_wait3A_347 = tpu.memref_squeeze %dma_wait3A_346 : memref<1x200x64xf32, #tpu.memory_space<hbm>> -> memref<200x64xf32, #tpu.memory_space<hbm>>
        %dma_wait3A_348 = arith.constant 0 : i32
        %dma_wait3A_349 = arith.constant 0 : i32
        %dma_wait3A_350 = tpu.memref_slice %arg10[%cond3A_310, %dma_wait3A_348, %dma_wait3A_349] : memref<2x200x64xf32, #tpu.memory_space<vmem>> -> memref<1x200x64xf32, #tpu.memory_space<vmem>>
        %dma_wait3A_351 = tpu.memref_squeeze %dma_wait3A_350 : memref<1x200x64xf32, #tpu.memory_space<vmem>> -> memref<200x64xf32, #tpu.memory_space<vmem>>
        tpu.wait_dma2 semaphore(%arg19 : memref<!tpu.dma_semaphore, #tpu.memory_space<semaphore_mem>>) src(%dma_wait3A_351 : memref<200x64xf32, #tpu.memory_space<vmem>>) dst(%dma_wait3A_347 : memref<200x64xf32, #tpu.memory_space<hbm>>)
      } else {
      }
      %parallel_loop3A_313 = arith.constant 0 : i32
      %parallel_loop3A_314 = arith.constant 200 : i32
      %parallel_loop3A_315 = arith.constant 1 : i32
      %parallel_loop3A_316 = arith.constant 3 : i32
      %parallel_loop3A_317 = arith.constant 1 : i32
      scf.for %parallel_loop3A_336 = %parallel_loop3A_313 to %parallel_loop3A_314 step %parallel_loop3A_315  : i32 {
        %parallel_loop3A_337 = arith.constant 0 : i32
        %parallel_loop3A_338 = arith.constant 0 : i32
        %parallel_loop3A_339 = tpu.memref_slice %arg9[%parallel_loop3A_316, %parallel_loop3A_337, %parallel_loop3A_338] : memref<4x200x64xf32, #tpu.memory_space<vmem>> -> memref<1x200x64xf32, #tpu.memory_space<vmem>>
        %parallel_loop3A_340 = tpu.memref_squeeze %parallel_loop3A_339 : memref<1x200x64xf32, #tpu.memory_space<vmem>> -> memref<200x64xf32, #tpu.memory_space<vmem>>
        %parallel_loop3A_341 = arith.index_cast %parallel_loop3A_336 : i32 to index
        %parallel_loop3A_342 = arith.constant 0 : index
        %parallel_loop3A_343 = tpu.vector_load %parallel_loop3A_340[%parallel_loop3A_341, %parallel_loop3A_342] {strides = array<i32>} : memref<200x64xf32, #tpu.memory_space<vmem>>, vector<16xf32>,
        %parallel_loop3A_344 = arith.index_cast %parallel_loop3A_336 : i32 to index
        %parallel_loop3A_345 = arith.constant 0 : index
        %parallel_loop3A_346 = tpu.vector_load %arg11[%parallel_loop3A_344, %parallel_loop3A_345] {strides = array<i32>} : memref<200x64xf32, #tpu.memory_space<vmem>>, vector<16xf32>,
        %parallel_loop3A_347 = arith.addf %parallel_loop3A_343, %parallel_loop3A_346 : vector<16xf32>
        %parallel_loop3A_348 = arith.constant 0 : i32
        %parallel_loop3A_349 = arith.constant 0 : i32
        %parallel_loop3A_350 = tpu.memref_slice %arg9[%parallel_loop3A_316, %parallel_loop3A_348, %parallel_loop3A_349] : memref<4x200x64xf32, #tpu.memory_space<vmem>> -> memref<1x200x64xf32, #tpu.memory_space<vmem>>
        %parallel_loop3A_351 = tpu.memref_squeeze %parallel_loop3A_350 : memref<1x200x64xf32, #tpu.memory_space<vmem>> -> memref<200x64xf32, #tpu.memory_space<vmem>>
        %parallel_loop3A_352 = arith.index_cast %parallel_loop3A_336 : i32 to index
        %parallel_loop3A_353 = arith.constant 16 : index
        %parallel_loop3A_354 = tpu.vector_load %parallel_loop3A_351[%parallel_loop3A_352, %parallel_loop3A_353] {strides = array<i32>} : memref<200x64xf32, #tpu.memory_space<vmem>>, vector<16xf32>,
        %parallel_loop3A_355 = arith.index_cast %parallel_loop3A_336 : i32 to index
        %parallel_loop3A_356 = arith.constant 16 : index
        %parallel_loop3A_357 = tpu.vector_load %arg11[%parallel_loop3A_355, %parallel_loop3A_356] {strides = array<i32>} : memref<200x64xf32, #tpu.memory_space<vmem>>, vector<16xf32>,
        %parallel_loop3A_358 = arith.addf %parallel_loop3A_354, %parallel_loop3A_357 : vector<16xf32>
        %parallel_loop3A_359 = arith.constant 0 : i32
        %parallel_loop3A_360 = arith.constant 0 : i32
        %parallel_loop3A_361 = tpu.memref_slice %arg9[%parallel_loop3A_316, %parallel_loop3A_359, %parallel_loop3A_360] : memref<4x200x64xf32, #tpu.memory_space<vmem>> -> memref<1x200x64xf32, #tpu.memory_space<vmem>>
        %parallel_loop3A_362 = tpu.memref_squeeze %parallel_loop3A_361 : memref<1x200x64xf32, #tpu.memory_space<vmem>> -> memref<200x64xf32, #tpu.memory_space<vmem>>
        %parallel_loop3A_363 = arith.index_cast %parallel_loop3A_336 : i32 to index
        %parallel_loop3A_364 = arith.constant 32 : index
        %parallel_loop3A_365 = tpu.vector_load %parallel_loop3A_362[%parallel_loop3A_363, %parallel_loop3A_364] {strides = array<i32>} : memref<200x64xf32, #tpu.memory_space<vmem>>, vector<16xf32>,
        %parallel_loop3A_366 = arith.index_cast %parallel_loop3A_336 : i32 to index
        %parallel_loop3A_367 = arith.constant 32 : index
        %parallel_loop3A_368 = tpu.vector_load %arg11[%parallel_loop3A_366, %parallel_loop3A_367] {strides = array<i32>} : memref<200x64xf32, #tpu.memory_space<vmem>>, vector<16xf32>,
        %parallel_loop3A_369 = arith.addf %parallel_loop3A_365, %parallel_loop3A_368 : vector<16xf32>
        %parallel_loop3A_370 = arith.constant 0 : i32
        %parallel_loop3A_371 = arith.constant 0 : i32
        %parallel_loop3A_372 = tpu.memref_slice %arg9[%parallel_loop3A_316, %parallel_loop3A_370, %parallel_loop3A_371] : memref<4x200x64xf32, #tpu.memory_space<vmem>> -> memref<1x200x64xf32, #tpu.memory_space<vmem>>
        %parallel_loop3A_373 = tpu.memref_squeeze %parallel_loop3A_372 : memref<1x200x64xf32, #tpu.memory_space<vmem>> -> memref<200x64xf32, #tpu.memory_space<vmem>>
        %parallel_loop3A_374 = arith.index_cast %parallel_loop3A_336 : i32 to index
        %parallel_loop3A_375 = arith.constant 48 : index
        %parallel_loop3A_376 = tpu.vector_load %parallel_loop3A_373[%parallel_loop3A_374, %parallel_loop3A_375] {strides = array<i32>} : memref<200x64xf32, #tpu.memory_space<vmem>>, vector<16xf32>,
        %parallel_loop3A_377 = arith.index_cast %parallel_loop3A_336 : i32 to index
        %parallel_loop3A_378 = arith.constant 48 : index
        %parallel_loop3A_379 = tpu.vector_load %arg11[%parallel_loop3A_377, %parallel_loop3A_378] {strides = array<i32>} : memref<200x64xf32, #tpu.memory_space<vmem>>, vector<16xf32>,
        %parallel_loop3A_380 = arith.addf %parallel_loop3A_376, %parallel_loop3A_379 : vector<16xf32>
        %parallel_loop3A_381 = arith.addf %parallel_loop3A_347, %parallel_loop3A_358 : vector<16xf32>
        %parallel_loop3A_382 = arith.addf %parallel_loop3A_369, %parallel_loop3A_380 : vector<16xf32>
        %parallel_loop3A_383 = arith.addf %parallel_loop3A_381, %parallel_loop3A_382 : vector<16xf32>
        %parallel_loop3A_384 = arith.constant true
        %parallel_loop3A_385 = vector.broadcast %parallel_loop3A_384 : i1 to vector<16xi1>
        %parallel_loop3A_386 = tpu.scan <sum>, %parallel_loop3A_383 masked %parallel_loop3A_385 : vector<16xf32>, vector<16xi1> -> vector<16xf32>
        %parallel_loop3A_387 = vector.extract %parallel_loop3A_386[15] : f32 from vector<16xf32>
        %parallel_loop3A_388 = arith.constant 1.562500e-02 : f32
        %parallel_loop3A_389 = arith.mulf %parallel_loop3A_387, %parallel_loop3A_388 : f32
        %parallel_loop3A_390 = vector.broadcast %parallel_loop3A_389 : f32 to vector<16xf32>
        %parallel_loop3A_391 = arith.subf %parallel_loop3A_347, %parallel_loop3A_390 : vector<16xf32>
        %parallel_loop3A_392 = vector.broadcast %parallel_loop3A_389 : f32 to vector<16xf32>
        %parallel_loop3A_393 = arith.subf %parallel_loop3A_358, %parallel_loop3A_392 : vector<16xf32>
        %parallel_loop3A_394 = vector.broadcast %parallel_loop3A_389 : f32 to vector<16xf32>
        %parallel_loop3A_395 = arith.subf %parallel_loop3A_369, %parallel_loop3A_394 : vector<16xf32>
        %parallel_loop3A_396 = vector.broadcast %parallel_loop3A_389 : f32 to vector<16xf32>
        %parallel_loop3A_397 = arith.subf %parallel_loop3A_380, %parallel_loop3A_396 : vector<16xf32>
        %parallel_loop3A_398 = arith.mulf %parallel_loop3A_391, %parallel_loop3A_391 : vector<16xf32>
        %parallel_loop3A_399 = arith.mulf %parallel_loop3A_393, %parallel_loop3A_393 : vector<16xf32>
        %parallel_loop3A_400 = arith.addf %parallel_loop3A_398, %parallel_loop3A_399 : vector<16xf32>
        %parallel_loop3A_401 = arith.mulf %parallel_loop3A_395, %parallel_loop3A_395 : vector<16xf32>
        %parallel_loop3A_402 = arith.mulf %parallel_loop3A_397, %parallel_loop3A_397 : vector<16xf32>
        %parallel_loop3A_403 = arith.addf %parallel_loop3A_401, %parallel_loop3A_402 : vector<16xf32>
        %parallel_loop3A_404 = arith.addf %parallel_loop3A_400, %parallel_loop3A_403 : vector<16xf32>
        %parallel_loop3A_405 = arith.constant true
        %parallel_loop3A_406 = vector.broadcast %parallel_loop3A_405 : i1 to vector<16xi1>
        %parallel_loop3A_407 = tpu.scan <sum>, %parallel_loop3A_404 masked %parallel_loop3A_406 : vector<16xf32>, vector<16xi1> -> vector<16xf32>
        %parallel_loop3A_408 = vector.extract %parallel_loop3A_407[15] : f32 from vector<16xf32>
        %parallel_loop3A_409 = arith.constant 1.562500e-02 : f32
        %parallel_loop3A_410 = arith.mulf %parallel_loop3A_408, %parallel_loop3A_409 : f32
        %parallel_loop3A_411 = arith.constant 9.99999996E-13 : f32
        %parallel_loop3A_412 = arith.addf %parallel_loop3A_410, %parallel_loop3A_411 : f32
        %parallel_loop3A_413 = arith.bitcast %parallel_loop3A_412 : f32 to i32
        %parallel_loop3A_414 = arith.constant 1 : i32
        %parallel_loop3A_415 = arith.shrsi %parallel_loop3A_413, %parallel_loop3A_414 : i32
        %parallel_loop3A_416 = arith.constant 1597463007 : i32
        %parallel_loop3A_417 = arith.subi %parallel_loop3A_416, %parallel_loop3A_415 : i32
        %parallel_loop3A_418 = arith.bitcast %parallel_loop3A_417 : i32 to f32
        %parallel_loop3A_419 = arith.constant 5.000000e-01 : f32
        %parallel_loop3A_420 = arith.mulf %parallel_loop3A_419, %parallel_loop3A_412 : f32
        %parallel_loop3A_421 = arith.mulf %parallel_loop3A_420, %parallel_loop3A_418 : f32
        %parallel_loop3A_422 = arith.mulf %parallel_loop3A_421, %parallel_loop3A_418 : f32
        %parallel_loop3A_423 = arith.constant 1.500000e+00 : f32
        %parallel_loop3A_424 = arith.subf %parallel_loop3A_423, %parallel_loop3A_422 : f32
        %parallel_loop3A_425 = arith.mulf %parallel_loop3A_418, %parallel_loop3A_424 : f32
        %parallel_loop3A_426 = arith.constant 5.000000e-01 : f32
        %parallel_loop3A_427 = arith.mulf %parallel_loop3A_426, %parallel_loop3A_412 : f32
        %parallel_loop3A_428 = arith.mulf %parallel_loop3A_427, %parallel_loop3A_425 : f32
        %parallel_loop3A_429 = arith.mulf %parallel_loop3A_428, %parallel_loop3A_425 : f32
        %parallel_loop3A_430 = arith.constant 1.500000e+00 : f32
        %parallel_loop3A_431 = arith.subf %parallel_loop3A_430, %parallel_loop3A_429 : f32
        %parallel_loop3A_432 = arith.mulf %parallel_loop3A_425, %parallel_loop3A_431 : f32
        %parallel_loop3A_433 = arith.constant 5.000000e-01 : f32
        %parallel_loop3A_434 = arith.mulf %parallel_loop3A_433, %parallel_loop3A_412 : f32
        %parallel_loop3A_435 = arith.mulf %parallel_loop3A_434, %parallel_loop3A_432 : f32
        %parallel_loop3A_436 = arith.mulf %parallel_loop3A_435, %parallel_loop3A_432 : f32
        %parallel_loop3A_437 = arith.constant 1.500000e+00 : f32
        %parallel_loop3A_438 = arith.subf %parallel_loop3A_437, %parallel_loop3A_436 : f32
        %parallel_loop3A_439 = arith.mulf %parallel_loop3A_432, %parallel_loop3A_438 : f32
        %parallel_loop3A_440 = vector.broadcast %parallel_loop3A_439 : f32 to vector<16xf32>
        %parallel_loop3A_441 = arith.mulf %parallel_loop3A_391, %parallel_loop3A_440 : vector<16xf32>
        %parallel_loop3A_442 = arith.mulf %parallel_loop3A_441, %get3A_3 : vector<16xf32>
        %parallel_loop3A_443 = arith.addf %parallel_loop3A_442, %get3A_11 : vector<16xf32>
        %parallel_loop3A_444 = arith.constant 0 : i32
        %parallel_loop3A_445 = arith.constant 0 : i32
        %parallel_loop3A_446 = tpu.memref_slice %arg10[%parallel_loop3A_317, %parallel_loop3A_444, %parallel_loop3A_445] : memref<2x200x64xf32, #tpu.memory_space<vmem>> -> memref<1x200x64xf32, #tpu.memory_space<vmem>>
        %parallel_loop3A_447 = tpu.memref_squeeze %parallel_loop3A_446 : memref<1x200x64xf32, #tpu.memory_space<vmem>> -> memref<200x64xf32, #tpu.memory_space<vmem>>
        %parallel_loop3A_448 = arith.index_cast %parallel_loop3A_336 : i32 to index
        %parallel_loop3A_449 = arith.constant 0 : index
        %parallel_loop3A_450 = tpu.vector_load %parallel_loop3A_447[%parallel_loop3A_448, %parallel_loop3A_449] {strides = array<i32>} : memref<200x64xf32, #tpu.memory_space<vmem>>, vector<16xf32>,
        tpu.vector_store %parallel_loop3A_447[%parallel_loop3A_448, %parallel_loop3A_449], %parallel_loop3A_443 {strides = array<i32>} : memref<200x64xf32, #tpu.memory_space<vmem>>, vector<16xf32>,
        %parallel_loop3A_451 = vector.broadcast %parallel_loop3A_439 : f32 to vector<16xf32>
        %parallel_loop3A_452 = arith.mulf %parallel_loop3A_393, %parallel_loop3A_451 : vector<16xf32>
        %parallel_loop3A_453 = arith.mulf %parallel_loop3A_452, %get3A_5 : vector<16xf32>
        %parallel_loop3A_454 = arith.addf %parallel_loop3A_453, %get3A_13 : vector<16xf32>
        %parallel_loop3A_455 = arith.constant 0 : i32
        %parallel_loop3A_456 = arith.constant 0 : i32
        %parallel_loop3A_457 = tpu.memref_slice %arg10[%parallel_loop3A_317, %parallel_loop3A_455, %parallel_loop3A_456] : memref<2x200x64xf32, #tpu.memory_space<vmem>> -> memref<1x200x64xf32, #tpu.memory_space<vmem>>
        %parallel_loop3A_458 = tpu.memref_squeeze %parallel_loop3A_457 : memref<1x200x64xf32, #tpu.memory_space<vmem>> -> memref<200x64xf32, #tpu.memory_space<vmem>>
        %parallel_loop3A_459 = arith.index_cast %parallel_loop3A_336 : i32 to index
        %parallel_loop3A_460 = arith.constant 16 : index
        %parallel_loop3A_461 = tpu.vector_load %parallel_loop3A_458[%parallel_loop3A_459, %parallel_loop3A_460] {strides = array<i32>} : memref<200x64xf32, #tpu.memory_space<vmem>>, vector<16xf32>,
        tpu.vector_store %parallel_loop3A_458[%parallel_loop3A_459, %parallel_loop3A_460], %parallel_loop3A_454 {strides = array<i32>} : memref<200x64xf32, #tpu.memory_space<vmem>>, vector<16xf32>,
        %parallel_loop3A_462 = vector.broadcast %parallel_loop3A_439 : f32 to vector<16xf32>
        %parallel_loop3A_463 = arith.mulf %parallel_loop3A_395, %parallel_loop3A_462 : vector<16xf32>
        %parallel_loop3A_464 = arith.mulf %parallel_loop3A_463, %get3A_7 : vector<16xf32>
        %parallel_loop3A_465 = arith.addf %parallel_loop3A_464, %get3A_15 : vector<16xf32>
        %parallel_loop3A_466 = arith.constant 0 : i32
        %parallel_loop3A_467 = arith.constant 0 : i32
        %parallel_loop3A_468 = tpu.memref_slice %arg10[%parallel_loop3A_317, %parallel_loop3A_466, %parallel_loop3A_467] : memref<2x200x64xf32, #tpu.memory_space<vmem>> -> memref<1x200x64xf32, #tpu.memory_space<vmem>>
        %parallel_loop3A_469 = tpu.memref_squeeze %parallel_loop3A_468 : memref<1x200x64xf32, #tpu.memory_space<vmem>> -> memref<200x64xf32, #tpu.memory_space<vmem>>
        %parallel_loop3A_470 = arith.index_cast %parallel_loop3A_336 : i32 to index
        %parallel_loop3A_471 = arith.constant 32 : index
        %parallel_loop3A_472 = tpu.vector_load %parallel_loop3A_469[%parallel_loop3A_470, %parallel_loop3A_471] {strides = array<i32>} : memref<200x64xf32, #tpu.memory_space<vmem>>, vector<16xf32>,
        tpu.vector_store %parallel_loop3A_469[%parallel_loop3A_470, %parallel_loop3A_471], %parallel_loop3A_465 {strides = array<i32>} : memref<200x64xf32, #tpu.memory_space<vmem>>, vector<16xf32>,
        %parallel_loop3A_473 = vector.broadcast %parallel_loop3A_439 : f32 to vector<16xf32>
        %parallel_loop3A_474 = arith.mulf %parallel_loop3A_397, %parallel_loop3A_473 : vector<16xf32>
        %parallel_loop3A_475 = arith.mulf %parallel_loop3A_474, %get3A_9 : vector<16xf32>
        %parallel_loop3A_476 = arith.addf %parallel_loop3A_475, %get3A_17 : vector<16xf32>
        %parallel_loop3A_477 = arith.constant 0 : i32
        %parallel_loop3A_478 = arith.constant 0 : i32
        %parallel_loop3A_479 = tpu.memref_slice %arg10[%parallel_loop3A_317, %parallel_loop3A_477, %parallel_loop3A_478] : memref<2x200x64xf32, #tpu.memory_space<vmem>> -> memref<1x200x64xf32, #tpu.memory_space<vmem>>
        %parallel_loop3A_480 = tpu.memref_squeeze %parallel_loop3A_479 : memref<1x200x64xf32, #tpu.memory_space<vmem>> -> memref<200x64xf32, #tpu.memory_space<vmem>>
        %parallel_loop3A_481 = arith.index_cast %parallel_loop3A_336 : i32 to index
        %parallel_loop3A_482 = arith.constant 48 : index
        %parallel_loop3A_483 = tpu.vector_load %parallel_loop3A_480[%parallel_loop3A_481, %parallel_loop3A_482] {strides = array<i32>} : memref<200x64xf32, #tpu.memory_space<vmem>>, vector<16xf32>,
        tpu.vector_store %parallel_loop3A_480[%parallel_loop3A_481, %parallel_loop3A_482], %parallel_loop3A_476 {strides = array<i32>} : memref<200x64xf32, #tpu.memory_space<vmem>>, vector<16xf32>,
      } {sc.loop_unroll_factor = 4 : i64, sc.parallel_access}
      %add3A_318 = arith.addi %mul3A_2, %add3A_282 : i32
      %dma_start3A_319 = arith.constant 1 : i32
      %dma_start3A_320 = arith.constant 0 : i32
      %dma_start3A_321 = arith.constant 0 : i32
      %dma_start3A_322 = tpu.memref_slice %arg10[%dma_start3A_319, %dma_start3A_320, %dma_start3A_321] : memref<2x200x64xf32, #tpu.memory_space<vmem>> -> memref<1x200x64xf32, #tpu.memory_space<vmem>>
      %dma_start3A_323 = tpu.memref_squeeze %dma_start3A_322 : memref<1x200x64xf32, #tpu.memory_space<vmem>> -> memref<200x64xf32, #tpu.memory_space<vmem>>
      %dma_start3A_324 = arith.constant 0 : i32
      %dma_start3A_325 = arith.constant 0 : i32
      %dma_start3A_326 = tpu.memref_slice %arg7[%add3A_318, %dma_start3A_324, %dma_start3A_325] : memref<4096x200x64xf32, #tpu.memory_space<hbm>> -> memref<1x200x64xf32, #tpu.memory_space<hbm>>
      %dma_start3A_327 = tpu.memref_squeeze %dma_start3A_326 : memref<1x200x64xf32, #tpu.memory_space<hbm>> -> memref<200x64xf32, #tpu.memory_space<hbm>>
      %dma_start3A_328 = arith.constant 0 : i32
      %dma_start3A_329 = arith.constant 0 : i32
      %dma_start3A_330 = tpu.memref_slice %arg7[%add3A_318, %dma_start3A_328, %dma_start3A_329] : memref<4096x200x64xf32, #tpu.memory_space<hbm>> -> memref<1x200x64xf32, #tpu.memory_space<hbm>>
      %dma_start3A_331 = tpu.memref_squeeze %dma_start3A_330 : memref<1x200x64xf32, #tpu.memory_space<hbm>> -> memref<200x64xf32, #tpu.memory_space<hbm>>
      %dma_start3A_332 = arith.constant 0 : i32
      %dma_start3A_333 = arith.constant 0 : i32
      %dma_start3A_334 = tpu.memref_slice %arg10[%dma_start3A_319, %dma_start3A_332, %dma_start3A_333] : memref<2x200x64xf32, #tpu.memory_space<vmem>> -> memref<1x200x64xf32, #tpu.memory_space<vmem>>
      %dma_start3A_335 = tpu.memref_squeeze %dma_start3A_334 : memref<1x200x64xf32, #tpu.memory_space<vmem>> -> memref<200x64xf32, #tpu.memory_space<vmem>>
      tpu.enqueue_dma source(%dma_start3A_335 : memref<200x64xf32, #tpu.memory_space<vmem>>) target(%dma_start3A_331 : memref<200x64xf32, #tpu.memory_space<hbm>>) target_semaphore(%arg19 : memref<!tpu.dma_semaphore, #tpu.memory_space<semaphore_mem>>)
    }
    %scan3A_84 = arith.constant 32 : i32
    %dma_wait3A = arith.constant 0 : i32
    %dma_wait3A_85 = arith.constant 0 : i32
    %dma_wait3A_86 = arith.constant 0 : i32
    %dma_wait3A_87 = tpu.memref_slice %arg10[%dma_wait3A, %dma_wait3A_85, %dma_wait3A_86] : memref<2x200x64xf32, #tpu.memory_space<vmem>> -> memref<1x200x64xf32, #tpu.memory_space<vmem>>
    %dma_wait3A_88 = tpu.memref_squeeze %dma_wait3A_87 : memref<1x200x64xf32, #tpu.memory_space<vmem>> -> memref<200x64xf32, #tpu.memory_space<vmem>>
    %dma_wait3A_89 = arith.constant 0 : i32
    %dma_wait3A_90 = arith.constant 0 : i32
    %dma_wait3A_91 = tpu.memref_slice %arg7[%mul3A_2, %dma_wait3A_89, %dma_wait3A_90] : memref<4096x200x64xf32, #tpu.memory_space<hbm>> -> memref<1x200x64xf32, #tpu.memory_space<hbm>>
    %dma_wait3A_92 = tpu.memref_squeeze %dma_wait3A_91 : memref<1x200x64xf32, #tpu.memory_space<hbm>> -> memref<200x64xf32, #tpu.memory_space<hbm>>
    %dma_wait3A_93 = arith.constant 0 : i32
    %dma_wait3A_94 = arith.constant 0 : i32
    %dma_wait3A_95 = tpu.memref_slice %arg7[%mul3A_2, %dma_wait3A_93, %dma_wait3A_94] : memref<4096x200x64xf32, #tpu.memory_space<hbm>> -> memref<1x200x64xf32, #tpu.memory_space<hbm>>
    %dma_wait3A_96 = tpu.memref_squeeze %dma_wait3A_95 : memref<1x200x64xf32, #tpu.memory_space<hbm>> -> memref<200x64xf32, #tpu.memory_space<hbm>>
    %dma_wait3A_97 = arith.constant 0 : i32
    %dma_wait3A_98 = arith.constant 0 : i32
    %dma_wait3A_99 = tpu.memref_slice %arg10[%dma_wait3A, %dma_wait3A_97, %dma_wait3A_98] : memref<2x200x64xf32, #tpu.memory_space<vmem>> -> memref<1x200x64xf32, #tpu.memory_space<vmem>>
    %dma_wait3A_100 = tpu.memref_squeeze %dma_wait3A_99 : memref<1x200x64xf32, #tpu.memory_space<vmem>> -> memref<200x64xf32, #tpu.memory_space<vmem>>
    tpu.wait_dma2 semaphore(%arg18 : memref<!tpu.dma_semaphore, #tpu.memory_space<semaphore_mem>>) src(%dma_wait3A_100 : memref<200x64xf32, #tpu.memory_space<vmem>>) dst(%dma_wait3A_96 : memref<200x64xf32, #tpu.memory_space<hbm>>)
    %dma_wait3A_101 = arith.constant 1 : i32
    %dma_wait3A_102 = arith.constant 0 : i32
    %dma_wait3A_103 = arith.constant 0 : i32
    %dma_wait3A_104 = tpu.memref_slice %arg10[%dma_wait3A_101, %dma_wait3A_102, %dma_wait3A_103] : memref<2x200x64xf32, #tpu.memory_space<vmem>> -> memref<1x200x64xf32, #tpu.memory_space<vmem>>
    %dma_wait3A_105 = tpu.memref_squeeze %dma_wait3A_104 : memref<1x200x64xf32, #tpu.memory_space<vmem>> -> memref<200x64xf32, #tpu.memory_space<vmem>>
    %dma_wait3A_106 = arith.constant 0 : i32
    %dma_wait3A_107 = arith.constant 0 : i32
    %dma_wait3A_108 = tpu.memref_slice %arg7[%mul3A_2, %dma_wait3A_106, %dma_wait3A_107] : memref<4096x200x64xf32, #tpu.memory_space<hbm>> -> memref<1x200x64xf32, #tpu.memory_space<hbm>>
    %dma_wait3A_109 = tpu.memref_squeeze %dma_wait3A_108 : memref<1x200x64xf32, #tpu.memory_space<hbm>> -> memref<200x64xf32, #tpu.memory_space<hbm>>
    %dma_wait3A_110 = arith.constant 0 : i32
    %dma_wait3A_111 = arith.constant 0 : i32
    %dma_wait3A_112 = tpu.memref_slice %arg7[%mul3A_2, %dma_wait3A_110, %dma_wait3A_111] : memref<4096x200x64xf32, #tpu.memory_space<hbm>> -> memref<1x200x64xf32, #tpu.memory_space<hbm>>
    %dma_wait3A_113 = tpu.memref_squeeze %dma_wait3A_112 : memref<1x200x64xf32, #tpu.memory_space<hbm>> -> memref<200x64xf32, #tpu.memory_space<hbm>>
    %dma_wait3A_114 = arith.constant 0 : i32
    %dma_wait3A_115 = arith.constant 0 : i32
    %dma_wait3A_116 = tpu.memref_slice %arg10[%dma_wait3A_101, %dma_wait3A_114, %dma_wait3A_115] : memref<2x200x64xf32, #tpu.memory_space<vmem>> -> memref<1x200x64xf32, #tpu.memory_space<vmem>>
    %dma_wait3A_117 = tpu.memref_squeeze %dma_wait3A_116 : memref<1x200x64xf32, #tpu.memory_space<vmem>> -> memref<200x64xf32, #tpu.memory_space<vmem>>
    tpu.wait_dma2 semaphore(%arg19 : memref<!tpu.dma_semaphore, #tpu.memory_space<semaphore_mem>>) src(%dma_wait3A_117 : memref<200x64xf32, #tpu.memory_space<vmem>>) dst(%dma_wait3A_113 : memref<200x64xf32, #tpu.memory_space<hbm>>)
    return
  }
}

</mosaic_0001>

<sc_bundles>
// kernel: kernel.3.cloned.1.call-start
scs
__scs_entry_jumppad:
0x0: {  	(pc) =	sbr.rel $0x88, $3  }
0x1: {  	(tag) =	ssettag $0x0;
	lr =	simm.s32 $0x1  }
0x2: {  	[smem:$0x3F9C] =	sst lr;
	_ =	strace $0xD0000000  }
0x3: {  	_ = 	snop  }
0x4: {  	_ = 	snop  }
0x5: {  	_ = 	snop  }
0x6: {  	_ = 	snop  }
0x7: {  	_ = 	snop  }
__scs_overlays_trampoline_lowered:
0x8: {  	[smem:$0x3FAB] =	sst s0  }
0x9: {  	[smem:$0x3FAC] =	sst s1  }
0xa: {  	[smem:$0x3FAD] =	sst s2  }
0xb: {  	[smem:$0x3FAE] =	sst s3  }
0xc: {  	[smem:$0x3FAF] =	sst s4  }
0xd: {  	[smem:$0x3FB0] =	sst s5  }
0xe: {  	[smem:$0x3FB1] =	sst s6  }
0xf: {  	[smem:$0x3FB2] =	sst s7  }
0x10: {  	[smem:$0x3FB3] =	sst s8  }
0x11: {  	[smem:$0x3FB4] =	sst s9;
	s0 =	simm.s32 @!p0 $0x0  }
0x12: {  	s1 =	sld [smem:$0x3F9A];
	s0 =	simm.s32 @p0 $0x1  }
0x13: {  	[smem:$0x3FB5] =	sst s0;
	s0 =	simm.s32 @!p1 $0x0  }
0x14: {  	s2 =	sld [smem:$0x3F99];
	s0 =	simm.s32 @p1 $0x1  }
0x15: {  	[smem:$0x3FB6] =	sst s0;
	s0 =	simm.s32 @!p2 $0x0  }
0x16: {  	s3 =	sld [smem:$0x3FDB];
	s0 =	simm.s32 @p2 $0x1  }
0x17: {  	s4 =	simm.s32 $0x1BF5;
	[smem:$0x3FB8] =	sst s0  }
0x18: {  	s0 =	sld [smem:$0x3F9B];
	_ =	swait.ge [sflag:s4], $0x0  }
0x19: {  	s7 =	sld [smem:$0x3F9C]  }
0x1a: {  	s8 =	sadd.s32 $0xFFFFE003, lr  }
0x1b: {  	s9 =	sadd.s32 $0xFFFFFEF7, lr;
	s5 =	simm.s32 $0xFFFFFFFF;
	p2 =	slt.u32 s8, $0xFFFFF086  }
0x1c: {  	p1 =	slt.u32 s9, $0xF7A;
	s5 =	simm.s32 @!p2 $0x0  }
0x1d: {  	s5 =	simm.s32 @p1 $0x1;
	p0 =	seq.s32 s7, s2  }
0x1e: {  	s7 =	smul.u32 @!p0 $0xF7A, s2;
	p2 =	seq.s32 @!p0 s5, $0x0  }
0x1f: {  	s9 =	smul.u32 $0xF7A, s1;
	s8 =	simm.s32 @!p0 $0x1BF5;
	p2 =	por !p2, p0  }
0x20: {  	[sflag:s8] =	ssyncset.s32 @!p0 $0xFFFFF086;
	s6 =	sadd.s32 @!p0 s3, s7;
	s7 =	simm.s32 @!p0 $0x108  }
0x21: {  	s3 =	sadd.s32 s3, s9;
	s6 =	sadd.s32 @!p0 $0x88, s6;
	s7 =	simm.s32 @p2 $0x1082  }
0x22: {  	[simem:s7], [sflag:s8] =	dma.local @!p0 [hbm:s6], $0xF7A  }
0x23: {  	s9 =	sor.u32 $0xD0000000, s2;
	s6 =	simm.s32 $0x108;
	_ =	swait.ge @!p0 [sflag:s8], $0x0  }
0x24: {  	s3 =	sadd.s32 $0x88, s3;
	s6 =	simm.s32 @!p1 $0x1082;
	[sflag:s4] =	ssyncset.s32 $0xFFFFF086  }
0x25: {  	[simem:s6], [sflag:s4] =	dma.local [hbm:s3], $0xF7A  }
0x26: {  	[smem:$0x3F9C] =	sst s1;
	(tag) =	ssettag s2;
	_ =	strace s9  }
0x27: {  	s1 =	sld [smem:$0x3FAC]  }
0x28: {  	s2 =	sld [smem:$0x3FAD]  }
0x29: {  	s4 =	sld [smem:$0x3FAF]  }
0x2a: {  	p0 =	seq.s32 s5, $0x0;
	s5 =	sld [smem:$0x3FB0]  }
0x2b: {  	s6 =	sld [smem:$0x3FB1]  }
0x2c: {  	s7 =	sld [smem:$0x3FB2]  }
0x2d: {  	s3 =	simm.s32 $0x108;
	s8 =	sld [smem:$0x3FB3]  }
0x2e: {  	s3 =	simm.s32 @!p0 $0x1082;
	s9 =	sld [smem:$0x3FB4]  }
0x2f: {  	lr =	sadd.s32 s0, s3;
	s0 =	sld [smem:$0x3FAB]  }
0x30: {  	s3 =	sld [smem:$0x3FAE]  }
0x31: {  	[smem:$0x3FB7] =	sst s10  }
0x32: {  	s10 =	sld [smem:$0x3FB5];
	_ =	sdelay $0x3  }
0x33: {  	p0 =	seq.s32 s10, $0x1;
	s10 =	sld [smem:$0x3FB7];
	_ =	sdelay $0x3  }
0x34: {  	[smem:$0x3FB7] =	sst s10  }
0x35: {  	s10 =	sld [smem:$0x3FB6];
	_ =	sdelay $0x3  }
0x36: {  	p1 =	seq.s32 s10, $0x1;
	s10 =	sld [smem:$0x3FB7];
	_ =	sdelay $0x3  }
0x37: {  	[smem:$0x3FB7] =	sst s10  }
0x38: {  	s10 =	sld [smem:$0x3FB8]  }
0x39: {  	_ = 	snop;
	(pc) =	sbr.ind lr, $3  }
0x3a: {  	_ = 	snop  }
0x3b: {  	_ = 	snop  }
0x3c: {  	p2 =	seq.s32 s10, $0x1;
	s10 =	sld [smem:$0x3FB7]  }
0x3d: {  	_ =	shalt  }
0x3e: {  	_ =	shalt  }
0x3f: {  	_ =	shalt  }
0x40: {  	_ =	shalt  }
0x41: {  	_ =	shalt  }
0x42: {  	_ =	shalt  }
0x43: {  	_ =	shalt  }
0x44: {  	_ =	shalt  }
0x45: {  	_ =	shalt  }
0x46: {  	_ =	shalt  }
0x47: {  	_ =	shalt  }
0x48: {  	_ =	shalt  }
0x49: {  	_ =	shalt  }
0x4a: {  	_ =	shalt  }
0x4b: {  	_ =	shalt  }
0x4c: {  	_ =	shalt  }
0x4d: {  	_ =	shalt  }
0x4e: {  	_ =	shalt  }
0x4f: {  	_ =	shalt  }
0x50: {  	_ =	shalt  }
0x51: {  	_ =	shalt  }
0x52: {  	_ =	shalt  }
0x53: {  	_ =	shalt  }
0x54: {  	_ =	shalt  }
0x55: {  	_ =	shalt  }
0x56: {  	_ =	shalt  }
0x57: {  	_ =	shalt  }
0x58: {  	_ =	shalt  }
0x59: {  	_ =	shalt  }
0x5a: {  	_ =	shalt  }
0x5b: {  	_ =	shalt  }
0x5c: {  	_ =	shalt  }
0x5d: {  	_ =	shalt  }
0x5e: {  	_ =	shalt  }
0x5f: {  	_ =	shalt  }
0x60: {  	_ =	shalt  }
0x61: {  	_ =	shalt  }
0x62: {  	_ =	shalt  }
0x63: {  	_ =	shalt  }
0x64: {  	_ =	shalt  }
0x65: {  	_ =	shalt  }
0x66: {  	_ =	shalt  }
0x67: {  	_ =	shalt  }
0x68: {  	_ =	shalt  }
0x69: {  	_ =	shalt  }
0x6a: {  	_ =	shalt  }
0x6b: {  	_ =	shalt  }
0x6c: {  	_ =	shalt  }
0x6d: {  	_ =	shalt  }
0x6e: {  	_ =	shalt  }
0x6f: {  	_ =	shalt  }
0x70: {  	_ =	shalt  }
0x71: {  	_ =	shalt  }
0x72: {  	_ =	shalt  }
0x73: {  	_ =	shalt  }
0x74: {  	_ =	shalt  }
0x75: {  	_ =	shalt  }
0x76: {  	_ =	shalt  }
0x77: {  	_ =	shalt  }
0x78: {  	_ =	shalt  }
0x79: {  	_ =	shalt  }
0x7a: {  	_ =	shalt  }
0x7b: {  	_ =	shalt  }
0x7c: {  	_ =	shalt  }
0x7d: {  	_ =	shalt  }
0x7e: {  	_ =	shalt  }
0x7f: {  	_ =	shalt  }
0x80: {  	_ =	shalt  }
0x81: {  	_ =	shalt  }
0x82: {  	_ =	shalt  }
0x83: {  	_ =	shalt  }
0x84: {  	_ =	shalt  }
0x85: {  	_ =	shalt  }
0x86: {  	_ =	shalt  }
0x87: {  	_ =	shalt  }
.Lfunc_end0:
.L_simem_size_0:
called_computation.1_lowered:
.L_overlay_start_0:
0x88: {  	s2 =	sld [smem:$0x3FD9]  }
0x89: {  	s3 =	sld [smem:$0x3FFE];
	_ =	sdelay $0x1  }
0x8a: {  	s1 =	srdreg.scid  }
0x8b: {  	s0 =	sand.u32 $0x1, s1  }
0x8c: {  	s17 =	sshll.u32 s0, $0xA;
	s2 =	sadd.s32 s3, s2  }
0x8d: {  	s2 =	sadd.s32 s2, s17  }
0x8e: {  	[smem:$0x3FC3] =	sst s2  }
0x8f: {  	_ = 	snop  }
0x90: {  	s2 =	sld [smem:$0x3FC6]  }
0x91: {  	s18 =	sld [smem:$0x3FC5]  }
0x92: {  	s4 =	sld [smem:$0x3FD0];
	(tm) =	ssettm $0x1  }
0x93: {  	s5 =	sld [smem:$0x3FFB];
	_ =	sdelay $0x3  }
0x94: {  	_ =	strace s5  }
0x95: {  	s5 =	sld [smem:$0x3FFC];
	_ =	sdelay $0x3  }
0x96: {  	_ =	strace s5  }
0x97: {  	s5 =	sld [smem:$0x3FFD];
	_ =	sdelay $0x3  }
0x98: {  	_ =	strace s5  }
0x99: {  	_ =	strace $0x8FFFFFFF  }
0x9a: {  	s19 =	sld [smem:$0x3FDB];
	_ =	sdelay $0x1  }
0x9b: {  	s6 =	simm.s32 $_scs_section_size  }
0x9c: {  	s7 =	simm.s32 $_size__tile_overlayer_lowered;
	s8 =	simm.s32 $_tile_overlayer_lowered  }
0x9d: {  	s22 =	simm.s32 $0x1BFF;
	s21 =	sshll.u32 s8, $0x1;
	s5 =	sadd.s32 s6, s19  }
0x9e: {  	s9 =	simm.s32 $0x0;
	s20 =	sshll.u32 s7, $0x1;
	s7 =	sadd.s32 s21, s5  }
0x9f: {  	[timem:s9], [sflag:s22] =	dma.local [hbm:s7], s20  }
0xa0: {  	_ =	swait.ge [sflag:s22], s20  }
0xa1: {  	s6 =	ssub.s32 $0x0, s20;
	[sflag:s22] =	ssyncset.done $0x0  }
0xa2: {  	[sflag:s22] =	ssyncadd.s32 s6;
	_ =	sdelay $0x1  }
0xa3: {  	s23 =	simm.s32 $0x1B8B  }
0xa4: {  	_ =	swait.ge [sflag:s23], $0x1  }
0xa5: {  	[sflag:s23] =	ssyncset.done $0x0  }
0xa6: {  	s25 =	simm.s32 $0x1B8E;
	s24 =	sld [smem:$0x3FFE];
	[sflag:s23] =	ssyncadd.s32 $0xFFFFFFFF  }
0xa7: {  	s26 =	simm.s32 $execute0_lowered;
	[smem:$0x3FD2] =	sst s25  }
0xa8: {  	s7 =	sshll.u32 s26, $0x1;
	_ =	strace $0x80000046;
	[dreg:$0x1] =	wrdreg $0xFFFFFFFF  }
0xa9: {  	s28 =	simm.s32 $_size_execute0_lowered;
	s5 =	sadd.s32 s5, s7;
	[dreg:$0x0] =	wrdreg $0x0  }
0xaa: {  	s7 =	sshll.u32 s28, $0x1;
	[dreg:$0x2] =	wrdreg s5  }
0xab: {  	[dreg:$0x3] =	wrdreg s7  }
0xac: {  	[dreg:$0x4] =	wrdreg $0xC0  }
0xad: {  	_ =	task [dreg:s9], $0x5FFFF  }
0xae: {  	[dreg:$0x1] =	wrdreg $0xFFFFFFFF  }
0xaf: {  	[dreg:$0x0] =	wrdreg $0x60  }
0xb0: {  	[dreg:$0x2] =	wrdreg s24  }
0xb1: {  	[dreg:$0x3] =	wrdreg s2  }
0xb2: {  	[dreg:$0x4] =	wrdreg s18  }
0xb3: {  	[dreg:$0x5] =	wrdreg s4  }
0xb4: {  	[dreg:$0x6] =	wrdreg $0x9  }
0xb5: {  	_ =	task.clear_ibuf [dreg:s9], $0x7FFFF;
	_ =	strace $0x90000046  }
0xb6: {  	s29 =	simm.s32 $0x9;
	_ =	strace $0x80000048  }
0xb7: {  	_ =	swait.ge [sflag:s29], $0x1  }
0xb8: {  	[sflag:s29] =	ssyncadd.s32 $0xFFFFFFFF  }
0xb9: {  	_ =	strace $0x90000048  }
0xba: {  	_ =	sfence  }
0xbb: {  	s30 =	sld [smem:$0x0];
	_ =	sdelay $0x2  }
0xbc: {  	s31 =	sshll.u32 s1, $0xD;
	s1 =	sshrl.u32 s1, $0x2  }
0xbd: {  	s3 =	sand.u32 $0x4000, s31;
	s1 =	sadd.s32 s1, s30  }
0xbe: {  	s0 =	sor.u32 s3, s0;
	s1 =	sshll.u32 s1, $0x11  }
0xbf: {  	s0 =	sor.u32 s1, s0  }
0xc0: {  	s0 =	sadd.s32 $0x8F2B, s0  }
0xc1: {  	[sflag:s0] =	ssyncadd.remote.s32 $0x1  }
0xc2: {  	_ =	sfence.sel $0xFFFF  }
0xc3: {  	[dreg:$0x0] =	wrdreg $0xFFFFFFFF;
	(pc) =	sbr.abs _section_cstart, $3  }
0xc4: {  	[dreg:$0x1] =	wrdreg $0xFFFFFFFF  }
0xc5: {  	_ =	task.clear_ibuf [dreg:s9], $0x2FFFF;
	_ =	strace $0x9FFFFFFF  }
0xc6: {  	(tm) =	ssettm $0x7FFFFFFF  }
0xc7: {  	_ =	shalt  }
tec
execute0_lowered:
.L_overlay_start_1:
0x0: {  	(tag) =	ssettag $0x1  }
0x1: {  	s0 =	rddreg [dreg:$0x0]  }
0x2: {  	s1 =	srdreg.scid;
	s3 =	stileid.u32  }
0x3: {  	s4 =	rddreg [dreg:$0x3];
	s6 =	simm.s32 $0x0;
	s1 =	sand.u32 $0x1, s1  }
0x4: {  	s15 =	simm.s32 $0x64;
	s3 =	sshll.u32 s3, $0x7;
	s2 =	sshll.u32 s1, $0xB  }
0x5: {  	s30 =	simm.s32 $0x13000;
	s9 =	simm.s32 $0x0;
	s5 =	sor.u32 s3, s2  }
0x6: {  	[smem:$0x7FF] =	sst s6;
	s1 =	ssub.s32 $0x2, s1;
	s2 =	smul.u32 $0x1A, s5  }
0x7: {  	s7 =	sadd.s32 $0x1B200, s0;
	_ =	strace $0x80000047;
	s28 =	sshrl.u32 s1, $0x1  }
0x8: {  	s3 =	simm.s32 $0x6;
	s2 =	sadd.s32 s2, s0;
	s0 =	sadd.s32 $0xA00, s0  }
0x9: {  	s29 =	ssub.s32 s1, s28;
	[dreg:$0x5] =	wrdreg s0;
	s31 =	sadd.s32 $0x1200, s2  }
0xa: {  	s1 =	simm.s32 $0x4;
	s0 =	smax.u32 s29, $0x1;
	[dreg:$0x6] =	wrdreg s31  }
0xb: {  	s2 =	simm.s32 $0x3;
	[dreg:$0x7] =	wrdreg s0;
	s0 =	simm.s32 $0x5  }
.LBB2_1:
0xc: {  	[dreg:$0x8] =	wrdreg s9  }
0xd: {  	s8 =	rddreg [dreg:$0x6];
	s17 =	simm.s32 $0x7  }
0xe: {  	[tilespmem:s6], [sflag:$0x7] =	stream.linear.gather [hbm4b:s8+s6], $0x6800, $0x38;
	[tilespmem:$0x1C680] =	vst v63  }
0xf: {  	_ =	swait.ge [sflag:s17], $0x6800  }
0x10: {  	[sflag:s17] =	ssyncset.done $0x0  }
0x11: {  	s10 =	simm.s32 $0x19400;
	s18 =	rddreg [dreg:$0x5];
	[sflag:s17] =	ssyncadd.s32 $0xFFFF9800  }
0x12: {  	[tilespmem:s10], [sflag:$0x7] =	stream.linear.gather [hbm4b:s18+s6], $0x3200, $0x38;
	[tilespmem:$0x1C680] =	vst v63  }
0x13: {  	_ =	swait.ge [sflag:s17], $0x3200  }
0x14: {  	[sflag:s17] =	ssyncset.done $0x0  }
0x15: {  	[sflag:s17] =	ssyncadd.s32 $0xFFFFCE00  }
0x16: {  	s20 =	simm.s32 $0x1C600;
	s19 =	rddreg [dreg:$0x1]  }
0x17: {  	[tilespmem:s20], [sflag:$0x7] =	stream.linear.gather [hbm4b:s19+s6], $0x40, $0x38;
	[tilespmem:$0x1C680] =	vst v63  }
0x18: {  	_ =	swait.ge [sflag:s17], $0x40  }
0x19: {  	[sflag:s17] =	ssyncset.done $0x0  }
0x1a: {  	[sflag:s17] =	ssyncadd.s32 $0xFFFFFFC0  }
0x1b: {  	s22 =	simm.s32 $0x1C640;
	s21 =	rddreg [dreg:$0x2]  }
0x1c: {  	[tilespmem:s22], [sflag:$0x7] =	stream.linear.gather [hbm4b:s21+s6], $0x40, $0x38;
	[tilespmem:$0x1C680] =	vst v63  }
0x1d: {  	_ =	swait.ge [sflag:s17], $0x40  }
0x1e: {  	[sflag:s17] =	ssyncset.done $0x0  }
0x1f: {  	[sflag:s17] =	ssyncadd.s32 $0xFFFFFFC0  }
0x20: {  	v0 =	vld [tilespmem:$0x1C600]  }
0x21: {  	v57 =	vld [tilespmem:$0x1C610]  }
0x22: {  	v58 =	vld [tilespmem:$0x1C620]  }
0x23: {  	v59 =	vld [tilespmem:$0x1C630]  }
0x24: {  	v60 =	vld [tilespmem:$0x1C640]  }
0x25: {  	v61 =	vld [tilespmem:$0x1C650]  }
0x26: {  	s23 =	simm.s32 $0x6800;
	v62 =	vld [tilespmem:$0x1C660]  }
0x27: {  	v63 =	vld [tilespmem:$0x1C670];
	[tilespmem:s23], [sflag:$0x1] =	stream.indirect.gather [hbm4b:s7+s15], $0x40, s6, s15, $0xb8  }
0x28: {  	s24 =	simm.s32 $0x68;
	s25 =	simm.s32 $0x8100  }
0x29: {  	[tilespmem:s25], [sflag:$0x1] =	stream.indirect.gather [hbm4b:s7+s15], $0x40, s24, s15, $0xb8;
	[tilespmem:$0x1C680] =	vst v63  }
0x2a: {  	s26 =	simm.s32 $0xD0;
	s28 =	simm.s32 $0x9A00  }
0x2b: {  	[tilespmem:s28], [sflag:$0x2] =	stream.indirect.gather [hbm4b:s7+s15], $0x40, s26, s15, $0xb8;
	[tilespmem:$0x1C680] =	vst v63  }
0x2c: {  	[tilespmem:$0x1FF80] =	vst v0  }
0x2d: {  	[tilespmem:$0x1FF90] =	vst v57  }
0x2e: {  	[tilespmem:$0x1FFA0] =	vst v58  }
0x2f: {  	[tilespmem:$0x1FFB0] =	vst v59  }
0x30: {  	[tilespmem:$0x1FFC0] =	vst v60  }
0x31: {  	[tilespmem:$0x1FFD0] =	vst v61  }
0x32: {  	[tilespmem:$0x1FFE0] =	vst v62  }
0x33: {  	s29 =	simm.s32 $0x138;
	s31 =	simm.s32 $0xB300;
	s13 =	simm.s32 $0x0;
	[tilespmem:$0x1FFF0] =	vst v63  }
0x34: {  	[tilespmem:s31], [sflag:$0x2] =	stream.indirect.gather [hbm4b:s7+s15], $0x40, s29, s15, $0xb8;
	[tilespmem:$0x1C680] =	vst v63  }
.LBB2_2:
0x35: {  	s17 =	sshll.u32 s13, $0x2  }
0x36: {  	s14 =	sor.u32 $0x2, s17  }
0x37: {  	s8 =	smul.u32 $0x340, s14;
	_ =	sdelay $0x1  }
0x38: {  	s9 =	simm.s32 $0xCC00;
	s8 =	sshra.s32 s8, $0x2  }
0x39: {  	[tilespmem:s9], [sflag:$0x3] =	stream.indirect.gather [hbm4b:s7+s15], $0x40, s8, s15, $0xb8;
	[tilespmem:$0x1C680] =	vst v63  }
0x3a: {  	s10 =	simm.s32 $0xE500;
	s11 =	simm.s32 $0x1;
	s8 =	sadd.s32 $0x68, s8  }
0x3b: {  	[tilespmem:s10], [sflag:$0x3] =	stream.indirect.gather [hbm4b:s7+s15], $0x40, s8, s15, $0xb8;
	[tilespmem:$0x1C680] =	vst v63  }
0x3c: {  	_ =	swait.ge [sflag:s11], $0x3200  }
0x3d: {  	p0 =	seq.s32 s13, $0x0;
	[sflag:s11] =	ssyncset.done $0x0  }
0x3e: {  	s8 =	simm.s32 @!p0 $0x5;
	[sflag:s11] =	ssyncadd.s32 $0xFFFFCE00  }
0x3f: {  	_ =	swait.ge @!p0 [sflag:s8], $0x3200  }
0x40: {  	[sflag:s8] =	ssyncset.done @!p0 $0x0  }
0x41: {  	s12 =	simm.s32 $0x6880;
	[sflag:s8] =	ssyncadd.s32 @!p0 $0xFFFFCE00  }
0x42: {  	s16 =	simm.s32 $0x19480;
	v0 =	vld [tilespmem:s12+$0x40]  }
0x43: {  	v1 =	vld [tilespmem:s16+$0x40]  }
0x44: {  	v2 =	vld [tilespmem:s12+$0x50]  }
0x45: {  	v3 =	vld [tilespmem:s16+$0x50]  }
0x46: {  	v8 =	vld [tilespmem:s12+$0x60]  }
0x47: {  	v9 =	vld [tilespmem:s16+$0x60]  }
0x48: {  	v10 =	vld [tilespmem:s12+$0x70]  }
0x49: {  	v11 =	vld [tilespmem:s16+$0x70];
	_ =	sdelay $0x3  }
0x4a: {  	v0 =	vadd.f32 v1, v0;
	v1 =	vadd.f32 v3, v2  }
0x4b: {  	v2 =	vadd.f32 v9, v8;
	v3 =	vadd.f32 v11, v10;
	_ =	sdelay $0x1  }
0x4c: {  	v39 =	vld [tilespmem:s12+$0xFFFFFFC0];
	v36 =	vadd.f32 v1, v0;
	v10 =	vadd.f32 v3, v2  }
0x4d: {  	v14 =	vld [tilespmem:s16+$0xFFFFFFC0]  }
0x4e: {  	v15 =	vld [tilespmem:s12+$0xFFFFFFD0];
	v9 =	vadd.f32 v10, v36  }
0x4f: {  	v16 =	vld [tilespmem:s16+$0xFFFFFFD0]  }
0x50: {  	v17 =	vld [tilespmem:s12+$0xFFFFFFE0];
	(xrf2) =	vadd.scan.msk.f32 $0xffff, v9  }
0x51: {  	v18 =	vld [tilespmem:s16+$0xFFFFFFE0]  }
0x52: {  	v19 =	vld [tilespmem:s12+$0xFFFFFFF0]  }
0x53: {  	v20 =	vld [tilespmem:s16+$0xFFFFFFF0]  }
0x54: {  	v35 =	vld [tilespmem:s16+$0xFFFFFF80]  }
0x55: {  	v37 =	vld [tilespmem:s12+$0xFFFFFF90]  }
0x56: {  	v12 =	vld [tilespmem:s16+$0xFFFFFF90]  }
0x57: {  	v38 =	vld [tilespmem:s12+$0xFFFFFFA0];
	v9 =	vadd.f32 v14, v39;
	v14 =	vadd.f32 v16, v15  }
0x58: {  	v13 =	vld [tilespmem:s16+$0xFFFFFFA0];
	v15 =	vadd.f32 v18, v17;
	v16 =	vadd.f32 v20, v19  }
0x59: {  	v21 =	vld [tilespmem:s12+$0xFFFFFFB0]  }
0x5a: {  	v22 =	vld [tilespmem:s16+$0xFFFFFFB0];
	v41 =	vadd.f32 v14, v9;
	v17 =	vadd.f32 v16, v15;
	v23, _, _ =	vpop (xrf2)  }
0x5b: {  	(v2sf) =	vpush v23, $0xF;
	v23 =	vld [tilespmem:s12+$0xFFFFFF80]  }
0x5c: {  	v11 =	vadd.f32 v17, v41;
	_ =	sdelay $0x1  }
0x5d: {  	(xrf2) =	vadd.scan.msk.f32 $0xffff, v11  }
0x5e: {  	v12 =	vadd.f32 v12, v37;
	v13 =	vadd.f32 v13, v38  }
0x5f: {  	v40 =	vld [tilespmem:s12+$0x0];
	v18 =	vadd.f32 v22, v21;
	v20 =	vadd.f32 v35, v23  }
0x60: {  	v42 =	vld [tilespmem:s12+$0x10]  }
0x61: {  	v43 =	vld [tilespmem:s16+$0x20];
	v17 =	vadd.f32 v18, v13;
	v22 =	vadd.f32 v12, v20  }
0x62: {  	v24 =	vld [tilespmem:s16+$0x30]  }
0x63: {  	v19 =	vld [tilespmem:s16+$0x0];
	v17 =	vadd.f32 v17, v22  }
0x64: {  	v21 =	vld [tilespmem:s16+$0x10]  }
0x65: {  	v23 =	vld [tilespmem:s12+$0x20];
	(xrf2) =	vadd.scan.msk.f32 $0xffff, v17  }
0x66: {  	v22 =	vld [tilespmem:s12+$0x30]  }
0x67: {  	v28, _, _ =	vpop (xrf2)  }
0x68: {  	s19 =	simm.s32 $0x19580;
	(v2sf) =	vpush v28, $0xF  }
0x69: {  	s18 =	simm.s32 $0x6980;
	v25 =	vld [tilespmem:s19+$0x40]  }
0x6a: {  	v26 =	vld [tilespmem:s18+$0x50];
	v19 =	vadd.f32 v19, v40;
	v21 =	vadd.f32 v21, v42;
	s10 =	spop (v2sf)  }
0x6b: {  	v44 =	vld [tilespmem:s19+$0x50];
	v23 =	vadd.f32 v43, v23;
	v22 =	vadd.f32 v24, v22;
	s10 =	smul.f32 $1.562500000e-02, s10  }
0x6c: {  	v45 =	vld [tilespmem:s18+$0x60]  }
0x6d: {  	v46 =	vld [tilespmem:s19+$0x60];
	v24 =	vadd.f32 v21, v19;
	v27 =	vadd.f32 v22, v23;
	v29 =	vmov s10  }
0x6e: {  	v17 =	vld [tilespmem:s18+$0x40];
	v58 =	vsub.f32 v0, v29;
	v55 =	vsub.f32 v1, v29  }
0x6f: {  	v30 =	vld [tilespmem:s18+$0x70];
	v56 =	vsub.f32 v2, v29;
	v60 =	vsub.f32 v3, v29;
	v3, _, _ =	vpop (xrf2)  }
0x70: {  	v0 =	vld [tilespmem:s19+$0x70];
	v1 =	vadd.f32 v27, v24;
	(v2sf) =	vpush v3, $0xF  }
0x71: {  	v2 =	vmul.f32 v58, v58  }
0x72: {  	v27 =	vmul.f32 v56, v56;
	(xrf2) =	vadd.scan.msk.f32 $0xffff, v1;
	v1 =	vmul.f32 v60, v60  }
0x73: {  	v48 =	vld [tilespmem:s18+$0xFFFFFFA0];
	v24 =	vmul.f32 v55, v55;
	v3 =	vadd.f32 v25, v17;
	v17 =	vadd.f32 v44, v26  }
0x74: {  	v31 =	vld [tilespmem:s19+$0xFFFFFFD0];
	v25 =	vadd.f32 v46, v45;
	v1 =	vadd.f32 v1, v27  }
0x75: {  	v32 =	vld [tilespmem:s18+$0xFFFFFFE0];
	v26 =	vadd.f32 v0, v30;
	v0 =	vadd.f32 v24, v2  }
0x76: {  	v28 =	vld [tilespmem:s18+$0xFFFFFFC0];
	v2 =	vadd.f32 v17, v3  }
0x77: {  	v29 =	vld [tilespmem:s19+$0xFFFFFFC0];
	s20 =	spop (v2sf);
	v47 =	vadd.f32 v26, v25;
	v0 =	vadd.f32 v1, v0  }
0x78: {  	s10 =	smul.f32 $1.562500000e-02, s20;
	v27 =	vld [tilespmem:s18+$0xFFFFFFB0]  }
0x79: {  	v1 =	vld [tilespmem:s18+$0xFFFFFF90];
	v2 =	vadd.f32 v47, v2;
	(xrf2) =	vadd.scan.msk.f32 $0xffff, v0  }
0x7a: {  	v50 =	vmov s10;
	v0 =	vld [tilespmem:s19+$0xFFFFFF90]  }
0x7b: {  	v24 =	vld [tilespmem:s19+$0xFFFFFF80];
	v6 =	vsub.f32 v9, v50;
	(xrf2) =	vadd.scan.msk.f32 $0xffff, v2  }
0x7c: {  	v30 =	vld [tilespmem:s18+$0xFFFFFFD0];
	v5 =	vsub.f32 v15, v50;
	v49, _, _ =	vpop (xrf2)  }
0x7d: {  	v4 =	vsub.f32 v16, v50;
	v2 =	vld [tilespmem:s19+$0xFFFFFFA0];
	[tilespmem:$0x1FEF0] =	vst v6;
	(v2sf) =	vpush v49, $0xF  }
0x7e: {  	v51 =	vld [tilespmem:s19+$0xFFFFFFE0];
	[tilespmem:$0x1FF00] =	vst v5  }
0x7f: {  	v52 =	vadd.f32 v0, v1;
	v1 =	vld [tilespmem:s18+$0xFFFFFFF0];
	[tilespmem:$0x1FF10] =	vst v4;
	s21 =	spop (v2sf)  }
0x80: {  	v57 =	vsub.f32 v14, v50;
	v14 =	vld [tilespmem:s19+$0xFFFFFFF0];
	s10 =	smul.f32 $1.562500000e-02, s21;
	_ =	sdelay $0x1  }
0x81: {  	v53 =	vadd.f32 v2, v48;
	v2 =	vmov s10  }
0x82: {  	v54 =	vadd.f32 v29, v28;
	v0, _, _ =	vpop (xrf2);
	v29 =	vsub.f32 v20, v2  }
0x83: {  	(v2sf) =	vpush v0, $0xF;
	v7 =	vsub.f32 v12, v2  }
0x84: {  	v15 =	vld [tilespmem:s19+$0xFFFFFFB0];
	v1 =	vadd.f32 v14, v1;
	v0, _, _ =	vpop (xrf2);
	v59 =	vsub.f32 v13, v2;
	[tilespmem:$0x1FEB0] =	vst v29  }
0x85: {  	(v2sf) =	vpush v0, $0xF;
	v2 =	vsub.f32 v18, v2;
	v16 =	vld [tilespmem:s18+$0x0];
	[tilespmem:$0x1FEC0] =	vst v7  }
0x86: {  	v12 =	vadd.f32 v31, v30;
	v0 =	vadd.f32 v51, v32;
	v20 =	vld [tilespmem:s19+$0x0];
	[tilespmem:$0x1FED0] =	vst v59  }
0x87: {  	v14 =	vmul.f32 v29, v29;
	[tilespmem:$0x1FEE0] =	vst v2  }
0x88: {  	v29 =	vadd.f32 v12, v54;
	v30 =	vmul.f32 v7, v7;
	v35 =	vadd.f32 v1, v0;
	v61 =	vld [tilespmem:s18+$0xFFFFFF80]  }
0x89: {  	v62 =	vmul.f32 v59, v59;
	v34 =	vmul.f32 v2, v2;
	v18 =	vld [tilespmem:s18+$0x10]  }
0x8a: {  	v28 =	vmul.f32 v6, v6;
	v13 =	vmul.f32 v57, v57;
	v29 =	vadd.f32 v35, v29;
	v31 =	vld [tilespmem:s19+$0x10]  }
0x8b: {  	v36 =	vmul.f32 v5, v5;
	v14 =	vadd.f32 v30, v14;
	v32 =	vadd.f32 v34, v62;
	v33 =	vld [tilespmem:s18+$0x20];
	s22 =	spop (v2sf)  }
0x8c: {  	v28 =	vadd.f32 v13, v28;
	v2 =	vadd.f32 v15, v27;
	v27 =	vmul.f32 v4, v4;
	v15 =	vld [tilespmem:s19+$0x20];
	(xrf2) =	vadd.scan.msk.f32 $0xffff, v29;
	s23 =	smul.f32 $1.562500000e-02, s22  }
0x8d: {  	v30 =	vld [tilespmem:s18+$0x30];
	v14 =	vadd.f32 v32, v14;
	v13 =	vadd.f32 v24, v61  }
0x8e: {  	v63 =	vld [tilespmem:s19+$0x30];
	v37 =	vadd.f32 v27, v36;
	v27 =	vmov s23;
	v24 =	vadd.f32 v2, v53  }
0x8f: {  	(xrf2) =	vadd.scan.msk.f32 $0xffff, v14;
	v38 =	vsub.f32 v19, v27;
	v29 =	vadd.f32 v52, v13  }
0x90: {  	v19 =	vadd.f32 v20, v16;
	v39 =	vsub.f32 v21, v27  }
0x91: {  	v40 =	vsub.f32 v23, v27;
	[tilespmem:$0x1FF20] =	vst v38;
	v16 =	vadd.f32 v24, v29  }
0x92: {  	v18 =	vadd.f32 v31, v18;
	v41 =	vsub.f32 v22, v27;
	[tilespmem:$0x1FF30] =	vst v39  }
0x93: {  	s11 =	simm.s32 $0x6A80;
	v14 =	vadd.f32 v15, v33;
	v15 =	vadd.f32 v63, v30;
	[tilespmem:$0x1FF40] =	vst v40;
	s24 =	spop (v2sf);
	(xrf2) =	vadd.scan.msk.f32 $0xffff, v16  }
0x94: {  	s31 =	simm.s32 $0x19680;
	v22 =	vmul.f32 v38, v38;
	v23 =	vmul.f32 v39, v39;
	v21 =	vld [tilespmem:s11+$0x40];
	[tilespmem:$0x1FF50] =	vst v41;
	s25 =	spop (v2sf)  }
0x95: {  	v20 =	vadd.f32 v15, v14;
	v24 =	vld [tilespmem:s31+$0x40];
	v16 =	vadd.f32 v18, v19;
	s26 =	smul.f32 $1.562500000e-02, s25  }
0x96: {  	v9 =	vadd.f32 v37, v28;
	s8 =	smul.f32 $1.562500000e-02, s24;
	v27 =	vld [tilespmem:s11+$0x50];
	v22 =	vadd.f32 v23, v22;
	v29, _, _ =	vpop (xrf2)  }
0x97: {  	v30 =	vld [tilespmem:s11+$0x70];
	(v2sf) =	vpush v29, $0xF;
	v16 =	vadd.f32 v20, v16;
	v20 =	vmov s26  }
0x98: {  	v28 =	vmul.f32 v40, v40;
	s8 =	sadd.f32 $9.999999960e-13, s8;
	v61 =	vsub.f32 v3, v20;
	v62 =	vsub.f32 v17, v20;
	v3 =	vld [tilespmem:s31+$0x50]  }
0x99: {  	v23, _, _ =	vpop (xrf2);
	v17 =	vmul.f32 v41, v41;
	v63 =	vsub.f32 v25, v20;
	v59 =	vsub.f32 v26, v20;
	v25 =	vld [tilespmem:s31+$0x60]  }
0x9a: {  	s16 =	sshra.s32 s8, $0x1;
	s8 =	smul.f32 $5.000000000e-01, s8;
	(v2sf) =	vpush v23, $0xF;
	v23 =	vld [tilespmem:s31+$0x70];
	(xrf2) =	vadd.scan.msk.f32 $0xffff, v16;
	v42 =	vmul.f32 v61, v61;
	v20 =	vmul.f32 v62, v62  }
0x9b: {  	s10 =	ssub.s32 $0x5F3759DF, s16;
	v16 =	vld [tilespmem:s11+$0x60];
	(xrf2) =	vadd.scan.msk.f32 $0xffff, v9;
	v26 =	vmul.f32 v63, v63;
	v29 =	vmul.f32 v59, v59;
	v17 =	vadd.f32 v17, v28  }
0x9c: {  	s12 =	smul.f32 s10, s8;
	v9 =	vadd.f32 v20, v42  }
0x9d: {  	v46 =	vld [tilespmem:s11+$0xFFFFFFF0];
	v20 =	vadd.f32 v29, v26;
	v17 =	vadd.f32 v17, v22;
	v22, _, _ =	vpop (xrf2)  }
0x9e: {  	v47 =	vld [tilespmem:s31+$0xFFFFFFF0];
	v35 =	vadd.f32 v24, v21;
	s12 =	smul.f32 s10, s12;
	(v2sf) =	vpush v22, $0xF  }
0x9f: {  	v38 =	vld [tilespmem:s11+$0xFFFFFF90];
	v36 =	vadd.f32 v3, v27;
	v9 =	vadd.f32 v20, v9  }
0xa0: {  	v39 =	vld [tilespmem:s31+$0xFFFFFF90];
	s12 =	ssub.f32 $1.500000000e+00, s12;
	v31 =	vadd.f32 v23, v30;
	(xrf2) =	vadd.scan.msk.f32 $0xffff, v17;
	v3 =	vadd.f32 v25, v16  }
0xa1: {  	v21 =	vld [tilespmem:s11+$0xFFFFFFB0];
	(xrf2) =	vadd.scan.msk.f32 $0xffff, v9  }
0xa2: {  	v24 =	vld [tilespmem:s31+$0xFFFFFFB0];
	s10 =	smul.f32 s10, s12;
	v22 =	vadd.f32 v36, v35;
	v23 =	vadd.f32 v31, v3  }
0xa3: {  	v28 =	vld [tilespmem:s11+$0xFFFFFFE0]  }
0xa4: {  	v29 =	vld [tilespmem:s31+$0xFFFFFFE0];
	s12 =	smul.f32 s10, s8;
	v45 =	vadd.f32 v23, v22;
	v43, _, _ =	vpop (xrf2)  }
0xa5: {  	v17 =	vld [tilespmem:s11+$0xFFFFFFA0];
	(v2sf) =	vpush v43, $0xF;
	v44, _, _ =	vpop (xrf2)  }
0xa6: {  	v16 =	vld [tilespmem:s31+$0xFFFFFFA0];
	s12 =	smul.f32 s12, s10;
	(xrf2) =	vadd.scan.msk.f32 $0xffff, v45;
	(v2sf) =	vpush v44, $0xF  }
0xa7: {  	v25 =	vld [tilespmem:s11+$0xFFFFFFC0]  }
0xa8: {  	v22 =	vld [tilespmem:s31+$0xFFFFFFC0];
	s12 =	ssub.f32 $1.500000000e+00, s12;
	s16 =	spop (v2sf)  }
0xa9: {  	v27 =	vld [tilespmem:s31+$0xFFFFFFD0];
	s16 =	smul.f32 $1.562500000e-02, s16  }
0xaa: {  	v23 =	vld [tilespmem:s11+$0xFFFFFFD0];
	s12 =	smul.f32 s12, s10;
	s18 =	spop (v2sf);
	v30, _, _ =	vpop (xrf2)  }
0xab: {  	v33 =	vadd.f32 v47, v46;
	v32 =	vadd.f32 v39, v38;
	s10 =	smul.f32 $1.562500000e-02, s18;
	v26, _, _ =	vpop (xrf2)  }
0xac: {  	v40 =	vld [tilespmem:s11+$0x20];
	v49 =	vadd.f32 v24, v21;
	s8 =	smul.f32 s12, s8;
	(v2sf) =	vpush v26, $0xF  }
0xad: {  	v20 =	vld [tilespmem:s31+$0xFFFFFF80];
	v50 =	vadd.f32 v16, v17;
	v21 =	vadd.f32 v22, v25;
	s10 =	sadd.f32 $9.999999960e-13, s10;
	s19 =	spop (v2sf)  }
0xae: {  	v16 =	vld [tilespmem:s11+$0x0];
	v22 =	vadd.f32 v29, v28;
	v37 =	vmov s16;
	(v2sf) =	vpush v30, $0xF;
	s16 =	smul.f32 $1.562500000e-02, s19  }
0xaf: {  	v17 =	vld [tilespmem:s31+$0x0];
	v42 =	vadd.f32 v49, v50;
	v23 =	vadd.f32 v27, v23;
	s18 =	sshra.s32 s10, $0x1;
	s10 =	smul.f32 $5.000000000e-01, s10  }
0xb0: {  	v25 =	vld [tilespmem:s11+$0x10];
	v5 =	vsub.f32 v54, v37;
	v28 =	vadd.f32 v33, v22;
	s8 =	smul.f32 s8, s12;
	s18 =	ssub.s32 $0x5F3759DF, s18;
	v27, _, _ =	vpop (xrf2);
	v24 =	vmov s16  }
0xb1: {  	v29 =	vld [tilespmem:s31+$0x10];
	s20 =	smul.f32 s18, s10;
	(v2sf) =	vpush v27, $0xF;
	v51 =	vsub.f32 v13, v24  }
0xb2: {  	v30 =	vld [tilespmem:s11+$0xFFFFFF80];
	s8 =	ssub.f32 $1.500000000e+00, s8;
	v27 =	vadd.f32 v23, v21;
	v52 =	vsub.f32 v52, v24  }
0xb3: {  	s16 =	smul.f32 s18, s20;
	v53 =	vsub.f32 v53, v24;
	v54 =	vsub.f32 v2, v24;
	v2 =	vld [tilespmem:s31+$0x20];
	[tilespmem:$0x1FDB0] =	vst v51  }
0xb4: {  	v47 =	vadd.f32 v17, v16;
	s8 =	smul.f32 s8, s12;
	s19 =	spop (v2sf);
	v24 =	vadd.f32 v28, v27;
	[tilespmem:$0x1FDC0] =	vst v52  }
0xb5: {  	v4 =	vsub.f32 v12, v37;
	s20 =	spop (v2sf);
	s21 =	ssub.f32 $1.500000000e+00, s16;
	v27 =	vmul.f32 v51, v51;
	v9 =	vmul.f32 v52, v52;
	v10 =	vld [tilespmem:s11+$0x30];
	[tilespmem:$0x1FDD0] =	vst v53  }
0xb6: {  	s20 =	smul.f32 $1.562500000e-02, s20;
	v11 =	vmul.f32 v53, v53;
	v41 =	vmul.f32 v54, v54;
	(xrf2) =	vadd.scan.msk.f32 $0xffff, v24;
	[tilespmem:$0x1FDE0] =	vst v54  }
0xb7: {  	v45 =	vsub.f32 v0, v37;
	v34 =	vadd.f32 v20, v30;
	s9 =	smul.f32 s18, s21;
	v44 =	vld [tilespmem:s31+$0x30]  }
0xb8: {  	s22 =	smul.f32 $1.562500000e-02, s19;
	s23 =	sadd.f32 $9.999999960e-13, s20;
	v24 =	vadd.f32 v9, v27;
	v16 =	vadd.f32 v41, v11  }
0xb9: {  	v46 =	vsub.f32 v1, v37;
	v17 =	vadd.f32 v32, v34;
	s18 =	smul.f32 s9, s10  }
0xba: {  	v41 =	vadd.f32 v2, v40;
	s11 =	smul.f32 $5.000000000e-01, s23;
	v2 =	vadd.f32 v16, v24  }
0xbb: {  	v0 =	vmul.f32 v5, v5;
	v1 =	vmul.f32 v4, v4;
	v39 =	vadd.f32 v29, v25;
	s24 =	sshra.s32 s23, $0x1;
	s18 =	smul.f32 s18, s9;
	s25 =	spop (v2sf)  }
0xbc: {  	v20 =	vadd.f32 v42, v17;
	s20 =	ssub.s32 $0x5F3759DF, s24;
	s19 =	smul.f32 $1.562500000e-02, s25;
	(xrf2) =	vadd.scan.msk.f32 $0xffff, v2;
	v43 =	vadd.f32 v44, v10  }
0xbd: {  	v0 =	vadd.f32 v1, v0;
	v1 =	vmov s22;
	s12 =	smul.f32 s20, s11;
	s26 =	spop (v2sf)  }
0xbe: {  	[tilespmem:$0x1FDF0] =	vst v5;
	v2 =	vadd.f32 v39, v47;
	(xrf2) =	vadd.scan.msk.f32 $0xffff, v20;
	s31 =	smul.f32 $1.562500000e-02, s26;
	s19 =	sadd.f32 $9.999999960e-13, s19;
	v24 =	vadd.f32 v43, v41  }
0xbf: {  	[tilespmem:$0x1FE00] =	vst v4;
	v27 =	vmul.f32 v46, v46;
	v51 =	vsub.f32 v19, v1;
	v20 =	vmul.f32 v45, v45;
	s21 =	smul.f32 s20, s12  }
0xc0: {  	[tilespmem:$0x1FE10] =	vst v45;
	v16 =	vsub.f32 v18, v1;
	s22 =	spop (v2sf);
	s24 =	sshra.s32 s19, $0x1;
	s19 =	smul.f32 $5.000000000e-01, s19;
	v19, _, _ =	vpop (xrf2);
	v2 =	vadd.f32 v24, v2  }
0xc1: {  	[tilespmem:$0x1FE20] =	vst v46;
	s18 =	ssub.f32 $1.500000000e+00, s18;
	v48 =	vadd.f32 v27, v20;
	s22 =	smul.f32 $1.562500000e-02, s22;
	s23 =	ssub.s32 $0x5F3759DF, s24;
	(v2sf) =	vpush v19, $0xF  }
0xc2: {  	v20 =	vsub.f32 v15, v1;
	v24 =	vsub.f32 v14, v1;
	s24 =	smul.f32 s23, s19;
	(xrf2) =	vadd.scan.msk.f32 $0xffff, v2;
	v2 =	vmul.f32 v16, v16  }
0xc3: {  	[tilespmem:$0x1FE30] =	vst v51;
	s12 =	smul.f32 s18, s9;
	s16 =	sadd.f32 $9.999999960e-13, s31;
	s9 =	simm.s32 $0x6B80;
	v1 =	vmul.f32 v51, v51;
	v0 =	vadd.f32 v48, v0;
	v19 =	vmov s22  }
0xc4: {  	s21 =	ssub.f32 $1.500000000e+00, s21;
	v53 =	vld [tilespmem:s9+$0x40];
	v54 =	vmul.f32 v20, v20;
	v15 =	vsub.f32 v35, v19;
	v13 =	vsub.f32 v36, v19;
	s25 =	smul.f32 s23, s24  }
0xc5: {  	s18 =	simm.s32 $0x19780;
	v5 =	vld [tilespmem:s9+$0x50];
	s26 =	sshra.s32 s16, $0x1;
	s16 =	smul.f32 $5.000000000e-01, s16;
	v52 =	vmul.f32 v24, v24;
	v14 =	vsub.f32 v3, v19;
	v27 =	vsub.f32 v31, v19  }
0xc6: {  	v7 =	vld [tilespmem:s18+$0x50];
	s20 =	smul.f32 s20, s21;
	s31 =	ssub.s32 $0x5F3759DF, s26;
	v1 =	vadd.f32 v2, v1;
	v19 =	vmul.f32 v15, v15;
	v4 =	vmul.f32 v13, v13;
	s22 =	ssub.f32 $1.500000000e+00, s25;
	v2, _, _ =	vpop (xrf2)  }
0xc7: {  	v8 =	vld [tilespmem:s9+$0x60];
	s24 =	smul.f32 s31, s16;
	(xrf2) =	vadd.scan.msk.f32 $0xffff, v0;
	v0 =	vmul.f32 v14, v14;
	(v2sf) =	vpush v2, $0xF;
	v2 =	vmul.f32 v27, v27  }
0xc8: {  	v3 =	vld [tilespmem:s18+$0x40];
	v36 =	vadd.f32 v54, v52;
	v19 =	vadd.f32 v4, v19;
	v6, _, _ =	vpop (xrf2);
	s22 =	smul.f32 s23, s22  }
0xc9: {  	s24 =	smul.f32 s31, s24;
	(v2sf) =	vpush v6, $0xF;
	v0 =	vadd.f32 v2, v0;
	v2 =	vld [tilespmem:s18+$0x60]  }
0xca: {  	v9 =	vld [tilespmem:s9+$0x70];
	v1 =	vadd.f32 v36, v1;
	s25 =	smul.f32 s22, s19  }
0xcb: {  	v11 =	vld [tilespmem:s18+$0xFFFFFF90];
	s26 =	smul.f32 s20, s11;
	v0 =	vadd.f32 v0, v19  }
0xcc: {  	v45 =	vld [tilespmem:s18+$0xFFFFFFA0];
	s23 =	ssub.f32 $1.500000000e+00, s24;
	(xrf2) =	vadd.scan.msk.f32 $0xffff, v1;
	s24 =	smul.f32 s25, s22  }
0xcd: {  	v19 =	vld [tilespmem:s18+$0x70];
	v10, _, _ =	vpop (xrf2);
	(xrf2) =	vadd.scan.msk.f32 $0xffff, v0;
	v0 =	vadd.f32 v3, v53  }
0xce: {  	v48 =	vld [tilespmem:s9+$0xFFFFFFA0];
	s21 =	smul.f32 s26, s20;
	(v2sf) =	vpush v10, $0xF;
	s24 =	ssub.f32 $1.500000000e+00, s24;
	v2 =	vadd.f32 v2, v8  }
0xcf: {  	v1 =	vld [tilespmem:s9+$0xFFFFFF90];
	s23 =	smul.f32 s31, s23;
	[tilespmem:$0x1FF60] =	vst v0  }
0xd0: {  	s22 =	smul.f32 s24, s22;
	s25 =	spop (v2sf);
	v30 =	vld [tilespmem:s9+$0xFFFFFFB0];
	[tilespmem:$0x1FF70] =	vst v2  }
0xd1: {  	v29 =	vadd.f32 v7, v5;
	s24 =	smul.f32 $1.562500000e-02, s25;
	v28 =	vld [tilespmem:s18+$0xFFFFFFB0]  }
0xd2: {  	s31 =	smul.f32 s23, s16;
	v36 =	vadd.f32 v19, v9;
	v35 =	vld [tilespmem:s9+$0xFFFFFFC0]  }
0xd3: {  	v40 =	vadd.f32 v29, v0;
	s19 =	smul.f32 s22, s19;
	v26 =	vld [tilespmem:s18+$0xFFFFFFC0];
	v52 =	vmov s24  }
0xd4: {  	s21 =	ssub.f32 $1.500000000e+00, s21;
	s26 =	smul.f32 s31, s23;
	v3 =	vld [tilespmem:s9+$0xFFFFFFD0];
	v53 =	vadd.f32 v36, v2;
	v2 =	vsub.f32 v21, v52  }
0xd5: {  	v12 =	vadd.f32 v45, v48;
	v44 =	vld [tilespmem:s18+$0xFFFFFFD0];
	s19 =	smul.f32 s19, s22;
	v0 =	vsub.f32 v23, v52  }
0xd6: {  	s21 =	smul.f32 s21, s20;
	s26 =	ssub.f32 $1.500000000e+00, s26;
	v25 =	vld [tilespmem:s9+$0xFFFFFFE0];
	v54 =	vsub.f32 v22, v52;
	v8 =	vsub.f32 v33, v52;
	[tilespmem:$0x1FE40] =	vst v2  }
0xd7: {  	v31 =	vadd.f32 v11, v1;
	v51, _, _ =	vpop (xrf2);
	v1 =	vadd.f32 v53, v40;
	s31 =	ssub.f32 $1.500000000e+00, s19;
	[tilespmem:$0x1FE50] =	vst v0;
	s25 =	spop (v2sf)  }
0xd8: {  	(v2sf) =	vpush v51, $0xF;
	v40, _, _ =	vpop (xrf2);
	s19 =	smul.f32 s26, s23;
	v10 =	vmul.f32 v0, v0;
	v0 =	vmul.f32 v8, v8;
	v48 =	vld [tilespmem:s18+$0xFFFFFFE0];
	[tilespmem:$0x1FE60] =	vst v54;
	s26 =	spop (v2sf)  }
0xd9: {  	[tilespmem:$0x1FE70] =	vst v8;
	v30 =	vadd.f32 v28, v30;
	v11, _, _ =	vpop (xrf2);
	(xrf2) =	vadd.scan.msk.f32 $0xffff, v1;
	v1 =	vmul.f32 v54, v54;
	s20 =	smul.f32 $1.562500000e-02, s26  }
0xda: {  	v9 =	vmul.f32 v2, v2;
	v42 =	vadd.f32 v44, v3;
	v2 =	vld [tilespmem:s9+$0xFFFFFFF0];
	(v2sf) =	vpush v11, $0xF  }
0xdb: {  	v28 =	vld [tilespmem:s18+$0xFFFFFFF0];
	v53 =	vadd.f32 v0, v1;
	(v2sf) =	vpush v40, $0xF;
	v1 =	vmov s20  }
0xdc: {  	v51 =	vsub.f32 v34, v1;
	v52 =	vsub.f32 v32, v1  }
0xdd: {  	v3 =	vld [tilespmem:s9+$0x0];
	v40 =	vadd.f32 v26, v35;
	v0 =	vsub.f32 v50, v1;
	s23 =	spop (v2sf)  }
0xde: {  	v35 =	vsub.f32 v49, v1;
	v1 =	vld [tilespmem:s18+$0x0];
	s20 =	smul.f32 $1.562500000e-02, s23;
	v7 =	vmul.f32 v51, v51;
	v8 =	vmul.f32 v52, v52  }
0xdf: {  	v54 =	vadd.f32 v10, v9;
	v44 =	vadd.f32 v48, v25;
	[tilespmem:$0x1FE80] =	vst v51  }
0xe0: {  	v45 =	vadd.f32 v28, v2;
	v48 =	vld [tilespmem:s9+$0x10];
	[tilespmem:$0x1FE90] =	vst v52;
	v2 =	vmov s20;
	v52 =	vadd.f32 v8, v7  }
0xe1: {  	v33 =	vsub.f32 v47, v2;
	v34 =	vsub.f32 v39, v2  }
0xe2: {  	v10 =	vmul.f32 v0, v0;
	v9 =	vld [tilespmem:s18+$0x10];
	v18 =	vsub.f32 v41, v2;
	v17 =	vsub.f32 v43, v2  }
0xe3: {  	[tilespmem:$0x1FEA0] =	vst v0;
	v7 =	vld [tilespmem:$0x1FFB0];
	v37 =	vadd.f32 v1, v3;
	v3, _, _ =	vpop (xrf2);
	v38 =	vmul.f32 v33, v33;
	v0 =	vmul.f32 v34, v34  }
0xe4: {  	s24 =	smul.f32 s12, s10;
	(v2sf) =	vpush v3, $0xF;
	v3 =	vmul.f32 v18, v18;
	v2 =	vmul.f32 v17, v17  }
0xe5: {  	s10 =	smul.f32 s31, s22  }
0xe6: {  	v60 =	vmul.f32 s8, v60;
	s31 =	smul.f32 $1.562500000e-02, s25;
	v0 =	vadd.f32 v0, v38;
	v2 =	vadd.f32 v2, v3  }
0xe7: {  	s25 =	smul.f32 s24, s12  }
0xe8: {  	v41 =	vadd.f32 v9, v48;
	v48 =	vmul.f32 v60, v7;
	v60 =	vadd.f32 v2, v0;
	v2 =	vld [tilespmem:$0x1FEC0]  }
0xe9: {  	v49 =	vmul.f32 v35, v35;
	s23 =	ssub.f32 $1.500000000e+00, s25;
	_ =	sdelay $0x1  }
0xea: {  	v51 =	vadd.f32 v49, v10;
	s12 =	smul.f32 s23, s12;
	_ =	sdelay $0x1  }
0xeb: {  	v51 =	vadd.f32 v51, v52;
	v52 =	vmul.f32 s12, v2;
	v2 =	vld [tilespmem:$0x1FED0]  }
0xec: {  	v46 =	vld [tilespmem:s9+$0x20]  }
0xed: {  	v11 =	vld [tilespmem:s18+$0x20];
	_ =	sdelay $0x1  }
0xee: {  	s11 =	smul.f32 s21, s11  }
0xef: {  	v10 =	vmul.f32 s8, v58;
	v58 =	vadd.f32 v53, v54;
	v54 =	vmul.f32 s12, v2;
	v2 =	vld [tilespmem:$0x1FEE0]  }
0xf0: {  	s11 =	smul.f32 s11, s21;
	v32 =	vadd.f32 v42, v40;
	v1 =	vadd.f32 v45, v44;
	v3 =	vld [tilespmem:s18+$0xFFFFFF80]  }
0xf1: {  	s22 =	sadd.f32 $9.999999960e-13, s31;
	v43 =	vadd.f32 v11, v46;
	v11 =	vld [tilespmem:s9+$0xFFFFFF80]  }
0xf2: {  	v5 =	vld [tilespmem:$0x1FF90];
	s11 =	ssub.f32 $1.500000000e+00, s11;
	v59 =	vmul.f32 s10, v59;
	v1 =	vadd.f32 v1, v32  }
0xf3: {  	v4 =	vld [tilespmem:$0x1FF80];
	s26 =	sshra.s32 s22, $0x1;
	s20 =	smul.f32 $5.000000000e-01, s22  }
0xf4: {  	s11 =	smul.f32 s11, s21;
	s22 =	ssub.s32 $0x5F3759DF, s26;
	(xrf2) =	vadd.scan.msk.f32 $0xffff, v1;
	v1 =	vmul.f32 v59, v7;
	v59 =	vmul.f32 s12, v2;
	v2 =	vld [tilespmem:$0x1FEF0]  }
0xf5: {  	v6 =	vld [tilespmem:$0x1FFA0];
	s24 =	smul.f32 s22, s20  }
0xf6: {  	s16 =	smul.f32 s19, s16;
	v0 =	vmul.f32 s10, v61;
	v61 =	vadd.f32 v3, v11;
	v11 =	vld [tilespmem:$0x1FFF0]  }
0xf7: {  	v47 =	vld [tilespmem:s9+$0x30];
	s24 =	smul.f32 s22, s24  }
0xf8: {  	s16 =	smul.f32 s16, s19;
	v9 =	vld [tilespmem:s18+$0x30]  }
0xf9: {  	v23 =	vmul.f32 s10, v62;
	s25 =	ssub.f32 $1.500000000e+00, s24;
	v62 =	vmul.f32 s11, v2;
	v2 =	vld [tilespmem:$0x1FF00]  }
0xfa: {  	s16 =	ssub.f32 $1.500000000e+00, s16;
	v8 =	vld [tilespmem:$0x1FFC0]  }
0xfb: {  	v39 =	vmul.f32 v10, v4;
	v10 =	vld [tilespmem:$0x1FFE0];
	s21 =	smul.f32 s22, s25;
	v48 =	vadd.f32 v48, v11  }
0xfc: {  	s22 =	smul.f32 s16, s19;
	s19 =	simm.s32 $0x13080;
	v26 =	vmul.f32 v0, v4;
	v0 =	vld [tilespmem:$0x1FEB0]  }
0xfd: {  	v22 =	vmul.f32 s10, v63;
	v46 =	vadd.f32 v9, v47;
	v9 =	vld [tilespmem:$0x1FFD0];
	[tilespmem:s19+$0x70] =	vst v48  }
0xfe: {  	v63 =	vmul.f32 s11, v57;
	v57 =	vmul.f32 s11, v2;
	v2 =	vadd.f32 v1, v11;
	v1 =	vld [tilespmem:$0x1FF10];
	_ =	sdelay $0x4  }
0xff: {  	v32 =	vmul.f32 s8, v55;
	v55 =	vmul.f32 s11, v1;
	v1 =	vld [tilespmem:$0x1FF20];
	_ =	sdelay $0x1  }
0x100: {  	v38 =	vmul.f32 s8, v56;
	v39 =	vadd.f32 v39, v8;
	_ =	sdelay $0x1  }
0x101: {  	v38 =	vmul.f32 v38, v6;
	[tilespmem:s19+$0x40] =	vst v39  }
0x102: {  	v32 =	vmul.f32 v32, v5;
	s25 =	smul.f32 s21, s20;
	v56 =	vmul.f32 s22, v1;
	v1 =	vld [tilespmem:$0x1FF30]  }
0x103: {  	v50 =	vadd.f32 v38, v10;
	v38 =	vadd.f32 v31, v61  }
0x104: {  	s31 =	spop (v2sf);
	s16 =	smul.f32 s25, s21;
	v47 =	vadd.f32 v32, v9;
	v32 =	vadd.f32 v30, v12  }
0x105: {  	s26 =	smul.f32 $1.562500000e-02, s31;
	v0 =	vmul.f32 s12, v0  }
0x106: {  	s16 =	ssub.f32 $1.500000000e+00, s16;
	v48 =	vadd.f32 v32, v38;
	v32 =	vmul.f32 v52, v5  }
0x107: {  	s31 =	sadd.f32 $9.999999960e-13, s26;
	[tilespmem:s19+$0x50] =	vst v47;
	v53 =	vmul.f32 s22, v1;
	v1 =	vmul.f32 v0, v4  }
0x108: {  	s21 =	smul.f32 s16, s21;
	s16 =	simm.s32 $0x13180;
	[tilespmem:s19+$0x60] =	vst v50;
	v50 =	vadd.f32 v32, v9  }
0x109: {  	s24 =	sshra.s32 s31, $0x1;
	s8 =	smul.f32 $5.000000000e-01, s31;
	v3 =	vld [tilespmem:$0x1FF40];
	[tilespmem:s16+$0x70] =	vst v2;
	v1 =	vadd.f32 v1, v8  }
0x10a: {  	s9 =	ssub.s32 $0x5F3759DF, s24;
	[tilespmem:s19+$0xFFFFFF90] =	vst v50  }
0x10b: {  	s26 =	smul.f32 s9, s8;
	s23 =	spop (v2sf);
	[tilespmem:s19+$0xFFFFFF80] =	vst v1  }
0x10c: {  	s24 =	smul.f32 $1.562500000e-02, s23;
	v21 =	vld [tilespmem:$0x1FF50]  }
0x10d: {  	(xrf2) =	vadd.scan.msk.f32 $0xffff, v51;
	s31 =	smul.f32 s9, s26  }
0x10e: {  	s26 =	sadd.f32 $9.999999960e-13, s24;
	s25 =	spop (v2sf)  }
0x10f: {  	s10 =	ssub.f32 $1.500000000e+00, s31;
	s23 =	smul.f32 $1.562500000e-02, s25  }
0x110: {  	s31 =	sshra.s32 s26, $0x1;
	s12 =	smul.f32 $5.000000000e-01, s26;
	s26 =	spop (v2sf)  }
0x111: {  	s24 =	smul.f32 $1.562500000e-02, s26;
	v32 =	vmul.f32 s22, v21;
	v21 =	vld [tilespmem:$0x1FF60]  }
0x112: {  	s11 =	smul.f32 s9, s10;
	s9 =	ssub.s32 $0x5F3759DF, s31  }
0x113: {  	s25 =	smul.f32 s9, s12;
	v2 =	vmul.f32 v54, v6  }
0x114: {  	s23 =	sadd.f32 $9.999999960e-13, s23;
	v39 =	vadd.f32 v41, v37;
	v0 =	vadd.f32 v46, v43  }
0x115: {  	s31 =	smul.f32 s9, s25;
	v49 =	vmul.f32 v56, v4;
	v1 =	vadd.f32 v2, v10;
	v2 =	vmov s24  }
0x116: {  	s28 =	sshra.s32 s23, $0x1;
	v38, _, _ =	vpop (xrf2);
	s10 =	smul.f32 $5.000000000e-01, s23;
	v0 =	vadd.f32 v0, v39;
	v39 =	vmul.f32 v59, v7;
	v50 =	vsub.f32 v21, v2;
	v21 =	vld [tilespmem:$0x1FF70]  }
0x117: {  	(v2sf) =	vpush v38, $0xF;
	(xrf2) =	vadd.scan.msk.f32 $0xffff, v48;
	s23 =	ssub.s32 $0x5F3759DF, s28;
	s29 =	smul.f32 s11, s8;
	v56 =	vmul.f32 v22, v6;
	v3 =	vmul.f32 s22, v3;
	v59, _, _ =	vpop (xrf2);
	s24 =	ssub.f32 $1.500000000e+00, s31  }
0x118: {  	s25 =	smul.f32 s23, s10;
	(v2sf) =	vpush v59, $0xF;
	v38 =	vadd.f32 v39, v11;
	(xrf2) =	vadd.scan.msk.f32 $0xffff, v0;
	v0 =	vmul.f32 v62, v4  }
0x119: {  	v39 =	vmul.f32 v55, v7;
	v48 =	vsub.f32 v29, v2;
	s24 =	smul.f32 s9, s24;
	[tilespmem:s19+$0xFFFFFFA0] =	vst v1;
	v1 =	vmul.f32 v63, v5  }
0x11a: {  	s26 =	smul.f32 s23, s25;
	v51 =	vsub.f32 v36, v2;
	(xrf2) =	vadd.scan.msk.f32 $0xffff, v58;
	v58 =	vmul.f32 v3, v6;
	v0 =	vadd.f32 v0, v8  }
0x11b: {  	s31 =	smul.f32 s24, s12;
	[tilespmem:s19+$0xFFFFFFB0] =	vst v38;
	v3 =	vadd.f32 v1, v9;
	v47 =	vsub.f32 v21, v2;
	v2 =	vmul.f32 v57, v6  }
0x11c: {  	s28 =	smul.f32 s29, s11;
	s26 =	ssub.f32 $1.500000000e+00, s26;
	v62 =	vmul.f32 v53, v5;
	v59 =	vmul.f32 v32, v7;
	[tilespmem:s19+$0xFFFFFFC0] =	vst v0;
	v0 =	vadd.f32 v39, v11  }
0x11d: {  	s9 =	simm.s32 $0x6C80;
	s22 =	simm.s32 $0xC;
	s29 =	smul.f32 s31, s24;
	v63 =	vadd.f32 v49, v8;
	[tilespmem:s19+$0xFFFFFFD0] =	vst v3;
	v57 =	vmul.f32 v23, v5;
	v1 =	vadd.f32 v2, v10  }
.LBB2_3:
0x11e: {  	v2 =	vld [tilespmem:s9+$0x40]  }
0x11f: {  	v22 =	vld [tilespmem:$0x1FFD0]  }
0x120: {  	v23 =	vld [tilespmem:$0x1FFE0]  }
0x121: {  	v25 =	vld [tilespmem:$0x1FFF0]  }
0x122: {  	v10 =	vld [tilespmem:s9+$0x60]  }
0x123: {  	v21 =	vld [tilespmem:$0x1FFC0]  }
0x124: {  	s18 =	sadd.s32 $0x100, s18;
	v8 =	vld [tilespmem:s9+$0xFFFFFFA0]  }
0x125: {  	v3 =	vmul.f32 v50, v50;
	v52 =	vmul.f32 v48, v48;
	s23 =	smul.f32 s23, s26;
	v54 =	vld [tilespmem:s18+$0x40]  }
0x126: {  	v4 =	vmul.f32 v47, v47;
	v36 =	vmul.f32 v51, v51;
	s31 =	ssub.f32 $1.500000000e+00, s29;
	[tilespmem:s19+$0xFFFFFFE0] =	vst v1;
	v39 =	vld [tilespmem:s18+$0x50]  }
0x127: {  	s28 =	ssub.f32 $1.500000000e+00, s28;
	[tilespmem:s19+$0xFFFFFFF0] =	vst v0;
	v11 =	vld [tilespmem:s18+$0x60];
	s29 =	smul.f32 s23, s10  }
0x128: {  	v5 =	vld [tilespmem:s18+$0xFFFFFFD0];
	v3 =	vadd.f32 v52, v3;
	v9 =	vadd.f32 v36, v4;
	s24 =	smul.f32 s31, s24;
	v38, _, _ =	vpop (xrf2)  }
0x129: {  	s11 =	smul.f32 s28, s11;
	v36 =	vld [tilespmem:s18+$0x70];
	v1 =	vadd.f32 v58, v23;
	(v2sf) =	vpush v38, $0xF  }
0x12a: {  	v58 =	vld [tilespmem:s9+$0x50];
	v4 =	vadd.f32 v9, v3;
	s12 =	smul.f32 s24, s12;
	v55, _, _ =	vpop (xrf2)  }
0x12b: {  	s25 =	smul.f32 s29, s23;
	v32 =	vadd.f32 v56, v23;
	[tilespmem:s19+$0x20] =	vst v1;
	v1 =	vld [tilespmem:s9+$0x70];
	(v2sf) =	vpush v55, $0xF  }
0x12c: {  	(xrf2) =	vadd.scan.msk.f32 $0xffff, v60;
	v54 =	vadd.f32 v54, v2;
	v2 =	vld [tilespmem:s18+$0xFFFFFFA0];
	s28 =	smul.f32 s12, s24  }
0x12d: {  	v52 =	vadd.f32 v11, v10;
	v11 =	vld [tilespmem:s18+$0xFFFFFFB0];
	s26 =	ssub.f32 $1.500000000e+00, s25;
	(xrf2) =	vadd.scan.msk.f32 $0xffff, v4  }
0x12e: {  	v53 =	vadd.f32 v62, v22;
	v38 =	vld [tilespmem:s18+$0xFFFFFF90];
	v3, _, _ =	vpop (xrf2);
	s25 =	ssub.f32 $1.500000000e+00, s28  }
0x12f: {  	v0 =	vadd.f32 v59, v25;
	[tilespmem:s16+$0x60] =	vst v32;
	s12 =	smul.f32 s26, s23;
	v32 =	vmov v20;
	v20 =	vld [tilespmem:$0x1FFB0];
	(v2sf) =	vpush v3, $0xF  }
0x130: {  	[tilespmem:s19+$0x10] =	vst v53;
	v3 =	vld [tilespmem:s9+$0xFFFFFF90];
	v55 =	vadd.f32 v39, v58;
	s23 =	smul.f32 s25, s24;
	v53 =	vadd.f32 v36, v1;
	s31 =	spop (v2sf)  }
0x131: {  	v49 =	vadd.f32 v26, v21;
	v57 =	vadd.f32 v57, v22;
	v58 =	vld [tilespmem:s9+$0xFFFFFFB0];
	s28 =	smul.f32 $1.562500000e-02, s31  }
0x132: {  	v7 =	vld [tilespmem:s9+$0xFFFFFFE0];
	v59 =	vadd.f32 v55, v54;
	v60 =	vadd.f32 v53, v52  }
0x133: {  	[tilespmem:s16+$0x40] =	vst v49;
	v49 =	vld [tilespmem:s9+$0xFFFFFFC0];
	v2 =	vadd.f32 v2, v8;
	v9 =	vmul.f32 s23, v27;
	v1 =	vmov s28  }
0x134: {  	[tilespmem:s19+$0x0] =	vst v63;
	v29 =	vmovc v50;
	v10 =	vmov v51;
	v59 =	vadd.f32 v60, v59;
	v51 =	vsub.f32 v44, v1;
	v44 =	vld [tilespmem:s18+$0xFFFFFFC0]  }
0x135: {  	s20 =	smul.f32 s21, s20;
	[tilespmem:s16+$0x50] =	vst v57;
	v8 =	vld [tilespmem:s18+$0xFFFFFFE0];
	s31 =	spop (v2sf);
	v57 =	vsub.f32 v40, v1;
	v40 =	vmul.f32 v9, v20;
	v50 =	vsub.f32 v45, v1  }
0x136: {  	[tilespmem:s19+$0x30] =	vst v0;
	v62, _, _ =	vpop (xrf2);
	s24 =	smul.f32 $1.562500000e-02, s31;
	v3 =	vadd.f32 v38, v3;
	v63 =	vadd.f32 v11, v58;
	v45 =	vld [tilespmem:s9+$0xFFFFFFD0]  }
0x137: {  	s19 =	smov.u32 s16;
	s25 =	smul.f32 s20, s21;
	v38, _, _ =	vpop (xrf2);
	(xrf2) =	vadd.scan.msk.f32 $0xffff, v59;
	v40 =	vadd.f32 v40, v25;
	v59 =	vmul.f32 v51, v51;
	v6 =	vmul.f32 v50, v50  }
0x138: {  	s16 =	sadd.s32 $0x100, s16;
	v56 =	vsub.f32 v42, v1;
	s24 =	sadd.f32 $9.999999960e-13, s24;
	v58 =	vadd.f32 v63, v2;
	s28 =	spop (v2sf)  }
0x139: {  	v4 =	vmul.f32 s23, v15;
	s26 =	ssub.f32 $1.500000000e+00, s25;
	[tilespmem:s16+$0x70] =	vst v40;
	v6 =	vadd.f32 v6, v59;
	v59 =	vld [tilespmem:s9+$0xFFFFFFF0];
	v40 =	vadd.f32 v44, v49;
	s31 =	smul.f32 $1.562500000e-02, s28  }
0x13a: {  	v36 =	vmul.f32 v56, v56;
	s20 =	smul.f32 $5.000000000e-01, s24;
	v44 =	vadd.f32 v8, v7;
	v8 =	vld [tilespmem:s9+$0x10];
	(v2sf) =	vpush v38, $0xF;
	s25 =	spop (v2sf)  }
0x13b: {  	[tilespmem:$0x1FDA0] =	vst v10;
	s29 =	sshra.s32 s24, $0x1;
	v42 =	vadd.f32 v5, v45;
	(v2sf) =	vpush v62, $0xF;
	v62 =	vld [tilespmem:s18+$0xFFFFFFF0];
	s24 =	smul.f32 $1.562500000e-02, s25;
	v9 =	vmov s31  }
0x13c: {  	v1 =	vmul.f32 v57, v57;
	v49 =	vmovc v63;
	v63 =	vld [tilespmem:s18+$0x10];
	v61 =	vsub.f32 v61, v9;
	v10 =	vsub.f32 v31, v9  }
0x13d: {  	v19 =	vld [tilespmem:$0x1FF80];
	v5 =	vsub.f32 v12, v9;
	v11 =	vmov s24;
	v9 =	vsub.f32 v30, v9  }
0x13e: {  	v28 =	vmovc v47;
	v60 =	vadd.f32 v36, v1;
	v36 =	vmovc v48;
	v48 =	vmul.f32 s23, v14;
	v47 =	vsub.f32 v41, v11  }
0x13f: {  	v15 =	vmul.f32 v5, v5;
	v41 =	vmul.f32 v9, v9  }
0x140: {  	v14 =	vsub.f32 v37, v11;
	v45 =	vadd.f32 v62, v59;
	v62 =	vmul.f32 v47, v47  }
0x141: {  	v15 =	vadd.f32 v41, v15;
	v41 =	vadd.f32 v63, v8;
	v63 =	vld [tilespmem:$0x1FDB0]  }
0x142: {  	v26 =	vmul.f32 v4, v19;
	v4 =	vld [tilespmem:s9+$0x0];
	v59 =	vmul.f32 v14, v14  }
0x143: {  	v1 =	vmul.f32 s23, v13;
	v38 =	vmov v2;
	v12 =	vld [tilespmem:s18+$0x0];
	v2 =	vsub.f32 v46, v11  }
0x144: {  	s21 =	smul.f32 s26, s21;
	v46, _, _ =	vpop (xrf2);
	v13 =	vmul.f32 v61, v61;
	v8 =	vadd.f32 v62, v59;
	v62 =	vmov v61;
	v61 =	vld [tilespmem:$0x1FE90]  }
0x145: {  	v0 =	vld [tilespmem:s18+$0xFFFFFF80];
	s25 =	spop (v2sf);
	(v2sf) =	vpush v46, $0xF;
	v46 =	vadd.f32 v45, v44  }
0x146: {  	v59 =	vmul.f32 s21, v63;
	v63 =	vld [tilespmem:$0x1FE80]  }
0x147: {  	s10 =	smul.f32 s12, s10;
	v27 =	vmovc v16;
	v16 =	vld [tilespmem:s18+$0x30];
	v7 =	vadd.f32 v42, v40;
	v31 =	vmov v3;
	v3 =	vsub.f32 v43, v11  }
0x148: {  	s8 =	smul.f32 s11, s8;
	v30 =	vmov v17;
	v43 =	vld [tilespmem:s9+$0x20];
	v17 =	vmul.f32 v2, v2  }
0x149: {  	s10 =	smul.f32 s10, s12;
	s28 =	ssub.s32 $0x5F3759DF, s29;
	v11 =	vld [tilespmem:s18+$0x20];
	v37 =	vadd.f32 v12, v4;
	v12 =	vmul.f32 v3, v3;
	v7 =	vadd.f32 v46, v7;
	v46 =	vmovc v61  }
0x14a: {  	s29 =	smul.f32 s28, s20;
	v39 =	vmul.f32 v10, v10;
	v4 =	vld [tilespmem:s9+$0x30]  }
0x14b: {  	s8 =	smul.f32 s8, s11;
	v12 =	vadd.f32 v17, v12;
	v17 =	vld [tilespmem:$0x1FDC0];
	[tilespmem:$0x1FDC0] =	vst v46;
	v63 =	vmov v63  }
0x14c: {  	s10 =	ssub.f32 $1.500000000e+00, s10;
	s31 =	smul.f32 s28, s29;
	v13 =	vadd.f32 v39, v13;
	[tilespmem:$0x1FDB0] =	vst v63;
	v46 =	vmov v10;
	v63 =	vld [tilespmem:$0x1FDD0]  }
0x14d: {  	s8 =	ssub.f32 $1.500000000e+00, s8;
	s24 =	smul.f32 $1.562500000e-02, s25;
	[tilespmem:$0x1FE90] =	vst v46;
	v46 =	vld [tilespmem:$0x1FEA0]  }
0x14e: {  	s10 =	smul.f32 s10, s12;
	s31 =	ssub.f32 $1.500000000e+00, s31;
	v39 =	vmov v18;
	v18 =	vld [tilespmem:s9+$0xFFFFFF80]  }
0x14f: {  	s23 =	smul.f32 s8, s11;
	v6 =	vadd.f32 v6, v60;
	s24 =	sadd.f32 $9.999999960e-13, s24;
	[tilespmem:$0x1FE80] =	vst v62;
	v60 =	vadd.f32 v12, v8;
	v12 =	vld [tilespmem:$0x1FE40];
	v62 =	vmov v5  }
0x150: {  	s11 =	smul.f32 s28, s31;
	v5 =	vadd.f32 v15, v13;
	v13 =	vmov v35;
	v35 =	vld [tilespmem:$0x1FDF0]  }
0x151: {  	s25 =	sshra.s32 s24, $0x1;
	s8 =	smul.f32 $5.000000000e-01, s24;
	v43 =	vadd.f32 v11, v43;
	[tilespmem:$0x1FEA0] =	vst v62;
	v11 =	vmul.f32 s21, v63;
	v63 =	vld [tilespmem:$0x1FDE0]  }
0x152: {  	s12 =	ssub.s32 $0x5F3759DF, s25;
	s26 =	smul.f32 s11, s20;
	v62 =	vmov v57;
	[tilespmem:$0x1FDE0] =	vst v13;
	v13 =	vld [tilespmem:$0x1FE50];
	v61 =	vmov v46  }
0x153: {  	v51 =	vmov v51;
	s31 =	smul.f32 s12, s8;
	[tilespmem:$0x1FE40] =	vst v62;
	v46 =	vadd.f32 v16, v4;
	v16 =	vld [tilespmem:$0x1FE60]  }
0x154: {  	s24 =	smul.f32 s26, s11;
	[tilespmem:$0x1FE60] =	vst v51  }
0x155: {  	s26 =	smul.f32 s12, s31;
	s28 =	spop (v2sf);
	v4 =	vmul.f32 s23, v35;
	v35 =	vld [tilespmem:$0x1FE20];
	[tilespmem:$0x1FDD0] =	vst v61;
	v61 =	vmov v12  }
0x156: {  	(xrf2) =	vadd.scan.msk.f32 $0xffff, v7;
	s24 =	ssub.f32 $1.500000000e+00, s24;
	s28 =	smul.f32 $1.562500000e-02, s28;
	v12 =	vmov v56;
	v56 =	vld [tilespmem:$0x1FE70];
	[tilespmem:$0x1FDF0] =	vst v61  }
0x157: {  	s26 =	ssub.f32 $1.500000000e+00, s26;
	v17 =	vmul.f32 s21, v17;
	v4 =	vmul.f32 v4, v19;
	v61 =	vadd.f32 v0, v18;
	v0 =	vld [tilespmem:$0x1FE00];
	v13 =	vmovc v13;
	[tilespmem:$0x1FE50] =	vst v12  }
0x158: {  	s25 =	sadd.f32 $9.999999960e-13, s28;
	v7 =	vmul.f32 s21, v63;
	s21 =	smul.f32 s24, s11;
	[tilespmem:$0x1FE00] =	vst v13;
	v13 =	vld [tilespmem:$0x1FE30];
	v15 =	vmovc v16;
	v16 =	vmul.f32 s10, v27;
	v27 =	vmov v50  }
0x159: {  	(xrf2) =	vadd.scan.msk.f32 $0xffff, v5;
	v10 =	vadd.f32 v41, v37;
	v12 =	vadd.f32 v46, v43;
	s11 =	smul.f32 s12, s26;
	[tilespmem:$0x1FE70] =	vst v27;
	v27 =	vld [tilespmem:$0x1FF90]  }
0x15a: {  	s24 =	spop (v2sf);
	v63 =	vld [tilespmem:$0x1FE10];
	s26 =	sshra.s32 s25, $0x1;
	s12 =	smul.f32 $5.000000000e-01, s25;
	v4 =	vadd.f32 v4, v21;
	v5 =	vmul.f32 s23, v35;
	[tilespmem:$0x1FE10] =	vst v15;
	v15 =	vadd.f32 v31, v61  }
0x15b: {  	v18 =	vmul.f32 s10, v24;
	s28 =	smul.f32 $1.562500000e-02, s24;
	s26 =	ssub.s32 $0x5F3759DF, s26;
	v35 =	vmovc v9;
	v10 =	vadd.f32 v12, v10;
	v12 =	vmul.f32 v59, v19;
	v59 =	vmovc v33  }
0x15c: {  	s29 =	smul.f32 s26, s12;
	v7 =	vmul.f32 v7, v20;
	[tilespmem:s19+$0xFFFFFFC0] =	vst v4;
	v5 =	vmul.f32 v5, v20;
	v57 =	vadd.f32 v58, v15  }
0x15d: {  	v33 =	vmovc v14;
	s31 =	sadd.f32 $9.999999960e-13, s28;
	s28 =	smul.f32 s11, s8;
	[tilespmem:$0x1FE30] =	vst v59;
	v24 =	vmovc v56;
	v12 =	vadd.f32 v12, v21;
	v0 =	vmul.f32 s23, v0;
	v13 =	vmul.f32 s10, v13  }
0x15e: {  	v14 =	vmovc v28;
	s25 =	smul.f32 s26, s29;
	v7 =	vadd.f32 v7, v25;
	[tilespmem:$0x1FE20] =	vst v24;
	v24 =	vmul.f32 s10, v32;
	v58 =	vmul.f32 v17, v27;
	v17 =	vld [tilespmem:$0x1FFA0]  }
0x15f: {  	v8 =	vmul.f32 s23, v63;
	s23 =	sshra.s32 s31, $0x1;
	s10 =	smul.f32 $5.000000000e-01, s31;
	(xrf2) =	vadd.scan.msk.f32 $0xffff, v57;
	v15 =	vmovc v29;
	[tilespmem:s19+$0xFFFFFF80] =	vst v12;
	s31 =	spop (v2sf);
	v0 =	vmul.f32 v0, v27  }
0x160: {  	s23 =	ssub.s32 $0x5F3759DF, s23;
	s24 =	ssub.f32 $1.500000000e+00, s25;
	s31 =	smul.f32 $1.562500000e-02, s31;
	v57 =	vmul.f32 v1, v27;
	v59 =	vmul.f32 v24, v20;
	v20 =	vmovc v30;
	v62 =	vadd.f32 v58, v22  }
0x161: {  	s22 =	sadd.s32 $0x4, s22;
	[tilespmem:s19+$0xFFFFFFB0] =	vst v7;
	s29 =	smul.f32 s23, s10;
	v12 =	vmul.f32 v13, v19;
	v9 =	vadd.f32 v0, v22;
	v0 =	vadd.f32 v5, v25;
	v13, _, _ =	vpop (xrf2)  }
0x162: {  	p1 =	slt.u32 s22, $0xC4;
	v30 =	vmovc v49;
	s24 =	smul.f32 s26, s24;
	v24 =	vmovc v39;
	[tilespmem:s19+$0xFFFFFF90] =	vst v62;
	v62 =	vmul.f32 v16, v27;
	(v2sf) =	vpush v13, $0xF;
	v13 =	vmov v36  }
.Ltmp0:
0x163: {  	(xrf2) =	vadd.scan.msk.f32 $0xffff, v10;
	v16 =	vmov v34;
	v63, _, _ =	vpop (xrf2);
	v36 =	vmov s31;
	v11 =	vmul.f32 v11, v17;
	(pc) =	sbr.rel @p1 .LBB2_3-.Ltmp0, $4  }
0x164: {  	s25 =	smul.f32 s23, s29;
	v34 =	vmovc v47;
	(xrf2) =	vadd.scan.msk.f32 $0xffff, v6;
	v8 =	vmul.f32 v8, v17;
	(v2sf) =	vpush v63, $0xF;
	v63 =	vadd.f32 v12, v21  }
0x165: {  	s29 =	smul.f32 s24, s12;
	[tilespmem:s19+$0xFFFFFFD0] =	vst v9;
	v58 =	vmul.f32 v18, v17;
	v50 =	vsub.f32 v54, v36;
	v11 =	vadd.f32 v11, v23  }
0x166: {  	s28 =	smul.f32 s28, s11;
	v56 =	vmul.f32 v48, v17;
	v12 =	vmovc v38;
	v48 =	vsub.f32 v55, v36;
	v47 =	vsub.f32 v52, v36  }
0x167: {  	s9 =	sadd.s32 $0x100, s9;
	v27 =	vld [tilespmem:$0x1FDA0];
	s26 =	ssub.f32 $1.500000000e+00, s25;
	v18 =	vmovc v3;
	v51 =	vsub.f32 v53, v36;
	s29 =	smul.f32 s29, s24;
	v17 =	vmov v2;
	v1 =	vadd.f32 v8, v23;
	[tilespmem:s19+$0xFFFFFFA0] =	vst v11  }
0x168: {  	v2 =	vmul.f32 v50, v50;
	v3 =	vmul.f32 v48, v48  }
0x169: {  	v4 =	vmul.f32 v47, v47;
	v5 =	vmul.f32 v51, v51;
	_ =	sdelay $0x1  }
0x16a: {  	v2 =	vadd.f32 v3, v2;
	v3 =	vadd.f32 v5, v4;
	_ =	sdelay $0x3  }
0x16b: {  	v2 =	vadd.f32 v3, v2;
	v3, _, _ =	vpop (xrf2)  }
0x16c: {  	(v2sf) =	vpush v3, $0xF;
	_ =	sdelay $0x3  }
0x16d: {  	s18 =	ssub.f32 $1.500000000e+00, s29  }
0x16e: {  	(xrf2) =	vadd.scan.msk.f32 $0xffff, v60;
	s9 =	smul.f32 s23, s26  }
0x16f: {  	s18 =	smul.f32 s18, s24;
	(xrf2) =	vadd.scan.msk.f32 $0xffff, v2  }
0x170: {  	s22 =	smul.f32 s9, s10;
	v2, _, _ =	vpop (xrf2)  }
0x171: {  	s12 =	smul.f32 s18, s12;
	(v2sf) =	vpush v2, $0xF  }
0x172: {  	s22 =	smul.f32 s22, s9  }
0x173: {  	s25 =	ssub.f32 $1.500000000e+00, s28;
	s12 =	smul.f32 s12, s18  }
0x174: {  	s26 =	ssub.f32 $1.500000000e+00, s22  }
0x175: {  	s23 =	smul.f32 s25, s11;
	s12 =	ssub.f32 $1.500000000e+00, s12;
	v2, _, _ =	vpop (xrf2)  }
0x176: {  	s22 =	smul.f32 s26, s9;
	s11 =	spop (v2sf);
	(v2sf) =	vpush v2, $0xF  }
0x177: {  	s9 =	smul.f32 s12, s18;
	s18 =	spop (v2sf)  }
0x178: {  	s20 =	smul.f32 s21, s20;
	v2, _, _ =	vpop (xrf2);
	s25 =	spop (v2sf)  }
0x179: {  	v3, _, _ =	vpop (xrf2);
	s25 =	smul.f32 $1.562500000e-02, s25  }
0x17a: {  	s8 =	smul.f32 s23, s8;
	(v2sf) =	vpush v3, $0xF  }
0x17b: {  	s24 =	smul.f32 $1.562500000e-02, s11;
	(v2sf) =	vpush v2, $0xF;
	v2 =	vmov s25  }
0x17c: {  	s11 =	smul.f32 $1.562500000e-02, s18;
	v8 =	vsub.f32 v61, v2;
	v9 =	vsub.f32 v31, v2  }
0x17d: {  	s10 =	smul.f32 s22, s10;
	v21 =	vsub.f32 v12, v2;
	v36 =	vsub.f32 v30, v2  }
0x17e: {  	s12 =	smul.f32 s20, s21;
	s11 =	sadd.f32 $9.999999960e-13, s11;
	v2 =	vmul.f32 v8, v8;
	v3 =	vmul.f32 v9, v9  }
0x17f: {  	s18 =	smul.f32 s8, s23;
	v49 =	vmov s24;
	v38 =	vmul.f32 v21, v21;
	v39 =	vmul.f32 v36, v36  }
0x180: {  	v7 =	vsub.f32 v40, v49;
	s8 =	smul.f32 $5.000000000e-01, s11;
	s28 =	spop (v2sf)  }
0x181: {  	s26 =	sshra.s32 s11, $0x1;
	s28 =	smul.f32 $1.562500000e-02, s28;
	v2 =	vadd.f32 v3, v2;
	v3 =	vadd.f32 v39, v38  }
0x182: {  	s10 =	smul.f32 s10, s22;
	s12 =	ssub.f32 $1.500000000e+00, s12;
	v42 =	vsub.f32 v42, v49;
	v40 =	vsub.f32 v44, v49;
	s20 =	ssub.s32 $0x5F3759DF, s26  }
0x183: {  	s26 =	smul.f32 s20, s8;
	v54 =	vmov s28;
	v38 =	vsub.f32 v45, v49;
	v2 =	vadd.f32 v3, v2  }
0x184: {  	s18 =	ssub.f32 $1.500000000e+00, s18;
	v52 =	vmul.f32 v40, v40;
	s11 =	smul.f32 s12, s21;
	v44 =	vsub.f32 v41, v54;
	v3 =	vmul.f32 v42, v42  }
0x185: {  	s26 =	smul.f32 s20, s26;
	s29 =	spop (v2sf);
	v41 =	vsub.f32 v43, v54;
	v53 =	vmul.f32 v38, v38;
	(xrf2) =	vadd.scan.msk.f32 $0xffff, v2;
	v2 =	vmul.f32 v7, v7  }
0x186: {  	s10 =	ssub.f32 $1.500000000e+00, s10;
	s25 =	smul.f32 $1.562500000e-02, s29;
	v45 =	vsub.f32 v37, v54;
	v39 =	vsub.f32 v46, v54  }
0x187: {  	s12 =	smul.f32 s18, s23;
	s26 =	ssub.f32 $1.500000000e+00, s26;
	v2 =	vadd.f32 v3, v2;
	v3 =	vadd.f32 v53, v52  }
0x188: {  	s10 =	smul.f32 s10, s22;
	s21 =	sadd.f32 $9.999999960e-13, s25;
	v60 =	vmul.f32 v44, v44;
	v55 =	vmul.f32 v45, v45  }
0x189: {  	s20 =	smul.f32 s20, s26;
	v6 =	vmul.f32 v39, v39;
	v2 =	vadd.f32 v3, v2;
	v3 =	vmul.f32 v41, v41  }
0x18a: {  	s23 =	sshra.s32 s21, $0x1;
	s18 =	smul.f32 $5.000000000e-01, s21;
	s25 =	spop (v2sf)  }
0x18b: {  	s21 =	ssub.s32 $0x5F3759DF, s23;
	s22 =	smul.f32 $1.562500000e-02, s25;
	(xrf2) =	vadd.scan.msk.f32 $0xffff, v2;
	v2 =	vadd.f32 v60, v55;
	v3 =	vadd.f32 v6, v3  }
0x18c: {  	s26 =	smul.f32 s21, s18  }
0x18d: {  	s24 =	smul.f32 s20, s8;
	s22 =	sadd.f32 $9.999999960e-13, s22;
	v2 =	vadd.f32 v3, v2  }
0x18e: {  	[tilespmem:s19+$0xFFFFFFE0] =	vst v1;
	s23 =	smul.f32 s21, s26  }
0x18f: {  	v12 =	vld [tilespmem:$0x1FFD0];
	s25 =	spop (v2sf);
	s29 =	sshra.s32 s22, $0x1;
	s22 =	smul.f32 $5.000000000e-01, s22;
	(xrf2) =	vadd.scan.msk.f32 $0xffff, v2  }
0x190: {  	s23 =	ssub.f32 $1.500000000e+00, s23;
	s26 =	smul.f32 $1.562500000e-02, s25;
	s29 =	ssub.s32 $0x5F3759DF, s29  }
0x191: {  	s28 =	smul.f32 s29, s22  }
0x192: {  	s21 =	smul.f32 s21, s23  }
0x193: {  	[tilespmem:s19+$0xFFFFFFF0] =	vst v0;
	s25 =	smul.f32 s29, s28  }
0x194: {  	s24 =	smul.f32 s24, s20;
	v10 =	vld [tilespmem:$0x1FFE0];
	[tilespmem:s19+$0x0] =	vst v63;
	v1 =	vadd.f32 v62, v12;
	s26 =	sadd.f32 $9.999999960e-13, s26  }
0x195: {  	v11 =	vld [tilespmem:$0x1FFF0];
	s28 =	smul.f32 s21, s18;
	s23 =	ssub.f32 $1.500000000e+00, s25  }
0x196: {  	[tilespmem:s19+$0x10] =	vst v1;
	s31 =	sshra.s32 s26, $0x1;
	s26 =	smul.f32 $5.000000000e-01, s26  }
0x197: {  	v52 =	vld [tilespmem:$0x1FFC0];
	s31 =	ssub.s32 $0x5F3759DF, s31;
	v61, _, _ =	vpop (xrf2);
	s23 =	smul.f32 s29, s23  }
0x198: {  	s29 =	smul.f32 s31, s26;
	(v2sf) =	vpush v61, $0xF;
	v2, _, _ =	vpop (xrf2)  }
0x199: {  	v0 =	vadd.f32 v58, v10;
	s25 =	smul.f32 s23, s22;
	(v2sf) =	vpush v2, $0xF;
	v2, _, _ =	vpop (xrf2)  }
0x19a: {  	s24 =	ssub.f32 $1.500000000e+00, s24;
	s29 =	smul.f32 s31, s29;
	(v2sf) =	vpush v2, $0xF;
	v2 =	vadd.f32 v59, v11  }
0x19b: {  	[tilespmem:s19+$0x20] =	vst v0;
	s25 =	smul.f32 s25, s23  }
0x19c: {  	s24 =	smul.f32 s24, s20;
	v0 =	vld [tilespmem:$0x1FDB0];
	v3 =	vadd.f32 v26, v52;
	s20 =	ssub.f32 $1.500000000e+00, s29;
	[tilespmem:s19+$0x30] =	vst v2  }
0x19d: {  	s28 =	smul.f32 s28, s21;
	s25 =	ssub.f32 $1.500000000e+00, s25;
	v53 =	vld [tilespmem:$0x1FFB0]  }
0x19e: {  	v63 =	vadd.f32 v57, v12;
	s20 =	smul.f32 s31, s20;
	v2 =	vld [tilespmem:$0x1FDC0];
	[tilespmem:s16+$0x40] =	vst v3  }
0x19f: {  	s23 =	smul.f32 s25, s23;
	v3 =	vld [tilespmem:$0x1FDD0]  }
0x1a0: {  	v32 =	vadd.f32 v56, v10;
	s25 =	smul.f32 s20, s26;
	v56 =	vld [tilespmem:$0x1FF80];
	[tilespmem:s16+$0x50] =	vst v63  }
0x1a1: {  	s22 =	smul.f32 s23, s22;
	v4 =	vld [tilespmem:$0x1FDE0]  }
0x1a2: {  	v1 =	vmul.f32 s9, v27;
	s28 =	ssub.f32 $1.500000000e+00, s28;
	s25 =	smul.f32 s25, s20;
	v54 =	vld [tilespmem:$0x1FF90]  }
0x1a3: {  	s22 =	smul.f32 s22, s23;
	[tilespmem:s16+$0x60] =	vst v32  }
0x1a4: {  	v0 =	vmul.f32 s11, v0;
	s21 =	smul.f32 s28, s21;
	s25 =	ssub.f32 $1.500000000e+00, s25;
	v55 =	vld [tilespmem:$0x1FFA0];
	v1 =	vmul.f32 v1, v53  }
0x1a5: {  	s29 =	smul.f32 s24, s8;
	s22 =	ssub.f32 $1.500000000e+00, s22;
	v5 =	vld [tilespmem:$0x1FDF0];
	v2 =	vmul.f32 s11, v2  }
0x1a6: {  	s20 =	smul.f32 s25, s20;
	v3 =	vmul.f32 s11, v3;
	v0 =	vmul.f32 v0, v56;
	v1 =	vadd.f32 v1, v11  }
0x1a7: {  	s25 =	spop (v2sf);
	s8 =	smul.f32 s22, s23;
	v4 =	vmul.f32 s11, v4;
	v2 =	vmul.f32 v2, v54;
	s11 =	sadd.s32 $0x100, s16  }
0x1a8: {  	s22 =	smul.f32 $1.562500000e-02, s25;
	v0 =	vadd.f32 v0, v52;
	[tilespmem:s11+$0x70] =	vst v1  }
0x1a9: {  	s23 =	smul.f32 s21, s18;
	v3 =	vmul.f32 v3, v55;
	v4 =	vmul.f32 v4, v53;
	v2 =	vadd.f32 v2, v12;
	v1 =	vld [tilespmem:$0x1FE00]  }
0x1aa: {  	s25 =	smul.f32 s20, s26;
	s18 =	sadd.f32 $9.999999960e-13, s22;
	v5 =	vmul.f32 s12, v5;
	v37 =	vld [tilespmem:$0x1FE10];
	[tilespmem:s16+$0xFFFFFF80] =	vst v0  }
0x1ab: {  	s22 =	smul.f32 s29, s24;
	v0 =	vadd.f32 v3, v10;
	v3 =	vld [tilespmem:$0x1FE20];
	[tilespmem:s16+$0xFFFFFF90] =	vst v2;
	v2 =	vadd.f32 v4, v11  }
0x1ac: {  	v46 =	vmul.f32 s10, v16;
	s26 =	sshra.s32 s18, $0x1;
	s18 =	smul.f32 $5.000000000e-01, s18;
	v5 =	vmul.f32 v5, v56;
	v43 =	vld [tilespmem:$0x1FE30]  }
0x1ad: {  	s28 =	smul.f32 s23, s21;
	s26 =	ssub.s32 $0x5F3759DF, s26;
	[tilespmem:s16+$0xFFFFFFB0] =	vst v2;
	v2 =	vmul.f32 s10, v24  }
0x1ae: {  	s29 =	smul.f32 s26, s18;
	[tilespmem:s16+$0xFFFFFFA0] =	vst v0;
	v0 =	vadd.f32 v5, v52;
	v5 =	vmul.f32 v46, v54;
	v1 =	vmul.f32 s12, v1  }
0x1af: {  	s23 =	smul.f32 s25, s20;
	s22 =	ssub.f32 $1.500000000e+00, s22;
	v6 =	vmul.f32 s12, v37;
	v2 =	vmul.f32 v2, v55  }
0x1b0: {  	s25 =	spop (v2sf);
	s19 =	smul.f32 s26, s29;
	v5 =	vadd.f32 v5, v12;
	v3 =	vmul.f32 s12, v3;
	v1 =	vmul.f32 v1, v54  }
0x1b1: {  	s28 =	ssub.f32 $1.500000000e+00, s28;
	s25 =	smul.f32 $1.562500000e-02, s25;
	[tilespmem:s16+$0xFFFFFFC0] =	vst v0;
	v4 =	vmul.f32 s10, v43;
	v6 =	vmul.f32 v6, v55;
	v2 =	vadd.f32 v2, v10  }
0x1b2: {  	s22 =	smul.f32 s22, s24;
	s19 =	ssub.f32 $1.500000000e+00, s19;
	[tilespmem:s16+$0x10] =	vst v5;
	v3 =	vmul.f32 v3, v53;
	v1 =	vadd.f32 v1, v12  }
0x1b3: {  	s21 =	smul.f32 s28, s21;
	s25 =	sadd.f32 $9.999999960e-13, s25;
	v0 =	vmul.f32 s10, v20;
	v4 =	vmul.f32 v4, v56;
	v6 =	vadd.f32 v6, v10;
	[tilespmem:s16+$0x20] =	vst v2  }
0x1b4: {  	s24 =	smul.f32 s26, s19;
	v3 =	vadd.f32 v3, v11;
	[tilespmem:s16+$0xFFFFFFD0] =	vst v1  }
0x1b5: {  	s19 =	smul.f32 $5.000000000e-01, s25;
	s26 =	spop (v2sf);
	v0 =	vmul.f32 v0, v53;
	v4 =	vadd.f32 v4, v52;
	[tilespmem:s16+$0xFFFFFFE0] =	vst v6  }
0x1b6: {  	s12 =	sshra.s32 s25, $0x1;
	s25 =	smul.f32 $1.562500000e-02, s26;
	v1 =	vmul.f32 s9, v15;
	[tilespmem:s16+$0xFFFFFFF0] =	vst v3  }
0x1b7: {  	v49 =	vmul.f32 s9, v13;
	s26 =	smul.f32 s24, s18;
	s28 =	ssub.s32 $0x5F3759DF, s12;
	v0 =	vadd.f32 v0, v11;
	[tilespmem:s16+$0x0] =	vst v4  }
0x1b8: {  	s12 =	smul.f32 s28, s19;
	s25 =	sadd.f32 $9.999999960e-13, s25;
	v3 =	vmul.f32 s9, v14;
	v1 =	vmul.f32 v1, v56;
	v2 =	vld [tilespmem:$0x1FE80]  }
0x1b9: {  	v58 =	vmul.f32 s8, v51;
	v57 =	vmul.f32 v49, v54;
	s26 =	smul.f32 s26, s24;
	[tilespmem:s16+$0x30] =	vst v0  }
0x1ba: {  	s29 =	sshra.s32 s25, $0x1;
	s10 =	smul.f32 $5.000000000e-01, s25;
	v3 =	vmul.f32 v3, v55;
	v1 =	vadd.f32 v1, v52;
	v59 =	vld [tilespmem:$0x1FE90]  }
0x1bb: {  	s23 =	ssub.f32 $1.500000000e+00, s23;
	s25 =	smul.f32 s28, s12;
	s29 =	ssub.s32 $0x5F3759DF, s29;
	v4 =	vadd.f32 v57, v12;
	v0 =	vmul.f32 v58, v53  }
0x1bc: {  	s31 =	smul.f32 s29, s10;
	v3 =	vadd.f32 v3, v10;
	[tilespmem:s11+$0x40] =	vst v1  }
0x1bd: {  	s12 =	smul.f32 s23, s20;
	s20 =	ssub.f32 $1.500000000e+00, s25;
	v0 =	vadd.f32 v0, v11;
	v1 =	vld [tilespmem:$0x1FEA0];
	[tilespmem:s11+$0x50] =	vst v4;
	v2 =	vmul.f32 s22, v2  }
0x1be: {  	s23 =	ssub.f32 $1.500000000e+00, s26;
	s9 =	sadd.s32 $0x100, s11;
	s26 =	smul.f32 s29, s31;
	[tilespmem:s11+$0x60] =	vst v3  }
0x1bf: {  	s25 =	smul.f32 s28, s20;
	v3 =	vld [tilespmem:$0x1FE40];
	[tilespmem:s9+$0x70] =	vst v0;
	v5 =	vmul.f32 s22, v59;
	v2 =	vmul.f32 v2, v56  }
0x1c0: {  	s16 =	smul.f32 s23, s24;
	v0 =	vld [tilespmem:$0x1FE50]  }
0x1c1: {  	v60 =	vmul.f32 s22, v35;
	s24 =	smul.f32 s25, s19;
	v5 =	vmul.f32 v5, v54;
	v2 =	vadd.f32 v2, v52  }
0x1c2: {  	s23 =	ssub.f32 $1.500000000e+00, s26;
	s18 =	smul.f32 s16, s18;
	v61 =	vld [tilespmem:$0x1FE60];
	v1 =	vmul.f32 s22, v1  }
0x1c3: {  	v62 =	vmul.f32 s12, v33;
	s20 =	smul.f32 s24, s25;
	v4 =	vmul.f32 v60, v53;
	v5 =	vadd.f32 v5, v12;
	[tilespmem:s11+$0xFFFFFF80] =	vst v2  }
0x1c4: {  	s22 =	smul.f32 s29, s23;
	v3 =	vmul.f32 s21, v3;
	v1 =	vmul.f32 v1, v55;
	v2 =	vld [tilespmem:$0x1FE70]  }
0x1c5: {  	s18 =	smul.f32 s18, s16;
	s20 =	ssub.f32 $1.500000000e+00, s20;
	v4 =	vadd.f32 v4, v11;
	v0 =	vmul.f32 s21, v0;
	[tilespmem:s11+$0xFFFFFF90] =	vst v5;
	v5 =	vmul.f32 v62, v56  }
0x1c6: {  	v63 =	vmul.f32 s12, v18;
	s26 =	smul.f32 s22, s10;
	v3 =	vmul.f32 v3, v56;
	v1 =	vadd.f32 v1, v10  }
0x1c7: {  	s20 =	smul.f32 s20, s25;
	v6 =	vmul.f32 s21, v61;
	[tilespmem:s11+$0xFFFFFFB0] =	vst v4;
	v0 =	vmul.f32 v0, v54;
	v5 =	vadd.f32 v5, v52  }
0x1c8: {  	s18 =	ssub.f32 $1.500000000e+00, s18;
	v4 =	vmul.f32 v63, v55;
	s24 =	smul.f32 s26, s22;
	[tilespmem:s11+$0xFFFFFFA0] =	vst v1;
	v1 =	vadd.f32 v3, v52;
	v3 =	vmul.f32 s12, v34  }
0x1c9: {  	s19 =	smul.f32 s20, s19;
	v6 =	vmul.f32 v6, v55;
	v0 =	vadd.f32 v0, v12;
	[tilespmem:s11+$0x0] =	vst v5;
	v2 =	vmul.f32 s21, v2  }
0x1ca: {  	s16 =	smul.f32 s18, s16;
	v4 =	vadd.f32 v4, v10;
	s21 =	ssub.f32 $1.500000000e+00, s24;
	[tilespmem:s11+$0xFFFFFFC0] =	vst v1;
	v1 =	vmul.f32 s12, v17;
	v3 =	vmul.f32 v3, v54  }
0x1cb: {  	s19 =	smul.f32 s19, s20;
	v6 =	vadd.f32 v6, v10;
	[tilespmem:s11+$0xFFFFFFD0] =	vst v0;
	v0 =	vmul.f32 s8, v50;
	v2 =	vmul.f32 v2, v53  }
0x1cc: {  	v32 =	vmul.f32 s8, v48;
	[tilespmem:s11+$0x20] =	vst v4;
	s26 =	smul.f32 s21, s22;
	v1 =	vmul.f32 v1, v53;
	v3 =	vadd.f32 v3, v12  }
0x1cd: {  	v34 =	vmul.f32 s16, v9;
	[tilespmem:s11+$0xFFFFFFE0] =	vst v6;
	v0 =	vmul.f32 v0, v56;
	s22 =	ssub.f32 $1.500000000e+00, s19;
	v2 =	vadd.f32 v2, v11  }
0x1ce: {  	v33 =	vmul.f32 v32, v54;
	s21 =	smul.f32 s26, s10;
	v1 =	vadd.f32 v1, v11;
	[tilespmem:s11+$0x10] =	vst v3;
	v3 =	vmul.f32 s16, v8  }
0x1cf: {  	v4 =	vmul.f32 v34, v54;
	v0 =	vadd.f32 v0, v52;
	s10 =	smul.f32 s22, s20;
	[tilespmem:s11+$0xFFFFFFF0] =	vst v2;
	v2 =	vmul.f32 s8, v47  }
0x1d0: {  	v5 =	vadd.f32 v33, v12;
	s8 =	smul.f32 s21, s26;
	[tilespmem:s11+$0x30] =	vst v1;
	v1 =	vmul.f32 s16, v21;
	v3 =	vmul.f32 v3, v56  }
0x1d1: {  	v4 =	vadd.f32 v4, v12;
	[tilespmem:s9+$0x40] =	vst v0;
	v0 =	vmul.f32 s16, v36;
	v2 =	vmul.f32 v2, v55  }
0x1d2: {  	[tilespmem:s9+$0x50] =	vst v5;
	v36 =	vmul.f32 s10, v40;
	s8 =	ssub.f32 $1.500000000e+00, s8;
	v1 =	vmul.f32 v1, v55;
	v3 =	vadd.f32 v3, v52  }
0x1d3: {  	[tilespmem:s9+$0xFFFFFF90] =	vst v4;
	v35 =	vmul.f32 s10, v7;
	v0 =	vmul.f32 v0, v53;
	v2 =	vadd.f32 v2, v10  }
0x1d4: {  	v6 =	vmul.f32 v36, v55;
	s8 =	smul.f32 s8, s26;
	[tilespmem:s9+$0xFFFFFF80] =	vst v3;
	v1 =	vadd.f32 v1, v10;
	v3 =	vmul.f32 s10, v38  }
0x1d5: {  	v5 =	vmul.f32 v35, v56;
	v0 =	vadd.f32 v0, v11;
	[tilespmem:s9+$0x60] =	vst v2;
	v2 =	vmul.f32 s10, v42  }
0x1d6: {  	v6 =	vadd.f32 v6, v10;
	[tilespmem:s9+$0xFFFFFFA0] =	vst v1;
	v38 =	vmul.f32 s8, v44;
	v3 =	vmul.f32 v3, v53  }
0x1d7: {  	v1 =	vadd.f32 v5, v52;
	[tilespmem:s9+$0xFFFFFFB0] =	vst v0;
	v0 =	vmul.f32 s8, v41;
	v2 =	vmul.f32 v2, v54  }
0x1d8: {  	v37 =	vmul.f32 s8, v45;
	[tilespmem:s9+$0xFFFFFFE0] =	vst v6;
	v5 =	vmul.f32 v38, v54;
	v3 =	vadd.f32 v3, v11  }
0x1d9: {  	[tilespmem:s9+$0xFFFFFFC0] =	vst v1;
	v1 =	vmul.f32 s8, v39;
	v0 =	vmul.f32 v0, v55;
	v2 =	vadd.f32 v2, v12  }
0x1da: {  	v4 =	vmul.f32 v37, v56;
	v39 =	vadd.f32 v5, v12;
	[tilespmem:s9+$0xFFFFFFF0] =	vst v3  }
0x1db: {  	v1 =	vmul.f32 v1, v53;
	v0 =	vadd.f32 v0, v10;
	[tilespmem:s9+$0xFFFFFFD0] =	vst v2  }
0x1dc: {  	s23 =	sadd.s32 s5, s17;
	v2 =	vadd.f32 v4, v52;
	[tilespmem:s9+$0x10] =	vst v39  }
0x1dd: {  	s8 =	smul.u32 $0x640, s23;
	v1 =	vadd.f32 v1, v11;
	[tilespmem:s9+$0x20] =	vst v0  }
0x1de: {  	s16 =	sor.u32 $0x3, s17;
	[tilespmem:s9+$0x0] =	vst v2  }
0x1df: {  	s24 =	smul.u32 $0x340, s16;
	s8 =	sadd.s32 s4, s8;
	[tilespmem:s9+$0x30] =	vst v1  }
0x1e0: {  	[hbm4b:s8+s6] =	stream.linear.scatter [tilespmem:s30], [sflag:$0x5], $0x3200, $0x38;
	[tilespmem:$0x1C680] =	vst v63  }
0x1e1: {  	s25 =	sshra.s32 s24, $0x2;
	s26 =	simm.s32 $0xFE00  }
0x1e2: {  	[tilespmem:s26], [sflag:$0x4] =	stream.indirect.gather [hbm4b:s7+s15], $0x40, s25, s15, $0xb8;
	[tilespmem:$0x1C680] =	vst v63  }
0x1e3: {  	s10 =	simm.s32 $0x2;
	s8 =	sadd.s32 $0x68, s25;
	s30 =	simm.s32 $0x11700  }
0x1e4: {  	[tilespmem:s30], [sflag:$0x4] =	stream.indirect.gather [hbm4b:s7+s15], $0x40, s8, s15, $0xb8;
	[tilespmem:$0x1C680] =	vst v63  }
0x1e5: {  	_ =	swait.ge [sflag:s10], $0x3200  }
0x1e6: {  	[sflag:s10] =	ssyncset.done $0x0  }
0x1e7: {  	s8 =	simm.s32 @!p0 $0x6;
	[sflag:s10] =	ssyncadd.s32 $0xFFFFCE00  }
0x1e8: {  	_ =	swait.ge @!p0 [sflag:s8], $0x3200  }
0x1e9: {  	[sflag:s8] =	ssyncset.done @!p0 $0x0  }
0x1ea: {  	s11 =	simm.s32 $0x9AF0;
	[sflag:s8] =	ssyncadd.s32 @!p0 $0xFFFFCE00  }
0x1eb: {  	s12 =	simm.s32 $0x19480;
	v0 =	vld [tilespmem:s11+$0xFFFFFFD0]  }
0x1ec: {  	v1 =	vld [tilespmem:s12+$0x40]  }
0x1ed: {  	v2 =	vld [tilespmem:s11+$0xFFFFFFE0]  }
0x1ee: {  	v3 =	vld [tilespmem:s12+$0x50]  }
0x1ef: {  	v40 =	vld [tilespmem:s11+$0xFFFFFFF0]  }
0x1f0: {  	v41 =	vld [tilespmem:s12+$0x60]  }
0x1f1: {  	v42 =	vld [tilespmem:s11+$0x0]  }
0x1f2: {  	v43 =	vld [tilespmem:s12+$0x70];
	_ =	sdelay $0x3  }
0x1f3: {  	v0 =	vadd.f32 v1, v0;
	v1 =	vadd.f32 v3, v2  }
0x1f4: {  	v2 =	vadd.f32 v41, v40;
	v3 =	vadd.f32 v43, v42;
	_ =	sdelay $0x1  }
0x1f5: {  	v44 =	vld [tilespmem:s12+$0xFFFFFF80];
	v45 =	vadd.f32 v1, v0;
	v6 =	vadd.f32 v3, v2  }
0x1f6: {  	v46 =	vld [tilespmem:s11+$0xFFFFFF20]  }
0x1f7: {  	v47 =	vld [tilespmem:s12+$0xFFFFFF90];
	v5 =	vadd.f32 v6, v45  }
0x1f8: {  	v50 =	vld [tilespmem:s11+$0xFFFFFF50]  }
0x1f9: {  	v57 =	vld [tilespmem:s11+$0xFFFFFF60];
	(xrf2) =	vadd.scan.msk.f32 $0xffff, v5  }
0x1fa: {  	v12 =	vld [tilespmem:s12+$0xFFFFFFD0]  }
0x1fb: {  	v13 =	vld [tilespmem:s11+$0xFFFFFF70]  }
0x1fc: {  	v14 =	vld [tilespmem:s12+$0xFFFFFFE0]  }
0x1fd: {  	v15 =	vld [tilespmem:s11+$0xFFFFFF80]  }
0x1fe: {  	v16 =	vld [tilespmem:s12+$0xFFFFFFF0]  }
0x1ff: {  	v51 =	vld [tilespmem:s12+$0xFFFFFFC0]  }
0x200: {  	v48 =	vld [tilespmem:s11+$0xFFFFFF30]  }
0x201: {  	v49 =	vld [tilespmem:s12+$0xFFFFFFA0]  }
0x202: {  	v17 =	vld [tilespmem:s11+$0xFFFFFF40];
	v58 =	vadd.f32 v12, v57  }
0x203: {  	v18 =	vld [tilespmem:s12+$0xFFFFFFB0];
	v59 =	vadd.f32 v14, v13;
	v12 =	vadd.f32 v16, v15;
	v19, _, _ =	vpop (xrf2)  }
0x204: {  	v5 =	vadd.f32 v51, v50;
	(v2sf) =	vpush v19, $0xF;
	v19 =	vld [tilespmem:s11+$0xFFFFFF10];
	_ =	sdelay $0x1  }
0x205: {  	v13 =	vadd.f32 v12, v59;
	v32 =	vadd.f32 v58, v5  }
0x206: {  	v7 =	vadd.f32 v47, v46  }
0x207: {  	v14 =	vadd.f32 v18, v17;
	v9 =	vadd.f32 v13, v32  }
0x208: {  	v6 =	vadd.f32 v49, v48;
	v4 =	vadd.f32 v44, v19  }
0x209: {  	(xrf2) =	vadd.scan.msk.f32 $0xffff, v9  }
0x20a: {  	v63 =	vld [tilespmem:s11+$0xFFFFFF90];
	v13 =	vadd.f32 v14, v6;
	v18 =	vadd.f32 v7, v4  }
0x20b: {  	v33 =	vld [tilespmem:s12+$0x20]  }
0x20c: {  	v20 =	vld [tilespmem:s12+$0x30];
	v13 =	vadd.f32 v13, v18  }
0x20d: {  	v15 =	vld [tilespmem:s12+$0x0]  }
0x20e: {  	v16 =	vld [tilespmem:s11+$0xFFFFFFA0];
	(xrf2) =	vadd.scan.msk.f32 $0xffff, v13  }
0x20f: {  	v17 =	vld [tilespmem:s12+$0x10]  }
0x210: {  	v19 =	vld [tilespmem:s11+$0xFFFFFFB0]  }
0x211: {  	s19 =	simm.s32 $0x19580;
	v18 =	vld [tilespmem:s11+$0xFFFFFFC0]  }
0x212: {  	s18 =	simm.s32 $0x9BF0;
	v21 =	vld [tilespmem:s19+$0x40];
	s20 =	spop (v2sf)  }
0x213: {  	v22 =	vld [tilespmem:s18+$0xFFFFFFE0];
	v24, _, _ =	vpop (xrf2);
	s10 =	smul.f32 $1.562500000e-02, s20  }
0x214: {  	v34 =	vld [tilespmem:s19+$0x50];
	v15 =	vadd.f32 v15, v63;
	(v2sf) =	vpush v24, $0xF  }
0x215: {  	v26 =	vld [tilespmem:s18+$0x0];
	v16 =	vadd.f32 v17, v16;
	v9 =	vadd.f32 v33, v19;
	v25 =	vmov s10  }
0x216: {  	v19 =	vld [tilespmem:s19+$0x60];
	v17 =	vadd.f32 v20, v18;
	v28 =	vsub.f32 v0, v25  }
0x217: {  	v13 =	vld [tilespmem:s18+$0xFFFFFFD0];
	v20 =	vadd.f32 v16, v15  }
0x218: {  	v18 =	vld [tilespmem:s18+$0xFFFFFFF0];
	v23 =	vadd.f32 v17, v9;
	v60 =	vsub.f32 v3, v25;
	[tilespmem:$0x1FCD0] =	vst v28;
	v3, _, _ =	vpop (xrf2)  }
0x219: {  	v24 =	vsub.f32 v1, v25;
	v0 =	vld [tilespmem:s19+$0x70];
	(v2sf) =	vpush v3, $0xF  }
0x21a: {  	v27 =	vsub.f32 v2, v25;
	v1 =	vadd.f32 v23, v20  }
0x21b: {  	v2 =	vmul.f32 v28, v28  }
0x21c: {  	v20 =	vmul.f32 v24, v24;
	v23 =	vmul.f32 v27, v27;
	(xrf2) =	vadd.scan.msk.f32 $0xffff, v1  }
0x21d: {  	v1 =	vmul.f32 v60, v60;
	[tilespmem:$0x1FCE0] =	vst v24;
	v3 =	vadd.f32 v21, v13;
	v21 =	vadd.f32 v34, v22  }
0x21e: {  	[tilespmem:$0x1FCF0] =	vst v27;
	v22 =	vadd.f32 v19, v18;
	v24 =	vadd.f32 v0, v26  }
0x21f: {  	v1 =	vadd.f32 v1, v23;
	v13 =	vld [tilespmem:s19+$0xFFFFFF80];
	v0 =	vadd.f32 v20, v2  }
0x220: {  	v36 =	vld [tilespmem:s18+$0xFFFFFF30];
	v2 =	vadd.f32 v21, v3;
	v35 =	vadd.f32 v24, v22  }
0x221: {  	v18 =	vld [tilespmem:s18+$0xFFFFFF40];
	v0 =	vadd.f32 v1, v0  }
0x222: {  	v23 =	vld [tilespmem:s18+$0xFFFFFF60];
	v2 =	vadd.f32 v35, v2  }
0x223: {  	s21 =	spop (v2sf);
	v20 =	vld [tilespmem:s18+$0xFFFFFF50];
	(xrf2) =	vadd.scan.msk.f32 $0xffff, v0  }
0x224: {  	s10 =	smul.f32 $1.562500000e-02, s21;
	v1 =	vld [tilespmem:s18+$0xFFFFFF20];
	(xrf2) =	vadd.scan.msk.f32 $0xffff, v2  }
0x225: {  	v0 =	vld [tilespmem:s19+$0xFFFFFF90]  }
0x226: {  	v26 =	vmov s10;
	v19, _, _ =	vpop (xrf2);
	v2 =	vld [tilespmem:s19+$0xFFFFFFA0]  }
0x227: {  	v30 =	vsub.f32 v5, v26;
	(v2sf) =	vpush v19, $0xF;
	v19 =	vld [tilespmem:s19+$0xFFFFFFC0]  }
0x228: {  	v25 =	vld [tilespmem:s19+$0xFFFFFFD0];
	v29 =	vsub.f32 v58, v26;
	s22 =	spop (v2sf)  }
0x229: {  	v27 =	vld [tilespmem:s18+$0xFFFFFF70];
	v38 =	vsub.f32 v59, v26;
	[tilespmem:$0x1FD40] =	vst v30;
	s10 =	smul.f32 $1.562500000e-02, s22  }
0x22a: {  	v39 =	vsub.f32 v12, v26;
	[tilespmem:$0x1FD50] =	vst v29  }
0x22b: {  	v37 =	vld [tilespmem:s19+$0xFFFFFFE0];
	[tilespmem:$0x1FD60] =	vst v38;
	v10 =	vadd.f32 v0, v1;
	v11 =	vadd.f32 v2, v36;
	v2 =	vmov s10  }
0x22c: {  	v1 =	vld [tilespmem:s18+$0xFFFFFF80];
	[tilespmem:$0x1FD70] =	vst v39;
	v8 =	vadd.f32 v19, v20;
	v20 =	vsub.f32 v4, v2  }
0x22d: {  	v26 =	vld [tilespmem:s19+$0xFFFFFFF0];
	v0, _, _ =	vpop (xrf2);
	v31 =	vsub.f32 v7, v2  }
0x22e: {  	v28 =	vld [tilespmem:s19+$0xFFFFFFB0];
	v19 =	vmul.f32 v30, v30;
	v30 =	vsub.f32 v6, v2;
	(v2sf) =	vpush v0, $0xF;
	v0, _, _ =	vpop (xrf2);
	[tilespmem:$0x1FD00] =	vst v20  }
0x22f: {  	v2 =	vsub.f32 v14, v2;
	(v2sf) =	vpush v0, $0xF;
	v40 =	vld [tilespmem:s18+$0xFFFFFF90];
	[tilespmem:$0x1FD10] =	vst v31  }
0x230: {  	v12 =	vadd.f32 v25, v23;
	v41 =	vld [tilespmem:s19+$0x0];
	[tilespmem:$0x1FD20] =	vst v30  }
0x231: {  	v32 =	vmul.f32 v38, v38;
	[tilespmem:$0x1FD30] =	vst v2  }
0x232: {  	v23 =	vadd.f32 v12, v8;
	v14 =	vmul.f32 v29, v29;
	v1 =	vadd.f32 v26, v1;
	v42 =	vld [tilespmem:s18+$0xFFFFFFA0]  }
0x233: {  	v20 =	vmul.f32 v20, v20;
	v25 =	vmul.f32 v31, v31;
	v0 =	vadd.f32 v37, v27;
	v43 =	vld [tilespmem:s18+$0xFFFFFF10]  }
0x234: {  	v27 =	vmul.f32 v30, v30;
	v30 =	vmul.f32 v2, v2;
	v2 =	vadd.f32 v28, v18;
	v26 =	vld [tilespmem:s19+$0x10]  }
0x235: {  	v18 =	vadd.f32 v25, v20;
	v20 =	vmul.f32 v39, v39;
	v29 =	vld [tilespmem:s18+$0xFFFFFFB0];
	v31 =	vadd.f32 v1, v0  }
0x236: {  	v28 =	vld [tilespmem:s19+$0x20];
	s23 =	spop (v2sf);
	v27 =	vadd.f32 v30, v27;
	v30 =	vadd.f32 v14, v19  }
0x237: {  	v25 =	vld [tilespmem:s18+$0xFFFFFFC0];
	v44 =	vadd.f32 v20, v32;
	v23 =	vadd.f32 v31, v23;
	s24 =	smul.f32 $1.562500000e-02, s23  }
0x238: {  	v20 =	vadd.f32 v2, v11;
	v31 =	vld [tilespmem:s19+$0x30];
	v13 =	vadd.f32 v13, v43  }
0x239: {  	v14 =	vadd.f32 v27, v18;
	(xrf2) =	vadd.scan.msk.f32 $0xffff, v23;
	v23 =	vmov s24;
	v19 =	vadd.f32 v41, v40  }
0x23a: {  	v59 =	vsub.f32 v15, v23;
	v27 =	vadd.f32 v10, v13  }
0x23b: {  	(xrf2) =	vadd.scan.msk.f32 $0xffff, v14;
	v18 =	vadd.f32 v26, v42;
	v14 =	vadd.f32 v28, v29  }
0x23c: {  	v26 =	vsub.f32 v9, v23;
	v45 =	vadd.f32 v20, v27  }
0x23d: {  	v15 =	vadd.f32 v31, v25;
	v25 =	vsub.f32 v17, v23;
	s25 =	spop (v2sf)  }
0x23e: {  	s11 =	simm.s32 $0x9CF0;
	v58 =	vsub.f32 v16, v23;
	[tilespmem:$0x1FD80] =	vst v26;
	(xrf2) =	vadd.scan.msk.f32 $0xffff, v45;
	s26 =	spop (v2sf)  }
0x23f: {  	s9 =	simm.s32 $0x19680;
	v46 =	vadd.f32 v18, v19;
	v48 =	vld [tilespmem:s11+$0xFFFFFFD0];
	v47 =	vadd.f32 v15, v14;
	[tilespmem:$0x1FD90] =	vst v25;
	s30 =	smul.f32 $1.562500000e-02, s26  }
0x240: {  	v5 =	vadd.f32 v44, v30;
	v49 =	vmul.f32 v59, v59;
	v16 =	vmul.f32 v58, v58;
	v17 =	vld [tilespmem:s9+$0x40];
	s8 =	smul.f32 $1.562500000e-02, s25  }
0x241: {  	v23 =	vmul.f32 v26, v26;
	v20 =	vld [tilespmem:s11+$0xFFFFFFE0];
	v4 =	vadd.f32 v47, v46;
	v50 =	vmov s30  }
0x242: {  	v9 =	vadd.f32 v16, v49;
	v51 =	vld [tilespmem:s11+$0xFFFFFFF0];
	s8 =	sadd.f32 $9.999999960e-13, s8;
	v62 =	vsub.f32 v21, v50;
	v21 =	vmul.f32 v25, v25  }
0x243: {  	v26 =	vld [tilespmem:s11+$0x0];
	(xrf2) =	vadd.scan.msk.f32 $0xffff, v4;
	v61 =	vsub.f32 v3, v50;
	v63 =	vsub.f32 v22, v50  }
0x244: {  	s12 =	sshra.s32 s8, $0x1;
	s8 =	smul.f32 $5.000000000e-01, s8;
	v3 =	vld [tilespmem:s9+$0x50];
	v25, _, _ =	vpop (xrf2);
	v57 =	vsub.f32 v24, v50;
	(xrf2) =	vadd.scan.msk.f32 $0xffff, v5;
	v21 =	vadd.f32 v21, v23  }
0x245: {  	v22 =	vld [tilespmem:s9+$0x60];
	s10 =	ssub.s32 $0x5F3759DF, s12;
	(v2sf) =	vpush v25, $0xF;
	v16, _, _ =	vpop (xrf2);
	v35 =	vmul.f32 v61, v61;
	v36 =	vmul.f32 v62, v62  }
0x246: {  	s18 =	smul.f32 s10, s8;
	v24 =	vmul.f32 v63, v63;
	v25 =	vmul.f32 v57, v57;
	(v2sf) =	vpush v16, $0xF;
	v16 =	vld [tilespmem:s9+$0x70]  }
0x247: {  	v5 =	vadd.f32 v36, v35  }
0x248: {  	s12 =	smul.f32 s10, s18;
	v37 =	vadd.f32 v25, v24;
	v9 =	vadd.f32 v21, v9;
	v21, _, _ =	vpop (xrf2)  }
0x249: {  	v6 =	vld [tilespmem:s9+$0xFFFFFF80];
	v35 =	vadd.f32 v17, v48;
	(v2sf) =	vpush v21, $0xF  }
0x24a: {  	v38 =	vld [tilespmem:s11+$0xFFFFFF30];
	v36 =	vadd.f32 v3, v20;
	s12 =	ssub.f32 $1.500000000e+00, s12;
	v5 =	vadd.f32 v37, v5  }
0x24b: {  	v39 =	vld [tilespmem:s9+$0xFFFFFFA0];
	v3 =	vadd.f32 v22, v51;
	(xrf2) =	vadd.scan.msk.f32 $0xffff, v9;
	v31 =	vadd.f32 v16, v26  }
0x24c: {  	v43 =	vld [tilespmem:s11+$0xFFFFFF50];
	s10 =	smul.f32 s10, s12;
	(xrf2) =	vadd.scan.msk.f32 $0xffff, v5  }
0x24d: {  	v27 =	vld [tilespmem:s11+$0xFFFFFF80];
	v40, _, _ =	vpop (xrf2);
	v41 =	vadd.f32 v36, v35;
	v17 =	vadd.f32 v31, v3  }
0x24e: {  	v28 =	vld [tilespmem:s9+$0xFFFFFFF0];
	(v2sf) =	vpush v40, $0xF;
	s12 =	smul.f32 s10, s8;
	v42, _, _ =	vpop (xrf2)  }
0x24f: {  	v23 =	vld [tilespmem:s9+$0xFFFFFFD0];
	(v2sf) =	vpush v42, $0xF;
	v9 =	vadd.f32 v17, v41  }
0x250: {  	v24 =	vld [tilespmem:s11+$0xFFFFFF70];
	s12 =	smul.f32 s12, s10  }
0x251: {  	v22 =	vld [tilespmem:s11+$0xFFFFFF60];
	(xrf2) =	vadd.scan.msk.f32 $0xffff, v9  }
0x252: {  	v25 =	vld [tilespmem:s9+$0xFFFFFFE0];
	s12 =	ssub.f32 $1.500000000e+00, s12  }
0x253: {  	v20 =	vld [tilespmem:s9+$0xFFFFFFB0]  }
0x254: {  	v16 =	vld [tilespmem:s11+$0xFFFFFF40];
	s12 =	smul.f32 s12, s10;
	s19 =	spop (v2sf)  }
0x255: {  	v30 =	vld [tilespmem:s11+$0xFFFFFF20];
	v21, _, _ =	vpop (xrf2);
	s18 =	smul.f32 $1.562500000e-02, s19;
	s20 =	spop (v2sf)  }
0x256: {  	v33 =	vadd.f32 v28, v27;
	v23 =	vadd.f32 v23, v22;
	v17 =	vld [tilespmem:s9+$0xFFFFFFC0];
	s10 =	smul.f32 $1.562500000e-02, s20;
	v26, _, _ =	vpop (xrf2)  }
0x257: {  	v44 =	vld [tilespmem:s9+$0xFFFFFF90];
	v22 =	vadd.f32 v25, v24;
	s8 =	smul.f32 s12, s8;
	(v2sf) =	vpush v26, $0xF  }
0x258: {  	v4 =	vld [tilespmem:s11+$0xFFFFFF90];
	s10 =	sadd.f32 $9.999999960e-13, s10;
	s21 =	spop (v2sf)  }
0x259: {  	v27 =	vld [tilespmem:s11+$0xFFFFFFB0];
	v24 =	vadd.f32 v33, v22;
	v29 =	vmov s18;
	v26 =	vadd.f32 v20, v16;
	s18 =	smul.f32 $1.562500000e-02, s21  }
0x25a: {  	v5 =	vld [tilespmem:s9+$0x0];
	v9 =	vsub.f32 v8, v29;
	(v2sf) =	vpush v21, $0xF;
	s22 =	sshra.s32 s10, $0x1;
	s10 =	smul.f32 $5.000000000e-01, s10  }
0x25b: {  	v25 =	vld [tilespmem:s11+$0xFFFFFF10];
	s8 =	smul.f32 s8, s12;
	v8 =	vsub.f32 v12, v29;
	v21 =	vadd.f32 v17, v43;
	s19 =	ssub.s32 $0x5F3759DF, s22;
	v17, _, _ =	vpop (xrf2);
	v45 =	vmov s18  }
0x25c: {  	v16 =	vld [tilespmem:s11+$0xFFFFFFA0];
	s23 =	smul.f32 s19, s10;
	(v2sf) =	vpush v17, $0xF;
	v12 =	vsub.f32 v13, v45  }
0x25d: {  	v20 =	vld [tilespmem:s9+$0x10];
	s8 =	ssub.f32 $1.500000000e+00, s8;
	s24 =	spop (v2sf);
	v17 =	vadd.f32 v23, v21;
	v13 =	vsub.f32 v10, v45  }
0x25e: {  	s18 =	smul.f32 s19, s23;
	v11 =	vsub.f32 v11, v45;
	s25 =	spop (v2sf);
	v46 =	vsub.f32 v2, v45;
	v2 =	vld [tilespmem:s9+$0x20];
	[tilespmem:$0x1FBD0] =	vst v12  }
0x25f: {  	v47 =	vadd.f32 v24, v17;
	s21 =	smul.f32 $1.562500000e-02, s25;
	[tilespmem:$0x1FBE0] =	vst v13  }
0x260: {  	s8 =	smul.f32 s8, s12;
	s26 =	ssub.f32 $1.500000000e+00, s18;
	v48 =	vld [tilespmem:s11+$0xFFFFFFC0];
	[tilespmem:$0x1FBF0] =	vst v11  }
0x261: {  	v32 =	vadd.f32 v39, v38;
	s30 =	smul.f32 $1.562500000e-02, s24;
	(xrf2) =	vadd.scan.msk.f32 $0xffff, v47;
	s21 =	sadd.f32 $9.999999960e-13, s21;
	[tilespmem:$0x1FC00] =	vst v46  }
0x262: {  	v28 =	vadd.f32 v44, v30;
	v30 =	vadd.f32 v5, v4;
	v10 =	vld [tilespmem:s9+$0x30];
	s9 =	smul.f32 s19, s26  }
0x263: {  	v34 =	vadd.f32 v6, v25;
	v17 =	vmul.f32 v12, v12;
	v24 =	vmul.f32 v13, v13;
	s22 =	sshra.s32 s21, $0x1;
	s11 =	smul.f32 $5.000000000e-01, s21  }
0x264: {  	v49 =	vadd.f32 v26, v32;
	v50 =	vmul.f32 v11, v11;
	v51 =	vmul.f32 v46, v46;
	s19 =	smul.f32 s9, s10;
	s21 =	ssub.s32 $0x5F3759DF, s22  }
0x265: {  	v39 =	vadd.f32 v20, v16;
	v45 =	vadd.f32 v28, v34;
	s12 =	smul.f32 s21, s11  }
0x266: {  	v11 =	vadd.f32 v24, v17;
	v44 =	vadd.f32 v51, v50;
	s19 =	smul.f32 s19, s9;
	s23 =	spop (v2sf)  }
0x267: {  	v47 =	vsub.f32 v0, v29;
	v46 =	vadd.f32 v49, v45;
	s20 =	smul.f32 $1.562500000e-02, s23  }
0x268: {  	v0 =	vmul.f32 v9, v9;
	v41 =	vadd.f32 v2, v27;
	v2 =	vadd.f32 v44, v11;
	s22 =	smul.f32 s21, s12  }
0x269: {  	[tilespmem:$0x1FC10] =	vst v9;
	v25 =	vadd.f32 v10, v48;
	v48 =	vsub.f32 v1, v29;
	v1 =	vmul.f32 v8, v8;
	s24 =	spop (v2sf);
	s20 =	sadd.f32 $9.999999960e-13, s20  }
0x26a: {  	[tilespmem:$0x1FC20] =	vst v8;
	(xrf2) =	vadd.scan.msk.f32 $0xffff, v2;
	v2 =	vadd.f32 v39, v30;
	s18 =	smul.f32 $1.562500000e-02, s24;
	s19 =	ssub.f32 $1.500000000e+00, s19  }
0x26b: {  	(xrf2) =	vadd.scan.msk.f32 $0xffff, v46;
	v49 =	vadd.f32 v25, v41;
	v0 =	vadd.f32 v1, v0;
	v1 =	vmov s30;
	v8, _, _ =	vpop (xrf2);
	s25 =	sshra.s32 s20, $0x1;
	s20 =	smul.f32 $5.000000000e-01, s20  }
0x26c: {  	[tilespmem:$0x1FC30] =	vst v47;
	v51 =	vsub.f32 v19, v1;
	s12 =	smul.f32 s19, s9;
	(v2sf) =	vpush v8, $0xF;
	s24 =	ssub.s32 $0x5F3759DF, s25  }
0x26d: {  	v50 =	vmul.f32 v47, v47;
	[tilespmem:$0x1FC40] =	vst v48;
	v6 =	vmul.f32 v48, v48;
	v2 =	vadd.f32 v49, v2;
	s26 =	spop (v2sf);
	s30 =	smul.f32 s24, s20  }
0x26e: {  	v17 =	vsub.f32 v18, v1;
	s18 =	sadd.f32 $9.999999960e-13, s18;
	s9 =	simm.s32 $0x9DF0;
	s23 =	smul.f32 $1.562500000e-02, s26;
	[tilespmem:$0x1FC50] =	vst v51  }
0x26f: {  	s22 =	ssub.f32 $1.500000000e+00, s22;
	v4 =	vadd.f32 v6, v50;
	(xrf2) =	vadd.scan.msk.f32 $0xffff, v2;
	v11 =	vld [tilespmem:s9+$0xFFFFFFD0];
	s26 =	smul.f32 s24, s30  }
0x270: {  	v29 =	vsub.f32 v14, v1;
	v20 =	vsub.f32 v15, v1;
	s19 =	simm.s32 $0x19780;
	v2 =	vmul.f32 v17, v17;
	v44 =	vld [tilespmem:s9+$0xFFFFFFE0];
	s30 =	sshra.s32 s18, $0x1;
	s18 =	smul.f32 $5.000000000e-01, s18  }
0x271: {  	s21 =	smul.f32 s21, s22;
	v1 =	vmul.f32 v51, v51;
	v0 =	vadd.f32 v4, v0;
	v46 =	vld [tilespmem:s19+$0x50];
	v9 =	vmov s23;
	s22 =	ssub.s32 $0x5F3759DF, s30;
	s23 =	ssub.f32 $1.500000000e+00, s26  }
0x272: {  	v10 =	vmul.f32 v29, v29;
	v47 =	vld [tilespmem:s9+$0xFFFFFFF0];
	v15 =	vsub.f32 v35, v9;
	v13 =	vsub.f32 v36, v9;
	s25 =	smul.f32 s22, s18  }
0x273: {  	v42 =	vmul.f32 v20, v20;
	v48 =	vld [tilespmem:s9+$0x0];
	v14 =	vsub.f32 v3, v9;
	v24 =	vsub.f32 v31, v9;
	s23 =	smul.f32 s24, s23  }
0x274: {  	v49 =	vld [tilespmem:s19+$0x70];
	v1 =	vadd.f32 v2, v1;
	v2, _, _ =	vpop (xrf2);
	v43 =	vmul.f32 v15, v15;
	v19 =	vmul.f32 v13, v13;
	s25 =	smul.f32 s22, s25  }
0x275: {  	v50 =	vld [tilespmem:s19+$0xFFFFFF90];
	(xrf2) =	vadd.scan.msk.f32 $0xffff, v0;
	v0 =	vmul.f32 v14, v14;
	(v2sf) =	vpush v2, $0xF;
	v2 =	vmul.f32 v24, v24;
	v45, _, _ =	vpop (xrf2);
	s26 =	smul.f32 s23, s20  }
0x276: {  	v51 =	vld [tilespmem:s9+$0xFFFFFF30];
	v5 =	vadd.f32 v42, v10;
	(v2sf) =	vpush v45, $0xF  }
0x277: {  	v6 =	vld [tilespmem:s19+$0xFFFFFFD0];
	v4 =	vadd.f32 v19, v43;
	v0 =	vadd.f32 v2, v0;
	s24 =	ssub.f32 $1.500000000e+00, s25;
	s25 =	smul.f32 s26, s23  }
0x278: {  	v42 =	vld [tilespmem:s9+$0xFFFFFF60];
	s30 =	smul.f32 s21, s11;
	v1 =	vadd.f32 v5, v1  }
0x279: {  	v2 =	vld [tilespmem:s19+$0x60];
	v0 =	vadd.f32 v0, v4;
	v19, _, _ =	vpop (xrf2);
	s24 =	smul.f32 s22, s24;
	s25 =	ssub.f32 $1.500000000e+00, s25  }
0x27a: {  	v3 =	vld [tilespmem:s19+$0x40];
	(xrf2) =	vadd.scan.msk.f32 $0xffff, v1;
	s22 =	smul.f32 s30, s21;
	(v2sf) =	vpush v19, $0xF  }
0x27b: {  	v35 =	vld [tilespmem:s19+$0xFFFFFFC0];
	(xrf2) =	vadd.scan.msk.f32 $0xffff, v0;
	s30 =	spop (v2sf);
	s23 =	smul.f32 s25, s23  }
0x27c: {  	v5 =	vld [tilespmem:s9+$0xFFFFFF70];
	s25 =	smul.f32 $1.562500000e-02, s30  }
0x27d: {  	v27 =	vadd.f32 v46, v44;
	v1 =	vld [tilespmem:s9+$0xFFFFFF20]  }
0x27e: {  	v8 =	vadd.f32 v49, v48;
	v45 =	vld [tilespmem:s19+$0xFFFFFFA0];
	s26 =	smul.f32 s24, s18;
	v10 =	vadd.f32 v2, v47;
	v47 =	vmov s25  }
0x27f: {  	v9 =	vadd.f32 v3, v11;
	v3 =	vld [tilespmem:s9+$0xFFFFFF40];
	s20 =	smul.f32 s23, s20;
	v49 =	vsub.f32 v21, v47  }
0x280: {  	v4 =	vld [tilespmem:s9+$0xFFFFFF50];
	s22 =	ssub.f32 $1.500000000e+00, s22;
	s26 =	smul.f32 s26, s24;
	v7 =	vadd.f32 v8, v10;
	v0 =	vsub.f32 v23, v47  }
0x281: {  	v2 =	vld [tilespmem:s19+$0xFFFFFFB0];
	v16 =	vsub.f32 v22, v47;
	s20 =	smul.f32 s20, s23;
	[tilespmem:$0x1FC60] =	vst v49  }
0x282: {  	v48 =	vadd.f32 v27, v9;
	s22 =	smul.f32 s22, s21;
	s30 =	ssub.f32 $1.500000000e+00, s26;
	v12 =	vsub.f32 v33, v47;
	[tilespmem:$0x1FC70] =	vst v0  }
0x283: {  	v46, _, _ =	vpop (xrf2);
	s25 =	smul.f32 s12, s10;
	s26 =	ssub.f32 $1.500000000e+00, s20;
	v44 =	vld [tilespmem:s19+$0xFFFFFFE0];
	[tilespmem:$0x1FC80] =	vst v16  }
0x284: {  	v18 =	vadd.f32 v50, v1;
	v1 =	vadd.f32 v7, v48;
	v7, _, _ =	vpop (xrf2);
	s20 =	smul.f32 s30, s24;
	s30 =	spop (v2sf);
	[tilespmem:$0x1FC90] =	vst v12  }
0x285: {  	v31 =	vadd.f32 v45, v51;
	(v2sf) =	vpush v46, $0xF;
	v51 =	vmul.f32 v0, v0;
	v11, _, _ =	vpop (xrf2);
	v0 =	vld [tilespmem:s9+$0xFFFFFF80];
	s10 =	smul.f32 s26, s23;
	s23 =	spop (v2sf)  }
0x286: {  	v50 =	vmul.f32 v49, v49;
	(v2sf) =	vpush v11, $0xF;
	v11 =	vadd.f32 v2, v3;
	v3 =	vld [tilespmem:s19+$0xFFFFFFF0];
	s21 =	smul.f32 $1.562500000e-02, s23  }
0x287: {  	v43 =	vmul.f32 v12, v12;
	(xrf2) =	vadd.scan.msk.f32 $0xffff, v1;
	v1 =	vmul.f32 v16, v16  }
0x288: {  	v37 =	vadd.f32 v35, v4;
	v51 =	vadd.f32 v51, v50;
	v48 =	vmov s21  }
0x289: {  	v50 =	vadd.f32 v43, v1;
	s26 =	spop (v2sf);
	v49 =	vsub.f32 v34, v48  }
0x28a: {  	v2 =	vsub.f32 v28, v48;
	v1 =	vsub.f32 v32, v48;
	s21 =	smul.f32 $1.562500000e-02, s26  }
0x28b: {  	v35 =	vsub.f32 v26, v48;
	v45 =	vadd.f32 v3, v0  }
0x28c: {  	v3 =	vmul.f32 v49, v49;
	v32 =	vmul.f32 v1, v1;
	v0 =	vmov s21  }
0x28d: {  	v33 =	vsub.f32 v30, v0;
	v30 =	vmovc v11;
	v19 =	vsub.f32 v39, v0;
	v11 =	vmul.f32 v2, v2  }
0x28e: {  	v36 =	vld [tilespmem:s9+$0xFFFFFF90];
	v34 =	vmovc v18;
	v18 =	vsub.f32 v41, v0;
	v16 =	vsub.f32 v25, v0;
	v0 =	vmul.f32 v35, v35  }
0x28f: {  	v38 =	vld [tilespmem:s19+$0x0];
	[tilespmem:$0x1FCA0] =	vst v49;
	v49 =	vadd.f32 v11, v3  }
0x290: {  	v48 =	vadd.f32 v0, v32;
	v3 =	vmul.f32 v33, v33;
	v0 =	vmul.f32 v19, v19  }
0x291: {  	v43 =	vld [tilespmem:s9+$0xFFFFFFA0];
	[tilespmem:$0x1FCB0] =	vst v2;
	v32 =	vmul.f32 v18, v18;
	v2 =	vmul.f32 v16, v16  }
0x292: {  	v44 =	vadd.f32 v44, v5;
	v5 =	vld [tilespmem:s19+$0x10];
	[tilespmem:$0x1FCC0] =	vst v1  }
0x293: {  	s24 =	smul.f32 $1.562500000e-02, s30;
	v4 =	vld [tilespmem:s19+$0xFFFFFF80];
	v0 =	vadd.f32 v0, v3;
	v2 =	vadd.f32 v2, v32  }
0x294: {  	s30 =	smul.f32 s25, s12;
	(v2sf) =	vpush v7, $0xF;
	v7 =	vld [tilespmem:s9+$0xFFFFFF10]  }
0x295: {  	s23 =	sadd.f32 $9.999999960e-13, s24;
	v3 =	vmul.f32 s8, v60;
	v60 =	vadd.f32 v2, v0;
	v2 =	vld [tilespmem:$0x1FD10]  }
0x296: {  	s24 =	ssub.f32 $1.500000000e+00, s30  }
0x297: {  	v42 =	vadd.f32 v6, v42  }
0x298: {  	s12 =	smul.f32 s24, s12  }
0x299: {  	v1 =	vadd.f32 v45, v44;
	v11 =	vadd.f32 v42, v37  }
0x29a: {  	v0 =	vmul.f32 s10, v61;
	v61 =	vadd.f32 v4, v7;
	v7 =	vmul.f32 s12, v2;
	v2 =	vld [tilespmem:$0x1FD20];
	_ =	sdelay $0x1  }
0x29b: {  	v39 =	vadd.f32 v38, v36;
	v36, _, _ =	vpop (xrf2);
	v1 =	vadd.f32 v1, v11  }
0x29c: {  	(v2sf) =	vpush v36, $0xF;
	v36 =	vld [tilespmem:$0x1FCD0];
	v48 =	vadd.f32 v48, v49  }
0x29d: {  	v32 =	vld [tilespmem:$0x1FCF0];
	(xrf2) =	vadd.scan.msk.f32 $0xffff, v1  }
0x29e: {  	(xrf2) =	vadd.scan.msk.f32 $0xffff, v48;
	v48 =	vmul.f32 s12, v2;
	v2 =	vld [tilespmem:$0x1FD30]  }
0x29f: {  	v46 =	vld [tilespmem:s9+$0xFFFFFFB0]  }
0x2a0: {  	s11 =	smul.f32 s22, s11;
	v38 =	vld [tilespmem:s19+$0x20];
	_ =	sdelay $0x1  }
0x2a1: {  	s11 =	smul.f32 s11, s22;
	v6 =	vmul.f32 s8, v36  }
0x2a2: {  	v36 =	vmul.f32 s8, v32;
	v32 =	vmul.f32 s12, v2;
	v2 =	vld [tilespmem:$0x1FD40]  }
0x2a3: {  	v22 =	vld [tilespmem:$0x1FFE0];
	s11 =	ssub.f32 $1.500000000e+00, s11  }
0x2a4: {  	v41 =	vadd.f32 v5, v43;
	v43 =	vadd.f32 v38, v46;
	v38 =	vld [tilespmem:$0x1FCE0]  }
0x2a5: {  	s11 =	smul.f32 s11, s22;
	v47 =	vld [tilespmem:s9+$0xFFFFFFC0]  }
0x2a6: {  	s18 =	smul.f32 s20, s18;
	v5 =	vld [tilespmem:s19+$0x30]  }
0x2a7: {  	s26 =	sshra.s32 s23, $0x1;
	s21 =	smul.f32 $5.000000000e-01, s23;
	v11 =	vadd.f32 v50, v51;
	v51 =	vmul.f32 s11, v2;
	v2 =	vld [tilespmem:$0x1FD50]  }
0x2a8: {  	s18 =	smul.f32 s18, s20;
	s23 =	ssub.s32 $0x5F3759DF, s26  }
0x2a9: {  	v21 =	vld [tilespmem:$0x1FFF0];
	s30 =	spop (v2sf);
	s25 =	smul.f32 s23, s21;
	v40 =	vmul.f32 s8, v38  }
0x2aa: {  	s26 =	smul.f32 $1.562500000e-02, s30;
	v38 =	vmul.f32 s10, v57;
	v57 =	vmul.f32 v36, v55  }
0x2ab: {  	s18 =	ssub.f32 $1.500000000e+00, s18;
	s25 =	smul.f32 s23, s25;
	v3 =	vmul.f32 v3, v53  }
0x2ac: {  	s30 =	sadd.f32 $9.999999960e-13, s26;
	v46 =	vadd.f32 v5, v47;
	v47 =	vadd.f32 v57, v22;
	v57 =	vmul.f32 s11, v2;
	v2 =	vld [tilespmem:$0x1FD60]  }
0x2ad: {  	s25 =	ssub.f32 $1.500000000e+00, s25  }
0x2ae: {  	v23 =	vld [tilespmem:$0x1FFD0];
	s24 =	smul.f32 s18, s20;
	s20 =	sshra.s32 s30, $0x1;
	v3 =	vadd.f32 v3, v21  }
0x2af: {  	s9 =	ssub.s32 $0x5F3759DF, s20;
	s20 =	simm.s32 $0x162F0;
	s22 =	smul.f32 s23, s25;
	v26 =	vmul.f32 v0, v56;
	v0 =	vld [tilespmem:$0x1FD00];
	v1 =	vmul.f32 v38, v53  }
0x2b0: {  	v4 =	vmul.f32 s10, v62;
	[tilespmem:s20+$0x0] =	vst v3  }
0x2b1: {  	v6 =	vmul.f32 v6, v56;
	s23 =	smul.f32 s22, s21;
	v62 =	vmul.f32 s11, v2;
	v2 =	vadd.f32 v1, v21;
	v1 =	vld [tilespmem:$0x1FD70]  }
0x2b2: {  	s8 =	smul.f32 $5.000000000e-01, s30;
	v40 =	vmul.f32 v40, v54  }
0x2b3: {  	s26 =	spop (v2sf);
	s18 =	smul.f32 s23, s22;
	v6 =	vadd.f32 v6, v52  }
0x2b4: {  	s30 =	smul.f32 $1.562500000e-02, s26;
	v0 =	vmul.f32 s12, v0;
	v7 =	vmul.f32 v7, v54;
	v5 =	vadd.f32 v40, v23  }
0x2b5: {  	s25 =	smul.f32 s9, s8;
	[tilespmem:s20+$0xFFFFFFD0] =	vst v6  }
0x2b6: {  	s18 =	ssub.f32 $1.500000000e+00, s18;
	v7 =	vadd.f32 v7, v23;
	[tilespmem:s20+$0xFFFFFFE0] =	vst v5;
	v3 =	vmul.f32 s11, v1;
	v1 =	vmul.f32 v0, v56  }
0x2b7: {  	v12 =	vmul.f32 s10, v63;
	v36 =	vadd.f32 v30, v31;
	s26 =	sadd.f32 $9.999999960e-13, s30;
	s10 =	smul.f32 s9, s25;
	[tilespmem:s20+$0xFFFFFFF0] =	vst v47  }
0x2b8: {  	v38 =	vadd.f32 v34, v61;
	s22 =	smul.f32 s18, s22;
	s25 =	spop (v2sf);
	s18 =	simm.s32 $0x163F0;
	v25 =	vld [tilespmem:$0x1FD80];
	[tilespmem:s20+$0xFFFFFF20] =	vst v7;
	v1 =	vadd.f32 v1, v52  }
0x2b9: {  	s23 =	smul.f32 $5.000000000e-01, s26;
	s10 =	ssub.f32 $1.500000000e+00, s10;
	[tilespmem:s18+$0x0] =	vst v2  }
0x2ba: {  	v59 =	vmul.f32 s24, v59;
	s30 =	sshra.s32 s26, $0x1;
	v49 =	vadd.f32 v36, v38;
	s25 =	smul.f32 $1.562500000e-02, s25;
	[tilespmem:s20+$0xFFFFFF10] =	vst v1  }
0x2bb: {  	v63, _, _ =	vpop (xrf2);
	s12 =	smul.f32 s9, s10;
	s9 =	ssub.s32 $0x5F3759DF, s30;
	v38 =	vld [tilespmem:$0x1FD90]  }
0x2bc: {  	v40 =	vadd.f32 v41, v39;
	s26 =	spop (v2sf);
	(xrf2) =	vadd.scan.msk.f32 $0xffff, v49;
	(v2sf) =	vpush v63, $0xF;
	v49 =	vmul.f32 v59, v56;
	s10 =	smul.f32 s9, s23  }
0x2bd: {  	v36, _, _ =	vpop (xrf2);
	s25 =	sadd.f32 $9.999999960e-13, s25;
	s30 =	smul.f32 $1.562500000e-02, s26;
	v32 =	vmul.f32 v32, v53;
	v6 =	vmul.f32 s24, v58;
	v0 =	vadd.f32 v46, v43  }
0x2be: {  	(v2sf) =	vpush v36, $0xF;
	s10 =	smul.f32 s9, s10;
	v2 =	vmul.f32 v48, v55;
	v58 =	vmul.f32 s24, v25  }
0x2bf: {  	s28 =	sshra.s32 s25, $0x1;
	s11 =	smul.f32 $5.000000000e-01, s25;
	v0 =	vadd.f32 v0, v40;
	v40 =	vadd.f32 v32, v21;
	v3 =	vmul.f32 v3, v53  }
0x2c0: {  	s10 =	ssub.f32 $1.500000000e+00, s10;
	s25 =	smul.f32 s12, s8;
	v1 =	vadd.f32 v2, v22;
	v2 =	vmov s30;
	v5 =	vmul.f32 s24, v38;
	s24 =	ssub.s32 $0x5F3759DF, s28  }
0x2c1: {  	v58 =	vmul.f32 v58, v55;
	(xrf2) =	vadd.scan.msk.f32 $0xffff, v0;
	v0 =	vmul.f32 v51, v56;
	v50 =	vsub.f32 v9, v2;
	s30 =	smul.f32 s24, s11  }
0x2c2: {  	v48 =	vsub.f32 v27, v2;
	v47 =	vsub.f32 v10, v2;
	[tilespmem:s20+$0xFFFFFF30] =	vst v1;
	v1 =	vmul.f32 v57, v54;
	s28 =	smul.f32 s9, s10  }
0x2c3: {  	v51 =	vsub.f32 v8, v2;
	v2 =	vmul.f32 v62, v55;
	v0 =	vadd.f32 v0, v52;
	s26 =	smul.f32 s24, s30  }
0x2c4: {  	v56 =	vmul.f32 v12, v55;
	[tilespmem:s20+$0xFFFFFF40] =	vst v40;
	(xrf2) =	vadd.scan.msk.f32 $0xffff, v11;
	v63 =	vadd.f32 v1, v23;
	s30 =	smul.f32 s28, s23  }
0x2c5: {  	s17 =	sor.u32 $0x1, s17;
	s29 =	smul.f32 s25, s12;
	v62 =	vmul.f32 v6, v54;
	v57 =	vmul.f32 v4, v54;
	[tilespmem:s20+$0xFFFFFF50] =	vst v0;
	v1 =	vadd.f32 v2, v22;
	s9 =	simm.s32 $0xC  }
0x2c6: {  	v0 =	vadd.f32 v3, v21;
	[tilespmem:s20+$0xFFFFFF60] =	vst v63;
	v63 =	vadd.f32 v49, v52;
	s10 =	simm.s32 $0x9EF0;
	v59 =	vmul.f32 v5, v53;
	s31 =	ssub.f32 $1.500000000e+00, s26;
	s26 =	smul.f32 s30, s28  }
.LBB2_5:
0x2c7: {  	_ = 	snop  }
0x2c8: {  	v2 =	vld [tilespmem:s10+$0xFFFFFFD0]  }
0x2c9: {  	v22 =	vld [tilespmem:$0x1FFD0]  }
0x2ca: {  	v23 =	vld [tilespmem:$0x1FFE0];
	v3 =	vmul.f32 v50, v50;
	v4 =	vmul.f32 v48, v48  }
0x2cb: {  	v55 =	vld [tilespmem:s10+$0xFFFFFFE0]  }
0x2cc: {  	s19 =	sadd.s32 $0x100, s19;
	v25 =	vld [tilespmem:$0x1FFF0];
	s24 =	smul.f32 s24, s31;
	v7 =	vmul.f32 v47, v47;
	v8 =	vmul.f32 v51, v51;
	v3 =	vadd.f32 v4, v3  }
0x2cd: {  	v6 =	vld [tilespmem:s19+$0x40];
	s26 =	ssub.f32 $1.500000000e+00, s26  }
0x2ce: {  	(xrf2) =	vadd.scan.msk.f32 $0xffff, v60;
	s25 =	ssub.f32 $1.500000000e+00, s29;
	v40 =	vld [tilespmem:s19+$0x50];
	s29 =	smul.f32 s24, s11;
	v60 =	vadd.f32 v8, v7;
	v53, _, _ =	vpop (xrf2)  }
0x2cf: {  	[tilespmem:s20+$0xFFFFFF90] =	vst v63;
	v63 =	vld [tilespmem:s19+$0x60];
	s26 =	smul.f32 s26, s28;
	(v2sf) =	vpush v53, $0xF;
	v52, _, _ =	vpop (xrf2)  }
0x2d0: {  	v32 =	vld [tilespmem:s19+$0xFFFFFF90];
	s28 =	smul.f32 s29, s24;
	v8 =	vadd.f32 v60, v3;
	(v2sf) =	vpush v52, $0xF;
	v3, _, _ =	vpop (xrf2)  }
0x2d1: {  	s23 =	smul.f32 s26, s23;
	(v2sf) =	vpush v3, $0xF;
	v3 =	vld [tilespmem:s10+$0xFFFFFF20]  }
0x2d2: {  	[tilespmem:s20+$0xFFFFFF70] =	vst v1;
	v11 =	vld [tilespmem:s19+$0x70];
	v1 =	vadd.f32 v58, v23  }
0x2d3: {  	v5 =	vadd.f32 v62, v22;
	v62 =	vld [tilespmem:s10+$0xFFFFFFF0];
	s30 =	ssub.f32 $1.500000000e+00, s28;
	s28 =	smul.f32 s23, s26  }
0x2d4: {  	[tilespmem:s20+$0xFFFFFFB0] =	vst v1;
	v1 =	vld [tilespmem:s10+$0x0]  }
0x2d5: {  	v21 =	vld [tilespmem:$0x1FFC0];
	(xrf2) =	vadd.scan.msk.f32 $0xffff, v8;
	s23 =	smul.f32 s30, s24;
	s30 =	ssub.f32 $1.500000000e+00, s28  }
0x2d6: {  	v54 =	vadd.f32 v57, v22;
	v3 =	vadd.f32 v32, v3;
	v32 =	vmov v20;
	v20 =	vld [tilespmem:$0x1FFB0]  }
0x2d7: {  	[tilespmem:s20+$0xFFFFFF80] =	vst v0;
	v0 =	vadd.f32 v59, v25;
	s24 =	smul.f32 s30, s26  }
0x2d8: {  	v38 =	vld [tilespmem:s19+$0xFFFFFFA0];
	s12 =	smul.f32 s25, s12;
	v55 =	vadd.f32 v40, v55;
	[tilespmem:s18+$0xFFFFFFE0] =	vst v54;
	v54 =	vadd.f32 v6, v2;
	s25 =	spop (v2sf)  }
0x2d9: {  	v4 =	vld [tilespmem:s10+$0xFFFFFF50];
	v52 =	vadd.f32 v63, v62;
	v53 =	vadd.f32 v11, v1;
	v60 =	vmul.f32 s24, v24;
	s28 =	smul.f32 $1.562500000e-02, s25  }
0x2da: {  	v49 =	vadd.f32 v26, v21;
	v57 =	vld [tilespmem:s10+$0xFFFFFF30];
	v63 =	vadd.f32 v55, v54  }
0x2db: {  	v58 =	vld [tilespmem:s10+$0xFFFFFF70];
	[tilespmem:s20+$0xFFFFFFA0] =	vst v5;
	v36 =	vadd.f32 v53, v52;
	v1 =	vmov s28;
	v7 =	vmul.f32 v60, v20  }
0x2dc: {  	v10 =	vadd.f32 v56, v23;
	v40 =	vld [tilespmem:s19+$0xFFFFFFB0];
	[tilespmem:s20+$0xFFFFFFC0] =	vst v0;
	v56 =	vsub.f32 v42, v1  }
0x2dd: {  	[tilespmem:s18+$0xFFFFFFD0] =	vst v49;
	v5 =	vld [tilespmem:s10+$0xFFFFFF40];
	v42 =	vadd.f32 v36, v63;
	v7 =	vadd.f32 v7, v25  }
0x2de: {  	s20 =	smov.u32 s18;
	[tilespmem:s18+$0xFFFFFFF0] =	vst v10;
	s18 =	sadd.s32 $0x100, s18;
	v49, _, _ =	vpop (xrf2);
	v62 =	vmov v51;
	v51 =	vsub.f32 v44, v1;
	v44 =	vld [tilespmem:s19+$0xFFFFFFC0]  }
0x2df: {  	v6 =	vadd.f32 v38, v57;
	v2 =	vsub.f32 v37, v1;
	v38, _, _ =	vpop (xrf2);
	(xrf2) =	vadd.scan.msk.f32 $0xffff, v42;
	[tilespmem:s18+$0x0] =	vst v7;
	v7 =	vld [tilespmem:s19+$0xFFFFFFE0]  }
0x2e0: {  	v28 =	vmov v50;
	s26 =	spop (v2sf);
	v50 =	vsub.f32 v45, v1;
	v45 =	vld [tilespmem:s10+$0xFFFFFF60]  }
0x2e1: {  	s25 =	smul.f32 $1.562500000e-02, s26;
	v1 =	vmul.f32 v2, v2;
	v37 =	vmul.f32 v56, v56;
	v60 =	vld [tilespmem:s19+$0xFFFFFFD0]  }
0x2e2: {  	s21 =	smul.f32 s22, s21;
	[tilespmem:$0x1FBC0] =	vst v62;
	v5 =	vadd.f32 v40, v5;
	s28 =	spop (v2sf)  }
0x2e3: {  	v40 =	vmovc v19;
	v19 =	vld [tilespmem:$0x1FF80];
	s25 =	sadd.f32 $9.999999960e-13, s25;
	v42 =	vmul.f32 v51, v51;
	v62 =	vmul.f32 v50, v50;
	v8 =	vadd.f32 v37, v1;
	s30 =	smul.f32 $1.562500000e-02, s28  }
0x2e4: {  	s26 =	smul.f32 s21, s22;
	v37 =	vadd.f32 v44, v4;
	v44 =	vadd.f32 v7, v58;
	v7 =	vld [tilespmem:s10+$0xFFFFFFA0]  }
0x2e5: {  	s21 =	smul.f32 $5.000000000e-01, s25;
	v62 =	vadd.f32 v62, v42;
	(v2sf) =	vpush v38, $0xF;
	v63 =	vmov s30;
	s30 =	spop (v2sf);
	v58 =	vld [tilespmem:s19+$0x10]  }
0x2e6: {  	s29 =	sshra.s32 s25, $0x1;
	v42 =	vadd.f32 v60, v45;
	(v2sf) =	vpush v49, $0xF;
	s25 =	smul.f32 $1.562500000e-02, s30  }
0x2e7: {  	v59 =	vmul.f32 s24, v15;
	v61 =	vsub.f32 v61, v63;
	v10 =	vsub.f32 v34, v63  }
0x2e8: {  	v9 =	vld [tilespmem:s19+$0xFFFFFFF0];
	v34 =	vmovc v3;
	v60 =	vsub.f32 v31, v63;
	v11 =	vsub.f32 v30, v63;
	v3 =	vmov s25  }
0x2e9: {  	v1 =	vmul.f32 s24, v13;
	v4 =	vld [tilespmem:s10+$0xFFFFFF80];
	v13 =	vsub.f32 v39, v3;
	v63 =	vsub.f32 v41, v3;
	v41, _, _ =	vpop (xrf2)  }
0x2ea: {  	v26 =	vmul.f32 v59, v19;
	s25 =	spop (v2sf);
	(v2sf) =	vpush v41, $0xF;
	v41 =	vadd.f32 v58, v7;
	v58 =	vld [tilespmem:$0x1FCA0]  }
0x2eb: {  	v27 =	vmovc v47;
	v59 =	vld [tilespmem:s10+$0xFFFFFF90];
	v47 =	vsub.f32 v43, v3;
	v3 =	vsub.f32 v46, v3;
	v46 =	vmul.f32 v13, v13  }
0x2ec: {  	v57 =	vadd.f32 v5, v6;
	v38 =	vmov v6;
	v6 =	vld [tilespmem:s19+$0x0]  }
0x2ed: {  	v49 =	vmov v5;
	v5 =	vadd.f32 v42, v37;
	v15 =	vmul.f32 v63, v63  }
0x2ee: {  	v36 =	vmovc v48;
	v45 =	vadd.f32 v9, v4;
	v12 =	vmul.f32 v61, v61;
	v39 =	vmul.f32 v10, v10  }
0x2ef: {  	v48 =	vmul.f32 s24, v14;
	v30 =	vmovc v16;
	v14 =	vmul.f32 v60, v60;
	v7 =	vadd.f32 v15, v46;
	v15 =	vld [tilespmem:$0x1FBD0];
	v46 =	vmovc v58  }
0x2f0: {  	s8 =	smul.f32 s12, s8;
	v9 =	vmul.f32 v11, v11;
	v16 =	vadd.f32 v45, v44;
	v12 =	vadd.f32 v39, v12;
	[tilespmem:$0x1FBD0] =	vst v46;
	v46 =	vld [tilespmem:$0x1FCB0]  }
0x2f1: {  	v0 =	vld [tilespmem:s19+$0xFFFFFF80];
	v39 =	vadd.f32 v6, v59;
	v59 =	vmul.f32 v47, v47  }
0x2f2: {  	s8 =	smul.f32 s8, s12;
	v24 =	vmov v17;
	v17 =	vld [tilespmem:s19+$0x30];
	v9 =	vadd.f32 v9, v14;
	v5 =	vadd.f32 v16, v5  }
0x2f3: {  	s11 =	smul.f32 s23, s11;
	s26 =	ssub.f32 $1.500000000e+00, s26;
	v8 =	vadd.f32 v62, v8;
	v62 =	vld [tilespmem:$0x1FC00];
	s28 =	ssub.s32 $0x5F3759DF, s29;
	v14 =	vmul.f32 v3, v3  }
0x2f4: {  	s29 =	smul.f32 s28, s21;
	v6 =	vld [tilespmem:s10+$0xFFFFFFC0];
	(xrf2) =	vadd.scan.msk.f32 $0xffff, v5;
	v5 =	vadd.f32 v9, v12;
	v12 =	vmov v35  }
0x2f5: {  	s22 =	smul.f32 s26, s22;
	v14 =	vadd.f32 v14, v59;
	[tilespmem:$0x1FC00] =	vst v12;
	v12 =	vld [tilespmem:$0x1FC60];
	v59 =	vmov v46;
	v46 =	vmov v10  }
0x2f6: {  	s30 =	smul.f32 s28, s29;
	[tilespmem:$0x1FCB0] =	vst v46;
	v46 =	vld [tilespmem:$0x1FCC0]  }
0x2f7: {  	s8 =	ssub.f32 $1.500000000e+00, s8;
	s11 =	smul.f32 s11, s23;
	v4 =	vld [tilespmem:s10+$0xFFFFFFB0]  }
0x2f8: {  	v31 =	vmov v18;
	v18 =	vld [tilespmem:s10+$0xFFFFFF10];
	s30 =	ssub.f32 $1.500000000e+00, s30;
	s25 =	smul.f32 $1.562500000e-02, s25;
	v9 =	vmul.f32 s22, v62;
	v58 =	vmov v61  }
0x2f9: {  	s11 =	ssub.f32 $1.500000000e+00, s11;
	s24 =	smul.f32 s8, s12;
	v43 =	vld [tilespmem:s19+$0x20]  }
0x2fa: {  	s12 =	smul.f32 s28, s30;
	s30 =	sadd.f32 $9.999999960e-13, s25;
	v9 =	vmul.f32 v9, v20;
	v61 =	vld [tilespmem:$0x1FBF0]  }
0x2fb: {  	s11 =	smul.f32 s11, s23;
	v35 =	vld [tilespmem:$0x1FC10];
	[tilespmem:$0x1FCA0] =	vst v58;
	v58 =	vmov v46;
	v46 =	vadd.f32 v17, v6;
	v17 =	vmov v12  }
0x2fc: {  	s25 =	sshra.s32 s30, $0x1;
	s8 =	smul.f32 $5.000000000e-01, s30;
	v9 =	vadd.f32 v9, v25;
	[tilespmem:$0x1FC10] =	vst v17;
	v17 =	vld [tilespmem:$0x1FC80]  }
0x2fd: {  	s26 =	smul.f32 s12, s21;
	v16 =	vld [tilespmem:$0x1FBE0];
	s23 =	ssub.s32 $0x5F3759DF, s25  }
0x2fe: {  	s30 =	smul.f32 s23, s8;
	[tilespmem:s20+$0xFFFFFF40] =	vst v9;
	v12 =	vld [tilespmem:$0x1FC70]  }
0x2ff: {  	s25 =	smul.f32 s26, s12;
	v10 =	vmul.f32 s22, v61;
	v61 =	vmov v60;
	[tilespmem:$0x1FBE0] =	vst v59  }
0x300: {  	s26 =	smul.f32 s23, s30;
	s28 =	spop (v2sf);
	v60 =	vadd.f32 v14, v7;
	[tilespmem:$0x1FCC0] =	vst v61;
	v59 =	vmov v56;
	v56 =	vld [tilespmem:$0x1FC90]  }
0x301: {  	s25 =	ssub.f32 $1.500000000e+00, s25;
	s28 =	smul.f32 $1.562500000e-02, s28;
	v61 =	vadd.f32 v0, v18;
	v0 =	vld [tilespmem:$0x1FC20];
	[tilespmem:$0x1FC70] =	vst v59;
	v14 =	vmovc v17;
	v17 =	vmul.f32 s11, v24;
	v24 =	vmov v50  }
0x302: {  	v43 =	vadd.f32 v43, v4;
	v16 =	vmul.f32 s22, v16;
	s26 =	ssub.f32 $1.500000000e+00, s26;
	v18 =	vmul.f32 s11, v29;
	v29 =	vmovc v51;
	[tilespmem:$0x1FC90] =	vst v24;
	v24 =	vld [tilespmem:$0x1FF90]  }
0x303: {  	v15 =	vmul.f32 s22, v15;
	s30 =	sadd.f32 $9.999999960e-13, s28;
	s22 =	smul.f32 s25, s12;
	v6 =	vmul.f32 s24, v35;
	v35 =	vld [tilespmem:$0x1FC40];
	[tilespmem:$0x1FBF0] =	vst v58;
	v12 =	vmov v12  }
0x304: {  	v4 =	vadd.f32 v41, v39;
	s25 =	spop (v2sf);
	s12 =	smul.f32 s23, s26;
	v62 =	vadd.f32 v46, v43;
	[tilespmem:$0x1FC20] =	vst v12;
	v12 =	vld [tilespmem:$0x1FC50]  }
0x305: {  	s28 =	smul.f32 $1.562500000e-02, s25;
	[tilespmem:$0x1FC80] =	vst v29;
	v29 =	vmov v56;
	v58 =	vmov v2;
	v2 =	vld [tilespmem:$0x1FC30]  }
0x306: {  	s26 =	sshra.s32 s30, $0x1;
	s23 =	smul.f32 $5.000000000e-01, s30;
	v0 =	vmul.f32 s24, v0;
	v6 =	vmul.f32 v6, v19;
	[tilespmem:$0x1FC60] =	vst v58;
	v4 =	vadd.f32 v62, v4  }
0x307: {  	s26 =	ssub.s32 $0x5F3759DF, s26;
	s30 =	sadd.f32 $9.999999960e-13, s28;
	v58 =	vmul.f32 v15, v19;
	[tilespmem:$0x1FC30] =	vst v14;
	v14 =	vadd.f32 v34, v61;
	v62 =	vmul.f32 v16, v24;
	v16 =	vld [tilespmem:$0x1FFA0]  }
0x308: {  	(xrf2) =	vadd.scan.msk.f32 $0xffff, v5;
	s28 =	smul.f32 s26, s23;
	[tilespmem:$0x1FC40] =	vst v29;
	v15 =	vmul.f32 s11, v32;
	v5 =	vmul.f32 s24, v35;
	v29 =	vmovc v33  }
0x309: {  	v33 =	vmovc v13;
	v13 =	vmovc v36;
	v36 =	vadd.f32 v6, v21;
	v59 =	vadd.f32 v57, v14;
	v12 =	vmul.f32 s11, v12;
	s11 =	smul.f32 $5.000000000e-01, s30  }
0x30a: {  	v35 =	vmovc v11;
	[tilespmem:$0x1FC50] =	vst v29;
	v7 =	vadd.f32 v58, v21;
	v5 =	vmul.f32 v5, v20;
	v2 =	vmul.f32 s24, v2;
	s24 =	sshra.s32 s30, $0x1;
	s30 =	smul.f32 s26, s28  }
0x30b: {  	s29 =	smul.f32 s12, s8;
	[tilespmem:s20+$0xFFFFFF50] =	vst v36;
	v29 =	vmovc v31;
	s24 =	ssub.s32 $0x5F3759DF, s24;
	(xrf2) =	vadd.scan.msk.f32 $0xffff, v59;
	s28 =	spop (v2sf);
	v59 =	vmul.f32 v15, v20;
	v0 =	vmul.f32 v0, v24  }
0x30c: {  	v31 =	vmovc v38;
	v14 =	vmovc v27;
	v15 =	vmov v28;
	v57 =	vmul.f32 v1, v24;
	s31 =	smul.f32 s24, s11;
	s25 =	ssub.f32 $1.500000000e+00, s30;
	v10 =	vmul.f32 v10, v16  }
0x30d: {  	s9 =	sadd.s32 $0x4, s9;
	v20 =	vmovc v30;
	v32 =	vmul.f32 v12, v19;
	s30 =	smul.f32 $1.562500000e-02, s28;
	v50 =	vadd.f32 v62, v22;
	v62 =	vmul.f32 v17, v24  }
0x30e: {  	p0 =	slt.u32 s9, $0xC4;
	v17 =	vmovc v40;
	v40 =	vadd.f32 v0, v22;
	s28 =	smul.f32 s26, s25;
	v2 =	vmul.f32 v2, v16;
	v51 =	vadd.f32 v10, v23  }
.Ltmp1:
0x30f: {  	[tilespmem:s20+$0xFFFFFF10] =	vst v7;
	v19 =	vmov v63;
	v0 =	vadd.f32 v5, v25;
	v12, _, _ =	vpop (xrf2);
	v63 =	vadd.f32 v32, v21;
	(pc) =	sbr.rel @p0 .LBB2_5-.Ltmp1, $4  }
0x310: {  	v30 =	vmovc v49;
	(xrf2) =	vadd.scan.msk.f32 $0xffff, v4;
	s25 =	smul.f32 s24, s31;
	(v2sf) =	vpush v12, $0xF;
	v1 =	vadd.f32 v2, v23;
	v2 =	vmov s30  }
0x311: {  	[tilespmem:s20+$0xFFFFFF20] =	vst v50;
	v58 =	vmul.f32 v18, v16;
	v56 =	vmul.f32 v48, v16;
	s26 =	smul.f32 s28, s23;
	v50 =	vsub.f32 v54, v2  }
0x312: {  	s29 =	smul.f32 s29, s12;
	v18 =	vmov v47;
	v48 =	vsub.f32 v55, v2;
	v47 =	vsub.f32 v52, v2;
	[tilespmem:s20+$0xFFFFFF30] =	vst v51;
	v51, _, _ =	vpop (xrf2)  }
0x313: {  	s10 =	sadd.s32 $0x100, s10;
	v24 =	vld [tilespmem:$0x1FBC0];
	[tilespmem:s20+$0xFFFFFF60] =	vst v40;
	s31 =	ssub.f32 $1.500000000e+00, s25;
	v16 =	vmovc v3;
	s26 =	smul.f32 s26, s28;
	(xrf2) =	vadd.scan.msk.f32 $0xffff, v8;
	(v2sf) =	vpush v51, $0xF;
	v51 =	vsub.f32 v53, v2  }
0x314: {  	v2 =	vmul.f32 v50, v50;
	v3 =	vmul.f32 v48, v48  }
0x315: {  	v4 =	vmul.f32 v47, v47;
	v5 =	vmul.f32 v51, v51;
	_ =	sdelay $0x1  }
0x316: {  	v2 =	vadd.f32 v3, v2;
	v3 =	vadd.f32 v5, v4;
	_ =	sdelay $0x3  }
0x317: {  	v2 =	vadd.f32 v3, v2;
	v3, _, _ =	vpop (xrf2)  }
0x318: {  	(v2sf) =	vpush v3, $0xF;
	_ =	sdelay $0x2  }
0x319: {  	s19 =	smul.f32 s22, s21  }
0x31a: {  	s9 =	smul.f32 s24, s31  }
0x31b: {  	(xrf2) =	vadd.scan.msk.f32 $0xffff, v60;
	s10 =	ssub.f32 $1.500000000e+00, s26;
	s19 =	smul.f32 s19, s22  }
0x31c: {  	s30 =	smul.f32 s9, s11;
	(xrf2) =	vadd.scan.msk.f32 $0xffff, v2  }
0x31d: {  	s10 =	smul.f32 s10, s28;
	v2, _, _ =	vpop (xrf2)  }
0x31e: {  	s31 =	ssub.f32 $1.500000000e+00, s29;
	s21 =	smul.f32 s30, s9;
	(v2sf) =	vpush v2, $0xF  }
0x31f: {  	s23 =	smul.f32 s10, s23  }
0x320: {  	s12 =	smul.f32 s31, s12;
	s21 =	ssub.f32 $1.500000000e+00, s21  }
0x321: {  	s23 =	smul.f32 s23, s10;
	v2, _, _ =	vpop (xrf2)  }
0x322: {  	s24 =	smul.f32 s21, s9;
	(v2sf) =	vpush v2, $0xF  }
0x323: {  	s25 =	ssub.f32 $1.500000000e+00, s23;
	s21 =	spop (v2sf)  }
0x324: {  	s8 =	smul.f32 s12, s8;
	s26 =	spop (v2sf)  }
0x325: {  	v2, _, _ =	vpop (xrf2);
	s9 =	smul.f32 s25, s10;
	s25 =	spop (v2sf)  }
0x326: {  	v3, _, _ =	vpop (xrf2);
	s31 =	smul.f32 $1.562500000e-02, s25  }
0x327: {  	s10 =	smul.f32 $1.562500000e-02, s26;
	(v2sf) =	vpush v3, $0xF  }
0x328: {  	s11 =	smul.f32 s24, s11;
	(v2sf) =	vpush v2, $0xF;
	v2 =	vmov s31  }
0x329: {  	s23 =	smul.f32 $1.562500000e-02, s21;
	s10 =	sadd.f32 $9.999999960e-13, s10;
	v53 =	vsub.f32 v61, v2;
	v8 =	vsub.f32 v34, v2  }
0x32a: {  	s21 =	smul.f32 s8, s12;
	v9 =	vsub.f32 v31, v2;
	v7 =	vsub.f32 v30, v2  }
0x32b: {  	s30 =	sshra.s32 s10, $0x1;
	s8 =	smul.f32 $5.000000000e-01, s10;
	v2 =	vmul.f32 v53, v53;
	v3 =	vmul.f32 v8, v8  }
0x32c: {  	s19 =	ssub.f32 $1.500000000e+00, s19;
	s29 =	smul.f32 s11, s24;
	v49 =	vmov s23;
	s25 =	ssub.s32 $0x5F3759DF, s30;
	v38 =	vmul.f32 v9, v9;
	v40 =	vmul.f32 v7, v7  }
0x32d: {  	v54 =	vsub.f32 v37, v49;
	s26 =	smul.f32 s25, s8;
	s28 =	spop (v2sf)  }
0x32e: {  	s28 =	smul.f32 $1.562500000e-02, s28;
	v2 =	vadd.f32 v3, v2;
	v3 =	vadd.f32 v40, v38  }
0x32f: {  	s11 =	smul.f32 s19, s22;
	v42 =	vsub.f32 v42, v49;
	v40 =	vsub.f32 v44, v49  }
0x330: {  	s30 =	smul.f32 s25, s26;
	v32 =	vmov s28;
	v38 =	vsub.f32 v45, v49;
	v2 =	vadd.f32 v3, v2  }
0x331: {  	s10 =	ssub.f32 $1.500000000e+00, s21;
	s31 =	spop (v2sf);
	v45 =	vsub.f32 v39, v32;
	v3 =	vmul.f32 v42, v42;
	v60 =	vmul.f32 v40, v40  }
0x332: {  	s26 =	smul.f32 $1.562500000e-02, s31;
	s19 =	ssub.f32 $1.500000000e+00, s30;
	v44 =	vsub.f32 v41, v32;
	v61 =	vmul.f32 v38, v38;
	(xrf2) =	vadd.scan.msk.f32 $0xffff, v2;
	v2 =	vmul.f32 v54, v54  }
0x333: {  	s12 =	smul.f32 s10, s12;
	s30 =	ssub.f32 $1.500000000e+00, s29;
	v41 =	vsub.f32 v43, v32;
	v39 =	vsub.f32 v46, v32  }
0x334: {  	s31 =	sadd.f32 $9.999999960e-13, s26;
	s21 =	smul.f32 s25, s19;
	v2 =	vadd.f32 v3, v2;
	v3 =	vadd.f32 v61, v60  }
0x335: {  	s10 =	smul.f32 s30, s24;
	v34 =	vmul.f32 v45, v45;
	v36 =	vmul.f32 v44, v44  }
0x336: {  	s22 =	sshra.s32 s31, $0x1;
	s19 =	smul.f32 $5.000000000e-01, s31;
	s25 =	spop (v2sf);
	v6 =	vmul.f32 v39, v39;
	v2 =	vadd.f32 v3, v2;
	v3 =	vmul.f32 v41, v41  }
0x337: {  	s22 =	ssub.s32 $0x5F3759DF, s22;
	s26 =	smul.f32 $1.562500000e-02, s25  }
0x338: {  	s30 =	smul.f32 s22, s19;
	(xrf2) =	vadd.scan.msk.f32 $0xffff, v2;
	v2 =	vadd.f32 v36, v34;
	v3 =	vadd.f32 v6, v3  }
0x339: {  	s25 =	smul.f32 s21, s8;
	s23 =	sadd.f32 $9.999999960e-13, s26  }
0x33a: {  	s24 =	smul.f32 s22, s30;
	v2 =	vadd.f32 v3, v2  }
0x33b: {  	[tilespmem:s20+$0xFFFFFF70] =	vst v1;
	s31 =	spop (v2sf);
	s29 =	sshra.s32 s23, $0x1;
	s23 =	smul.f32 $5.000000000e-01, s23  }
0x33c: {  	s24 =	ssub.f32 $1.500000000e+00, s24;
	s26 =	smul.f32 $1.562500000e-02, s31;
	s29 =	ssub.s32 $0x5F3759DF, s29;
	v36 =	vld [tilespmem:$0x1FFD0];
	v37, _, _ =	vpop (xrf2);
	(xrf2) =	vadd.scan.msk.f32 $0xffff, v2  }
0x33d: {  	s28 =	smul.f32 s29, s23  }
0x33e: {  	s22 =	smul.f32 s22, s24  }
0x33f: {  	s30 =	smul.f32 s29, s28  }
0x340: {  	s25 =	smul.f32 s25, s21;
	s26 =	sadd.f32 $9.999999960e-13, s26;
	[tilespmem:s20+$0xFFFFFF80] =	vst v0  }
0x341: {  	s28 =	smul.f32 s22, s19;
	v52 =	vld [tilespmem:$0x1FFE0];
	[tilespmem:s20+$0xFFFFFF90] =	vst v63;
	s24 =	ssub.f32 $1.500000000e+00, s30;
	v1 =	vadd.f32 v62, v36  }
0x342: {  	s30 =	sshra.s32 s26, $0x1;
	s26 =	smul.f32 $5.000000000e-01, s26;
	(v2sf) =	vpush v37, $0xF;
	v37 =	vld [tilespmem:$0x1FFF0]  }
0x343: {  	s30 =	ssub.s32 $0x5F3759DF, s30;
	s24 =	smul.f32 s29, s24;
	[tilespmem:s20+$0xFFFFFFA0] =	vst v1  }
0x344: {  	s29 =	smul.f32 s30, s26;
	v63 =	vld [tilespmem:$0x1FFC0]  }
0x345: {  	s31 =	smul.f32 s24, s23;
	v2, _, _ =	vpop (xrf2)  }
0x346: {  	s25 =	ssub.f32 $1.500000000e+00, s25;
	v0 =	vadd.f32 v58, v52;
	s29 =	smul.f32 s30, s29;
	(v2sf) =	vpush v2, $0xF;
	v2, _, _ =	vpop (xrf2)  }
0x347: {  	s31 =	smul.f32 s31, s24;
	(v2sf) =	vpush v2, $0xF;
	v2 =	vadd.f32 v59, v37  }
0x348: {  	s25 =	smul.f32 s25, s21;
	[tilespmem:s20+$0xFFFFFFB0] =	vst v0;
	s21 =	ssub.f32 $1.500000000e+00, s29  }
0x349: {  	s28 =	smul.f32 s28, s22;
	v0 =	vld [tilespmem:$0x1FBD0];
	s29 =	ssub.f32 $1.500000000e+00, s31;
	v3 =	vadd.f32 v26, v63;
	[tilespmem:s20+$0xFFFFFFC0] =	vst v2  }
0x34a: {  	s21 =	smul.f32 s30, s21;
	v62 =	vld [tilespmem:$0x1FFB0]  }
0x34b: {  	v43 =	vadd.f32 v57, v36;
	s24 =	smul.f32 s29, s24;
	v2 =	vld [tilespmem:$0x1FBE0];
	[tilespmem:s18+$0xFFFFFFD0] =	vst v3  }
0x34c: {  	s29 =	smul.f32 s21, s26;
	v3 =	vld [tilespmem:$0x1FBF0]  }
0x34d: {  	s23 =	smul.f32 s24, s23;
	v59 =	vld [tilespmem:$0x1FF80];
	[tilespmem:s18+$0xFFFFFFE0] =	vst v43  }
0x34e: {  	s28 =	ssub.f32 $1.500000000e+00, s28;
	v46 =	vadd.f32 v56, v52;
	s29 =	smul.f32 s29, s21;
	v4 =	vld [tilespmem:$0x1FC00]  }
0x34f: {  	v1 =	vmul.f32 s9, v24;
	s23 =	smul.f32 s23, s24;
	v60 =	vld [tilespmem:$0x1FF90]  }
0x350: {  	s22 =	smul.f32 s28, s22;
	s31 =	ssub.f32 $1.500000000e+00, s29;
	[tilespmem:s18+$0xFFFFFFF0] =	vst v46  }
0x351: {  	s30 =	smul.f32 s25, s8;
	v0 =	vmul.f32 s11, v0;
	s23 =	ssub.f32 $1.500000000e+00, s23;
	v61 =	vld [tilespmem:$0x1FFA0];
	v1 =	vmul.f32 v1, v62  }
0x352: {  	s21 =	smul.f32 s31, s21;
	v5 =	vld [tilespmem:$0x1FC10];
	v2 =	vmul.f32 s11, v2  }
0x353: {  	s8 =	smul.f32 s23, s24;
	v3 =	vmul.f32 s11, v3;
	v0 =	vmul.f32 v0, v59;
	v1 =	vadd.f32 v1, v37  }
0x354: {  	s24 =	spop (v2sf);
	s26 =	smul.f32 s21, s26;
	v4 =	vmul.f32 s11, v4;
	v2 =	vmul.f32 v2, v60;
	s11 =	sadd.s32 $0x100, s18  }
0x355: {  	s23 =	smul.f32 $1.562500000e-02, s24;
	v0 =	vadd.f32 v0, v63;
	[tilespmem:s11+$0x0] =	vst v1  }
0x356: {  	s24 =	smul.f32 s22, s19;
	v3 =	vmul.f32 v3, v61;
	v4 =	vmul.f32 v4, v62;
	v2 =	vadd.f32 v2, v36;
	v1 =	vld [tilespmem:$0x1FC20]  }
0x357: {  	s31 =	sadd.f32 $9.999999960e-13, s23;
	s23 =	smul.f32 s30, s25;
	v5 =	vmul.f32 s12, v5;
	v49 =	vld [tilespmem:$0x1FC30];
	[tilespmem:s18+$0xFFFFFF10] =	vst v0  }
0x358: {  	s29 =	smul.f32 s24, s22;
	v0 =	vadd.f32 v3, v52;
	v3 =	vld [tilespmem:$0x1FC40];
	[tilespmem:s18+$0xFFFFFF20] =	vst v2;
	v2 =	vadd.f32 v4, v37  }
0x359: {  	v56 =	vmul.f32 s10, v17;
	s28 =	sshra.s32 s31, $0x1;
	s19 =	smul.f32 $5.000000000e-01, s31;
	v5 =	vmul.f32 v5, v59;
	v55 =	vld [tilespmem:$0x1FC50]  }
0x35a: {  	s24 =	smul.f32 s26, s21;
	s23 =	ssub.f32 $1.500000000e+00, s23;
	s28 =	ssub.s32 $0x5F3759DF, s28;
	[tilespmem:s18+$0xFFFFFF40] =	vst v2;
	v2 =	vmul.f32 s10, v29  }
0x35b: {  	s29 =	ssub.f32 $1.500000000e+00, s29;
	s31 =	smul.f32 s28, s19;
	[tilespmem:s18+$0xFFFFFF30] =	vst v0;
	v0 =	vadd.f32 v5, v63;
	v5 =	vmul.f32 v56, v60;
	v1 =	vmul.f32 s12, v1  }
0x35c: {  	s23 =	smul.f32 s23, s25;
	v6 =	vmul.f32 s12, v49;
	v2 =	vmul.f32 v2, v61  }
0x35d: {  	s22 =	smul.f32 s29, s22;
	v5 =	vadd.f32 v5, v36;
	v3 =	vmul.f32 s12, v3;
	v1 =	vmul.f32 v1, v60  }
0x35e: {  	s30 =	smul.f32 s28, s31;
	s31 =	spop (v2sf);
	[tilespmem:s18+$0xFFFFFF50] =	vst v0;
	v4 =	vmul.f32 s10, v55;
	v6 =	vmul.f32 v6, v61;
	v2 =	vadd.f32 v2, v52  }
0x35f: {  	s26 =	smul.f32 $1.562500000e-02, s31;
	[tilespmem:s18+$0xFFFFFFA0] =	vst v5;
	v3 =	vmul.f32 v3, v62;
	v1 =	vadd.f32 v1, v36  }
0x360: {  	s31 =	spop (v2sf);
	s20 =	ssub.f32 $1.500000000e+00, s30;
	v0 =	vmul.f32 s10, v20;
	v4 =	vmul.f32 v4, v59;
	v6 =	vadd.f32 v6, v52;
	[tilespmem:s18+$0xFFFFFFB0] =	vst v2  }
0x361: {  	s30 =	sadd.f32 $9.999999960e-13, s26;
	s26 =	smul.f32 $1.562500000e-02, s31;
	v3 =	vadd.f32 v3, v37;
	[tilespmem:s18+$0xFFFFFF60] =	vst v1  }
0x362: {  	s28 =	smul.f32 s28, s20;
	v0 =	vmul.f32 v0, v62;
	v4 =	vadd.f32 v4, v63;
	[tilespmem:s18+$0xFFFFFF70] =	vst v6  }
0x363: {  	s20 =	smul.f32 $5.000000000e-01, s30;
	s25 =	sshra.s32 s30, $0x1;
	v1 =	vmul.f32 s9, v15;
	[tilespmem:s18+$0xFFFFFF80] =	vst v3  }
0x364: {  	v57 =	vmul.f32 s9, v13;
	s30 =	smul.f32 s28, s19;
	s29 =	ssub.s32 $0x5F3759DF, s25;
	v0 =	vadd.f32 v0, v37;
	[tilespmem:s18+$0xFFFFFF90] =	vst v4  }
0x365: {  	s25 =	sadd.f32 $9.999999960e-13, s26;
	s12 =	smul.f32 s29, s20;
	v3 =	vmul.f32 s9, v14;
	v1 =	vmul.f32 v1, v59;
	v2 =	vld [tilespmem:$0x1FCA0]  }
0x366: {  	v32 =	vmul.f32 s8, v51;
	v58 =	vmul.f32 v57, v60;
	s26 =	smul.f32 s30, s28;
	[tilespmem:s18+$0xFFFFFFC0] =	vst v0  }
0x367: {  	s31 =	sshra.s32 s25, $0x1;
	s10 =	smul.f32 $5.000000000e-01, s25;
	v3 =	vmul.f32 v3, v61;
	v1 =	vadd.f32 v1, v63;
	v34 =	vld [tilespmem:$0x1FCB0]  }
0x368: {  	s24 =	ssub.f32 $1.500000000e+00, s24;
	s25 =	smul.f32 s29, s12;
	s30 =	ssub.s32 $0x5F3759DF, s31;
	v4 =	vadd.f32 v58, v36;
	v0 =	vmul.f32 v32, v62  }
0x369: {  	s31 =	smul.f32 s30, s10;
	v3 =	vadd.f32 v3, v52;
	[tilespmem:s11+$0xFFFFFFD0] =	vst v1  }
0x36a: {  	s12 =	smul.f32 s24, s21;
	s25 =	ssub.f32 $1.500000000e+00, s25;
	v0 =	vadd.f32 v0, v37;
	v1 =	vld [tilespmem:$0x1FCC0];
	[tilespmem:s11+$0xFFFFFFE0] =	vst v4;
	v2 =	vmul.f32 s23, v2  }
0x36b: {  	s26 =	ssub.f32 $1.500000000e+00, s26;
	s9 =	sadd.s32 $0x100, s11;
	s31 =	smul.f32 s30, s31;
	[tilespmem:s11+$0xFFFFFFF0] =	vst v3  }
0x36c: {  	s25 =	smul.f32 s29, s25;
	v3 =	vld [tilespmem:$0x1FC60];
	[tilespmem:s9+$0x0] =	vst v0;
	v5 =	vmul.f32 s23, v34;
	v2 =	vmul.f32 v2, v59  }
0x36d: {  	s18 =	smul.f32 s26, s28;
	v0 =	vld [tilespmem:$0x1FC70]  }
0x36e: {  	v35 =	vmul.f32 s23, v35;
	s26 =	smul.f32 s25, s20;
	v5 =	vmul.f32 v5, v60;
	v2 =	vadd.f32 v2, v63  }
0x36f: {  	s24 =	ssub.f32 $1.500000000e+00, s31;
	s19 =	smul.f32 s18, s19;
	v43 =	vld [tilespmem:$0x1FC80];
	v1 =	vmul.f32 s23, v1  }
0x370: {  	v46 =	vmul.f32 s12, v33;
	v4 =	vmul.f32 v35, v62;
	s21 =	smul.f32 s26, s25;
	v5 =	vadd.f32 v5, v36;
	[tilespmem:s11+$0xFFFFFF10] =	vst v2  }
0x371: {  	s31 =	smul.f32 s30, s24;
	v3 =	vmul.f32 s22, v3;
	v1 =	vmul.f32 v1, v61;
	v2 =	vld [tilespmem:$0x1FC90]  }
0x372: {  	s19 =	smul.f32 s19, s18;
	v4 =	vadd.f32 v4, v37;
	s21 =	ssub.f32 $1.500000000e+00, s21;
	v0 =	vmul.f32 s22, v0;
	[tilespmem:s11+$0xFFFFFF20] =	vst v5;
	v5 =	vmul.f32 v46, v59  }
0x373: {  	v49 =	vmul.f32 s12, v18;
	s26 =	smul.f32 s31, s10;
	v3 =	vmul.f32 v3, v59;
	v1 =	vadd.f32 v1, v52  }
0x374: {  	s21 =	smul.f32 s21, s25;
	v6 =	vmul.f32 s22, v43;
	[tilespmem:s11+$0xFFFFFF40] =	vst v4;
	v0 =	vmul.f32 v0, v60;
	v5 =	vadd.f32 v5, v63  }
0x375: {  	s19 =	ssub.f32 $1.500000000e+00, s19;
	s30 =	smul.f32 s26, s31;
	v4 =	vmul.f32 v49, v61;
	[tilespmem:s11+$0xFFFFFF30] =	vst v1;
	v1 =	vadd.f32 v3, v63;
	v3 =	vmul.f32 s12, v19  }
0x376: {  	s20 =	smul.f32 s21, s20;
	v6 =	vmul.f32 v6, v61;
	v0 =	vadd.f32 v0, v36;
	[tilespmem:s11+$0xFFFFFF90] =	vst v5;
	v2 =	vmul.f32 s22, v2  }
0x377: {  	s18 =	smul.f32 s19, s18;
	v4 =	vadd.f32 v4, v52;
	s22 =	ssub.f32 $1.500000000e+00, s30;
	[tilespmem:s11+$0xFFFFFF50] =	vst v1;
	v1 =	vmul.f32 s12, v16;
	v3 =	vmul.f32 v3, v60  }
0x378: {  	s20 =	smul.f32 s20, s21;
	v6 =	vadd.f32 v6, v52;
	[tilespmem:s11+$0xFFFFFF60] =	vst v0;
	v0 =	vmul.f32 s8, v50;
	v2 =	vmul.f32 v2, v62  }
0x379: {  	v51 =	vmul.f32 s8, v48;
	[tilespmem:s11+$0xFFFFFFB0] =	vst v4;
	s31 =	smul.f32 s22, s31;
	v1 =	vmul.f32 v1, v62;
	v3 =	vadd.f32 v3, v36  }
0x37a: {  	v56 =	vmul.f32 s18, v8;
	s20 =	ssub.f32 $1.500000000e+00, s20;
	[tilespmem:s11+$0xFFFFFF70] =	vst v6;
	v0 =	vmul.f32 v0, v59;
	v2 =	vadd.f32 v2, v37  }
0x37b: {  	v55 =	vmul.f32 v51, v60;
	s19 =	smul.f32 s31, s10;
	v1 =	vadd.f32 v1, v37;
	[tilespmem:s11+$0xFFFFFFA0] =	vst v3;
	v3 =	vmul.f32 s18, v53  }
0x37c: {  	v4 =	vmul.f32 v56, v60;
	v0 =	vadd.f32 v0, v63;
	s10 =	smul.f32 s20, s21;
	[tilespmem:s11+$0xFFFFFF80] =	vst v2;
	v2 =	vmul.f32 s8, v47  }
0x37d: {  	v5 =	vadd.f32 v55, v36;
	s8 =	smul.f32 s19, s31;
	[tilespmem:s11+$0xFFFFFFC0] =	vst v1;
	v1 =	vmul.f32 s18, v9;
	v3 =	vmul.f32 v3, v59  }
0x37e: {  	v4 =	vadd.f32 v4, v36;
	[tilespmem:s9+$0xFFFFFFD0] =	vst v0;
	v0 =	vmul.f32 s18, v7;
	v2 =	vmul.f32 v2, v61  }
0x37f: {  	[tilespmem:s9+$0xFFFFFFE0] =	vst v5;
	v58 =	vmul.f32 s10, v40;
	s8 =	ssub.f32 $1.500000000e+00, s8;
	v1 =	vmul.f32 v1, v61;
	v3 =	vadd.f32 v3, v63  }
0x380: {  	[tilespmem:s9+$0xFFFFFF20] =	vst v4;
	v57 =	vmul.f32 s10, v54;
	v0 =	vmul.f32 v0, v62;
	v2 =	vadd.f32 v2, v52  }
0x381: {  	v6 =	vmul.f32 v58, v61;
	s8 =	smul.f32 s8, s31;
	[tilespmem:s9+$0xFFFFFF10] =	vst v3;
	v1 =	vadd.f32 v1, v52;
	v3 =	vmul.f32 s10, v38  }
0x382: {  	v5 =	vmul.f32 v57, v59;
	v0 =	vadd.f32 v0, v37;
	[tilespmem:s9+$0xFFFFFFF0] =	vst v2;
	v2 =	vmul.f32 s10, v42  }
0x383: {  	v6 =	vadd.f32 v6, v52;
	[tilespmem:s9+$0xFFFFFF30] =	vst v1;
	v33 =	vmul.f32 s8, v44;
	v3 =	vmul.f32 v3, v62  }
0x384: {  	v1 =	vadd.f32 v5, v63;
	[tilespmem:s9+$0xFFFFFF40] =	vst v0;
	v0 =	vmul.f32 s8, v41;
	v2 =	vmul.f32 v2, v60  }
0x385: {  	v32 =	vmul.f32 s8, v45;
	[tilespmem:s9+$0xFFFFFF70] =	vst v6;
	v5 =	vmul.f32 v33, v60;
	v3 =	vadd.f32 v3, v37  }
0x386: {  	[tilespmem:s9+$0xFFFFFF50] =	vst v1;
	v1 =	vmul.f32 s8, v39;
	v0 =	vmul.f32 v0, v61;
	v2 =	vadd.f32 v2, v36  }
0x387: {  	v4 =	vmul.f32 v32, v59;
	v34 =	vadd.f32 v5, v36;
	[tilespmem:s9+$0xFFFFFF80] =	vst v3  }
0x388: {  	v1 =	vmul.f32 v1, v62;
	v0 =	vadd.f32 v0, v52;
	[tilespmem:s9+$0xFFFFFF60] =	vst v2  }
0x389: {  	s21 =	sadd.s32 s5, s17;
	v2 =	vadd.f32 v4, v63;
	[tilespmem:s9+$0xFFFFFFA0] =	vst v34  }
0x38a: {  	s8 =	smul.u32 $0x640, s21;
	v1 =	vadd.f32 v1, v37;
	[tilespmem:s9+$0xFFFFFFB0] =	vst v0  }
0x38b: {  	p0 =	seq.s32 s13, $0x1F;
	[tilespmem:s9+$0xFFFFFF90] =	vst v2  }
0x38c: {  	s22 =	simm.s32 $0x16200;
	s8 =	sadd.s32 s4, s8;
	[tilespmem:s9+$0xFFFFFFC0] =	vst v1;
	s9 =	smul.u32 @!p0 $0xD00, s13  }
0x38d: {  	[hbm4b:s8+s6] =	stream.linear.scatter [tilespmem:s22], [sflag:$0x6], $0x3200, $0x38;
	[tilespmem:$0x1C680] =	vst v63  }
0x38e: {  	s17 =	sshra.s32 @!p0 s9, $0x2  }
0x38f: {  	s10 =	simm.s32 @!p0 $0x6800;
	s9 =	simm.s32 @!p0 $0x64;
	s8 =	sadd.s32 @!p0 $0x340, s17  }
0x390: {  	[tilespmem:s10], [sflag:$0x1] =	stream.indirect.gather @!p0 [hbm4b:s7+s9], $0x40, s8, s9, $0xb8;
	[tilespmem:$0x1C680] =	vst v63  }
0x391: {  	s8 =	sadd.s32 @!p0 $0x3A8, s17;
	s10 =	simm.s32 @!p0 $0x8100  }
0x392: {  	[tilespmem:s10], [sflag:$0x1] =	stream.indirect.gather @!p0 [hbm4b:s7+s9], $0x40, s8, s9, $0xb8;
	[tilespmem:$0x1C680] =	vst v63  }
0x393: {  	_ =	swait.ge [sflag:s2], $0x3200  }
0x394: {  	[sflag:s2] =	ssyncset.done $0x0  }
0x395: {  	[sflag:s2] =	ssyncadd.s32 $0xFFFFCE00  }
0x396: {  	_ =	swait.ge [sflag:s0], $0x3200  }
0x397: {  	[sflag:s0] =	ssyncset.done $0x0  }
0x398: {  	s19 =	simm.s32 $0x0;
	[sflag:s0] =	ssyncadd.s32 $0xFFFFCE00  }
0x399: {  	v0 =	vld [tilespmem:s19+$0xCCC0]  }
0x39a: {  	v1 =	vld [tilespmem:s19+$0x194C0]  }
0x39b: {  	v2 =	vld [tilespmem:s19+$0xCCD0]  }
0x39c: {  	v3 =	vld [tilespmem:s19+$0x194D0]  }
0x39d: {  	v35 =	vld [tilespmem:s19+$0xCCE0]  }
0x39e: {  	v38 =	vld [tilespmem:s19+$0x194E0]  }
0x39f: {  	v39 =	vld [tilespmem:s19+$0xCCF0]  }
0x3a0: {  	v40 =	vld [tilespmem:s19+$0x194F0];
	_ =	sdelay $0x3  }
0x3a1: {  	v0 =	vadd.f32 v1, v0;
	v1 =	vadd.f32 v3, v2  }
0x3a2: {  	v41 =	vld [tilespmem:s19+$0xCC00];
	v2 =	vadd.f32 v38, v35;
	v3 =	vadd.f32 v40, v39  }
0x3a3: {  	v42 =	vld [tilespmem:s19+$0x19400]  }
0x3a4: {  	v8 =	vld [tilespmem:s19+$0xCC10];
	v43 =	vadd.f32 v1, v0;
	v7 =	vadd.f32 v3, v2  }
0x3a5: {  	v9 =	vld [tilespmem:s19+$0x19410]  }
0x3a6: {  	v44 =	vld [tilespmem:s19+$0xCC20];
	v6 =	vadd.f32 v7, v43  }
0x3a7: {  	v10 =	vld [tilespmem:s19+$0x19420]  }
0x3a8: {  	v45 =	vld [tilespmem:s19+$0xCC30];
	(xrf2) =	vadd.scan.msk.f32 $0xffff, v6  }
0x3a9: {  	v11 =	vld [tilespmem:s19+$0x19430]  }
0x3aa: {  	v12 =	vld [tilespmem:s19+$0xCC40]  }
0x3ab: {  	v13 =	vld [tilespmem:s19+$0x19440]  }
0x3ac: {  	v14 =	vld [tilespmem:s19+$0xCC50]  }
0x3ad: {  	v15 =	vld [tilespmem:s19+$0x19450]  }
0x3ae: {  	v16 =	vld [tilespmem:s19+$0xCC60]  }
0x3af: {  	v17 =	vld [tilespmem:s19+$0x19460]  }
0x3b0: {  	v46 =	vadd.f32 v9, v8;
	v8 =	vld [tilespmem:s19+$0xCC70]  }
0x3b1: {  	v4 =	vadd.f32 v42, v41;
	v9 =	vld [tilespmem:s19+$0x19470]  }
0x3b2: {  	v7 =	vadd.f32 v10, v44;
	v6 =	vadd.f32 v11, v45;
	v10, _, _ =	vpop (xrf2)  }
0x3b3: {  	v13 =	vadd.f32 v13, v12;
	(v2sf) =	vpush v10, $0xF  }
0x3b4: {  	v11 =	vadd.f32 v6, v7;
	v10 =	vadd.f32 v46, v4  }
0x3b5: {  	v19 =	vld [tilespmem:s19+$0x194A0];
	v14 =	vadd.f32 v15, v14;
	v17 =	vadd.f32 v17, v16  }
0x3b6: {  	v20 =	vld [tilespmem:s19+$0xCCB0];
	v18 =	vadd.f32 v9, v8;
	v10 =	vadd.f32 v11, v10  }
0x3b7: {  	v12 =	vld [tilespmem:s19+$0xCC80]  }
0x3b8: {  	v15 =	vld [tilespmem:s19+$0xCC90];
	v9 =	vadd.f32 v14, v13;
	v16 =	vadd.f32 v18, v17;
	(xrf2) =	vadd.scan.msk.f32 $0xffff, v10  }
0x3b9: {  	v8 =	vld [tilespmem:s19+$0x19490]  }
0x3ba: {  	v9 =	vadd.f32 v16, v9;
	v16 =	vld [tilespmem:s19+$0x194B0]  }
0x3bb: {  	v11 =	vld [tilespmem:s19+$0x19480]  }
0x3bc: {  	v10 =	vld [tilespmem:s19+$0xCCA0];
	_ =	sdelay $0x3  }
0x3bd: {  	v22 =	vadd.f32 v8, v15;
	(xrf2) =	vadd.scan.msk.f32 $0xffff, v9;
	v21 =	vadd.f32 v11, v12  }
0x3be: {  	v20 =	vadd.f32 v16, v20;
	v23 =	vadd.f32 v19, v10  }
0x3bf: {  	v8 =	vadd.f32 v22, v21;
	v9, _, _ =	vpop (xrf2);
	s23 =	spop (v2sf)  }
0x3c0: {  	(v2sf) =	vpush v9, $0xF;
	v9 =	vadd.f32 v20, v23;
	s8 =	smul.f32 $1.562500000e-02, s23;
	_ =	sdelay $0x1  }
0x3c1: {  	s18 =	simm.s32 $0x100;
	v8 =	vadd.f32 v9, v8;
	v9 =	vmov s8  }
0x3c2: {  	v11 =	vld [tilespmem:s18+$0x194C0];
	v15 =	vsub.f32 v1, v9  }
0x3c3: {  	v12 =	vld [tilespmem:s18+$0xCCD0];
	v16 =	vsub.f32 v2, v9  }
0x3c4: {  	v10 =	vld [tilespmem:s18+$0xCCC0];
	[tilespmem:$0x1FBA0] =	vst v15  }
0x3c5: {  	v38 =	vsub.f32 v0, v9;
	v0 =	vld [tilespmem:s18+$0x194D0];
	[tilespmem:$0x1FBB0] =	vst v16  }
0x3c6: {  	(xrf2) =	vadd.scan.msk.f32 $0xffff, v8;
	v1, _, _ =	vpop (xrf2);
	v2 =	vld [tilespmem:s18+$0xCCE0]  }
0x3c7: {  	v48 =	vsub.f32 v3, v9;
	(v2sf) =	vpush v1, $0xF;
	v8 =	vld [tilespmem:s18+$0x194E0]  }
0x3c8: {  	v1 =	vmul.f32 v38, v38;
	v9 =	vmul.f32 v16, v16;
	v16 =	vld [tilespmem:s18+$0xCCF0]  }
0x3c9: {  	v3 =	vmul.f32 v15, v15;
	v15 =	vmul.f32 v48, v48;
	v19 =	vld [tilespmem:s18+$0x194F0]  }
0x3ca: {  	v27 =	vadd.f32 v11, v10  }
0x3cb: {  	v1 =	vadd.f32 v3, v1;
	v3 =	vadd.f32 v15, v9;
	v10 =	vld [tilespmem:s18+$0xCC20]  }
0x3cc: {  	v47 =	vld [tilespmem:s18+$0x19430]  }
0x3cd: {  	v49 =	vld [tilespmem:s18+$0xCC40];
	v1 =	vadd.f32 v3, v1;
	v31 =	vadd.f32 v0, v12  }
0x3ce: {  	v28 =	vld [tilespmem:s18+$0x19440];
	v34 =	vadd.f32 v8, v2;
	v35 =	vadd.f32 v19, v16  }
0x3cf: {  	v50 =	vld [tilespmem:s18+$0xCC50];
	(xrf2) =	vadd.scan.msk.f32 $0xffff, v1;
	s24 =	spop (v2sf)  }
0x3d0: {  	v32 =	vld [tilespmem:s18+$0x19450];
	v2, _, _ =	vpop (xrf2);
	v8 =	vadd.f32 v31, v27;
	v9 =	vadd.f32 v35, v34;
	s8 =	smul.f32 $1.562500000e-02, s24  }
0x3d1: {  	v0 =	vld [tilespmem:s18+$0xCC00];
	(v2sf) =	vpush v2, $0xF  }
0x3d2: {  	v1 =	vld [tilespmem:s18+$0x19400];
	v8 =	vadd.f32 v9, v8;
	v12 =	vmov s8  }
0x3d3: {  	v19 =	vld [tilespmem:s18+$0xCC30];
	v16 =	vsub.f32 v46, v12  }
0x3d4: {  	v3 =	vld [tilespmem:s18+$0xCC10];
	(xrf2) =	vadd.scan.msk.f32 $0xffff, v8;
	v8 =	vsub.f32 v7, v12  }
0x3d5: {  	v2 =	vld [tilespmem:s18+$0x19410];
	v11 =	vsub.f32 v4, v12;
	v24 =	vmul.f32 v16, v16  }
0x3d6: {  	v9 =	vld [tilespmem:s18+$0x19420];
	s25 =	spop (v2sf);
	[tilespmem:$0x1FB10] =	vst v8  }
0x3d7: {  	v28 =	vadd.f32 v28, v49;
	v25 =	vadd.f32 v1, v0;
	v15 =	vmul.f32 v11, v11;
	s8 =	smul.f32 $1.562500000e-02, s25;
	v54 =	vld [tilespmem:s18+$0xCC60]  }
0x3d8: {  	v26 =	vadd.f32 v47, v19;
	v12 =	vsub.f32 v6, v12;
	v56 =	vld [tilespmem:s18+$0xCC80]  }
0x3d9: {  	v53 =	vmul.f32 v8, v8;
	v57 =	vld [tilespmem:s18+$0x19480];
	v51 =	vadd.f32 v24, v15;
	v30 =	vmov s8;
	v24, _, _ =	vpop (xrf2)  }
0x3da: {  	v1 =	vld [tilespmem:s18+$0xCC70];
	v15 =	vsub.f32 v13, v30;
	v13 =	vmul.f32 v12, v12;
	(v2sf) =	vpush v24, $0xF  }
0x3db: {  	v29 =	vadd.f32 v2, v3;
	v55 =	vld [tilespmem:s18+$0x19470];
	v24 =	vadd.f32 v9, v10  }
0x3dc: {  	v0 =	vld [tilespmem:s18+$0x19460];
	v2 =	vadd.f32 v13, v53;
	v9 =	vsub.f32 v14, v30  }
0x3dd: {  	v58 =	vld [tilespmem:s18+$0xCC90];
	v14 =	vadd.f32 v29, v25;
	v13 =	vsub.f32 v17, v30  }
0x3de: {  	v46 =	vld [tilespmem:s18+$0x19490];
	v33 =	vadd.f32 v57, v56;
	v19 =	vadd.f32 v26, v24;
	v10, _, _ =	vpop (xrf2)  }
0x3df: {  	v3 =	vmul.f32 v15, v15;
	v6 =	vadd.f32 v2, v51;
	(v2sf) =	vpush v10, $0xF  }
0x3e0: {  	v47 =	vld [tilespmem:s18+$0xCCA0];
	v17 =	vmul.f32 v9, v9;
	v2 =	vadd.f32 v55, v1;
	s26 =	spop (v2sf);
	v14 =	vadd.f32 v19, v14  }
0x3e1: {  	v10 =	vsub.f32 v18, v30;
	v30 =	vadd.f32 v0, v54;
	v0 =	vld [tilespmem:s18+$0x194A0];
	s8 =	smul.f32 $1.562500000e-02, s26  }
0x3e2: {  	v53 =	vld [tilespmem:s18+$0x194B0];
	v45 =	vadd.f32 v17, v3;
	v3 =	vadd.f32 v32, v50;
	(xrf2) =	vadd.scan.msk.f32 $0xffff, v14  }
0x3e3: {  	v1 =	vmul.f32 v13, v13;
	v51 =	vld [tilespmem:s18+$0xCCB0];
	v32 =	vadd.f32 v46, v58;
	v49 =	vmov s8;
	(xrf2) =	vadd.scan.msk.f32 $0xffff, v6  }
0x3e4: {  	v50 =	vmul.f32 v10, v10;
	v14 =	vadd.f32 v3, v28;
	v18 =	vsub.f32 v21, v49  }
0x3e5: {  	v21 =	vadd.f32 v2, v30;
	v17 =	vsub.f32 v22, v49  }
0x3e6: {  	v1 =	vadd.f32 v50, v1;
	v0 =	vadd.f32 v0, v47  }
0x3e7: {  	v54 =	vadd.f32 v21, v14;
	v14 =	vsub.f32 v20, v49;
	v55 =	vmul.f32 v18, v18  }
0x3e8: {  	v20 =	vadd.f32 v1, v45;
	v21 =	vmul.f32 v17, v17;
	v1 =	vadd.f32 v53, v51  }
0x3e9: {  	v39 =	vadd.f32 v32, v33;
	v8 =	vsub.f32 v23, v49;
	(xrf2) =	vadd.scan.msk.f32 $0xffff, v54;
	s30 =	spop (v2sf)  }
0x3ea: {  	v58 =	vadd.f32 v21, v55;
	v21 =	vadd.f32 v1, v0;
	(xrf2) =	vadd.scan.msk.f32 $0xffff, v20;
	s8 =	smul.f32 $1.562500000e-02, s30;
	_ =	sdelay $0x1  }
0x3eb: {  	v56 =	vmul.f32 v8, v8;
	v57 =	vmul.f32 v14, v14;
	v7 =	vadd.f32 v21, v39;
	v20, _, _ =	vpop (xrf2);
	s8 =	sadd.f32 $9.999999960e-13, s8  }
0x3ec: {  	(v2sf) =	vpush v20, $0xF;
	v40, _, _ =	vpop (xrf2)  }
0x3ed: {  	v4 =	vadd.f32 v57, v56;
	(xrf2) =	vadd.scan.msk.f32 $0xffff, v7;
	(v2sf) =	vpush v40, $0xF;
	s12 =	spop (v2sf);
	s31 =	smul.f32 $5.000000000e-01, s8  }
0x3ee: {  	s8 =	sshra.s32 s8, $0x1;
	s10 =	smul.f32 $1.562500000e-02, s12  }
0x3ef: {  	v4 =	vadd.f32 v4, v58;
	s8 =	ssub.s32 $0x5F3759DF, s8  }
0x3f0: {  	[tilespmem:$0x1FB20] =	vst v18;
	s20 =	smul.f32 s8, s31;
	v41 =	vmov s10  }
0x3f1: {  	[tilespmem:$0x1FB40] =	vst v8;
	(xrf2) =	vadd.scan.msk.f32 $0xffff, v4;
	v8 =	vsub.f32 v27, v41  }
0x3f2: {  	[tilespmem:$0x1FB30] =	vst v17;
	v43, _, _ =	vpop (xrf2);
	v42 =	vsub.f32 v31, v41;
	v44 =	vsub.f32 v34, v41;
	s21 =	smul.f32 s8, s20  }
0x3f3: {  	v18 =	vsub.f32 v35, v41;
	(v2sf) =	vpush v43, $0xF;
	v45, _, _ =	vpop (xrf2);
	[tilespmem:$0x1FB50] =	vst v8  }
0x3f4: {  	(v2sf) =	vpush v45, $0xF;
	v46 =	vmul.f32 v8, v8;
	[tilespmem:$0x1FB60] =	vst v42;
	v6 =	vmul.f32 v42, v42;
	s10 =	ssub.f32 $1.500000000e+00, s21  }
0x3f5: {  	s20 =	simm.s32 $0x200;
	[tilespmem:$0x1FB70] =	vst v44;
	v47 =	vmul.f32 v44, v44;
	v49 =	vmul.f32 v18, v18  }
0x3f6: {  	v27 =	vld [tilespmem:s20+$0xCCC0];
	s8 =	smul.f32 s8, s10  }
0x3f7: {  	v31 =	vld [tilespmem:s20+$0x194C0];
	v57, _, _ =	vpop (xrf2);
	v5 =	vadd.f32 v6, v46;
	v4 =	vadd.f32 v49, v47  }
0x3f8: {  	v50 =	vld [tilespmem:s20+$0xCCD0];
	(v2sf) =	vpush v57, $0xF;
	s10 =	smul.f32 s8, s31  }
0x3f9: {  	v56 =	vld [tilespmem:s20+$0x194D0];
	v4 =	vadd.f32 v4, v5  }
0x3fa: {  	v58 =	vld [tilespmem:s20+$0xCCE0];
	s10 =	smul.f32 s10, s8  }
0x3fb: {  	v45 =	vld [tilespmem:s20+$0x194E0];
	v44, _, _ =	vpop (xrf2);
	(xrf2) =	vadd.scan.msk.f32 $0xffff, v4;
	s22 =	spop (v2sf)  }
0x3fc: {  	v46 =	vld [tilespmem:s20+$0xCCF0];
	(v2sf) =	vpush v44, $0xF;
	s23 =	spop (v2sf);
	s10 =	ssub.f32 $1.500000000e+00, s10  }
0x3fd: {  	v47 =	vld [tilespmem:s20+$0x194F0];
	s12 =	smul.f32 $1.562500000e-02, s23  }
0x3fe: {  	v39 =	vld [tilespmem:s20+$0xCC00];
	s10 =	smul.f32 s10, s8  }
0x3ff: {  	v40 =	vld [tilespmem:s20+$0x19400];
	s11 =	smul.f32 $1.562500000e-02, s22;
	s24 =	sadd.f32 $9.999999960e-13, s12  }
0x400: {  	v41 =	vld [tilespmem:s20+$0xCC10];
	s9 =	smul.f32 s10, s31  }
0x401: {  	v34 =	vld [tilespmem:s20+$0xCC30];
	v53 =	vadd.f32 v31, v27;
	v54 =	vadd.f32 v56, v50;
	s12 =	sshra.s32 s24, $0x1;
	s8 =	smul.f32 $5.000000000e-01, s24  }
0x402: {  	v42 =	vld [tilespmem:s20+$0x19430];
	v51 =	vadd.f32 v45, v58;
	v8 =	vadd.f32 v47, v46;
	s25 =	spop (v2sf);
	s12 =	ssub.s32 $0x5F3759DF, s12;
	s9 =	smul.f32 s9, s10  }
0x403: {  	v35 =	vld [tilespmem:s20+$0x19440];
	s30 =	spop (v2sf);
	s26 =	smul.f32 s12, s8  }
0x404: {  	v6 =	vld [tilespmem:s20+$0x19410];
	v7 =	vadd.f32 v54, v53;
	v27 =	vadd.f32 v8, v51;
	s23 =	smul.f32 $1.562500000e-02, s30  }
0x405: {  	v45 =	vld [tilespmem:s20+$0xCC40];
	v43 =	vadd.f32 v40, v39;
	s21 =	smul.f32 $1.562500000e-02, s25;
	v31, _, _ =	vpop (xrf2);
	s9 =	ssub.f32 $1.500000000e+00, s9  }
0x406: {  	v50 =	vld [tilespmem:s20+$0x19450];
	v57 =	vmov s11;
	v7 =	vadd.f32 v27, v7;
	s31 =	smul.f32 s12, s26;
	(v2sf) =	vpush v31, $0xF;
	s22 =	sadd.f32 $9.999999960e-13, s23  }
0x407: {  	v47 =	vld [tilespmem:s20+$0xCC50];
	v20 =	vsub.f32 v25, v57;
	v27 =	vsub.f32 v29, v57;
	s24 =	spop (v2sf);
	s10 =	smul.f32 s9, s10  }
0x408: {  	v5 =	vld [tilespmem:s20+$0x19420];
	v49 =	vadd.f32 v42, v34;
	v22 =	vsub.f32 v26, v57;
	(xrf2) =	vadd.scan.msk.f32 $0xffff, v7;
	s11 =	ssub.f32 $1.500000000e+00, s31;
	s23 =	sshra.s32 s22, $0x1;
	s9 =	smul.f32 $5.000000000e-01, s22  }
0x409: {  	v4 =	vld [tilespmem:s20+$0xCC20];
	v19 =	vsub.f32 v24, v57;
	v58 =	vmul.f32 v20, v20;
	v29 =	vmul.f32 v27, v27;
	s22 =	ssub.s32 $0x5F3759DF, s23;
	s23 =	smul.f32 $1.562500000e-02, s24  }
0x40a: {  	v56 =	vld [tilespmem:s20+$0xCC60];
	v44 =	vadd.f32 v6, v41;
	v40 =	vadd.f32 v35, v45;
	v46 =	vmul.f32 v22, v22;
	s11 =	smul.f32 s12, s11  }
0x40b: {  	v7 =	vadd.f32 v29, v58;
	v58 =	vld [tilespmem:s20+$0x19460];
	v55 =	vmov s21;
	v31 =	vmul.f32 v19, v19;
	s25 =	smul.f32 s22, s9;
	s26 =	spop (v2sf)  }
0x40c: {  	v6 =	vld [tilespmem:s20+$0x19470];
	v41 =	vadd.f32 v50, v47;
	v25 =	vsub.f32 v28, v55;
	s21 =	smul.f32 $1.562500000e-02, s26  }
0x40d: {  	v17 =	vsub.f32 v3, v55;
	v3 =	vld [tilespmem:s20+$0xCC70];
	v57 =	vadd.f32 v46, v31;
	s12 =	smul.f32 s22, s25  }
0x40e: {  	v31 =	vsub.f32 v30, v55;
	v46 =	vadd.f32 v5, v4;
	s24 =	smul.f32 s11, s8  }
0x40f: {  	v30 =	vsub.f32 v2, v55;
	v2 =	vadd.f32 v44, v43;
	s21 =	sadd.f32 $9.999999960e-13, s21  }
0x410: {  	v4 =	vmul.f32 v25, v25;
	[tilespmem:$0x1FB80] =	vst v17;
	v55 =	vmul.f32 v17, v17;
	v39 =	vadd.f32 v58, v56;
	s30 =	ssub.f32 $1.500000000e+00, s12;
	s24 =	smul.f32 s24, s11  }
0x411: {  	v45 =	vld [tilespmem:s20+$0xCC80];
	v5 =	vadd.f32 v49, v46;
	v7 =	vadd.f32 v57, v7;
	s31 =	sshra.s32 s21, $0x1;
	s12 =	smul.f32 $5.000000000e-01, s21  }
0x412: {  	v47 =	vld [tilespmem:s20+$0x19480];
	v42 =	vadd.f32 v6, v3;
	v3 =	vadd.f32 v55, v4;
	v58, _, _ =	vpop (xrf2);
	s21 =	smul.f32 s22, s30;
	s22 =	ssub.s32 $0x5F3759DF, s31  }
0x413: {  	v50 =	vld [tilespmem:s20+$0x19490];
	v56 =	vmul.f32 v30, v30;
	v2 =	vadd.f32 v5, v2;
	(v2sf) =	vpush v58, $0xF;
	s26 =	smul.f32 s22, s12  }
0x414: {  	v57 =	vld [tilespmem:s20+$0x194A0];
	v6 =	vadd.f32 v41, v40;
	v55 =	vmul.f32 v31, v31;
	v5 =	vmov s23;
	s24 =	ssub.f32 $1.500000000e+00, s24;
	s30 =	smul.f32 s21, s9  }
0x415: {  	v4 =	vld [tilespmem:s20+$0xCC90];
	v34 =	vadd.f32 v42, v39;
	v35 =	vsub.f32 v33, v5;
	(xrf2) =	vadd.scan.msk.f32 $0xffff, v2;
	s25 =	smul.f32 s22, s26;
	s31 =	spop (v2sf)  }
0x416: {  	v33 =	vsub.f32 v0, v5;
	v0 =	vld [tilespmem:s20+$0xCCB0];
	(xrf2) =	vadd.scan.msk.f32 $0xffff, v7;
	v7 =	vadd.f32 v56, v55;
	s23 =	smul.f32 $1.562500000e-02, s31  }
0x417: {  	v6 =	vadd.f32 v34, v6;
	v55 =	vld [tilespmem:s20+$0x194B0];
	s11 =	smul.f32 s24, s11;
	s25 =	ssub.f32 $1.500000000e+00, s25  }
0x418: {  	v58 =	vld [tilespmem:$0x1FBA0];
	v3 =	vadd.f32 v7, v3;
	s26 =	smul.f32 s30, s21;
	s23 =	sadd.f32 $9.999999960e-13, s23  }
0x419: {  	v32 =	vsub.f32 v32, v5;
	v2 =	vld [tilespmem:s20+$0xCCA0];
	(xrf2) =	vadd.scan.msk.f32 $0xffff, v6;
	s25 =	smul.f32 s22, s25  }
0x41a: {  	v17 =	vsub.f32 v1, v5;
	(xrf2) =	vadd.scan.msk.f32 $0xffff, v3;
	v3 =	vmul.f32 s10, v48;
	s30 =	sshra.s32 s23, $0x1;
	s23 =	smul.f32 $5.000000000e-01, s23  }
0x41b: {  	v45 =	vadd.f32 v47, v45;
	v1 =	vmul.f32 v35, v35;
	v5 =	vmul.f32 v32, v32;
	s31 =	smul.f32 s25, s12;
	s24 =	ssub.s32 $0x5F3759DF, s30  }
0x41c: {  	v47 =	vadd.f32 v50, v4;
	v50 =	vadd.f32 v55, v0;
	v0 =	vmul.f32 v3, v62;
	v62 =	vld [tilespmem:$0x1FBB0];
	s28 =	smul.f32 s24, s23  }
0x41d: {  	v34 =	vmul.f32 v17, v17;
	v6 =	vmul.f32 v33, v33;
	s26 =	ssub.f32 $1.500000000e+00, s26;
	s29 =	smul.f32 s31, s25  }
0x41e: {  	v1 =	vadd.f32 v5, v1;
	v4 =	vmul.f32 s10, v58;
	v48 =	vadd.f32 v57, v2;
	s28 =	smul.f32 s24, s28  }
0x41f: {  	v34 =	vadd.f32 v34, v6;
	v3 =	vadd.f32 v47, v45;
	s22 =	smul.f32 s26, s21;
	s30 =	ssub.f32 $1.500000000e+00, s29  }
0x420: {  	v2 =	vmul.f32 s10, v38;
	v4 =	vmul.f32 v4, v60;
	v57 =	vadd.f32 v50, v48;
	s31 =	ssub.f32 $1.500000000e+00, s28;
	s28 =	smul.f32 s11, s8  }
0x421: {  	v1 =	vadd.f32 v34, v1;
	v34 =	vadd.f32 v0, v37;
	v56, _, _ =	vpop (xrf2);
	v6 =	vmul.f32 s10, v62;
	s21 =	smul.f32 s30, s25  }
0x422: {  	v0 =	vmul.f32 v2, v59;
	v2 =	vadd.f32 v57, v3;
	(v2sf) =	vpush v56, $0xF;
	s30 =	spop (v2sf);
	s29 =	smul.f32 s24, s31  }
0x423: {  	v57 =	vadd.f32 v4, v36;
	v3, _, _ =	vpop (xrf2);
	v62 =	vmul.f32 v6, v61;
	s8 =	smul.f32 $1.562500000e-02, s30  }
0x424: {  	v0 =	vadd.f32 v0, v63;
	(v2sf) =	vpush v3, $0xF;
	v3, _, _ =	vpop (xrf2);
	s31 =	smul.f32 s29, s23  }
0x425: {  	v56 =	vadd.f32 v62, v52;
	(v2sf) =	vpush v3, $0xF;
	s24 =	smul.f32 s22, s9;
	v3 =	vmov s8  }
0x426: {  	[tilespmem:$0x1FB90] =	vst v17;
	(xrf2) =	vadd.scan.msk.f32 $0xffff, v2;
	v2, _, _ =	vpop (xrf2);
	v38 =	vsub.f32 v53, v3;
	v36 =	vsub.f32 v54, v3;
	s10 =	smul.f32 s31, s29  }
0x427: {  	[tilespmem:s19+$0x130F0] =	vst v34;
	s12 =	smul.f32 s21, s12;
	(v2sf) =	vpush v2, $0xF;
	s9 =	simm.s32 $0xC00;
	v37 =	vsub.f32 v51, v3  }
0x428: {  	(xrf2) =	vadd.scan.msk.f32 $0xffff, v1;
	s28 =	smul.f32 s28, s11;
	s8 =	simm.s32 $0x8;
	v51 =	vsub.f32 v8, v3;
	v1 =	vmul.f32 v38, v38;
	v2 =	vmul.f32 v36, v36;
	s26 =	ssub.f32 $1.500000000e+00, s10  }
.LBB2_7:
0x429: {  	_ = 	snop  }
0x42a: {  	s25 =	sshra.s32 s9, $0x2;
	s10 =	smov.u32 s19;
	[tilespmem:s19+$0x130C0] =	vst v0  }
0x42b: {  	s19 =	smov.u32 s18;
	s18 =	smov.u32 s20;
	s20 =	smov.u32 s25;
	v5 =	vld [tilespmem:s25+$0xCCC0]  }
0x42c: {  	v60 =	vld [tilespmem:s20+$0xCC00]  }
0x42d: {  	v61 =	vld [tilespmem:s20+$0x19400]  }
0x42e: {  	v62 =	vld [tilespmem:s20+$0xCC10]  }
0x42f: {  	v3 =	vmul.f32 v37, v37;
	v4 =	vmul.f32 v51, v51;
	s26 =	smul.f32 s26, s29;
	[tilespmem:s10+$0x130D0] =	vst v57;
	v63 =	vld [tilespmem:s20+$0xCC40]  }
0x430: {  	s24 =	smul.f32 s24, s22;
	v6 =	vld [tilespmem:s25+$0x194C0];
	[tilespmem:s10+$0x130E0] =	vst v56  }
0x431: {  	v3 =	vadd.f32 v4, v3;
	s23 =	smul.f32 s26, s23;
	v4 =	vld [tilespmem:s25+$0xCCD0];
	s30 =	spop (v2sf)  }
0x432: {  	v1 =	vadd.f32 v2, v1;
	v7 =	vld [tilespmem:s20+$0x194D0];
	v0, _, _ =	vpop (xrf2);
	s29 =	smul.f32 $1.562500000e-02, s30  }
0x433: {  	s24 =	ssub.f32 $1.500000000e+00, s24;
	v54 =	vld [tilespmem:s20+$0xCCE0];
	s23 =	smul.f32 s23, s26;
	(v2sf) =	vpush v0, $0xF  }
0x434: {  	v55 =	vld [tilespmem:s20+$0xCCF0];
	v1 =	vadd.f32 v3, v1;
	v0 =	vmov s29  }
0x435: {  	v59 =	vld [tilespmem:s20+$0x194F0];
	s31 =	ssub.f32 $1.500000000e+00, s23;
	s23 =	smul.f32 s24, s22;
	v3 =	vsub.f32 v43, v0;
	v34 =	vsub.f32 v44, v0  }
0x436: {  	s28 =	ssub.f32 $1.500000000e+00, s28;
	v44 =	vld [tilespmem:s20+$0x194E0];
	v46 =	vsub.f32 v46, v0;
	v49 =	vsub.f32 v49, v0  }
0x437: {  	v2, _, _ =	vpop (xrf2);
	(xrf2) =	vadd.scan.msk.f32 $0xffff, v1;
	v43 =	vadd.f32 v61, v60;
	v61 =	vld [tilespmem:s20+$0x19430];
	v60 =	vmul.f32 s23, v10;
	v0 =	vmul.f32 v3, v3  }
0x438: {  	s28 =	smul.f32 s28, s11;
	v10 =	vld [tilespmem:$0x1FB30];
	v1 =	vmul.f32 v34, v34;
	v52 =	vmul.f32 v46, v46  }
0x439: {  	s11 =	smul.f32 s31, s26;
	s30 =	spop (v2sf);
	v53 =	vmul.f32 v49, v49;
	v28 =	vmov v3;
	v3 =	vmul.f32 s23, v15;
	v15 =	vld [tilespmem:$0x1FFB0]  }
0x43a: {  	v55 =	vadd.f32 v59, v55;
	s25 =	smul.f32 $1.562500000e-02, s30;
	s30 =	spop (v2sf);
	v57 =	vadd.f32 v1, v0;
	v1 =	vld [tilespmem:$0x1FB10]  }
0x43b: {  	v8 =	vmovc v19;
	s31 =	smul.f32 $1.562500000e-02, s30;
	v0 =	vmul.f32 s28, v16;
	v58 =	vadd.f32 v53, v52;
	v52 =	vadd.f32 v6, v5;
	v16 =	vld [tilespmem:$0x1FFF0]  }
0x43c: {  	v17 =	vmovc v20;
	v23 =	vmul.f32 s11, v18;
	[tilespmem:$0x1FB10] =	vst v8;
	v53 =	vadd.f32 v7, v4;
	v8 =	vld [tilespmem:$0x1FB80];
	v54 =	vadd.f32 v44, v54  }
0x43d: {  	v20 =	vmovc v27;
	(v2sf) =	vpush v2, $0xF;
	v27 =	vmovc v34;
	v26 =	vmov v46;
	v46 =	vld [tilespmem:s20+$0x19410];
	v4 =	vmov s31  }
0x43e: {  	v34 =	vmovc v49;
	v5 =	vld [tilespmem:s20+$0xCC20];
	v44 =	vadd.f32 v53, v52;
	v59 =	vmul.f32 v23, v15;
	v49 =	vadd.f32 v55, v54  }
0x43f: {  	v21 =	vmovc v22;
	v24 =	vmov v25;
	v22 =	vmov v31;
	s12 =	smul.f32 s12, s21;
	s25 =	sadd.f32 $9.999999960e-13, s25;
	v7 =	vld [tilespmem:s20+$0x19420];
	v25 =	vsub.f32 v40, v4  }
0x440: {  	v19 =	vmovc v30;
	v29 =	vmovc v51;
	v51 =	vmul.f32 s23, v9;
	v40 =	vld [tilespmem:s20+$0xCC30];
	v6 =	vadd.f32 v59, v16;
	v49 =	vadd.f32 v49, v44  }
0x441: {  	s29 =	ssub.f32 $1.500000000e+00, s12;
	s26 =	sshra.s32 s25, $0x1;
	s31 =	spop (v2sf);
	v31, _, _ =	vpop (xrf2);
	v30 =	vsub.f32 v42, v4;
	v42 =	vld [tilespmem:$0x1FB20];
	v18 =	vmov v8;
	v8 =	vsub.f32 v41, v4  }
0x442: {  	v2 =	vmul.f32 s28, v11;
	v11 =	vmovc v32;
	s12 =	smul.f32 $5.000000000e-01, s25;
	s22 =	ssub.s32 $0x5F3759DF, s26;
	(v2sf) =	vpush v31, $0xF;
	v59 =	vmul.f32 s23, v13;
	[tilespmem:s19+$0x130F0] =	vst v6;
	v6 =	vld [tilespmem:s20+$0x19440];
	s26 =	spop (v2sf)  }
0x443: {  	[tilespmem:$0x1FB30] =	vst v11;
	v11 =	vld [tilespmem:$0x1FB40];
	v41 =	vmul.f32 v25, v25;
	v44 =	vadd.f32 v46, v62;
	v62 =	vmul.f32 v8, v8;
	s23 =	smul.f32 $1.562500000e-02, s26  }
0x444: {  	s21 =	smul.f32 s29, s21;
	v31 =	vsub.f32 v39, v4;
	v46 =	vadd.f32 v7, v5;
	(xrf2) =	vadd.scan.msk.f32 $0xffff, v49;
	v49 =	vmov v35  }
0x445: {  	v9 =	vld [tilespmem:s20+$0x19460];
	s30 =	smul.f32 s22, s12;
	v62 =	vadd.f32 v62, v41;
	[tilespmem:$0x1FB20] =	vst v49;
	v49 =	vadd.f32 v61, v40;
	v41 =	vmov s23  }
0x446: {  	s25 =	smul.f32 $1.562500000e-02, s31;
	v5 =	vld [tilespmem:s20+$0xCC50];
	v7 =	vadd.f32 v44, v43;
	v35 =	vsub.f32 v45, v41  }
0x447: {  	s24 =	smul.f32 s22, s30;
	v13 =	vld [tilespmem:$0x1FB90];
	v4 =	vmul.f32 s21, v42;
	v45 =	vadd.f32 v49, v46;
	v40 =	vadd.f32 v6, v63  }
0x448: {  	s25 =	sadd.f32 $9.999999960e-13, s25;
	v42 =	vld [tilespmem:s20+$0x19450];
	v63 =	vmul.f32 s21, v11;
	v11 =	vmovc v33;
	v33 =	vsub.f32 v48, v41;
	v48 =	vsub.f32 v50, v41  }
0x449: {  	s30 =	ssub.f32 $1.500000000e+00, s24;
	v56 =	vmul.f32 s28, v1;
	v1 =	vmul.f32 s28, v12;
	v61 =	vld [tilespmem:s20+$0xCC60];
	v32 =	vsub.f32 v47, v41  }
0x44a: {  	s31 =	sshra.s32 s25, $0x1;
	s24 =	smul.f32 $5.000000000e-01, s25;
	v47 =	vld [tilespmem:s20+$0x19470];
	[tilespmem:$0x1FB40] =	vst v11;
	v7 =	vadd.f32 v45, v7;
	v11 =	vmul.f32 v33, v33;
	v12 =	vmul.f32 v48, v48  }
0x44b: {  	v39 =	vmul.f32 v31, v31;
	s29 =	ssub.s32 $0x5F3759DF, s31;
	s22 =	smul.f32 s22, s30;
	[tilespmem:$0x1FB80] =	vst v8;
	v8 =	vmul.f32 v30, v30;
	v6 =	vld [tilespmem:s20+$0xCC70]  }
0x44c: {  	s26 =	smul.f32 s29, s24;
	s30 =	spop (v2sf);
	(xrf2) =	vadd.scan.msk.f32 $0xffff, v7;
	v7 =	vmul.f32 s21, v14;
	v11 =	vadd.f32 v12, v11;
	v12 =	vld [tilespmem:$0x1FB50];
	v14 =	vmov v38  }
0x44d: {  	s25 =	smul.f32 $1.562500000e-02, s30;
	v8 =	vadd.f32 v8, v39;
	v41 =	vadd.f32 v42, v5;
	v42 =	vmul.f32 v32, v32;
	[tilespmem:$0x1FB50] =	vst v14;
	v14 =	vld [tilespmem:$0x1FB60]  }
0x44e: {  	s23 =	smul.f32 s29, s26;
	v23 =	vmov v13;
	v13 =	vld [tilespmem:s20+$0x19490]  }
0x44f: {  	s25 =	sadd.f32 $9.999999960e-13, s25;
	v8 =	vadd.f32 v8, v62;
	v62 =	vld [tilespmem:$0x1FF90];
	v50 =	vmul.f32 v35, v35  }
0x450: {  	s26 =	smul.f32 s22, s12;
	s23 =	ssub.f32 $1.500000000e+00, s23;
	v39 =	vadd.f32 v9, v61;
	v61 =	vld [tilespmem:s20+$0xCC90]  }
0x451: {  	v10 =	vmul.f32 s21, v10;
	v5 =	vld [tilespmem:s20+$0xCC80];
	s31 =	sshra.s32 s25, $0x1;
	s28 =	smul.f32 $5.000000000e-01, s25;
	v50 =	vadd.f32 v42, v50;
	v42 =	vmov v48  }
0x452: {  	s21 =	smul.f32 s29, s23;
	s23 =	ssub.s32 $0x5F3759DF, s31;
	[tilespmem:$0x1FB90] =	vst v42;
	v42 =	vadd.f32 v47, v6;
	v47 =	vadd.f32 v58, v57;
	v57 =	vmul.f32 s11, v14;
	v14 =	vld [tilespmem:$0x1FB70]  }
0x453: {  	v38, _, _ =	vpop (xrf2);
	s25 =	smul.f32 s23, s28;
	v58 =	vld [tilespmem:$0x1FF80]  }
0x454: {  	s26 =	smul.f32 s26, s22;
	v45 =	vld [tilespmem:s20+$0x19480];
	(v2sf) =	vpush v38, $0xF  }
0x455: {  	v36 =	vmov v36;
	s31 =	smul.f32 s23, s25;
	(xrf2) =	vadd.scan.msk.f32 $0xffff, v47;
	v47 =	vadd.f32 v13, v61;
	v61 =	vld [tilespmem:$0x1FFC0]  }
0x456: {  	v1 =	vmul.f32 v1, v15;
	v9 =	vadd.f32 v41, v40;
	s30 =	spop (v2sf);
	v48 =	vld [tilespmem:s20+$0x194A0];
	[tilespmem:$0x1FB60] =	vst v36;
	s29 =	smul.f32 s21, s24;
	v36 =	vadd.f32 v42, v39  }
0x457: {  	v6 =	vld [tilespmem:s20+$0xCCA0];
	s25 =	smul.f32 $1.562500000e-02, s30;
	v12 =	vmul.f32 s11, v12;
	v38 =	vmul.f32 s11, v14;
	s11 =	ssub.f32 $1.500000000e+00, s31  }
0x458: {  	s26 =	ssub.f32 $1.500000000e+00, s26;
	s29 =	smul.f32 s29, s21;
	v13 =	vmul.f32 v51, v62;
	v51 =	vld [tilespmem:$0x1FFD0];
	v9 =	vadd.f32 v36, v9;
	v2 =	vmul.f32 v2, v58;
	v14 =	vmovc v37  }
0x459: {  	v1 =	vadd.f32 v1, v16;
	v0 =	vmul.f32 v0, v62;
	v7 =	vmul.f32 v7, v15;
	s25 =	sadd.f32 $9.999999960e-13, s25;
	[tilespmem:$0x1FB70] =	vst v14;
	v14 =	vld [tilespmem:$0x1FFA0];
	s30 =	smul.f32 s23, s11  }
0x45a: {  	v10 =	vmul.f32 v10, v62;
	v45 =	vadd.f32 v45, v5;
	v5 =	vld [tilespmem:s20+$0xCCB0];
	(xrf2) =	vadd.scan.msk.f32 $0xffff, v9;
	v2 =	vadd.f32 v2, v61;
	s11 =	smul.f32 s26, s22  }
0x45b: {  	v11 =	vadd.f32 v11, v50;
	v7 =	vadd.f32 v7, v16;
	v3 =	vmul.f32 v3, v58;
	v37 =	vld [tilespmem:s20+$0x194B0];
	s31 =	sshra.s32 s25, $0x1;
	s23 =	smul.f32 $5.000000000e-01, s25  }
0x45c: {  	v48 =	vadd.f32 v48, v6;
	[tilespmem:s10+$0x13000] =	vst v2;
	v2 =	vmul.f32 v60, v15;
	v60, _, _ =	vpop (xrf2);
	(xrf2) =	vadd.scan.msk.f32 $0xffff, v8;
	s25 =	ssub.s32 $0x5F3759DF, s31;
	s31 =	smul.f32 s30, s28  }
0x45d: {  	v6 =	vadd.f32 v47, v45;
	v4 =	vmul.f32 v4, v58;
	v3 =	vadd.f32 v3, v61;
	s22 =	ssub.f32 $1.500000000e+00, s29;
	s29 =	smul.f32 s25, s23  }
0x45e: {  	v0 =	vadd.f32 v0, v51;
	v56 =	vmul.f32 v56, v14;
	v9 =	vmul.f32 v59, v14;
	s26 =	smul.f32 s31, s30  }
0x45f: {  	[tilespmem:s10+$0x13040] =	vst v3;
	v3 =	vadd.f32 v4, v61;
	v36 =	vmul.f32 v63, v14;
	v63 =	vmul.f32 v38, v14;
	v14 =	vld [tilespmem:$0x1FFE0];
	s29 =	smul.f32 s25, s29  }
0x460: {  	[tilespmem:s10+$0x13030] =	vst v1;
	(v2sf) =	vpush v60, $0xF;
	s22 =	smul.f32 s22, s21;
	v50 =	vadd.f32 v37, v5;
	s21 =	ssub.f32 $1.500000000e+00, s26  }
0x461: {  	[tilespmem:s10+$0x13010] =	vst v0;
	v60 =	vadd.f32 v10, v51;
	v59 =	vmul.f32 v12, v58;
	v12 =	vmul.f32 v57, v62;
	s31 =	smul.f32 s11, s12;
	s26 =	ssub.f32 $1.500000000e+00, s29  }
0x462: {  	v15 =	vmov v24;
	[tilespmem:s10+$0x130B0] =	vst v7;
	v2 =	vadd.f32 v2, v16;
	v8, _, _ =	vpop (xrf2);
	v24 =	vadd.f32 v50, v48;
	s21 =	smul.f32 s21, s30  }
0x463: {  	v10 =	vmov v19;
	[tilespmem:s10+$0x13080] =	vst v3;
	(v2sf) =	vpush v8, $0xF;
	v57 =	vadd.f32 v12, v51;
	s30 =	spop (v2sf);
	s29 =	smul.f32 s25, s26  }
0x464: {  	s8 =	sadd.s32 $0x4, s8;
	v19 =	vmov v26;
	[tilespmem:s10+$0x13090] =	vst v60;
	v62, _, _ =	vpop (xrf2);
	v6 =	vadd.f32 v24, v6;
	v0 =	vadd.f32 v56, v14;
	s12 =	smul.f32 $1.562500000e-02, s30  }
0x465: {  	p1 =	slt.u32 s8, $0xC4;
	v16 =	vmovc v20;
	v20 =	vmovc v28;
	[tilespmem:s10+$0x13070] =	vst v2;
	(v2sf) =	vpush v62, $0xF;
	v12 =	vmov v21;
	v1 =	vadd.f32 v9, v14;
	s25 =	smul.f32 s29, s23  }
.Ltmp2:
0x466: {  	(xrf2) =	vadd.scan.msk.f32 $0xffff, v6;
	v8 =	vadd.f32 v36, v14;
	v56 =	vadd.f32 v63, v14;
	v63, _, _ =	vpop (xrf2);
	[tilespmem:s10+$0x13020] =	vst v0;
	(pc) =	sbr.rel @p1 .LBB2_7-.Ltmp2, $4  }
0x467: {  	s24 =	smul.f32 s22, s24;
	v9 =	vmovc v18;
	v18 =	vmovc v29;
	(v2sf) =	vpush v63, $0xF;
	v0 =	vadd.f32 v13, v51;
	[tilespmem:s10+$0x13060] =	vst v1;
	v1 =	vmov s12  }
0x468: {  	v14 =	vmovc v23;
	(xrf2) =	vadd.scan.msk.f32 $0xffff, v11;
	v11 =	vmov v17;
	v38 =	vsub.f32 v52, v1;
	v36 =	vsub.f32 v53, v1;
	s25 =	smul.f32 s25, s29  }
0x469: {  	v13 =	vmovc v22;
	v22 =	vmov v34;
	s12 =	smul.f32 s21, s28;
	[tilespmem:s10+$0x130A0] =	vst v8;
	v37 =	vsub.f32 v54, v1;
	v51 =	vsub.f32 v55, v1  }
0x46a: {  	s9 =	sadd.s32 $0x400, s9;
	s28 =	smul.f32 s31, s11;
	[tilespmem:s10+$0x13050] =	vst v0;
	v0 =	vadd.f32 v59, v61;
	v1 =	vmul.f32 v38, v38;
	v2 =	vmul.f32 v36, v36;
	s26 =	ssub.f32 $1.500000000e+00, s25  }
0x46b: {  	v3 =	vmul.f32 v37, v37;
	v4 =	vmul.f32 v51, v51;
	_ =	sdelay $0x1  }
0x46c: {  	v1 =	vadd.f32 v2, v1;
	v2 =	vadd.f32 v4, v3;
	_ =	sdelay $0x1  }
0x46d: {  	s8 =	smul.f32 s24, s22;
	v1 =	vadd.f32 v2, v1  }
0x46e: {  	s24 =	smul.f32 s26, s29  }
0x46f: {  	(xrf2) =	vadd.scan.msk.f32 $0xffff, v1  }
0x470: {  	s25 =	ssub.f32 $1.500000000e+00, s28;
	s10 =	smul.f32 s24, s23  }
0x471: {  	s23 =	smul.f32 s12, s21;
	s9 =	spop (v2sf)  }
0x472: {  	s11 =	smul.f32 s25, s11;
	s29 =	spop (v2sf)  }
0x473: {  	v1, _, _ =	vpop (xrf2);
	s12 =	smul.f32 $1.562500000e-02, s29  }
0x474: {  	s8 =	ssub.f32 $1.500000000e+00, s8;
	s10 =	smul.f32 s10, s24;
	(v2sf) =	vpush v1, $0xF;
	v1, _, _ =	vpop (xrf2)  }
0x475: {  	s9 =	smul.f32 $1.562500000e-02, s9;
	(v2sf) =	vpush v1, $0xF;
	s12 =	sadd.f32 $9.999999960e-13, s12  }
0x476: {  	s31 =	ssub.f32 $1.500000000e+00, s10;
	s10 =	smul.f32 s8, s22  }
0x477: {  	s28 =	sshra.s32 s12, $0x1;
	s12 =	smul.f32 $5.000000000e-01, s12  }
0x478: {  	s26 =	spop (v2sf);
	s8 =	smul.f32 s31, s24;
	s22 =	ssub.s32 $0x5F3759DF, s28  }
0x479: {  	s31 =	spop (v2sf);
	s29 =	smul.f32 s22, s12;
	v1, _, _ =	vpop (xrf2)  }
0x47a: {  	s25 =	smul.f32 $1.562500000e-02, s31;
	(v2sf) =	vpush v1, $0xF;
	v1 =	vmov s9  }
0x47b: {  	s23 =	ssub.f32 $1.500000000e+00, s23;
	s28 =	smul.f32 s22, s29;
	v8 =	vsub.f32 v43, v1;
	v7 =	vsub.f32 v44, v1  }
0x47c: {  	s24 =	smul.f32 $1.562500000e-02, s26;
	s25 =	sadd.f32 $9.999999960e-13, s25;
	v44 =	vsub.f32 v46, v1;
	v43 =	vsub.f32 v49, v1  }
0x47d: {  	s9 =	smul.f32 s23, s21;
	s23 =	ssub.f32 $1.500000000e+00, s28;
	v1 =	vmul.f32 v8, v8;
	v2 =	vmul.f32 v7, v7  }
0x47e: {  	s29 =	sshra.s32 s25, $0x1;
	s21 =	smul.f32 $5.000000000e-01, s25;
	v3 =	vmul.f32 v44, v44;
	v62 =	vmul.f32 v43, v43  }
0x47f: {  	s26 =	ssub.s32 $0x5F3759DF, s29;
	s22 =	smul.f32 s22, s23  }
0x480: {  	s23 =	smul.f32 s26, s21;
	v1 =	vadd.f32 v2, v1;
	v2 =	vadd.f32 v62, v3;
	v3 =	vmov s24  }
0x481: {  	v46 =	vsub.f32 v40, v3;
	v41 =	vsub.f32 v41, v3  }
0x482: {  	s23 =	smul.f32 s26, s23;
	v40 =	vsub.f32 v39, v3;
	v39 =	vsub.f32 v42, v3  }
0x483: {  	s28 =	smul.f32 s22, s12;
	s25 =	spop (v2sf);
	v3 =	vmul.f32 v46, v46;
	v63 =	vmul.f32 v41, v41  }
0x484: {  	v1 =	vadd.f32 v2, v1;
	s31 =	spop (v2sf);
	s25 =	smul.f32 $1.562500000e-02, s25;
	v2 =	vmul.f32 v40, v40;
	v5 =	vmul.f32 v39, v39  }
0x485: {  	s29 =	smul.f32 $1.562500000e-02, s31  }
0x486: {  	s23 =	ssub.f32 $1.500000000e+00, s23;
	(xrf2) =	vadd.scan.msk.f32 $0xffff, v1;
	v6 =	vmov s25;
	v3 =	vadd.f32 v63, v3;
	v1 =	vadd.f32 v5, v2  }
0x487: {  	s28 =	smul.f32 s28, s22;
	s24 =	sadd.f32 $9.999999960e-13, s29;
	v49 =	vsub.f32 v45, v6;
	v47 =	vsub.f32 v47, v6  }
0x488: {  	s23 =	smul.f32 s26, s23;
	v45 =	vsub.f32 v48, v6;
	v42 =	vsub.f32 v50, v6  }
0x489: {  	s31 =	sshra.s32 s24, $0x1;
	s29 =	smul.f32 $5.000000000e-01, s24;
	v2 =	vmul.f32 v49, v49;
	v34 =	vmul.f32 v47, v47  }
0x48a: {  	s26 =	smul.f32 s23, s21;
	v1 =	vadd.f32 v1, v3;
	v3 =	vmul.f32 v45, v45;
	v48 =	vmul.f32 v42, v42;
	s24 =	ssub.s32 $0x5F3759DF, s31  }
0x48b: {  	s25 =	smul.f32 s24, s29;
	s30 =	spop (v2sf)  }
0x48c: {  	s28 =	ssub.f32 $1.500000000e+00, s28;
	(xrf2) =	vadd.scan.msk.f32 $0xffff, v1;
	v1 =	vadd.f32 v34, v2;
	v2 =	vadd.f32 v48, v3;
	s30 =	smul.f32 $1.562500000e-02, s30  }
0x48d: {  	s25 =	smul.f32 s24, s25  }
0x48e: {  	s22 =	smul.f32 s28, s22;
	v1 =	vadd.f32 v2, v1;
	s30 =	sadd.f32 $9.999999960e-13, s30  }
0x48f: {  	s26 =	smul.f32 s26, s23;
	s25 =	ssub.f32 $1.500000000e+00, s25  }
0x490: {  	v2, _, _ =	vpop (xrf2);
	(xrf2) =	vadd.scan.msk.f32 $0xffff, v1;
	s31 =	sshra.s32 s30, $0x1;
	s30 =	smul.f32 $5.000000000e-01, s30  }
0x491: {  	s24 =	smul.f32 s24, s25;
	s25 =	ssub.s32 $0x5F3759DF, s31  }
0x492: {  	s31 =	smul.f32 s25, s30  }
0x493: {  	s12 =	smul.f32 s22, s12;
	(v2sf) =	vpush v2, $0xF  }
0x494: {  	s26 =	ssub.f32 $1.500000000e+00, s26;
	s28 =	smul.f32 s25, s31  }
0x495: {  	s31 =	smul.f32 s24, s29  }
0x496: {  	v59 =	vld [tilespmem:$0x1FF80];
	s26 =	smul.f32 s26, s23;
	s23 =	ssub.f32 $1.500000000e+00, s28  }
0x497: {  	v3 =	vld [tilespmem:$0x1FB10];
	[tilespmem:s19+$0x130C0] =	vst v0;
	v1, _, _ =	vpop (xrf2);
	s31 =	smul.f32 s31, s24  }
0x498: {  	v60 =	vld [tilespmem:$0x1FF90];
	[tilespmem:s19+$0x130D0] =	vst v57;
	(v2sf) =	vpush v1, $0xF;
	s23 =	smul.f32 s25, s23  }
0x499: {  	s12 =	smul.f32 s12, s22;
	v61 =	vld [tilespmem:$0x1FFA0]  }
0x49a: {  	v63 =	vld [tilespmem:$0x1FFC0];
	[tilespmem:s19+$0x130E0] =	vst v56;
	s25 =	ssub.f32 $1.500000000e+00, s31;
	v1, _, _ =	vpop (xrf2);
	s31 =	smul.f32 s23, s30  }
0x49b: {  	v52 =	vld [tilespmem:$0x1FFD0];
	s21 =	smul.f32 s26, s21;
	(v2sf) =	vpush v1, $0xF;
	v1 =	vmul.f32 s11, v11  }
0x49c: {  	v2 =	vmul.f32 s11, v16;
	s31 =	smul.f32 s31, s23  }
0x49d: {  	s24 =	smul.f32 s25, s24;
	v1 =	vmul.f32 v1, v59  }
0x49e: {  	s21 =	smul.f32 s21, s26;
	v2 =	vmul.f32 v2, v60;
	s25 =	ssub.f32 $1.500000000e+00, s31  }
0x49f: {  	s29 =	smul.f32 s24, s29;
	v1 =	vadd.f32 v1, v63  }
0x4a0: {  	v2 =	vadd.f32 v2, v52;
	s25 =	smul.f32 s25, s23  }
0x4a1: {  	v62 =	vld [tilespmem:$0x1FFB0];
	s28 =	smul.f32 s29, s24;
	[tilespmem:s19+$0x13000] =	vst v1  }
0x4a2: {  	s31 =	spop (v2sf);
	v53 =	vld [tilespmem:$0x1FFE0];
	[tilespmem:s19+$0x13010] =	vst v2;
	s23 =	smul.f32 s25, s30  }
0x4a3: {  	s12 =	ssub.f32 $1.500000000e+00, s12;
	v3 =	vmul.f32 s11, v3;
	s29 =	smul.f32 $1.562500000e-02, s31;
	v54 =	vld [tilespmem:$0x1FFF0]  }
0x4a4: {  	v0 =	vmul.f32 s11, v12;
	s21 =	ssub.f32 $1.500000000e+00, s21;
	v2 =	vld [tilespmem:$0x1FB20];
	s30 =	smul.f32 s23, s25  }
0x4a5: {  	v50 =	vmul.f32 s10, v15;
	v3 =	vmul.f32 v3, v61;
	s23 =	smul.f32 s12, s22;
	s22 =	sadd.f32 $9.999999960e-13, s29  }
0x4a6: {  	v56 =	vmul.f32 s10, v9;
	v0 =	vmul.f32 v0, v62;
	s21 =	smul.f32 s21, s26  }
0x4a7: {  	v4 =	vmul.f32 v50, v59;
	v57 =	vmul.f32 s10, v13;
	s31 =	spop (v2sf);
	s26 =	sshra.s32 s22, $0x1;
	s12 =	smul.f32 $5.000000000e-01, s22;
	v1 =	vadd.f32 v3, v53  }
0x4a8: {  	v5 =	vmul.f32 v56, v60;
	s29 =	ssub.f32 $1.500000000e+00, s30;
	v3 =	vmul.f32 s10, v10;
	s30 =	ssub.s32 $0x5F3759DF, s26;
	s26 =	smul.f32 $1.562500000e-02, s31;
	v0 =	vadd.f32 v0, v54  }
0x4a9: {  	v6 =	vmul.f32 v57, v61;
	v4 =	vadd.f32 v4, v63;
	v2 =	vmul.f32 s9, v2;
	s31 =	smul.f32 s30, s12;
	[tilespmem:s19+$0x13020] =	vst v1  }
0x4aa: {  	v5 =	vadd.f32 v5, v52;
	s11 =	smul.f32 s29, s25;
	v3 =	vmul.f32 v3, v62;
	s22 =	sadd.f32 $9.999999960e-13, s26;
	v1 =	vld [tilespmem:$0x1FB30];
	[tilespmem:s19+$0x13030] =	vst v0  }
0x4ab: {  	v6 =	vadd.f32 v6, v53;
	v2 =	vmul.f32 v2, v59;
	s25 =	smul.f32 s30, s31;
	v0 =	vld [tilespmem:$0x1FB40];
	[tilespmem:s19+$0x13040] =	vst v4  }
0x4ac: {  	s31 =	spop (v2sf);
	v3 =	vadd.f32 v3, v54;
	[tilespmem:s19+$0x13050] =	vst v5;
	s26 =	sshra.s32 s22, $0x1;
	s22 =	smul.f32 $5.000000000e-01, s22  }
0x4ad: {  	s10 =	ssub.f32 $1.500000000e+00, s28;
	[tilespmem:s19+$0x13060] =	vst v6;
	s28 =	smul.f32 $1.562500000e-02, s31;
	v2 =	vadd.f32 v2, v63;
	s26 =	ssub.s32 $0x5F3759DF, s26  }
0x4ae: {  	v6 =	vld [tilespmem:$0x1FB50];
	[tilespmem:s19+$0x13070] =	vst v3;
	s31 =	smul.f32 s26, s22  }
0x4af: {  	s10 =	smul.f32 s10, s24;
	s24 =	sadd.f32 $9.999999960e-13, s28;
	v48 =	vld [tilespmem:$0x1FB60];
	[tilespmem:s19+$0x13080] =	vst v2;
	v1 =	vmul.f32 s9, v1  }
0x4b0: {  	s25 =	ssub.f32 $1.500000000e+00, s25;
	v2 =	vld [tilespmem:$0x1FB70];
	v0 =	vmul.f32 s9, v0;
	s31 =	smul.f32 s26, s31  }
0x4b1: {  	v58 =	vmul.f32 s9, v14;
	s29 =	sshra.s32 s24, $0x1;
	s9 =	smul.f32 $5.000000000e-01, s24;
	v1 =	vmul.f32 v1, v60  }
0x4b2: {  	v34 =	vmul.f32 s8, v18;
	s24 =	smul.f32 s30, s25;
	s28 =	ssub.s32 $0x5F3759DF, s29;
	v0 =	vmul.f32 v0, v61;
	s31 =	ssub.f32 $1.500000000e+00, s31  }
0x4b3: {  	v4 =	vmul.f32 v58, v62;
	v6 =	vmul.f32 s8, v6;
	s29 =	smul.f32 s28, s9;
	v1 =	vadd.f32 v1, v52  }
0x4b4: {  	v3 =	vmul.f32 v34, v62;
	v5 =	vmul.f32 s8, v48;
	s25 =	smul.f32 s26, s31;
	v0 =	vadd.f32 v0, v53  }
0x4b5: {  	v4 =	vadd.f32 v4, v54;
	v6 =	vmul.f32 v6, v59;
	v2 =	vmul.f32 s8, v2;
	s26 =	smul.f32 s28, s29;
	[tilespmem:s19+$0x13090] =	vst v1  }
0x4b6: {  	s29 =	smul.f32 s24, s12;
	v1 =	vadd.f32 v3, v54;
	v3 =	vmul.f32 v5, v60;
	[tilespmem:s19+$0x130A0] =	vst v0;
	v0 =	vmul.f32 s11, v51  }
0x4b7: {  	v55 =	vmul.f32 s23, v19;
	[tilespmem:s19+$0x130B0] =	vst v4;
	v50 =	vadd.f32 v6, v63;
	v2 =	vmul.f32 v2, v61;
	s31 =	smul.f32 s25, s22;
	s8 =	ssub.f32 $1.500000000e+00, s26  }
0x4b8: {  	v51 =	vmul.f32 s23, v20;
	s26 =	smul.f32 s29, s24;
	[tilespmem:s18+$0x130F0] =	vst v1;
	v1 =	vadd.f32 v3, v52;
	v0 =	vmul.f32 v0, v62  }
0x4b9: {  	v5 =	vmul.f32 v55, v61;
	v3 =	vmul.f32 s23, v27;
	[tilespmem:s18+$0x130C0] =	vst v50;
	s8 =	smul.f32 s28, s8;
	v2 =	vadd.f32 v2, v53  }
0x4ba: {  	v4 =	vmul.f32 v51, v59;
	s28 =	ssub.f32 $1.500000000e+00, s26;
	s19 =	smul.f32 s31, s25;
	[tilespmem:s18+$0x130D0] =	vst v1;
	v1 =	vmul.f32 s23, v22;
	v0 =	vadd.f32 v0, v54  }
0x4bb: {  	v57 =	vadd.f32 v5, v53;
	v3 =	vmul.f32 v3, v60;
	[tilespmem:s18+$0x130E0] =	vst v2;
	v2 =	vmul.f32 s21, v25;
	s29 =	smul.f32 s8, s9  }
0x4bc: {  	v4 =	vadd.f32 v4, v63;
	s23 =	smul.f32 s28, s24;
	s19 =	ssub.f32 $1.500000000e+00, s19;
	v56 =	vld [tilespmem:$0x1FB80];
	[tilespmem:s20+$0x130F0] =	vst v0;
	v0 =	vmul.f32 v1, v62  }
0x4bd: {  	[tilespmem:s18+$0x13020] =	vst v57;
	v1 =	vadd.f32 v3, v52;
	v2 =	vmul.f32 v2, v59;
	s31 =	smul.f32 s29, s8  }
0x4be: {  	v58 =	vmul.f32 s21, v30;
	[tilespmem:s18+$0x13000] =	vst v4;
	s19 =	smul.f32 s19, s25;
	v0 =	vadd.f32 v0, v54  }
0x4bf: {  	v3 =	vmul.f32 s21, v31;
	s12 =	smul.f32 s23, s12;
	[tilespmem:s18+$0x13010] =	vst v1;
	v2 =	vadd.f32 v2, v63  }
0x4c0: {  	v32 =	vmul.f32 s10, v32;
	v5 =	vmul.f32 v58, v62;
	s22 =	smul.f32 s19, s22;
	[tilespmem:s18+$0x13030] =	vst v0  }
0x4c1: {  	v1 =	vmul.f32 s10, v35;
	v3 =	vmul.f32 v3, v61;
	s25 =	ssub.f32 $1.500000000e+00, s31;
	s12 =	smul.f32 s12, s23;
	[tilespmem:s18+$0x13040] =	vst v2  }
0x4c2: {  	v5 =	vadd.f32 v5, v54;
	v4 =	vmul.f32 v32, v60;
	v6 =	vmul.f32 s21, v56;
	s28 =	smul.f32 s22, s19;
	v2 =	vld [tilespmem:$0x1FB90]  }
0x4c3: {  	v34 =	vmul.f32 s11, v37;
	v1 =	vmul.f32 v1, v59;
	v3 =	vadd.f32 v3, v53;
	s8 =	smul.f32 s25, s8  }
0x4c4: {  	v4 =	vadd.f32 v4, v52;
	v0 =	vmul.f32 s10, v33;
	[tilespmem:s18+$0x13070] =	vst v5;
	v6 =	vmul.f32 v6, v60;
	s29 =	ssub.f32 $1.500000000e+00, s28  }
0x4c5: {  	v35 =	vmul.f32 v34, v61;
	s26 =	ssub.f32 $1.500000000e+00, s12;
	v1 =	vadd.f32 v1, v63;
	[tilespmem:s18+$0x13060] =	vst v3;
	v3 =	vmul.f32 s11, v36;
	s9 =	smul.f32 s8, s9  }
0x4c6: {  	v33 =	vmul.f32 s11, v38;
	[tilespmem:s18+$0x13090] =	vst v4;
	v0 =	vmul.f32 v0, v61;
	v6 =	vadd.f32 v6, v52;
	s11 =	smul.f32 s29, s19  }
0x4c7: {  	v4 =	vadd.f32 v35, v53;
	[tilespmem:s18+$0x13080] =	vst v1;
	v1 =	vmul.f32 v3, v60;
	v2 =	vmul.f32 s10, v2;
	s10 =	smul.f32 s26, s23  }
0x4c8: {  	v0 =	vadd.f32 v0, v53;
	[tilespmem:s18+$0x13050] =	vst v6;
	v6 =	vmul.f32 v33, v59;
	v38 =	vmul.f32 s11, v41  }
0x4c9: {  	[tilespmem:s20+$0x130E0] =	vst v4;
	s9 =	smul.f32 s9, s8;
	v1 =	vadd.f32 v1, v52;
	v2 =	vmul.f32 v2, v62;
	v3 =	vmul.f32 s10, v8  }
0x4ca: {  	[tilespmem:s18+$0x130A0] =	vst v0;
	v36 =	vadd.f32 v6, v63;
	v0 =	vmul.f32 s10, v7;
	v4 =	vmul.f32 v38, v60  }
0x4cb: {  	s9 =	ssub.f32 $1.500000000e+00, s9;
	[tilespmem:s20+$0x130D0] =	vst v1;
	v1 =	vmul.f32 s11, v46;
	v2 =	vadd.f32 v2, v54;
	v3 =	vmul.f32 v3, v59  }
0x4cc: {  	v37 =	vmul.f32 s10, v43;
	[tilespmem:s20+$0x130C0] =	vst v36;
	v0 =	vmul.f32 v0, v60;
	v4 =	vadd.f32 v4, v52  }
0x4cd: {  	s8 =	smul.f32 s9, s8;
	v1 =	vmul.f32 v1, v59;
	[tilespmem:s18+$0x130B0] =	vst v2;
	v2 =	vmul.f32 s10, v44;
	v3 =	vadd.f32 v3, v63  }
0x4ce: {  	v40 =	vmul.f32 s11, v40;
	v5 =	vmul.f32 v37, v62;
	v0 =	vadd.f32 v0, v52;
	[tilespmem:s20+$0x13050] =	vst v4  }
0x4cf: {  	v41 =	vmul.f32 s8, v49;
	v1 =	vadd.f32 v1, v63;
	v2 =	vmul.f32 v2, v61;
	[tilespmem:s20+$0x13000] =	vst v3  }
0x4d0: {  	v6 =	vmul.f32 v40, v61;
	v3 =	vmul.f32 s11, v39;
	[tilespmem:s20+$0x13010] =	vst v0;
	v0 =	vadd.f32 v5, v54  }
0x4d1: {  	v5 =	vmul.f32 v41, v59;
	[tilespmem:s20+$0x13040] =	vst v1;
	v1 =	vmul.f32 s8, v42;
	v2 =	vadd.f32 v2, v53  }
0x4d2: {  	v6 =	vadd.f32 v6, v53;
	v3 =	vmul.f32 v3, v62;
	[tilespmem:s20+$0x13030] =	vst v0;
	v0 =	vmul.f32 s8, v45  }
0x4d3: {  	v42 =	vadd.f32 v5, v63;
	v1 =	vmul.f32 v1, v62;
	[tilespmem:s20+$0x13020] =	vst v2;
	v2 =	vmul.f32 s8, v47  }
0x4d4: {  	[tilespmem:s20+$0x13060] =	vst v6;
	v3 =	vadd.f32 v3, v54;
	v0 =	vmul.f32 v0, v61  }
0x4d5: {  	[tilespmem:s20+$0x13080] =	vst v42;
	v1 =	vadd.f32 v1, v54;
	v2 =	vmul.f32 v2, v60  }
0x4d6: {  	s31 =	sadd.s32 s5, s14;
	[tilespmem:s20+$0x13070] =	vst v3;
	v0 =	vadd.f32 v0, v53  }
0x4d7: {  	s8 =	smul.u32 $0x640, s31;
	[tilespmem:s20+$0x130B0] =	vst v1;
	v2 =	vadd.f32 v2, v52  }
0x4d8: {  	[tilespmem:s20+$0x130A0] =	vst v0  }
0x4d9: {  	s30 =	simm.s32 $0x13000;
	s8 =	sadd.s32 s4, s8;
	[tilespmem:s20+$0x13090] =	vst v2  }
0x4da: {  	[hbm4b:s8+s6] =	stream.linear.scatter [tilespmem:s30], [sflag:$0x5], $0x3200, $0x38;
	[tilespmem:$0x1C680] =	vst v63  }
0x4db: {  	s9 =	simm.s32 @!p0 $0x64;
	s10 =	simm.s32 @!p0 $0x9A00;
	s8 =	sadd.s32 @!p0 $0x410, s17  }
0x4dc: {  	[tilespmem:s10], [sflag:$0x2] =	stream.indirect.gather @!p0 [hbm4b:s7+s9], $0x40, s8, s9, $0xb8;
	[tilespmem:$0x1C680] =	vst v63  }
0x4dd: {  	s8 =	sadd.s32 @!p0 $0x478, s17;
	s10 =	simm.s32 @!p0 $0xB300  }
0x4de: {  	[tilespmem:s10], [sflag:$0x2] =	stream.indirect.gather @!p0 [hbm4b:s7+s9], $0x40, s8, s9, $0xb8;
	[tilespmem:$0x1C680] =	vst v63  }
0x4df: {  	_ =	swait.ge [sflag:s1], $0x3200  }
0x4e0: {  	[sflag:s1] =	ssyncset.done $0x0  }
0x4e1: {  	[sflag:s1] =	ssyncadd.s32 $0xFFFFCE00  }
0x4e2: {  	_ =	swait.ge [sflag:s3], $0x3200  }
0x4e3: {  	[sflag:s3] =	ssyncset.done $0x0  }
0x4e4: {  	s17 =	simm.s32 $0x0;
	[sflag:s3] =	ssyncadd.s32 $0xFFFFCE00  }
0x4e5: {  	v0 =	vld [tilespmem:s17+$0xFEC0]  }
0x4e6: {  	v1 =	vld [tilespmem:s17+$0x194C0]  }
0x4e7: {  	v2 =	vld [tilespmem:s17+$0xFED0]  }
0x4e8: {  	v3 =	vld [tilespmem:s17+$0x194D0]  }
0x4e9: {  	v43 =	vld [tilespmem:s17+$0xFEE0]  }
0x4ea: {  	v44 =	vld [tilespmem:s17+$0x194E0]  }
0x4eb: {  	v45 =	vld [tilespmem:s17+$0xFEF0]  }
0x4ec: {  	v46 =	vld [tilespmem:s17+$0x194F0];
	_ =	sdelay $0x3  }
0x4ed: {  	v0 =	vadd.f32 v1, v0;
	v1 =	vadd.f32 v3, v2  }
0x4ee: {  	v47 =	vld [tilespmem:s17+$0xFE00];
	v2 =	vadd.f32 v44, v43;
	v3 =	vadd.f32 v46, v45  }
0x4ef: {  	v48 =	vld [tilespmem:s17+$0x19400]  }
0x4f0: {  	v8 =	vld [tilespmem:s17+$0xFE10];
	v49 =	vadd.f32 v1, v0;
	v7 =	vadd.f32 v3, v2  }
0x4f1: {  	v9 =	vld [tilespmem:s17+$0x19410]  }
0x4f2: {  	v50 =	vld [tilespmem:s17+$0xFE20];
	v6 =	vadd.f32 v7, v49  }
0x4f3: {  	v10 =	vld [tilespmem:s17+$0x19420]  }
0x4f4: {  	v51 =	vld [tilespmem:s17+$0xFE30];
	(xrf2) =	vadd.scan.msk.f32 $0xffff, v6  }
0x4f5: {  	v11 =	vld [tilespmem:s17+$0x19430]  }
0x4f6: {  	v12 =	vld [tilespmem:s17+$0xFE40]  }
0x4f7: {  	v13 =	vld [tilespmem:s17+$0x19440]  }
0x4f8: {  	v14 =	vld [tilespmem:s17+$0xFE50]  }
0x4f9: {  	v15 =	vld [tilespmem:s17+$0x19450]  }
0x4fa: {  	v16 =	vld [tilespmem:s17+$0xFE60]  }
0x4fb: {  	v17 =	vld [tilespmem:s17+$0x19460];
	v55 =	vadd.f32 v9, v8  }
0x4fc: {  	v8 =	vld [tilespmem:s17+$0xFE70];
	v7 =	vadd.f32 v10, v50;
	v6 =	vadd.f32 v11, v51  }
0x4fd: {  	v4 =	vadd.f32 v48, v47;
	v9 =	vld [tilespmem:s17+$0x19470]  }
0x4fe: {  	v11 =	vadd.f32 v6, v7;
	v10, _, _ =	vpop (xrf2)  }
0x4ff: {  	(v2sf) =	vpush v10, $0xF;
	v10 =	vadd.f32 v55, v4  }
0x500: {  	v13 =	vadd.f32 v13, v12  }
0x501: {  	v19 =	vld [tilespmem:s17+$0x194A0];
	v14 =	vadd.f32 v15, v14;
	v10 =	vadd.f32 v11, v10  }
0x502: {  	v20 =	vld [tilespmem:s17+$0xFEB0];
	v17 =	vadd.f32 v17, v16;
	v18 =	vadd.f32 v9, v8  }
0x503: {  	v12 =	vld [tilespmem:s17+$0xFE80];
	(xrf2) =	vadd.scan.msk.f32 $0xffff, v10  }
0x504: {  	v15 =	vld [tilespmem:s17+$0xFE90];
	v9 =	vadd.f32 v14, v13;
	v16 =	vadd.f32 v18, v17  }
0x505: {  	v8 =	vld [tilespmem:s17+$0x19490]  }
0x506: {  	v9 =	vadd.f32 v16, v9;
	v16 =	vld [tilespmem:s17+$0x194B0]  }
0x507: {  	v11 =	vld [tilespmem:s17+$0x19480]  }
0x508: {  	v10 =	vld [tilespmem:s17+$0xFEA0]  }
0x509: {  	(xrf2) =	vadd.scan.msk.f32 $0xffff, v9;
	_ =	sdelay $0x2  }
0x50a: {  	s14 =	simm.s32 $0x100;
	v22 =	vadd.f32 v8, v15;
	v20 =	vadd.f32 v16, v20  }
0x50b: {  	v16 =	vld [tilespmem:s14+$0xFEF0];
	v21 =	vadd.f32 v11, v12;
	v23 =	vadd.f32 v19, v10;
	v9, _, _ =	vpop (xrf2)  }
0x50c: {  	v11 =	vld [tilespmem:s14+$0x194C0];
	s9 =	spop (v2sf);
	(v2sf) =	vpush v9, $0xF  }
0x50d: {  	v12 =	vld [tilespmem:s14+$0xFED0];
	v8 =	vadd.f32 v22, v21;
	v9 =	vadd.f32 v20, v23;
	s8 =	smul.f32 $1.562500000e-02, s9  }
0x50e: {  	v10 =	vld [tilespmem:s14+$0xFEC0]  }
0x50f: {  	v19 =	vld [tilespmem:s14+$0x194F0];
	v8 =	vadd.f32 v9, v8;
	v9 =	vmov s8  }
0x510: {  	v38 =	vsub.f32 v0, v9;
	v0 =	vld [tilespmem:s14+$0x194D0]  }
0x511: {  	v36 =	vsub.f32 v1, v9;
	v1, _, _ =	vpop (xrf2);
	v37 =	vsub.f32 v2, v9;
	v2 =	vld [tilespmem:s14+$0xFEE0]  }
0x512: {  	(xrf2) =	vadd.scan.msk.f32 $0xffff, v8;
	v8 =	vld [tilespmem:s14+$0x194E0];
	(v2sf) =	vpush v1, $0xF;
	_ =	sdelay $0x1  }
0x513: {  	v48 =	vsub.f32 v3, v9  }
0x514: {  	v27 =	vadd.f32 v11, v10;
	v1 =	vmul.f32 v38, v38;
	v3 =	vmul.f32 v36, v36  }
0x515: {  	v35 =	vadd.f32 v19, v16;
	v9 =	vmul.f32 v37, v37;
	v15 =	vmul.f32 v48, v48  }
0x516: {  	v31 =	vadd.f32 v0, v12;
	v34 =	vadd.f32 v8, v2  }
0x517: {  	v56 =	vld [tilespmem:s14+$0x19430];
	v1 =	vadd.f32 v3, v1;
	v3 =	vadd.f32 v15, v9  }
0x518: {  	v5 =	vld [tilespmem:s14+$0xFE40];
	v8 =	vadd.f32 v31, v27;
	v9 =	vadd.f32 v35, v34  }
0x519: {  	v28 =	vld [tilespmem:s14+$0x19440];
	v1 =	vadd.f32 v3, v1  }
0x51a: {  	v58 =	vld [tilespmem:s14+$0x19450];
	v8 =	vadd.f32 v9, v8;
	s10 =	spop (v2sf)  }
0x51b: {  	v10 =	vld [tilespmem:s14+$0xFE20];
	(xrf2) =	vadd.scan.msk.f32 $0xffff, v1;
	v2, _, _ =	vpop (xrf2);
	s8 =	smul.f32 $1.562500000e-02, s10  }
0x51c: {  	v19 =	vld [tilespmem:s14+$0xFE30];
	(v2sf) =	vpush v2, $0xF;
	(xrf2) =	vadd.scan.msk.f32 $0xffff, v8  }
0x51d: {  	v0 =	vld [tilespmem:s14+$0xFE00];
	v12 =	vmov s8  }
0x51e: {  	v1 =	vld [tilespmem:s14+$0x19400];
	v11 =	vsub.f32 v4, v12  }
0x51f: {  	v3 =	vld [tilespmem:s14+$0xFE10];
	v16 =	vsub.f32 v55, v12  }
0x520: {  	v2 =	vld [tilespmem:s14+$0x19410];
	v25 =	vsub.f32 v7, v12;
	s11 =	spop (v2sf);
	v15 =	vmul.f32 v11, v11  }
0x521: {  	v28 =	vadd.f32 v28, v5;
	v9 =	vld [tilespmem:s14+$0x19420];
	v24 =	vmul.f32 v16, v16;
	s8 =	smul.f32 $1.562500000e-02, s11  }
0x522: {  	v26 =	vadd.f32 v56, v19;
	v7 =	vld [tilespmem:s14+$0xFE50];
	v8 =	vsub.f32 v6, v12;
	[tilespmem:$0x1FA80] =	vst v25  }
0x523: {  	v45 =	vmul.f32 v25, v25;
	v25 =	vadd.f32 v1, v0;
	v46 =	vld [tilespmem:s14+$0xFE60];
	v30 =	vmov s8  }
0x524: {  	v0 =	vld [tilespmem:s14+$0x19460];
	v57 =	vadd.f32 v24, v15;
	v15 =	vmov v8;
	v8 =	vsub.f32 v13, v30  }
0x525: {  	v29 =	vadd.f32 v2, v3;
	v1 =	vld [tilespmem:s14+$0xFE70];
	v12 =	vsub.f32 v14, v30;
	v24, _, _ =	vpop (xrf2)  }
0x526: {  	v47 =	vld [tilespmem:s14+$0x19470];
	(v2sf) =	vpush v24, $0xF;
	v24 =	vadd.f32 v9, v10;
	v10, _, _ =	vpop (xrf2);
	[tilespmem:$0x1FA90] =	vst v8  }
0x527: {  	v14 =	vadd.f32 v29, v25;
	v13 =	vmul.f32 v15, v15;
	(v2sf) =	vpush v10, $0xF;
	v49 =	vld [tilespmem:s14+$0xFE80]  }
0x528: {  	v3 =	vmul.f32 v8, v8;
	v8 =	vsub.f32 v18, v30;
	v19 =	vadd.f32 v26, v24;
	v50 =	vld [tilespmem:s14+$0x19480]  }
0x529: {  	v2 =	vadd.f32 v13, v45;
	v13 =	vsub.f32 v17, v30;
	v17 =	vmul.f32 v12, v12;
	v51 =	vld [tilespmem:s14+$0xFE90]  }
0x52a: {  	v56 =	vld [tilespmem:s14+$0x19490];
	v30 =	vadd.f32 v0, v46;
	v14 =	vadd.f32 v19, v14  }
0x52b: {  	v0 =	vld [tilespmem:s14+$0x194A0];
	v32 =	vmul.f32 v8, v8;
	s12 =	spop (v2sf);
	v55 =	vadd.f32 v17, v3;
	v3 =	vadd.f32 v58, v7  }
0x52c: {  	v6 =	vadd.f32 v2, v57;
	v57 =	vld [tilespmem:s14+$0xFEA0];
	v2 =	vadd.f32 v47, v1;
	v1 =	vmul.f32 v13, v13;
	[tilespmem:$0x1FAA0] =	vst v8;
	s8 =	smul.f32 $1.562500000e-02, s12  }
0x52d: {  	v44 =	vld [tilespmem:s14+$0xFEB0];
	(xrf2) =	vadd.scan.msk.f32 $0xffff, v14;
	v14 =	vadd.f32 v3, v28  }
0x52e: {  	v45 =	vld [tilespmem:s14+$0x194B0];
	v1 =	vadd.f32 v32, v1;
	v58 =	vmov s8;
	(xrf2) =	vadd.scan.msk.f32 $0xffff, v6;
	v33 =	vadd.f32 v50, v49  }
0x52f: {  	v32 =	vadd.f32 v56, v51;
	v17 =	vsub.f32 v21, v58  }
0x530: {  	v21 =	vadd.f32 v2, v30;
	v10 =	vsub.f32 v22, v58  }
0x531: {  	v8 =	vsub.f32 v20, v58;
	v20 =	vadd.f32 v1, v55  }
0x532: {  	v0 =	vadd.f32 v0, v57;
	v46 =	vadd.f32 v21, v14  }
0x533: {  	v47 =	vmul.f32 v17, v17;
	v21 =	vmul.f32 v10, v10;
	v1 =	vadd.f32 v45, v44  }
0x534: {  	v9 =	vsub.f32 v23, v58;
	v55 =	vadd.f32 v32, v33;
	(xrf2) =	vadd.scan.msk.f32 $0xffff, v46  }
0x535: {  	v51 =	vadd.f32 v21, v47;
	v21 =	vadd.f32 v1, v0;
	(xrf2) =	vadd.scan.msk.f32 $0xffff, v20;
	s18 =	spop (v2sf)  }
0x536: {  	s8 =	smul.f32 $1.562500000e-02, s18  }
0x537: {  	v49 =	vmul.f32 v9, v9;
	v50 =	vmul.f32 v8, v8;
	v7 =	vadd.f32 v21, v55;
	v20, _, _ =	vpop (xrf2);
	s20 =	spop (v2sf)  }
0x538: {  	(v2sf) =	vpush v20, $0xF;
	v56, _, _ =	vpop (xrf2);
	s10 =	smul.f32 $1.562500000e-02, s20;
	s8 =	sadd.f32 $9.999999960e-13, s8  }
0x539: {  	[tilespmem:$0x1FAB0] =	vst v17;
	v4 =	vadd.f32 v50, v49;
	(xrf2) =	vadd.scan.msk.f32 $0xffff, v7;
	(v2sf) =	vpush v56, $0xF  }
0x53a: {  	[tilespmem:$0x1FAC0] =	vst v10;
	v57 =	vmov s10;
	s19 =	smul.f32 $5.000000000e-01, s8;
	s8 =	sshra.s32 s8, $0x1  }
0x53b: {  	[tilespmem:$0x1FAD0] =	vst v9;
	v4 =	vadd.f32 v4, v51;
	v58 =	vsub.f32 v31, v57;
	s8 =	ssub.s32 $0x5F3759DF, s8  }
0x53c: {  	[tilespmem:$0x1FAE0] =	vst v8;
	v40 =	vsub.f32 v34, v57;
	s21 =	smul.f32 s8, s19  }
0x53d: {  	(xrf2) =	vadd.scan.msk.f32 $0xffff, v4;
	v8 =	vsub.f32 v27, v57;
	[tilespmem:$0x1FAF0] =	vst v58  }
0x53e: {  	s18 =	simm.s32 $0x200;
	v23 =	vsub.f32 v35, v57;
	v39, _, _ =	vpop (xrf2);
	[tilespmem:$0x1FB00] =	vst v40;
	s22 =	smul.f32 s8, s21  }
0x53f: {  	v42 =	vmul.f32 v8, v8;
	v6 =	vmul.f32 v58, v58;
	(v2sf) =	vpush v39, $0xF;
	v41, _, _ =	vpop (xrf2);
	v27 =	vld [tilespmem:s18+$0xFEC0]  }
0x540: {  	v43 =	vmul.f32 v40, v40;
	v44 =	vmul.f32 v23, v23;
	v31 =	vld [tilespmem:s18+$0x194C0];
	(v2sf) =	vpush v41, $0xF;
	s10 =	ssub.f32 $1.500000000e+00, s22  }
0x541: {  	v45 =	vld [tilespmem:s18+$0xFED0]  }
0x542: {  	v46 =	vld [tilespmem:s18+$0x194D0];
	v5 =	vadd.f32 v6, v42;
	v4 =	vadd.f32 v44, v43;
	s8 =	smul.f32 s8, s10  }
0x543: {  	v49 =	vld [tilespmem:s18+$0xFEE0];
	v47, _, _ =	vpop (xrf2)  }
0x544: {  	v51 =	vld [tilespmem:s18+$0x194E0];
	v4 =	vadd.f32 v4, v5;
	(v2sf) =	vpush v47, $0xF;
	s10 =	smul.f32 s8, s19  }
0x545: {  	v55 =	vld [tilespmem:s18+$0xFEF0]  }
0x546: {  	v56 =	vld [tilespmem:s18+$0x194F0];
	(xrf2) =	vadd.scan.msk.f32 $0xffff, v4;
	s10 =	smul.f32 s10, s8  }
0x547: {  	v50, _, _ =	vpop (xrf2);
	s23 =	spop (v2sf)  }
0x548: {  	(v2sf) =	vpush v50, $0xF;
	s24 =	spop (v2sf);
	s10 =	ssub.f32 $1.500000000e+00, s10  }
0x549: {  	s12 =	smul.f32 $1.562500000e-02, s24  }
0x54a: {  	v9 =	vadd.f32 v31, v27;
	v10 =	vadd.f32 v46, v45;
	s10 =	smul.f32 s10, s8  }
0x54b: {  	v22 =	vmov v8;
	v51 =	vadd.f32 v51, v49;
	v8 =	vadd.f32 v56, v55;
	s11 =	smul.f32 $1.562500000e-02, s23;
	s25 =	sadd.f32 $9.999999960e-13, s12  }
0x54c: {  	s9 =	smul.f32 s10, s19  }
0x54d: {  	v39 =	vld [tilespmem:s18+$0xFE00];
	v7 =	vadd.f32 v10, v9;
	v27 =	vadd.f32 v8, v51;
	s12 =	sshra.s32 s25, $0x1;
	s8 =	smul.f32 $5.000000000e-01, s25  }
0x54e: {  	v40 =	vld [tilespmem:s18+$0x19400];
	s26 =	spop (v2sf);
	s12 =	ssub.s32 $0x5F3759DF, s12;
	s9 =	smul.f32 s9, s10  }
0x54f: {  	v34 =	vld [tilespmem:s18+$0xFE30];
	v7 =	vadd.f32 v27, v7;
	s29 =	spop (v2sf);
	s28 =	smul.f32 s12, s8  }
0x550: {  	v41 =	vld [tilespmem:s18+$0xFE10];
	v31, _, _ =	vpop (xrf2);
	s21 =	smul.f32 $1.562500000e-02, s29  }
0x551: {  	v6 =	vld [tilespmem:s18+$0x19410];
	(xrf2) =	vadd.scan.msk.f32 $0xffff, v7;
	(v2sf) =	vpush v31, $0xF;
	s19 =	smul.f32 $1.562500000e-02, s26;
	s9 =	ssub.f32 $1.500000000e+00, s9  }
0x552: {  	v42 =	vld [tilespmem:s18+$0x19430];
	s31 =	smul.f32 s12, s28;
	s20 =	sadd.f32 $9.999999960e-13, s21  }
0x553: {  	v5 =	vld [tilespmem:s18+$0x19420];
	v57 =	vmov s11;
	s22 =	spop (v2sf);
	s10 =	smul.f32 s9, s10  }
0x554: {  	v4 =	vld [tilespmem:s18+$0xFE20];
	v27 =	vsub.f32 v25, v57;
	v25 =	vsub.f32 v29, v57;
	s11 =	ssub.f32 $1.500000000e+00, s31;
	s21 =	sshra.s32 s20, $0x1;
	s9 =	smul.f32 $5.000000000e-01, s20  }
0x555: {  	v35 =	vld [tilespmem:s18+$0x19440];
	v24 =	vsub.f32 v24, v57;
	v26 =	vsub.f32 v26, v57;
	s20 =	ssub.s32 $0x5F3759DF, s21;
	s21 =	smul.f32 $1.562500000e-02, s22  }
0x556: {  	v47 =	vld [tilespmem:s18+$0xFE50];
	v43 =	vadd.f32 v40, v39;
	v58 =	vmul.f32 v27, v27;
	v29 =	vmul.f32 v25, v25;
	s11 =	smul.f32 s12, s11  }
0x557: {  	v45 =	vld [tilespmem:s18+$0xFE40];
	v44 =	vadd.f32 v6, v41;
	v46 =	vmul.f32 v26, v26;
	v31 =	vmul.f32 v24, v24;
	s23 =	smul.f32 s20, s9;
	s24 =	spop (v2sf)  }
0x558: {  	v56 =	vld [tilespmem:s18+$0xFE60];
	v49 =	vadd.f32 v42, v34;
	v7 =	vadd.f32 v29, v58;
	v55 =	vmov s19;
	s19 =	smul.f32 $1.562500000e-02, s24  }
0x559: {  	v6 =	vld [tilespmem:s18+$0x19470];
	v57 =	vadd.f32 v46, v31;
	v46 =	vadd.f32 v5, v4;
	s12 =	smul.f32 s20, s23  }
0x55a: {  	v50 =	vld [tilespmem:s18+$0x19450];
	v28 =	vsub.f32 v28, v55;
	v29 =	vsub.f32 v3, v55;
	s22 =	smul.f32 s11, s8  }
0x55b: {  	v58 =	vld [tilespmem:s18+$0x19460];
	v31 =	vsub.f32 v30, v55;
	v30 =	vsub.f32 v2, v55;
	v55, _, _ =	vpop (xrf2);
	s19 =	sadd.f32 $9.999999960e-13, s19  }
0x55c: {  	v3 =	vld [tilespmem:s18+$0xFE70];
	(v2sf) =	vpush v55, $0xF;
	s25 =	ssub.f32 $1.500000000e+00, s12;
	s22 =	smul.f32 s22, s11  }
0x55d: {  	v2 =	vadd.f32 v44, v43;
	v5 =	vadd.f32 v49, v46;
	s26 =	sshra.s32 s19, $0x1;
	s12 =	smul.f32 $5.000000000e-01, s19  }
0x55e: {  	s19 =	smul.f32 s20, s25;
	s28 =	ssub.s32 $0x5F3759DF, s26  }
0x55f: {  	v40 =	vadd.f32 v35, v45;
	v2 =	vadd.f32 v5, v2;
	s29 =	smul.f32 s28, s12  }
0x560: {  	v45 =	vld [tilespmem:s18+$0xFE80];
	v41 =	vadd.f32 v50, v47;
	v4 =	vmul.f32 v28, v28;
	v34 =	vmul.f32 v29, v29;
	s31 =	smul.f32 s19, s9;
	s25 =	spop (v2sf)  }
0x561: {  	v47 =	vld [tilespmem:s18+$0x19480];
	v39 =	vadd.f32 v58, v56;
	v42 =	vadd.f32 v6, v3;
	v5 =	vmov s21;
	(xrf2) =	vadd.scan.msk.f32 $0xffff, v2;
	s21 =	smul.f32 $1.562500000e-02, s25  }
0x562: {  	v50 =	vld [tilespmem:s18+$0x19490];
	v7 =	vadd.f32 v57, v7;
	v3 =	vadd.f32 v34, v4;
	s22 =	ssub.f32 $1.500000000e+00, s22;
	s23 =	smul.f32 s28, s29  }
0x563: {  	v57 =	vld [tilespmem:s18+$0x194A0];
	v6 =	vadd.f32 v41, v40;
	v34 =	vadd.f32 v42, v39;
	s24 =	smul.f32 s31, s19;
	s21 =	sadd.f32 $9.999999960e-13, s21  }
0x564: {  	v55 =	vmul.f32 v31, v31;
	v56 =	vmul.f32 v30, v30;
	v4 =	vld [tilespmem:s18+$0xFE90];
	s11 =	smul.f32 s22, s11;
	s23 =	ssub.f32 $1.500000000e+00, s23  }
0x565: {  	v2 =	vld [tilespmem:s18+$0xFEA0];
	v35 =	vsub.f32 v33, v5;
	v6 =	vadd.f32 v34, v6;
	s24 =	ssub.f32 $1.500000000e+00, s24;
	s26 =	sshra.s32 s21, $0x1;
	s21 =	smul.f32 $5.000000000e-01, s21  }
0x566: {  	v33 =	vsub.f32 v0, v5;
	v0 =	vld [tilespmem:s18+$0xFEB0];
	(xrf2) =	vadd.scan.msk.f32 $0xffff, v7;
	v7 =	vadd.f32 v56, v55;
	s23 =	smul.f32 s28, s23  }
0x567: {  	v32 =	vsub.f32 v32, v5;
	v55 =	vld [tilespmem:s18+$0x194B0];
	(xrf2) =	vadd.scan.msk.f32 $0xffff, v6;
	s20 =	smul.f32 s24, s19  }
0x568: {  	v58 =	vmul.f32 s10, v37;
	v3 =	vadd.f32 v7, v3;
	v34 =	vsub.f32 v1, v5;
	s22 =	ssub.s32 $0x5F3759DF, s26;
	s28 =	smul.f32 s23, s12  }
0x569: {  	v45 =	vadd.f32 v47, v45;
	v1 =	vmul.f32 v35, v35;
	v5 =	vmul.f32 v32, v32;
	s29 =	smul.f32 s22, s21  }
0x56a: {  	v47 =	vadd.f32 v50, v4;
	v6 =	vmul.f32 v33, v33;
	v56 =	vmul.f32 v34, v34;
	(xrf2) =	vadd.scan.msk.f32 $0xffff, v3;
	s31 =	smul.f32 s28, s23  }
0x56b: {  	v1 =	vadd.f32 v5, v1;
	v3 =	vmul.f32 s10, v48;
	v48 =	vadd.f32 v57, v2;
	v2, _, _ =	vpop (xrf2);
	s25 =	smul.f32 s22, s29;
	s29 =	spop (v2sf)  }
0x56c: {  	v61 =	vmul.f32 v58, v61;
	v50 =	vadd.f32 v55, v0;
	(v2sf) =	vpush v2, $0xF;
	s28 =	smul.f32 s11, s8;
	s24 =	ssub.f32 $1.500000000e+00, s31  }
0x56d: {  	v4 =	vadd.f32 v47, v45;
	v56 =	vadd.f32 v56, v6;
	v2 =	vmul.f32 s10, v36;
	s8 =	smul.f32 $1.562500000e-02, s29;
	s26 =	ssub.f32 $1.500000000e+00, s25  }
0x56e: {  	v0 =	vmul.f32 v3, v62;
	v3 =	vmul.f32 s10, v38;
	v57 =	vadd.f32 v50, v48;
	s19 =	smul.f32 s24, s23  }
0x56f: {  	v1 =	vadd.f32 v56, v1;
	v56 =	vadd.f32 v61, v53;
	v2 =	vmul.f32 v2, v60;
	s24 =	smul.f32 s22, s26  }
0x570: {  	v7 =	vadd.f32 v0, v54;
	v0 =	vmul.f32 v3, v59;
	v3 =	vadd.f32 v57, v4;
	v59, _, _ =	vpop (xrf2)  }
0x571: {  	v57 =	vadd.f32 v2, v52;
	(v2sf) =	vpush v59, $0xF;
	v62, _, _ =	vpop (xrf2);
	v2 =	vmov s8;
	s31 =	smul.f32 s24, s21  }
0x572: {  	v0 =	vadd.f32 v0, v63;
	(v2sf) =	vpush v62, $0xF;
	s22 =	smul.f32 s20, s9  }
0x573: {  	(xrf2) =	vadd.scan.msk.f32 $0xffff, v3;
	v38 =	vsub.f32 v9, v2;
	v36 =	vsub.f32 v10, v2;
	s10 =	smul.f32 s31, s24  }
0x574: {  	[tilespmem:s17+$0x162F0] =	vst v7;
	s8 =	simm.s32 $0x8;
	v37 =	vsub.f32 v51, v2;
	v51 =	vsub.f32 v8, v2;
	s23 =	smul.f32 s28, s11;
	v2, _, _ =	vpop (xrf2)  }
0x575: {  	(xrf2) =	vadd.scan.msk.f32 $0xffff, v1;
	s9 =	simm.s32 $0xC00;
	v1 =	vmul.f32 v38, v38;
	s12 =	smul.f32 s19, s12;
	(v2sf) =	vpush v2, $0xF;
	v2 =	vmul.f32 v36, v36;
	s26 =	ssub.f32 $1.500000000e+00, s10  }
.LBB2_9:
0x576: {  	s25 =	sshra.s32 s9, $0x2;
	s10 =	smov.u32 s17;
	v10 =	vld [tilespmem:$0x1FAC0];
	[tilespmem:s17+$0x162C0] =	vst v0  }
0x577: {  	s17 =	smov.u32 s14;
	s14 =	smov.u32 s18;
	s18 =	smov.u32 s25;
	v5 =	vld [tilespmem:s25+$0xFEC0]  }
0x578: {  	v60 =	vld [tilespmem:s18+$0xFE00]  }
0x579: {  	v61 =	vld [tilespmem:s18+$0x19400]  }
0x57a: {  	v3 =	vmul.f32 v37, v37;
	v4 =	vmul.f32 v51, v51;
	[tilespmem:s10+$0x162D0] =	vst v57;
	v62 =	vld [tilespmem:s18+$0xFE10]  }
0x57b: {  	v6 =	vld [tilespmem:s25+$0x194C0];
	[tilespmem:s10+$0x162E0] =	vst v56;
	s28 =	spop (v2sf)  }
0x57c: {  	v1 =	vadd.f32 v2, v1;
	v3 =	vadd.f32 v4, v3;
	v4 =	vld [tilespmem:s25+$0xFED0];
	s31 =	smul.f32 $1.562500000e-02, s28  }
0x57d: {  	v7 =	vld [tilespmem:s18+$0x194D0];
	v0, _, _ =	vpop (xrf2)  }
0x57e: {  	v55 =	vld [tilespmem:s18+$0xFEF0];
	v1 =	vadd.f32 v3, v1;
	(v2sf) =	vpush v0, $0xF;
	v0 =	vmov s31  }
0x57f: {  	s24 =	smul.f32 s26, s24;
	v59 =	vld [tilespmem:s18+$0x194F0];
	v3 =	vsub.f32 v43, v0;
	v43 =	vsub.f32 v44, v0  }
0x580: {  	s22 =	smul.f32 s22, s20;
	v54 =	vld [tilespmem:s18+$0xFEE0];
	v46 =	vsub.f32 v46, v0  }
0x581: {  	s21 =	smul.f32 s24, s21;
	v2, _, _ =	vpop (xrf2);
	(xrf2) =	vadd.scan.msk.f32 $0xffff, v1;
	v44 =	vld [tilespmem:s18+$0x194E0];
	v49 =	vsub.f32 v49, v0;
	v0 =	vmul.f32 v3, v3;
	v1 =	vmul.f32 v43, v43  }
0x582: {  	v17 =	vmov v27;
	s23 =	ssub.f32 $1.500000000e+00, s23;
	s12 =	smul.f32 s12, s19;
	v27 =	vmov v3;
	v3 =	vld [tilespmem:$0x1FA90]  }
0x583: {  	v8 =	vmov v24;
	s21 =	smul.f32 s21, s24;
	v57 =	vadd.f32 v1, v0;
	v1 =	vld [tilespmem:$0x1FA80]  }
0x584: {  	s23 =	smul.f32 s23, s11;
	v55 =	vadd.f32 v59, v55;
	v52 =	vmul.f32 v46, v46;
	v53 =	vmul.f32 v49, v49;
	v24 =	vmovc v46;
	v46 =	vld [tilespmem:s18+$0x19410]  }
0x585: {  	v20 =	vmovc v25;
	s26 =	spop (v2sf);
	s28 =	ssub.f32 $1.500000000e+00, s21;
	(v2sf) =	vpush v2, $0xF;
	v25 =	vmov v43;
	v43 =	vadd.f32 v61, v60;
	v61 =	vld [tilespmem:s18+$0x19430]  }
0x586: {  	s22 =	ssub.f32 $1.500000000e+00, s22;
	s25 =	smul.f32 $1.562500000e-02, s26;
	v60 =	vld [tilespmem:$0x1FAA0];
	v58 =	vadd.f32 v53, v52;
	v52 =	vadd.f32 v6, v5  }
0x587: {  	s29 =	spop (v2sf);
	s11 =	smul.f32 s28, s24;
	v53 =	vadd.f32 v7, v4;
	v5 =	vld [tilespmem:s18+$0xFE20];
	v54 =	vadd.f32 v44, v54  }
0x588: {  	v21 =	vmovc v26;
	s31 =	smul.f32 $1.562500000e-02, s29;
	v26 =	vmovc v49;
	v49 =	vmov v28;
	v56 =	vmul.f32 s23, v1;
	v1 =	vmul.f32 s23, v15;
	v15 =	vld [tilespmem:$0x1FFB0]  }
0x589: {  	v19 =	vmovc v31;
	s21 =	smul.f32 s22, s20;
	v2 =	vmul.f32 s23, v11;
	v7 =	vld [tilespmem:s18+$0x19420];
	[tilespmem:$0x1FA90] =	vst v49;
	v44 =	vadd.f32 v53, v52;
	v49 =	vadd.f32 v55, v54  }
0x58a: {  	v11 =	vmovc v32;
	s25 =	sadd.f32 $9.999999960e-13, s25;
	v9 =	vmul.f32 s11, v23;
	v23 =	vmovc v51;
	v0 =	vmul.f32 s23, v16;
	v4 =	vmov s31;
	v16 =	vld [tilespmem:$0x1FFF0]  }
0x58b: {  	s26 =	ssub.f32 $1.500000000e+00, s12;
	v51 =	vmul.f32 s21, v12;
	v31, _, _ =	vpop (xrf2);
	v28 =	vsub.f32 v40, v4;
	v40 =	vld [tilespmem:s18+$0xFE30];
	v49 =	vadd.f32 v49, v44  }
0x58c: {  	v18 =	vmovc v29;
	v14 =	vld [tilespmem:$0x1FAF0];
	[tilespmem:$0x1FAC0] =	vst v11;
	s28 =	spop (v2sf);
	s20 =	sshra.s32 s25, $0x1;
	s12 =	smul.f32 $5.000000000e-01, s25;
	v29 =	vsub.f32 v41, v4;
	(v2sf) =	vpush v31, $0xF;
	v3 =	vmul.f32 s21, v3  }
0x58d: {  	v63 =	vld [tilespmem:s18+$0xFE40];
	s19 =	smul.f32 s26, s19;
	s24 =	ssub.s32 $0x5F3759DF, s20;
	v31 =	vsub.f32 v39, v4;
	v41 =	vmul.f32 v28, v28;
	v44 =	vmovc v30;
	v59 =	vmul.f32 v9, v15  }
0x58e: {  	v11 =	vld [tilespmem:$0x1FAD0];
	s26 =	smul.f32 s24, s12;
	v60 =	vmul.f32 s21, v60;
	v30 =	vsub.f32 v42, v4;
	[tilespmem:$0x1FAA0] =	vst v44;
	v44 =	vadd.f32 v46, v62;
	s29 =	spop (v2sf)  }
0x58f: {  	v42 =	vld [tilespmem:$0x1FAB0];
	v62 =	vmul.f32 v29, v29;
	(xrf2) =	vadd.scan.msk.f32 $0xffff, v49;
	v49 =	vmovc v35;
	v6 =	vadd.f32 v59, v16;
	v59 =	vmul.f32 s21, v13;
	s21 =	smul.f32 $1.562500000e-02, s29  }
0x590: {  	v39 =	vmul.f32 v31, v31;
	s23 =	smul.f32 $1.562500000e-02, s28;
	v46 =	vadd.f32 v7, v5;
	[tilespmem:$0x1FAB0] =	vst v49;
	v49 =	vadd.f32 v61, v40;
	v61 =	vld [tilespmem:s18+$0xFE60]  }
0x591: {  	[tilespmem:$0x1FA80] =	vst v8;
	s22 =	smul.f32 s24, s26;
	v7 =	vadd.f32 v44, v43;
	v62 =	vadd.f32 v62, v41;
	v9 =	vld [tilespmem:s18+$0x19460];
	v41 =	vmov s21  }
0x592: {  	s23 =	sadd.f32 $9.999999960e-13, s23;
	v8 =	vmul.f32 v30, v30;
	[tilespmem:s17+$0x162F0] =	vst v6;
	v6 =	vld [tilespmem:s18+$0x19440];
	v35 =	vsub.f32 v45, v41;
	v45 =	vadd.f32 v49, v46  }
0x593: {  	s31 =	ssub.f32 $1.500000000e+00, s22;
	v5 =	vld [tilespmem:s18+$0xFE50]  }
0x594: {  	s25 =	sshra.s32 s23, $0x1;
	s22 =	smul.f32 $5.000000000e-01, s23;
	v8 =	vadd.f32 v8, v39;
	v4 =	vmul.f32 s19, v42;
	v42 =	vld [tilespmem:s18+$0x19450];
	v7 =	vadd.f32 v45, v7  }
0x595: {  	s20 =	smul.f32 s24, s31;
	s26 =	ssub.s32 $0x5F3759DF, s25;
	v32 =	vsub.f32 v47, v41;
	v47 =	vld [tilespmem:s18+$0x19470]  }
0x596: {  	s28 =	smul.f32 s26, s22;
	s29 =	spop (v2sf);
	v8 =	vadd.f32 v8, v62;
	(xrf2) =	vadd.scan.msk.f32 $0xffff, v7;
	v7 =	vld [tilespmem:$0x1FAE0]  }
0x597: {  	s23 =	smul.f32 $1.562500000e-02, s29;
	v39 =	vadd.f32 v9, v61;
	v40 =	vadd.f32 v6, v63;
	v6 =	vld [tilespmem:s18+$0xFE70]  }
0x598: {  	v62 =	vld [tilespmem:$0x1FF90];
	s21 =	smul.f32 s26, s28;
	v63 =	vmul.f32 s19, v11;
	v11 =	vmovc v33;
	v33 =	vsub.f32 v48, v41;
	v48 =	vsub.f32 v50, v41  }
0x599: {  	s23 =	sadd.f32 $9.999999960e-13, s23;
	v61 =	vld [tilespmem:s18+$0xFE90];
	v50 =	vmul.f32 v35, v35;
	v41 =	vadd.f32 v42, v5;
	v42 =	vmul.f32 v32, v32  }
0x59a: {  	v10 =	vmul.f32 s19, v10;
	s24 =	smul.f32 s20, s12;
	v13 =	vmov v34;
	s21 =	ssub.f32 $1.500000000e+00, s21;
	v45 =	vld [tilespmem:s18+$0x19480];
	[tilespmem:$0x1FAD0] =	vst v11;
	v11 =	vmul.f32 v33, v33  }
0x59b: {  	s31 =	sshra.s32 s23, $0x1;
	s23 =	smul.f32 $5.000000000e-01, s23;
	[tilespmem:$0x1FAE0] =	vst v13;
	v13 =	vld [tilespmem:s18+$0x19490];
	v12 =	vmul.f32 v48, v48;
	v50 =	vadd.f32 v42, v50;
	v7 =	vmul.f32 s19, v7  }
0x59c: {  	s19 =	smul.f32 s26, s21;
	s21 =	ssub.s32 $0x5F3759DF, s31;
	v42 =	vadd.f32 v47, v6;
	v47 =	vadd.f32 v58, v57;
	v57 =	vmul.f32 s11, v14;
	v14 =	vld [tilespmem:$0x1FB00]  }
0x59d: {  	v5 =	vld [tilespmem:s18+$0xFE80];
	v11 =	vadd.f32 v12, v11;
	v12 =	vmul.f32 s11, v22;
	v22 =	vmov v38;
	v38, _, _ =	vpop (xrf2);
	s26 =	smul.f32 s21, s23  }
0x59e: {  	s24 =	smul.f32 s24, s20;
	(v2sf) =	vpush v38, $0xF;
	v58 =	vld [tilespmem:$0x1FF80]  }
0x59f: {  	v34 =	vmov v48;
	v48 =	vld [tilespmem:s18+$0x194A0];
	s29 =	smul.f32 s21, s26  }
0x5a0: {  	v36 =	vmovc v36;
	v1 =	vmul.f32 v1, v15;
	s31 =	spop (v2sf);
	s28 =	smul.f32 s19, s22;
	(xrf2) =	vadd.scan.msk.f32 $0xffff, v47;
	v47 =	vadd.f32 v13, v61;
	v61 =	vld [tilespmem:$0x1FFC0]  }
0x5a1: {  	[tilespmem:$0x1FAF0] =	vst v36;
	v9 =	vadd.f32 v41, v40;
	v6 =	vld [tilespmem:s18+$0xFEA0];
	s25 =	smul.f32 $1.562500000e-02, s31;
	v36 =	vadd.f32 v42, v39;
	v38 =	vmul.f32 s11, v14;
	s11 =	ssub.f32 $1.500000000e+00, s29  }
0x5a2: {  	s24 =	ssub.f32 $1.500000000e+00, s24;
	v1 =	vadd.f32 v1, v16;
	v13 =	vmul.f32 v51, v62;
	v51 =	vld [tilespmem:$0x1FFD0];
	s26 =	smul.f32 s28, s19;
	v14 =	vmov v37  }
0x5a3: {  	v7 =	vmul.f32 v7, v15;
	s25 =	sadd.f32 $9.999999960e-13, s25;
	v9 =	vadd.f32 v36, v9;
	v2 =	vmul.f32 v2, v58;
	[tilespmem:$0x1FB00] =	vst v14;
	v14 =	vld [tilespmem:$0x1FFA0];
	s28 =	smul.f32 s21, s11  }
0x5a4: {  	v0 =	vmul.f32 v0, v62;
	v45 =	vadd.f32 v45, v5;
	v5 =	vld [tilespmem:s18+$0xFEB0];
	v11 =	vadd.f32 v11, v50;
	s11 =	smul.f32 s24, s20  }
0x5a5: {  	v7 =	vadd.f32 v7, v16;
	v37 =	vld [tilespmem:s18+$0x194B0];
	v3 =	vmul.f32 v3, v58;
	(xrf2) =	vadd.scan.msk.f32 $0xffff, v9;
	v2 =	vadd.f32 v2, v61;
	s20 =	ssub.f32 $1.500000000e+00, s26;
	s26 =	sshra.s32 s25, $0x1;
	s21 =	smul.f32 $5.000000000e-01, s25  }
0x5a6: {  	v10 =	vmul.f32 v10, v62;
	v48 =	vadd.f32 v48, v6;
	v6 =	vadd.f32 v47, v45;
	s24 =	ssub.s32 $0x5F3759DF, s26;
	s29 =	smul.f32 s28, s23  }
0x5a7: {  	v4 =	vmul.f32 v4, v58;
	v3 =	vadd.f32 v3, v61;
	[tilespmem:s10+$0x16200] =	vst v2;
	v2 =	vmul.f32 v60, v15;
	s31 =	smul.f32 s24, s21  }
0x5a8: {  	v0 =	vadd.f32 v0, v51;
	v60, _, _ =	vpop (xrf2);
	(xrf2) =	vadd.scan.msk.f32 $0xffff, v8;
	v56 =	vmul.f32 v56, v14;
	v9 =	vmul.f32 v59, v14;
	s25 =	smul.f32 s29, s28  }
0x5a9: {  	[tilespmem:s10+$0x16240] =	vst v3;
	v3 =	vadd.f32 v4, v61;
	v36 =	vmul.f32 v63, v14;
	v63 =	vmul.f32 v38, v14;
	v14 =	vld [tilespmem:$0x1FFE0];
	s26 =	smul.f32 s24, s31  }
0x5aa: {  	s20 =	smul.f32 s20, s19;
	v50 =	vadd.f32 v37, v5;
	(v2sf) =	vpush v60, $0xF;
	s25 =	ssub.f32 $1.500000000e+00, s25  }
0x5ab: {  	[tilespmem:s10+$0x16230] =	vst v1;
	v60 =	vadd.f32 v10, v51;
	v59 =	vmul.f32 v12, v58;
	v12 =	vmul.f32 v57, v62;
	s29 =	smul.f32 s11, s12;
	s26 =	ssub.f32 $1.500000000e+00, s26  }
0x5ac: {  	[tilespmem:s10+$0x162B0] =	vst v7;
	v15 =	vmov v21;
	v2 =	vadd.f32 v2, v16;
	v21 =	vadd.f32 v50, v48;
	v8, _, _ =	vpop (xrf2);
	s19 =	smul.f32 s25, s28  }
0x5ad: {  	[tilespmem:s10+$0x16210] =	vst v0;
	(v2sf) =	vpush v8, $0xF;
	v57 =	vadd.f32 v12, v51;
	s31 =	spop (v2sf);
	s24 =	smul.f32 s24, s26  }
0x5ae: {  	s8 =	sadd.s32 $0x4, s8;
	[tilespmem:s10+$0x16280] =	vst v3;
	v6 =	vadd.f32 v21, v6;
	v1 =	vadd.f32 v9, v14;
	s12 =	smul.f32 $1.562500000e-02, s31  }
0x5af: {  	p0 =	slt.u32 s8, $0xC4;
	[tilespmem:s10+$0x16290] =	vst v60;
	v0 =	vadd.f32 v56, v14;
	v62, _, _ =	vpop (xrf2);
	v8 =	vadd.f32 v36, v14;
	s25 =	smul.f32 s24, s21  }
.Ltmp3:
0x5b0: {  	v56 =	vadd.f32 v63, v14;
	(v2sf) =	vpush v62, $0xF;
	[tilespmem:s10+$0x16260] =	vst v1;
	v1 =	vmov s12;
	(pc) =	sbr.rel @p0 .LBB2_9-.Ltmp3, $4  }
0x5b1: {  	v16 =	vmovc v20;
	s22 =	smul.f32 s20, s22;
	(xrf2) =	vadd.scan.msk.f32 $0xffff, v6;
	[tilespmem:s10+$0x16220] =	vst v0;
	v0 =	vadd.f32 v13, v51;
	v38 =	vsub.f32 v52, v1  }
0x5b2: {  	[tilespmem:s10+$0x16270] =	vst v2;
	v12 =	vmovc v18;
	(xrf2) =	vadd.scan.msk.f32 $0xffff, v11;
	v36 =	vsub.f32 v53, v1;
	s25 =	smul.f32 s25, s24;
	v37 =	vsub.f32 v54, v1  }
0x5b3: {  	v11 =	vmov v17;
	s12 =	smul.f32 s19, s23;
	v63, _, _ =	vpop (xrf2);
	v51 =	vsub.f32 v55, v1;
	[tilespmem:s10+$0x16250] =	vst v0;
	v0 =	vadd.f32 v59, v61  }
0x5b4: {  	s9 =	sadd.s32 $0x400, s9;
	v13 =	vmovc v19;
	[tilespmem:s10+$0x162A0] =	vst v8;
	s23 =	smul.f32 s29, s11;
	(v2sf) =	vpush v63, $0xF;
	v1 =	vmul.f32 v38, v38;
	v2 =	vmul.f32 v36, v36;
	s26 =	ssub.f32 $1.500000000e+00, s25  }
0x5b5: {  	_ = 	snop  }
0x5b6: {  	v3 =	vmul.f32 v37, v37;
	v4 =	vmul.f32 v51, v51;
	_ =	sdelay $0x1  }
0x5b7: {  	v1 =	vadd.f32 v2, v1;
	v10 =	vadd.f32 v4, v3  }
0x5b8: {  	s8 =	smul.f32 s22, s20  }
0x5b9: {  	s22 =	smul.f32 s26, s24;
	v1 =	vadd.f32 v10, v1  }
0x5ba: {  	s24 =	smul.f32 s12, s19;
	s31 =	ssub.f32 $1.500000000e+00, s23;
	v14, _, _ =	vpop (xrf2)  }
0x5bb: {  	s10 =	smul.f32 s22, s21;
	s9 =	spop (v2sf);
	(xrf2) =	vadd.scan.msk.f32 $0xffff, v1;
	(v2sf) =	vpush v14, $0xF;
	v17, _, _ =	vpop (xrf2)  }
0x5bc: {  	s11 =	smul.f32 s31, s11;
	(v2sf) =	vpush v17, $0xF  }
0x5bd: {  	s10 =	smul.f32 s10, s22;
	s29 =	spop (v2sf)  }
0x5be: {  	s8 =	ssub.f32 $1.500000000e+00, s8;
	s21 =	smul.f32 $1.562500000e-02, s29  }
0x5bf: {  	s9 =	smul.f32 $1.562500000e-02, s9;
	s25 =	ssub.f32 $1.500000000e+00, s10  }
0x5c0: {  	s10 =	smul.f32 s8, s20;
	s23 =	sadd.f32 $9.999999960e-13, s21  }
0x5c1: {  	s8 =	smul.f32 s25, s22;
	s28 =	spop (v2sf)  }
0x5c2: {  	s26 =	sshra.s32 s23, $0x1;
	s12 =	smul.f32 $5.000000000e-01, s23;
	s31 =	spop (v2sf)  }
0x5c3: {  	s24 =	ssub.f32 $1.500000000e+00, s24;
	s20 =	ssub.s32 $0x5F3759DF, s26;
	s22 =	smul.f32 $1.562500000e-02, s31  }
0x5c4: {  	v19 =	vmov s9;
	s29 =	smul.f32 s20, s12  }
0x5c5: {  	s9 =	smul.f32 s24, s19;
	v53 =	vsub.f32 v43, v19;
	v18, _, _ =	vpop (xrf2);
	s22 =	sadd.f32 $9.999999960e-13, s22  }
0x5c6: {  	v52 =	vsub.f32 v44, v19;
	s21 =	smul.f32 s20, s29;
	(v2sf) =	vpush v18, $0xF  }
0x5c7: {  	v44 =	vsub.f32 v46, v19;
	v43 =	vsub.f32 v49, v19;
	s25 =	sshra.s32 s22, $0x1;
	s19 =	smul.f32 $5.000000000e-01, s22  }
0x5c8: {  	v20 =	vmul.f32 v53, v53;
	v21 =	vmul.f32 v52, v52;
	s23 =	smul.f32 $1.562500000e-02, s28;
	s21 =	ssub.f32 $1.500000000e+00, s21;
	s24 =	ssub.s32 $0x5F3759DF, s25  }
0x5c9: {  	v46 =	vmul.f32 v44, v44;
	v49 =	vmul.f32 v43, v43;
	s28 =	smul.f32 s24, s19  }
0x5ca: {  	s20 =	smul.f32 s20, s21;
	s26 =	spop (v2sf)  }
0x5cb: {  	v1 =	vadd.f32 v21, v20;
	v54 =	vadd.f32 v49, v46;
	v55 =	vmov s23;
	s25 =	spop (v2sf);
	s21 =	smul.f32 s24, s28  }
0x5cc: {  	v46 =	vsub.f32 v40, v55;
	v41 =	vsub.f32 v41, v55;
	s29 =	smul.f32 $1.562500000e-02, s25  }
0x5cd: {  	v40 =	vsub.f32 v39, v55;
	v39 =	vsub.f32 v42, v55;
	s25 =	smul.f32 s20, s12  }
0x5ce: {  	v1 =	vadd.f32 v54, v1;
	v58 =	vmul.f32 v46, v46;
	v59 =	vmul.f32 v41, v41;
	s22 =	smul.f32 $1.562500000e-02, s26;
	s21 =	ssub.f32 $1.500000000e+00, s21  }
0x5cf: {  	v60 =	vmul.f32 v40, v40;
	v5 =	vmul.f32 v39, v39;
	s23 =	sadd.f32 $9.999999960e-13, s29;
	s25 =	smul.f32 s25, s20  }
0x5d0: {  	(xrf2) =	vadd.scan.msk.f32 $0xffff, v1;
	s21 =	smul.f32 s24, s21  }
0x5d1: {  	v3 =	vadd.f32 v59, v58;
	v61 =	vadd.f32 v5, v60;
	v6 =	vmov s22;
	s31 =	sshra.s32 s23, $0x1;
	s23 =	smul.f32 $5.000000000e-01, s23  }
0x5d2: {  	v49 =	vsub.f32 v45, v6;
	v47 =	vsub.f32 v47, v6;
	s25 =	ssub.f32 $1.500000000e+00, s25;
	s22 =	ssub.s32 $0x5F3759DF, s31;
	s29 =	smul.f32 s21, s19  }
0x5d3: {  	v45 =	vsub.f32 v48, v6;
	v42 =	vsub.f32 v50, v6;
	s26 =	smul.f32 s22, s23  }
0x5d4: {  	v1 =	vadd.f32 v61, v3;
	v62 =	vmul.f32 v49, v49;
	v63 =	vmul.f32 v47, v47;
	s20 =	smul.f32 s25, s20  }
0x5d5: {  	v8 =	vmul.f32 v45, v45;
	v9 =	vmul.f32 v42, v42;
	s28 =	spop (v2sf);
	s24 =	smul.f32 s22, s26  }
0x5d6: {  	(xrf2) =	vadd.scan.msk.f32 $0xffff, v1;
	s28 =	smul.f32 $1.562500000e-02, s28  }
0x5d7: {  	v10 =	vadd.f32 v63, v62;
	v14 =	vadd.f32 v9, v8;
	s12 =	smul.f32 s20, s12  }
0x5d8: {  	s26 =	smul.f32 s29, s21;
	s28 =	sadd.f32 $9.999999960e-13, s28  }
0x5d9: {  	v1 =	vadd.f32 v14, v10;
	s24 =	ssub.f32 $1.500000000e+00, s24;
	s12 =	smul.f32 s12, s20  }
0x5da: {  	v7 =	vld [tilespmem:$0x1FF80];
	v17, _, _ =	vpop (xrf2);
	s29 =	sshra.s32 s28, $0x1;
	s28 =	smul.f32 $5.000000000e-01, s28  }
0x5db: {  	v48 =	vld [tilespmem:$0x1FA80];
	[tilespmem:s17+$0x162C0] =	vst v0;
	(v2sf) =	vpush v17, $0xF;
	(xrf2) =	vadd.scan.msk.f32 $0xffff, v1;
	s25 =	ssub.f32 $1.500000000e+00, s26;
	s22 =	smul.f32 s22, s24;
	s24 =	ssub.s32 $0x5F3759DF, s29  }
0x5dc: {  	v8 =	vld [tilespmem:$0x1FF90];
	[tilespmem:s17+$0x162D0] =	vst v57;
	s29 =	smul.f32 s24, s28  }
0x5dd: {  	v20 =	vmul.f32 s11, v11;
	v11 =	vld [tilespmem:$0x1FFC0];
	s25 =	smul.f32 s25, s21  }
0x5de: {  	s26 =	smul.f32 s24, s29  }
0x5df: {  	s31 =	smul.f32 s22, s23  }
0x5e0: {  	v18, _, _ =	vpop (xrf2);
	v1 =	vmul.f32 v20, v7;
	s19 =	smul.f32 s25, s19;
	s26 =	ssub.f32 $1.500000000e+00, s26  }
0x5e1: {  	v54 =	vld [tilespmem:$0x1FA90];
	(v2sf) =	vpush v18, $0xF;
	s31 =	smul.f32 s31, s22  }
0x5e2: {  	v9 =	vld [tilespmem:$0x1FFA0];
	[tilespmem:s17+$0x162E0] =	vst v56;
	v1 =	vadd.f32 v1, v11;
	s21 =	smul.f32 s24, s26  }
0x5e3: {  	v10 =	vld [tilespmem:$0x1FFB0];
	s19 =	smul.f32 s19, s25;
	s29 =	ssub.f32 $1.500000000e+00, s31  }
0x5e4: {  	v55 =	vmul.f32 s10, v12;
	v12 =	vld [tilespmem:$0x1FFD0];
	[tilespmem:s17+$0x16200] =	vst v1;
	s31 =	smul.f32 s21, s28  }
0x5e5: {  	v21 =	vmul.f32 s11, v16;
	v56 =	vmul.f32 s10, v13;
	v13 =	vld [tilespmem:$0x1FFE0];
	s22 =	smul.f32 s29, s22;
	v19, _, _ =	vpop (xrf2)  }
0x5e6: {  	v58 =	vld [tilespmem:$0x1FAA0];
	s19 =	ssub.f32 $1.500000000e+00, s19;
	(v2sf) =	vpush v19, $0xF;
	s29 =	smul.f32 s31, s21  }
0x5e7: {  	v3 =	vmul.f32 s11, v48;
	v2 =	vmul.f32 v21, v8;
	s23 =	smul.f32 s22, s23  }
0x5e8: {  	s19 =	smul.f32 s19, s25;
	s24 =	ssub.f32 $1.500000000e+00, s29  }
0x5e9: {  	v3 =	vmul.f32 v3, v9;
	v2 =	vadd.f32 v2, v12;
	s23 =	smul.f32 s23, s22  }
0x5ea: {  	s31 =	spop (v2sf);
	s24 =	smul.f32 s24, s21  }
0x5eb: {  	v4 =	vmul.f32 s10, v54;
	[tilespmem:s17+$0x16210] =	vst v2;
	v57 =	vadd.f32 v3, v13;
	v3 =	vmul.f32 s10, v58;
	s26 =	smul.f32 $1.562500000e-02, s31;
	s10 =	ssub.f32 $1.500000000e+00, s23  }
0x5ec: {  	v14 =	vld [tilespmem:$0x1FFF0];
	s21 =	smul.f32 s24, s28  }
0x5ed: {  	v50 =	vmul.f32 s11, v15;
	s12 =	ssub.f32 $1.500000000e+00, s12;
	v2 =	vld [tilespmem:$0x1FAB0];
	s10 =	smul.f32 s10, s22  }
0x5ee: {  	s26 =	sadd.f32 $9.999999960e-13, s26;
	s28 =	smul.f32 s21, s24  }
0x5ef: {  	v0 =	vmul.f32 v50, v10;
	s21 =	smul.f32 s12, s20  }
0x5f0: {  	v4 =	vmul.f32 v4, v7;
	s31 =	spop (v2sf);
	s29 =	sshra.s32 s26, $0x1;
	s12 =	smul.f32 $5.000000000e-01, s26  }
0x5f1: {  	v5 =	vmul.f32 v55, v8;
	v0 =	vadd.f32 v0, v14;
	s26 =	ssub.f32 $1.500000000e+00, s28;
	s28 =	ssub.s32 $0x5F3759DF, s29;
	s29 =	smul.f32 $1.562500000e-02, s31  }
0x5f2: {  	v6 =	vmul.f32 v56, v9;
	v4 =	vadd.f32 v4, v11;
	v2 =	vmul.f32 s9, v2;
	[tilespmem:s17+$0x16220] =	vst v57;
	s31 =	smul.f32 s28, s12  }
0x5f3: {  	v5 =	vadd.f32 v5, v12;
	v3 =	vmul.f32 v3, v10;
	v1 =	vld [tilespmem:$0x1FAC0];
	[tilespmem:s17+$0x16230] =	vst v0;
	s11 =	smul.f32 s26, s24;
	s20 =	sadd.f32 $9.999999960e-13, s29  }
0x5f4: {  	v6 =	vadd.f32 v6, v13;
	v2 =	vmul.f32 v2, v7;
	v0 =	vld [tilespmem:$0x1FAD0];
	[tilespmem:s17+$0x16240] =	vst v4;
	s24 =	smul.f32 s28, s31  }
0x5f5: {  	v3 =	vadd.f32 v3, v14;
	v4 =	vld [tilespmem:$0x1FAE0];
	[tilespmem:s17+$0x16250] =	vst v5;
	s31 =	spop (v2sf);
	s29 =	sshra.s32 s20, $0x1;
	s20 =	smul.f32 $5.000000000e-01, s20  }
0x5f6: {  	v2 =	vadd.f32 v2, v11;
	[tilespmem:s17+$0x16260] =	vst v6;
	s23 =	ssub.s32 $0x5F3759DF, s29;
	s29 =	smul.f32 $1.562500000e-02, s31;
	s24 =	ssub.f32 $1.500000000e+00, s24  }
0x5f7: {  	[tilespmem:s17+$0x16270] =	vst v3;
	s31 =	smul.f32 s23, s20  }
0x5f8: {  	v62 =	vld [tilespmem:$0x1FAF0];
	[tilespmem:s17+$0x16280] =	vst v2;
	s25 =	sadd.f32 $9.999999960e-13, s29;
	s22 =	smul.f32 s28, s24  }
0x5f9: {  	v59 =	vmul.f32 s8, v23;
	v1 =	vmul.f32 s9, v1;
	v2 =	vld [tilespmem:$0x1FB00];
	s29 =	smul.f32 s23, s31  }
0x5fa: {  	v0 =	vmul.f32 s9, v0;
	v4 =	vmul.f32 s9, v4;
	s31 =	sshra.s32 s25, $0x1;
	s9 =	smul.f32 $5.000000000e-01, s25  }
0x5fb: {  	v60 =	vmul.f32 s8, v22;
	v1 =	vmul.f32 v1, v8;
	s25 =	ssub.f32 $1.500000000e+00, s29;
	s28 =	ssub.s32 $0x5F3759DF, s31;
	s31 =	smul.f32 s22, s12  }
0x5fc: {  	v61 =	vmul.f32 v59, v10;
	v0 =	vmul.f32 v0, v9;
	s26 =	smul.f32 s28, s9  }
0x5fd: {  	v4 =	vmul.f32 v4, v10;
	v1 =	vadd.f32 v1, v12;
	v5 =	vmul.f32 s8, v62;
	s23 =	smul.f32 s23, s25  }
0x5fe: {  	v23 =	vmul.f32 s19, v28;
	v0 =	vadd.f32 v0, v13;
	v2 =	vmul.f32 s8, v2;
	s29 =	smul.f32 s28, s26  }
0x5ff: {  	v6 =	vmul.f32 v60, v7;
	v4 =	vadd.f32 v4, v14;
	[tilespmem:s17+$0x16290] =	vst v1;
	v15 =	vmul.f32 v5, v8;
	s26 =	smul.f32 s23, s20  }
0x600: {  	v63 =	vadd.f32 v61, v14;
	[tilespmem:s17+$0x162A0] =	vst v0;
	v2 =	vmul.f32 v2, v9;
	v18 =	vmul.f32 s21, v27;
	s24 =	smul.f32 s31, s22;
	s8 =	ssub.f32 $1.500000000e+00, s29  }
0x601: {  	v17 =	vadd.f32 v6, v11;
	v20 =	vmul.f32 s21, v25;
	v21 =	vmul.f32 s21, v24;
	[tilespmem:s17+$0x162B0] =	vst v4;
	s17 =	smul.f32 s26, s23  }
0x602: {  	[tilespmem:s14+$0x162F0] =	vst v63;
	v24 =	vmul.f32 s19, v29;
	v19 =	vadd.f32 v15, v12;
	v4 =	vmul.f32 v18, v7;
	s8 =	smul.f32 s28, s8  }
0x603: {  	[tilespmem:s14+$0x162C0] =	vst v17;
	v29 =	vmul.f32 s19, v30;
	v2 =	vadd.f32 v2, v13;
	v3 =	vmul.f32 v20, v8;
	s28 =	ssub.f32 $1.500000000e+00, s24  }
0x604: {  	v30 =	vmul.f32 s10, v35;
	v5 =	vmul.f32 v21, v9;
	[tilespmem:s14+$0x162D0] =	vst v19;
	v4 =	vadd.f32 v4, v11;
	s17 =	ssub.f32 $1.500000000e+00, s17;
	s29 =	smul.f32 s8, s9  }
0x605: {  	v22 =	vmul.f32 s21, v26;
	v6 =	vmul.f32 v24, v8;
	[tilespmem:s14+$0x162E0] =	vst v2;
	v26 =	vadd.f32 v3, v12;
	s21 =	smul.f32 s28, s22  }
0x606: {  	v27 =	vmul.f32 s19, v31;
	v1 =	vmul.f32 v30, v7;
	v28 =	vadd.f32 v5, v13;
	[tilespmem:s14+$0x16200] =	vst v4;
	s17 =	smul.f32 s17, s23  }
0x607: {  	v16 =	vmul.f32 s11, v51;
	v2 =	vmul.f32 v23, v7;
	v6 =	vadd.f32 v6, v12;
	[tilespmem:s14+$0x16210] =	vst v26;
	s31 =	smul.f32 s29, s8  }
0x608: {  	v31 =	vmul.f32 s10, v32;
	v3 =	vmul.f32 v27, v9;
	v1 =	vadd.f32 v1, v11;
	[tilespmem:s14+$0x16220] =	vst v28;
	s12 =	smul.f32 s21, s12  }
0x609: {  	v32 =	vmul.f32 s10, v33;
	v0 =	vmul.f32 v16, v10;
	v2 =	vadd.f32 v2, v11;
	[tilespmem:s14+$0x16250] =	vst v6;
	s20 =	smul.f32 s17, s20  }
0x60a: {  	v33 =	vmul.f32 s10, v34;
	v5 =	vmul.f32 v29, v10;
	v3 =	vadd.f32 v3, v13;
	[tilespmem:s14+$0x16280] =	vst v1;
	s12 =	smul.f32 s12, s21  }
0x60b: {  	v25 =	vmul.f32 v22, v10;
	v34 =	vmul.f32 s11, v38;
	v0 =	vadd.f32 v0, v14;
	[tilespmem:s14+$0x16240] =	vst v2;
	s24 =	ssub.f32 $1.500000000e+00, s31  }
0x60c: {  	v35 =	vmul.f32 s11, v36;
	v4 =	vmul.f32 v31, v8;
	v5 =	vadd.f32 v5, v14;
	[tilespmem:s14+$0x16260] =	vst v3;
	s26 =	smul.f32 s20, s17;
	s25 =	ssub.f32 $1.500000000e+00, s12  }
0x60d: {  	v6 =	vmul.f32 v34, v7;
	[tilespmem:s18+$0x162F0] =	vst v0;
	v0 =	vadd.f32 v25, v14;
	s8 =	smul.f32 s24, s8  }
0x60e: {  	v36 =	vmul.f32 s11, v37;
	v37 =	vmul.f32 v35, v8;
	v4 =	vadd.f32 v4, v12;
	[tilespmem:s14+$0x16270] =	vst v5;
	s10 =	smul.f32 s25, s21  }
0x60f: {  	v50 =	vadd.f32 v6, v11;
	[tilespmem:s14+$0x16230] =	vst v0;
	v0 =	vmul.f32 v32, v9;
	s28 =	ssub.f32 $1.500000000e+00, s26  }
0x610: {  	v2 =	vmul.f32 v33, v10;
	v1 =	vadd.f32 v37, v12;
	[tilespmem:s14+$0x16290] =	vst v4;
	s9 =	smul.f32 s8, s9;
	v38 =	vmul.f32 s10, v53  }
0x611: {  	v48 =	vmul.f32 v36, v9;
	[tilespmem:s18+$0x162C0] =	vst v50;
	v0 =	vadd.f32 v0, v13;
	s11 =	smul.f32 s28, s17;
	v51 =	vmul.f32 s10, v52  }
0x612: {  	v2 =	vadd.f32 v2, v14;
	[tilespmem:s18+$0x162D0] =	vst v1;
	s9 =	smul.f32 s9, s8;
	v52 =	vmul.f32 s10, v44;
	v3 =	vmul.f32 v38, v7  }
0x613: {  	v4 =	vadd.f32 v48, v13;
	[tilespmem:s14+$0x162A0] =	vst v0;
	v53 =	vmul.f32 s10, v43;
	v0 =	vmul.f32 v51, v8  }
0x614: {  	[tilespmem:s14+$0x162B0] =	vst v2;
	v54 =	vmul.f32 s11, v46;
	s9 =	ssub.f32 $1.500000000e+00, s9;
	v2 =	vmul.f32 v52, v9;
	v3 =	vadd.f32 v3, v11  }
0x615: {  	[tilespmem:s18+$0x162E0] =	vst v4;
	v55 =	vmul.f32 s11, v41;
	v5 =	vmul.f32 v53, v10;
	v0 =	vadd.f32 v0, v12  }
0x616: {  	v56 =	vmul.f32 s11, v40;
	v1 =	vmul.f32 v54, v7;
	s8 =	smul.f32 s9, s8;
	v2 =	vadd.f32 v2, v13;
	[tilespmem:s18+$0x16200] =	vst v3  }
0x617: {  	v57 =	vmul.f32 s11, v39;
	v4 =	vmul.f32 v55, v8;
	v58 =	vadd.f32 v5, v14;
	[tilespmem:s18+$0x16210] =	vst v0  }
0x618: {  	v6 =	vmul.f32 v56, v9;
	v1 =	vadd.f32 v1, v11;
	v59 =	vmul.f32 s8, v49;
	[tilespmem:s18+$0x16220] =	vst v2  }
0x619: {  	v4 =	vadd.f32 v4, v12;
	v60 =	vmul.f32 s8, v47;
	v3 =	vmul.f32 v57, v10;
	[tilespmem:s18+$0x16230] =	vst v58  }
0x61a: {  	v6 =	vadd.f32 v6, v13;
	v61 =	vmul.f32 s8, v45;
	[tilespmem:s18+$0x16240] =	vst v1;
	v5 =	vmul.f32 v59, v7  }
0x61b: {  	v62 =	vmul.f32 s8, v42;
	[tilespmem:s18+$0x16250] =	vst v4;
	v2 =	vmul.f32 v60, v8;
	v3 =	vadd.f32 v3, v14  }
0x61c: {  	s13 =	sadd.s32 $0x1, s13;
	[tilespmem:s18+$0x16260] =	vst v6;
	v0 =	vmul.f32 v61, v9;
	v63 =	vadd.f32 v5, v11  }
0x61d: {  	p0 =	sne.s32 s13, $0x20;
	v1 =	vmul.f32 v62, v10;
	v2 =	vadd.f32 v2, v12;
	[tilespmem:s18+$0x16270] =	vst v3  }
.Ltmp4:
0x61e: {  	s29 =	sadd.s32 s5, s16;
	v0 =	vadd.f32 v0, v13;
	[tilespmem:s18+$0x16280] =	vst v63;
	(pc) =	sbr.rel @p0 .LBB2_2-.Ltmp4, $4  }
0x61f: {  	s8 =	smul.u32 $0x640, s29;
	v1 =	vadd.f32 v1, v14;
	[tilespmem:s18+$0x16290] =	vst v2  }
0x620: {  	[tilespmem:s18+$0x162A0] =	vst v0  }
0x621: {  	s31 =	simm.s32 $0x16200;
	s8 =	sadd.s32 s4, s8;
	[tilespmem:s18+$0x162B0] =	vst v1  }
0x622: {  	[hbm4b:s8+s6] =	stream.linear.scatter [tilespmem:s31], [sflag:$0x6], $0x3200, $0x38;
	[tilespmem:$0x1C680] =	vst v63  }
0x623: {  	_ =	swait.ge [sflag:s0], $0x3200  }
0x624: {  	[sflag:s0] =	ssyncset.done $0x0  }
0x625: {  	[sflag:s0] =	ssyncadd.s32 $0xFFFFCE00  }
0x626: {  	_ =	swait.ge [sflag:s3], $0x3200  }
0x627: {  	s9 =	rddreg [dreg:$0x8]  }
0x628: {  	s8 =	rddreg [dreg:$0x7];
	s9 =	sadd.s32 $0x1, s9  }
0x629: {  	p0 =	sne.s32 s9, s8  }
.Ltmp5:
0x62a: {  	_ = 	snop;
	(pc) =	sbr.rel @p0 .LBB2_1-.Ltmp5, $3  }
0x62b: {  	_ =	sdelay $0x1  }
0x62c: {  	[sflag:s3] =	ssyncset.done $0x0  }
0x62d: {  	[sflag:s3] =	ssyncadd.s32 $0xFFFFCE00  }
0x62e: {  	_ =	sfence.sel $0x180000  }
0x62f: {  	[bflag:$0x0] =	sbarrier.arrive $0xFFFF  }
0x630: {  	_ =	strace $0x90000047  }
0x631: {  	s0 =	stileid.u32;
	[bflag:$0x2] =	sbarrier.arrive $0xFFFF  }
0x632: {  	p0 =	sne.s32 s0, $0x0;
	s0 =	rddreg [dreg:$0x4]  }
0x633: {  	s0 =	sadd.s32 @!p0 $0x100000, s0  }
0x634: {  	[sflag:s0] =	ssyncadd.tile.s32 @!p0 $0x1;
	_ =	shalt  }
.Lfunc_end2:
_tile_overlayer_lowered:
.L_overlay_start_2:
0x635: {  	(tag) =	ssettag $0x2  }
0x636: {  	s0 =	rddreg [dreg:$0x0];
	s2 =	stileid.u32  }
0x637: {  	s1 =	rddreg [dreg:$0x1];
	p0 =	sne.s32 s2, $0x0  }
0x638: {  	s3 =	rddreg [dreg:$0x2];
	[bflag:$0x3] =	sbarrier.arrive $0xFFFF;
	s2 =	simm.s32 @!p0 $0x1C07  }
0x639: {  	[timem:s3], [sflag:s2] =	dma.local @!p0 [hbm:s0], s1  }
0x63a: {  	s0 =	simm.s32 @!p0 $0x7  }
0x63b: {  	_ =	swait.ge @!p0 [sflag:s0], s1  }
0x63c: {  	s1 =	ssub.s32 @!p0 $0x0, s1;
	[sflag:s0] =	ssyncset.done @!p0 $0x0  }
0x63d: {  	[sflag:s0] =	ssyncadd.s32 @!p0 s1  }
0x63e: {  	[bflag:$0x3] =	sbarrier.arrive $0xFFFF  }
0x63f: {  	_ =	shalt  }

// kernel: sparse-core-data-format-call.cloned.1.call-start
scs
called_computation_lowered:
.L_overlay_start_0:
0x0: {  	s2 =	sld [smem:$0x3FD9]  }
0x1: {  	s3 =	sld [smem:$0x3FFE];
	_ =	sdelay $0x1  }
0x2: {  	s1 =	srdreg.scid  }
0x3: {  	s0 =	sand.u32 $0x1, s1  }
0x4: {  	s18 =	sshll.u32 s0, $0xA;
	s2 =	sadd.s32 s3, s2  }
0x5: {  	s2 =	sadd.s32 s2, s18  }
0x6: {  	[smem:$0x3FC3] =	sst s2  }
0x7: {  	_ = 	snop  }
0x8: {  	s2 =	sld [smem:$0x3FD0];
	(tm) =	ssettm $0x1  }
0x9: {  	s19 =	sld [smem:$0x3FFB];
	_ =	sdelay $0x3  }
0xa: {  	_ =	strace s19  }
0xb: {  	s3 =	sld [smem:$0x3FFC];
	_ =	sdelay $0x3  }
0xc: {  	_ =	strace s3  }
0xd: {  	s3 =	sld [smem:$0x3FFD];
	_ =	sdelay $0x3  }
0xe: {  	_ =	strace s3  }
0xf: {  	_ =	strace $0x8FFFFFFF  }
0x10: {  	s20 =	sld [smem:$0x3FDB];
	_ =	sdelay $0x1  }
0x11: {  	s4 =	simm.s32 $_scs_section_size  }
0x12: {  	s5 =	simm.s32 $_size__tile_overlayer_lowered;
	s6 =	simm.s32 $_tile_overlayer_lowered  }
0x13: {  	s23 =	simm.s32 $0x1BFF;
	s22 =	sshll.u32 s6, $0x1;
	s3 =	sadd.s32 s4, s20  }
0x14: {  	s7 =	simm.s32 $0x0;
	s21 =	sshll.u32 s5, $0x1;
	s5 =	sadd.s32 s22, s3  }
0x15: {  	[timem:s7], [sflag:s23] =	dma.local [hbm:s5], s21  }
0x16: {  	_ =	swait.ge [sflag:s23], s21  }
0x17: {  	s4 =	ssub.s32 $0x0, s21;
	[sflag:s23] =	ssyncset.done $0x0  }
0x18: {  	[sflag:s23] =	ssyncadd.s32 s4;
	_ =	sdelay $0x1  }
0x19: {  	s24 =	simm.s32 $0x1B8B  }
0x1a: {  	_ =	swait.ge [sflag:s24], $0x1  }
0x1b: {  	[sflag:s24] =	ssyncset.done $0x0  }
0x1c: {  	s26 =	simm.s32 $0x1B8E;
	s25 =	sld [smem:$0x3FFE];
	[sflag:s24] =	ssyncadd.s32 $0xFFFFFFFF  }
0x1d: {  	s27 =	simm.s32 $execute0_lowered;
	[smem:$0x3FD2] =	sst s26  }
0x1e: {  	s5 =	sshll.u32 s27, $0x1;
	_ =	strace $0x80000049;
	[dreg:$0x1] =	wrdreg $0xFFFFFFFF  }
0x1f: {  	s28 =	simm.s32 $_size_execute0_lowered;
	s3 =	sadd.s32 s3, s5;
	[dreg:$0x0] =	wrdreg $0x0  }
0x20: {  	s5 =	sshll.u32 s28, $0x1;
	[dreg:$0x2] =	wrdreg s3  }
0x21: {  	[dreg:$0x3] =	wrdreg s5  }
0x22: {  	[dreg:$0x4] =	wrdreg $0xC0  }
0x23: {  	_ =	task [dreg:s7], $0x5FFFF  }
0x24: {  	[dreg:$0x1] =	wrdreg $0xFFFFFFFF  }
0x25: {  	[dreg:$0x0] =	wrdreg $0x60  }
0x26: {  	[dreg:$0x2] =	wrdreg s25  }
0x27: {  	[dreg:$0x3] =	wrdreg s2  }
0x28: {  	[dreg:$0x4] =	wrdreg $0x9  }
0x29: {  	_ =	task.clear_ibuf [dreg:s7], $0x5FFFF;
	_ =	strace $0x90000049  }
0x2a: {  	s29 =	simm.s32 $0x9;
	_ =	strace $0x8000004B  }
0x2b: {  	_ =	swait.ge [sflag:s29], $0x1  }
0x2c: {  	[sflag:s29] =	ssyncadd.s32 $0xFFFFFFFF  }
0x2d: {  	_ =	strace $0x9000004B  }
0x2e: {  	_ =	sfence  }
0x2f: {  	s30 =	sld [smem:$0x0];
	_ =	sdelay $0x2  }
0x30: {  	s31 =	sshll.u32 s1, $0xD;
	s1 =	sshrl.u32 s1, $0x2  }
0x31: {  	s3 =	sand.u32 $0x4000, s31;
	s1 =	sadd.s32 s1, s30  }
0x32: {  	s0 =	sor.u32 s3, s0;
	s1 =	sshll.u32 s1, $0x11  }
0x33: {  	s0 =	sor.u32 s1, s0  }
0x34: {  	s0 =	sadd.s32 $0x8F2B, s0  }
0x35: {  	[sflag:s0] =	ssyncadd.remote.s32 $0x1  }
0x36: {  	_ =	sfence.sel $0xFFFF  }
0x37: {  	[dreg:$0x0] =	wrdreg $0xFFFFFFFF;
	(pc) =	sbr.abs _section_cstart, $3  }
0x38: {  	[dreg:$0x1] =	wrdreg $0xFFFFFFFF  }
0x39: {  	_ =	task.clear_ibuf [dreg:s7], $0x2FFFF;
	_ =	strace $0x9FFFFFFF  }
0x3a: {  	(tm) =	ssettm $0x7FFFFFFF  }
0x3b: {  	_ =	shalt  }
tec
execute0_lowered:
.L_overlay_start_1:
0x0: {  	(tag) =	ssettag $0x1  }
0x1: {  	s0 =	srdreg.scid  }
0x2: {  	s1 =	sshll.u32 s0, $0x4  }
0x3: {  	s0 =	stileid.u32;
	s1 =	sand.u32 $0x10, s1  }
0x4: {  	s1 =	sor.u32 s0, s1  }
0x5: {  	s6 =	rddreg [dreg:$0x0];
	s4 =	simm.s32 $0x1;
	s2 =	sshll.u32 s1, $0x7  }
0x6: {  	s7 =	simm.s32 $0x2;
	s12 =	simm.s32 $0x0;
	s1 =	ssub.s32 $0x1000, s2  }
0x7: {  	s8 =	simm.s32 $0x8000;
	s13 =	simm.s32 $0x0;
	s3 =	sand.u32 $0xF80, s1  }
0x8: {  	s9 =	simm.s32 $0x0;
	s5 =	sshrl.u32 s1, $0xC;
	p0 =	sne.s32 s3, $0x0  }
.Ltmp0:
0x9: {  	s1 =	rddreg [dreg:$0x2];
	s4 =	simm.s32 @!p0 $0x0;
	(pc) =	sbr.rel .LBB1_1-.Ltmp0, $4  }
0xa: {  	s11 =	simm.s32 $0x0;
	s3 =	rddreg [dreg:$0x1];
	s5 =	sadd.s32 s4, s5  }
0xb: {  	_ =	strace $0x8000004A;
	s4 =	simm.s32 $0x1;
	s5 =	smul.u32 $0xC8, s5  }
0xc: {  	s6 =	sadd.s32 $0xA00, s6;
	s10 =	smov.u32 s2;
	[sflag:s4] =	ssyncpa.u1 $0x0  }
0xd: {  	p0 =	por $0x0, $0x0;
	[sflag:s7] =	ssyncpa.u1 $0x0;
	s7 =	sor.u32 $0x1, s5  }
.LBB1_4:
0xe: {  	s16 =	sshll.u32 s13, $0x3;
	s17 =	sand.u32 $0x78, s13  }
0xf: {  	s30 =	sand.u32 $0x7E00, s13;
	s12 =	sshll.u32 s12, $0xF;
	s16 =	sand.u32 $0xC00, s16  }
0x10: {  	[tilespmem:s15+$0x810 ss:$0x81] =	vst.msk $0xffff, v2;
	s31 =	sand.u32 $0x7, s13;
	s16 =	sor.u32 s17, s16;
	s17 =	sadd.s32 s3, s30  }
0x11: {  	[tilespmem:s15+$0x1020 ss:$0x81] =	vst.msk $0xffff, v0;
	s13 =	sshll.u32 s31, $0x12;
	s12 =	sadd.s32 s12, s17;
	s16 =	sshrl.u32 s16, $0x3  }
0x12: {  	[tilespmem:s15+$0x0 ss:$0x81] =	vst.msk $0xffff, v1;
	s13 =	sor.u32 $0x400, s13;
	s12 =	sadd.s32 s16, s12  }
0x13: {  	[hbm4b:s12+s13] =	stream.strided.scatter [tilespmem:s14], [sflag:$0x2], $0x2000, s8, s13, $0x20;
	[tilespmem:$0x8080] =	vst v63  }
.LBB1_5:
0x14: {  	s14 =	sadd.s32 $0x1, s9  }
0x15: {  	s12 =	sadd.s32 $0x1000, s10;
	s16 =	smov.u32 s10;
	p2 =	sgt.s32 s14, $0xC7  }
0x16: {  	s16 =	smov.u32 @p2 s12  }
0x17: {  	s14 =	simm.s32 @p2 $0x0;
	p2 =	sgt.s32 s16, $0xFFF  }
0x18: {  	s16 =	smov.u32 @p2 s2;
	p2 =	sne.s32 s11, s7  }
.Ltmp1:
0x19: {  	p1 =	slt.u32 s11, $0x2;
	(pc) =	sbr.rel @!p2 .LBB1_6-.Ltmp1, $4  }
0x1a: {  	s15 =	simm.s32 @!p1 $0x2  }
0x1b: {  	s13 =	smov.u32 s10;
	p0 =	por !p0, !p0;
	_ =	swait.ge @!p1 [sflag:s15], $0x2000  }
0x1c: {  	s12 =	smov.u32 s9;
	[sflag:s15] =	ssyncset.done @!p1 $0x0;
	s9 =	smov.u32 s14  }
0x1d: {  	s11 =	sadd.s32 $0x1, s11;
	[sflag:s15] =	ssyncadd.s32 @!p1 $0xFFFFE000;
	s10 =	smov.u32 s16  }
.LBB1_1:
0x1e: {  	p1 =	sge.u32 s11, s5  }
0x1f: {  	s14 =	sand.u32 @!p1 $0x1FFFFFF, s9  }
0x20: {  	s15 =	smulhi.u32 @!p1 $0x147AE15, s14;
	_ =	sdelay $0x1  }
0x21: {  	s15 =	smul.u32 @!p1 $0xC8, s15  }
0x22: {  	s16 =	sxor.u32 @!p1 $0xFFFFFFFF, s11;
	s17 =	smul.u32 @!p1 $0xC80, s10  }
0x23: {  	s31 =	sadd.s32 $0xFFFFFFFF, s11;
	s16 =	sshll.u32 @!p1 s16, $0xD;
	s14 =	ssub.s32 @!p1 s14, s15  }
0x24: {  	s15 =	sand.u32 @!p1 $0x2000, s16;
	s16 =	sadd.s32 @!p1 s6, s17;
	s14 =	sshll.u32 @!p1 s14, $0x4  }
0x25: {  	s17 =	simm.s32 @!p1 $0x6400;
	s14 =	sadd.s32 @!p1 s14, s16;
	s16 =	simm.s32 @!p1 $0x40  }
0x26: {  	[tilespmem:s15], [sflag:$0x1] =	stream.strided.gather @!p1 [hbm4b:s14+s16], $0x2000, s17, s16, $0x38;
	[tilespmem:$0x8080] =	vst v63  }
0x27: {  	p1 =	sge.u32 s31, s5  }
.Ltmp2:
0x28: {  	_ = 	snop;
	(pc) =	sbr.rel @p1 .LBB1_5-.Ltmp2, $1  }
0x29: {  	_ =	sdelay $0x3  }
0x2a: {  	s14 =	simm.s32 $0x1  }
0x2b: {  	_ =	swait.ge [sflag:s4], $0x2000;
	s14 =	simm.s32 @!p0 $0x0  }
0x2c: {  	[sflag:s4] =	ssyncset.done $0x0;
	s15 =	sshll.u32 s14, $0xD  }
0x2d: {  	[sflag:s4] =	ssyncadd.s32 $0xFFFFE000;
	s18 =	sor.u32 $0x20, s15  }
0x2e: {  	s14 =	smul.u32 $0x8100, s14;
	v3 =	vld [tilespmem:s18+$0x10]  }
0x2f: {  	s30 =	sand.u32 $0x1, s11;
	v2 =	vld [tilespmem:s18+$0xFFFFFFF0]  }
0x30: {  	s15 =	smul.u32 $0x8100, s30;
	s14 =	sshrl.u32 s14, $0x2;
	v0 =	vld [tilespmem:s18+$0x0]  }
0x31: {  	v1 =	vld [tilespmem:s18+$0xFFFFFFE0];
	s16 =	sor.u32 $0x4000, s14  }
0x32: {  	s31 =	sshrl.u32 s15, $0x2;
	s15 =	sadd.s32 $0x0, s16  }
0x33: {  	s17 =	simm.s32 $0x4;
	s18 =	sadd.s32 $0x40, s18;
	s14 =	sor.u32 $0x4000, s31;
	[tilespmem:s15+$0x1830 ss:$0x81] =	vst.msk $0xffff, v3  }
.LBB1_3:
0x34: {  	v3 =	vld [tilespmem:s18+$0x10];
	p1 =	sne.s32 s17, $0x1FC;
	[tilespmem:s15+$0x810 ss:$0x81] =	vst.msk $0xffff, v2;
	s19 =	smov.u32 s17;
	s17 =	sadd.s32 $0x4, s17  }
.Ltmp3:
0x35: {  	v2 =	vld [tilespmem:s18+$0xFFFFFFF0];
	[tilespmem:s15+$0x1020 ss:$0x81] =	vst.msk $0xffff, v0;
	(pc) =	sbr.rel @p1 .LBB1_3-.Ltmp3, $4  }
0x36: {  	v0 =	vld [tilespmem:s18+$0x0];
	[tilespmem:s15+$0x0 ss:$0x81] =	vst.msk $0xffff, v1  }
0x37: {  	s15 =	sshra.s32 s19, $0x2;
	v1 =	vld [tilespmem:s18+$0xFFFFFFE0]  }
0x38: {  	s15 =	sadd.s32 s15, s16  }
0x39: {  	s18 =	sadd.s32 $0x40, s18;
	[tilespmem:s15+$0x1830 ss:$0x81] =	vst.msk $0xffff, v3  }
.Ltmp4:
0x3a: {  	_ = 	snop;
	(pc) =	sbr.rel .LBB1_4-.Ltmp4, $1  }
0x3b: {  	_ =	sdelay $0x3  }
.LBB1_6:
0x3c: {  	_ =	sfence.sel $0x180000  }
0x3d: {  	s2 =	simm.s32 $0x1;
	[bflag:$0x0] =	sbarrier.arrive $0xFFFF  }
0x3e: {  	s31 =	simm.s32 $0x2;
	[sflag:s2] =	ssyncpa.u1 $0x1  }
0x3f: {  	[sflag:s31] =	ssyncpa.u1 $0x1  }
0x40: {  	p0 =	sne.s32 s0, $0x0;
	_ =	strace $0x9000004A  }
0x41: {  	s0 =	sadd.s32 @!p0 $0x100000, s1;
	[bflag:$0x2] =	sbarrier.arrive $0xFFFF  }
0x42: {  	[sflag:s0] =	ssyncadd.tile.s32 @!p0 $0x1;
	_ =	shalt  }
.Lfunc_end1:
_tile_overlayer_lowered:
.L_overlay_start_2:
0x43: {  	(tag) =	ssettag $0x2  }
0x44: {  	s0 =	rddreg [dreg:$0x0];
	s2 =	stileid.u32  }
0x45: {  	s1 =	rddreg [dreg:$0x1];
	p0 =	sne.s32 s2, $0x0  }
0x46: {  	s3 =	rddreg [dreg:$0x2];
	[bflag:$0x3] =	sbarrier.arrive $0xFFFF;
	s2 =	simm.s32 @!p0 $0x1C01  }
0x47: {  	[timem:s3], [sflag:s2] =	dma.local @!p0 [hbm:s0], s1  }
0x48: {  	s0 =	simm.s32 @!p0 $0x1  }
0x49: {  	_ =	swait.ge @!p0 [sflag:s0], s1  }
0x4a: {  	s1 =	ssub.s32 @!p0 $0x0, s1;
	[sflag:s0] =	ssyncset.done @!p0 $0x0  }
0x4b: {  	[sflag:s0] =	ssyncadd.s32 @!p0 s1  }
0x4c: {  	[bflag:$0x3] =	sbarrier.arrive $0xFFFF  }
0x4d: {  	_ =	shalt  }

</sc_bundles>
